<compile_context>
chip_gen: v7x
topology: tpu7x:2x2x1
jax: 0.10.2.dev20260603
libtpu: 0.0.44.dev20260713+nightly
codegen_flags: <defaults>
</compile_context>

<pallas_src>
import functools

import jax
import jax.numpy as jnp
from jax import lax
from jax.experimental import pallas as pl
from jax.experimental.pallas import tpu as pltpu
from jax.experimental.pallas import tpu_sc as plsc

N_NODES = 10000
N_EDGES = 320000
CH = 128
NC = 2
NS = 16
NW = NC * NS
EW = N_EDGES // NW
CHUNK = 240
NFULL = 41
TAIL = EW - NFULL * CHUNK
CHUNK_G = 80
NCHUNK_G = EW // CHUNK_G
N_PAD = 10240
NR = N_PAD // NS
DR = N_PAD // CH

_mesh = plsc.VectorSubcoreMesh(core_axis_name="c", subcore_axis_name="s")


def _zero_vmem_2d(ref, rows, cols):
    zv = jnp.zeros((16,), jnp.float32)
    cpr = cols // 16

    def body(k, _):
        r = k // cpr
        c = k % cpr
        ref[r, pl.ds(c * 16, 16)] = zv
        return 0

    lax.fori_loop(0, rows * cpr, body, 0)


@functools.partial(
    pl.kernel,
    out_type=(
        jax.ShapeDtypeStruct((NC * N_PAD, CH), jnp.float32),
        jax.ShapeDtypeStruct((NW * DR, CH), jnp.float32),
    ),
    mesh=_mesh,
    scratch_types=[
        pltpu.VMEM_SHARED((N_PAD, CH), jnp.float32),
        pltpu.VMEM((CHUNK, CH), jnp.float32),
        pltpu.VMEM((DR, CH), jnp.float32),
        pltpu.VMEM((CHUNK,), jnp.int32),
        pltpu.VMEM((CHUNK,), jnp.int32),
        pltpu.SemaphoreType.DMA((3,)),
        pltpu.SemaphoreType.DMA((2,)),
    ],
    compiler_params=pltpu.CompilerParams(needs_layout_passes=False),
)
def _sc_scatter(x_hbm, src_hbm, dst_hbm, pagg_hbm, pdeg_hbm,
                agg_s, xbuf, degtab, sidx, didx, sem_l, sem_a):
    c = lax.axis_index("c")
    s = lax.axis_index("s")
    wid = c * NS + s
    nbase = s * NR

    _zero_vmem_2d(degtab, DR, CH)
    _zero_vmem_2d(xbuf, CHUNK, CH)
    pltpu.sync_copy(xbuf, agg_s.at[pl.ds(nbase, CHUNK)])
    pltpu.sync_copy(xbuf, agg_s.at[pl.ds(nbase + CHUNK, CHUNK)])
    pltpu.sync_copy(xbuf.at[pl.ds(0, NR - 2 * CHUNK)],
                    agg_s.at[pl.ds(nbase + 2 * CHUNK, NR - 2 * CHUNK)])
    plsc.subcore_barrier()

    onev = jnp.ones((16,), jnp.float32)

    def count16(idxref, k):
        idx = idxref[pl.ds(k * 16, 16)]
        r16 = lax.shift_right_logical(idx, 7)
        c16 = jnp.bitwise_and(idx, 127)
        plsc.addupdate_scatter(degtab, [r16, c16], onev)

    def do_chunk(base, n):
        sx = sidx.at[pl.ds(0, n)]
        dx = didx.at[pl.ds(0, n)]
        xb = xbuf.at[pl.ds(0, n)]
        pltpu.async_copy(src_hbm.at[pl.ds(base, n)], sx, sem_l.at[0])
        pltpu.async_copy(dst_hbm.at[pl.ds(base, n)], dx, sem_l.at[1])
        pltpu.async_copy(x_hbm.at[pl.ds(base, n)], xb, sem_l.at[2])
        pltpu.make_async_copy(x_hbm.at[pl.ds(base, n)], xb, sem_l.at[2]).wait()
        pltpu.make_async_copy(src_hbm.at[pl.ds(base, n)], sx,
                              sem_l.at[0]).wait()
        pltpu.async_copy(xb, agg_s.at[sx], sem_a.at[0], add=True)
        pltpu.make_async_copy(dst_hbm.at[pl.ds(base, n)], dx,
                              sem_l.at[1]).wait()
        pltpu.async_copy(xb, agg_s.at[dx], sem_a.at[1], add=True)

        def count_body(k, _):
            count16(sidx, k)
            count16(didx, k)
            return 0

        lax.fori_loop(0, n // 16, count_body, 0)
        pltpu.make_async_copy(xb, agg_s.at[sx], sem_a.at[0]).wait()
        pltpu.make_async_copy(xb, agg_s.at[dx], sem_a.at[1]).wait()

    def chunk_body(i, _):
        do_chunk(wid * EW + i * CHUNK, CHUNK)
        return 0

    lax.fori_loop(0, NFULL, chunk_body, 0)
    do_chunk(wid * EW + NFULL * CHUNK, TAIL)
    plsc.subcore_barrier()

    pltpu.sync_copy(agg_s.at[pl.ds(nbase, NR)],
                    pagg_hbm.at[pl.ds(c * N_PAD + nbase, NR)])
    pltpu.sync_copy(degtab, pdeg_hbm.at[pl.ds(wid * DR, DR)])


def _tc_middle_body(pagg_ref, pdeg_ref, w1_ref, w2_ref, g_ref):
    agg = pagg_ref[0:N_NODES, :] + pagg_ref[N_PAD:N_PAD + N_NODES, :]
    degp = pdeg_ref[0:DR, :]
    for w in range(1, NW):
        degp = degp + pdeg_ref[w * DR:(w + 1) * DR, :]
    deg = jnp.reshape(degp, (N_PAD,))[0:N_NODES][:, None]
    deg = jnp.where(deg > 0.0, deg, 1.0)
    z = jax.lax.dot(agg, w1_ref[...], precision=jax.lax.Precision.HIGHEST,
                    preferred_element_type=jnp.float32) / deg
    x0 = 1.0 / (1.0 + jnp.exp(-z))
    m2 = jax.lax.dot(x0, w2_ref[...], precision=jax.lax.Precision.HIGHEST,
                     preferred_element_type=jnp.float32)
    g_ref[0:N_NODES, :] = jnp.exp(m2 * -0.5)
    g_ref[N_NODES:N_PAD, :] = jnp.zeros((N_PAD - N_NODES, CH), jnp.float32)


def _tc_middle(pagg, pdeg, W1, W2):
    return pl.pallas_call(
        _tc_middle_body,
        out_shape=jax.ShapeDtypeStruct((N_PAD, CH), jnp.float32),
    )(pagg, pdeg, W1, W2)


@functools.partial(
    pl.kernel,
    out_type=jax.ShapeDtypeStruct((N_EDGES, CH), jnp.float32),
    mesh=_mesh,
    scratch_types=[
        pltpu.VMEM_SHARED((N_PAD, CH), jnp.float32),
        pltpu.VMEM((2, CHUNK_G), jnp.int32),
        pltpu.VMEM((2, CHUNK_G), jnp.int32),
        pltpu.VMEM((2, CHUNK_G, CH), jnp.float32),
        pltpu.VMEM((2, CHUNK_G, CH), jnp.float32),
        pltpu.SemaphoreType.DMA((2,)),
        pltpu.SemaphoreType.DMA((2,)),
        pltpu.SemaphoreType.DMA((2,)),
    ],
    compiler_params=pltpu.CompilerParams(needs_layout_passes=False),
)
def _sc_gather(g_hbm, src_hbm, dst_hbm, out_hbm,
               g_s, sidx, didx, abuf, bbuf, sem_g, sem_i, sem_w):
    c = lax.axis_index("c")
    s = lax.axis_index("s")
    wid = c * NS + s
    nbase = s * NR
    ebase = wid * EW

    pltpu.sync_copy(g_hbm.at[pl.ds(nbase, NR)], g_s.at[pl.ds(nbase, NR)])
    plsc.subcore_barrier()

    def start_idx(i, p):
        base = ebase + i * CHUNK_G
        pltpu.async_copy(src_hbm.at[pl.ds(base, CHUNK_G)], sidx.at[p],
                         sem_i.at[p])
        pltpu.async_copy(dst_hbm.at[pl.ds(base, CHUNK_G)], didx.at[p],
                         sem_i.at[p])

    def drain_idx(p):
        pltpu.make_async_copy(src_hbm.at[pl.ds(0, CHUNK_G)], sidx.at[p],
                              sem_i.at[p]).wait()
        pltpu.make_async_copy(dst_hbm.at[pl.ds(0, CHUNK_G)], didx.at[p],
                              sem_i.at[p]).wait()

    def start_gathers(p):
        pltpu.async_copy(g_s.at[sidx.at[p]], abuf.at[p], sem_g.at[p])
        pltpu.async_copy(g_s.at[didx.at[p]], bbuf.at[p], sem_g.at[p])

    def drain_gathers(p):
        pltpu.make_async_copy(g_s.at[sidx.at[p]], abuf.at[p],
                              sem_g.at[p]).wait()
        pltpu.make_async_copy(g_s.at[didx.at[p]], bbuf.at[p],
                              sem_g.at[p]).wait()

    def start_write(i, p):
        base = ebase + i * CHUNK_G
        pltpu.async_copy(abuf.at[p], out_hbm.at[pl.ds(base, CHUNK_G)],
                         sem_w.at[p])

    def drain_write(p):
        pltpu.make_async_copy(abuf.at[p], out_hbm.at[pl.ds(0, CHUNK_G)],
                              sem_w.at[p]).wait()

    def compute(p):
        def row_body(r, _):
            for cc in range(CH // 16):
                a = abuf[p, r, pl.ds(cc * 16, 16)]
                b = bbuf[p, r, pl.ds(cc * 16, 16)]
                abuf[p, r, pl.ds(cc * 16, 16)] = 1.0 / (1.0 + a * b)
            return 0

        lax.fori_loop(0, CHUNK_G, row_body, 0)

    def body(i, p, first, start_next, prefetch):
        q = 1 - p
        if start_next:
            if not first:
                drain_write(q)
            drain_idx(q)
            start_gathers(q)
        drain_gathers(p)
        if prefetch:
            start_idx(i + 2, p)
        compute(p)
        start_write(i, p)

    start_idx(0, 0)
    drain_idx(0)
    start_gathers(0)
    start_idx(1, 1)
    body(jnp.int32(0), 0, True, True, True)

    def pair_body(k, _):
        i = 2 * k + 1
        body(i, 1, False, True, True)
        body(i + 1, 0, False, True, True)
        return 0

    lax.fori_loop(0, (NCHUNK_G - 3) // 2, pair_body, 0)
    body(jnp.int32(NCHUNK_G - 2), 1, False, True, False)
    body(jnp.int32(NCHUNK_G - 1), 0, False, False, False)
    drain_write(1)
    drain_write(0)


def kernel(x_1, edge_index, W1, W2):
    src = edge_index[0]
    dst = edge_index[1]
    pagg, pdeg = _sc_scatter(x_1, src, dst)
    g = _tc_middle(pagg, pdeg, W1, W2)
    return _sc_gather(g, src, dst)

# --- scband reference (transcript-rebuilt; emitter-appended) ---
"""Pipeline reference for scband-template-layer-27058293965420 (READ-ONLY COPY).

The authoritative reference and input builder live on the scoring server;
editing this copy changes nothing except your own understanding.
"""

import jax, jax.numpy as jnp
import numpy as np

N_NODES = 10000
N_EDGES = 320000
IN_CH = 128
INTER_CH = 128
OUT_CH = 128


def setup_inputs(seed: int = 0) -> dict:
    key = jax.random.key(seed)
    k1, k2, k3, k4 = jax.random.split(key, 4)
    x_1 = jax.random.normal(k1, (N_EDGES, IN_CH), dtype=jnp.float32)
    # COO representation of the sparse incidence matrix B_1 [n_nodes, n_edges]:
    # column e has ones at rows src[e] and dst[e].
    edge_index = jax.random.randint(k2, (2, N_EDGES), 0, N_NODES, dtype=jnp.int32)
    W1 = jax.random.normal(k3, (IN_CH, INTER_CH), dtype=jnp.float32) * (1.0 / np.sqrt(IN_CH))
    W2 = jax.random.normal(k4, (INTER_CH, OUT_CH), dtype=jnp.float32) * (1.0 / np.sqrt(INTER_CH))
    return {"x_1": x_1, "edge_index": edge_index, "W1": W1, "W2": W2}


def reference(x_1, edge_index, W1, W2):
    src = edge_index[0]
    dst = edge_index[1]
    # --- Conv level 1 (edges -> nodes): sigmoid( norm( B_1 @ (x_1 @ W1) ) ) ---
    msg = x_1 @ W1  # [E, INTER_CH]
    agg = jax.ops.segment_sum(msg, src, num_segments=N_NODES) + \
          jax.ops.segment_sum(msg, dst, num_segments=N_NODES)  # B_1 @ msg
    deg = (jnp.bincount(src, length=N_NODES) + jnp.bincount(dst, length=N_NODES)).astype(jnp.float32)
    deg = jnp.where(deg > 0, deg, 1.0)  # row sums of B_1 (aggr_norm)
    x_0 = jax.nn.sigmoid(agg / deg[:, None])  # [N, INTER_CH]
    # --- Conv level 2 (nodes -> edges): sigmoid( norm( B_1^T @ (x_0 @ W2) ) ) ---
    msg2 = x_0 @ W2  # [N, OUT_CH]
    out = (msg2[src] + msg2[dst]) / 2.0  # each row of B_1^T has exactly 2 ones
    return jax.nn.sigmoid(out)  # [E, OUT_CH]

if __name__ == "__main__":
    import jax
    _d = setup_inputs()
    print(jax.jit(kernel)(*tuple(_d.values())))

</pallas_src>

<mosaic_0001>
#map = affine_map<(d0, d1) -> (0, 0)>
#map1 = affine_map<(d0, d1) -> (0)>
module attributes {stable_mosaic.version = 14 : i64} {
  func.func @_sc_gather(%arg0: i32, %arg1: i32, %arg2: memref<10240x128xf32, #tpu.memory_space<hbm>>, %arg3: memref<320000xi32, #tpu.memory_space<hbm>>, %arg4: memref<320000xi32, #tpu.memory_space<hbm>>, %arg5: memref<320000x128xf32, #tpu.memory_space<hbm>>, %arg6: memref<10240x128xf32, #tpu.memory_space<vmem_shared>>, %arg7: memref<2x80xi32, #tpu.memory_space<vmem>>, %arg8: memref<2x80xi32, #tpu.memory_space<vmem>>, %arg9: memref<2x80x128xf32, #tpu.memory_space<vmem>>, %arg10: memref<2x80x128xf32, #tpu.memory_space<vmem>>, %arg11: memref<2x!tpu.dma_semaphore, #tpu.memory_space<semaphore_mem>>, %arg12: memref<2x!tpu.dma_semaphore, #tpu.memory_space<semaphore_mem>>, %arg13: memref<2x!tpu.dma_semaphore, #tpu.memory_space<semaphore_mem>>) attributes {dimension_semantics = [#tpu.dimension_semantics<core_parallel>, #tpu.dimension_semantics<subcore_parallel>], iteration_bounds = array<i64: 2, 16>, scalar_prefetch = 0 : i64, scratch_operands = 8 : i64, tpu.core_type = #tpu.core_type<sc_vector_subcore>, window_params = [{transform_indices = #map}, {transform_indices = #map1}, {transform_indices = #map1}, {transform_indices = #map}]} {
    %mul3A = arith.constant 16 : i32
    %mul3A_0 = arith.muli %arg0, %mul3A : i32
    %add3A = arith.addi %mul3A_0, %arg1 : i32
    %mul3A_1 = arith.constant 640 : i32
    %mul3A_2 = arith.muli %arg1, %mul3A_1 : i32
    %mul3A_3 = arith.constant 10000 : i32
    %mul3A_4 = arith.muli %add3A, %mul3A_3 : i32
    "tpu.region"() ({
      %run_scoped3A = tpu.sem_alloc : memref<!tpu.dma_semaphore, #tpu.memory_space<semaphore_mem>>
      %dma_start3A_490 = arith.constant 0 : i32
      %dma_start3A_491 = tpu.memref_slice %arg6[%mul3A_2, %dma_start3A_490] : memref<10240x128xf32, #tpu.memory_space<vmem_shared>> -> memref<640x128xf32, #tpu.memory_space<vmem_shared>>
      %dma_start3A_492 = arith.constant 0 : i32
      %dma_start3A_493 = tpu.memref_slice %arg2[%mul3A_2, %dma_start3A_492] : memref<10240x128xf32, #tpu.memory_space<hbm>> -> memref<640x128xf32, #tpu.memory_space<hbm>>
      tpu.enqueue_dma source(%dma_start3A_493 : memref<640x128xf32, #tpu.memory_space<hbm>>) target(%dma_start3A_491 : memref<640x128xf32, #tpu.memory_space<vmem_shared>>) target_semaphore(%run_scoped3A : memref<!tpu.dma_semaphore, #tpu.memory_space<semaphore_mem>>)
      %dma_wait3A_494 = arith.constant 0 : i32
      %dma_wait3A_495 = tpu.memref_slice %arg6[%mul3A_2, %dma_wait3A_494] : memref<10240x128xf32, #tpu.memory_space<vmem_shared>> -> memref<640x128xf32, #tpu.memory_space<vmem_shared>>
      %dma_wait3A_496 = arith.constant 0 : i32
      %dma_wait3A_497 = tpu.memref_slice %arg2[%mul3A_2, %dma_wait3A_496] : memref<10240x128xf32, #tpu.memory_space<hbm>> -> memref<640x128xf32, #tpu.memory_space<hbm>>
      tpu.wait_dma2 semaphore(%run_scoped3A : memref<!tpu.dma_semaphore, #tpu.memory_space<semaphore_mem>>) src(%dma_wait3A_497 : memref<640x128xf32, #tpu.memory_space<hbm>>) dst(%dma_wait3A_495 : memref<640x128xf32, #tpu.memory_space<vmem_shared>>)
      tpu.yield
    }) : () -> ()
    %barrier3A = arith.constant 0 : index
    tpu.barrier barrier_id(%barrier3A)
    %add3A_5 = arith.constant 0 : i32
    %add3A_6 = arith.addi %mul3A_4, %add3A_5 : i32
    %dma_start3A = arith.constant 0 : i32
    %dma_start3A_7 = arith.constant 0 : i32
    %dma_start3A_8 = arith.constant 0 : i32
    %dma_start3A_9 = tpu.memref_slice %arg7[%dma_start3A, %dma_start3A_8] : memref<2x80xi32, #tpu.memory_space<vmem>> -> memref<1x80xi32, #tpu.memory_space<vmem>>
    %dma_start3A_10 = tpu.memref_squeeze %dma_start3A_9 : memref<1x80xi32, #tpu.memory_space<vmem>> -> memref<80xi32, #tpu.memory_space<vmem>>
    %dma_start3A_11 = tpu.memref_slice %arg3[%add3A_6] : memref<320000xi32, #tpu.memory_space<hbm>> -> memref<80xi32, #tpu.memory_space<hbm>>
    %dma_start3A_12 = tpu.memref_slice %arg12[%dma_start3A_7] : memref<2x!tpu.dma_semaphore, #tpu.memory_space<semaphore_mem>> -> memref<1x!tpu.dma_semaphore, #tpu.memory_space<semaphore_mem>>
    %dma_start3A_13 = tpu.memref_squeeze %dma_start3A_12 : memref<1x!tpu.dma_semaphore, #tpu.memory_space<semaphore_mem>> -> memref<!tpu.dma_semaphore, #tpu.memory_space<semaphore_mem>>
    %dma_start3A_14 = arith.constant 0 : i32
    %dma_start3A_15 = tpu.memref_slice %arg7[%dma_start3A, %dma_start3A_14] : memref<2x80xi32, #tpu.memory_space<vmem>> -> memref<1x80xi32, #tpu.memory_space<vmem>>
    %dma_start3A_16 = tpu.memref_squeeze %dma_start3A_15 : memref<1x80xi32, #tpu.memory_space<vmem>> -> memref<80xi32, #tpu.memory_space<vmem>>
    %dma_start3A_17 = tpu.memref_slice %arg3[%add3A_6] : memref<320000xi32, #tpu.memory_space<hbm>> -> memref<80xi32, #tpu.memory_space<hbm>>
    tpu.enqueue_dma source(%dma_start3A_17 : memref<80xi32, #tpu.memory_space<hbm>>) target(%dma_start3A_16 : memref<80xi32, #tpu.memory_space<vmem>>) target_semaphore(%dma_start3A_13 : memref<!tpu.dma_semaphore, #tpu.memory_space<semaphore_mem>>)
    %dma_start3A_18 = arith.constant 0 : i32
    %dma_start3A_19 = arith.constant 0 : i32
    %dma_start3A_20 = arith.constant 0 : i32
    %dma_start3A_21 = tpu.memref_slice %arg8[%dma_start3A_18, %dma_start3A_20] : memref<2x80xi32, #tpu.memory_space<vmem>> -> memref<1x80xi32, #tpu.memory_space<vmem>>
    %dma_start3A_22 = tpu.memref_squeeze %dma_start3A_21 : memref<1x80xi32, #tpu.memory_space<vmem>> -> memref<80xi32, #tpu.memory_space<vmem>>
    %dma_start3A_23 = tpu.memref_slice %arg4[%add3A_6] : memref<320000xi32, #tpu.memory_space<hbm>> -> memref<80xi32, #tpu.memory_space<hbm>>
    %dma_start3A_24 = tpu.memref_slice %arg12[%dma_start3A_19] : memref<2x!tpu.dma_semaphore, #tpu.memory_space<semaphore_mem>> -> memref<1x!tpu.dma_semaphore, #tpu.memory_space<semaphore_mem>>
    %dma_start3A_25 = tpu.memref_squeeze %dma_start3A_24 : memref<1x!tpu.dma_semaphore, #tpu.memory_space<semaphore_mem>> -> memref<!tpu.dma_semaphore, #tpu.memory_space<semaphore_mem>>
    %dma_start3A_26 = arith.constant 0 : i32
    %dma_start3A_27 = tpu.memref_slice %arg8[%dma_start3A_18, %dma_start3A_26] : memref<2x80xi32, #tpu.memory_space<vmem>> -> memref<1x80xi32, #tpu.memory_space<vmem>>
    %dma_start3A_28 = tpu.memref_squeeze %dma_start3A_27 : memref<1x80xi32, #tpu.memory_space<vmem>> -> memref<80xi32, #tpu.memory_space<vmem>>
    %dma_start3A_29 = tpu.memref_slice %arg4[%add3A_6] : memref<320000xi32, #tpu.memory_space<hbm>> -> memref<80xi32, #tpu.memory_space<hbm>>
    tpu.enqueue_dma source(%dma_start3A_29 : memref<80xi32, #tpu.memory_space<hbm>>) target(%dma_start3A_28 : memref<80xi32, #tpu.memory_space<vmem>>) target_semaphore(%dma_start3A_25 : memref<!tpu.dma_semaphore, #tpu.memory_space<semaphore_mem>>)
    %dma_wait3A = arith.constant 0 : i32
    %dma_wait3A_30 = arith.constant 0 : i32
    %dma_wait3A_31 = arith.constant 0 : i32
    %dma_wait3A_32 = tpu.memref_slice %arg7[%dma_wait3A, %dma_wait3A_31] : memref<2x80xi32, #tpu.memory_space<vmem>> -> memref<1x80xi32, #tpu.memory_space<vmem>>
    %dma_wait3A_33 = tpu.memref_squeeze %dma_wait3A_32 : memref<1x80xi32, #tpu.memory_space<vmem>> -> memref<80xi32, #tpu.memory_space<vmem>>
    %dma_wait3A_34 = arith.constant 0 : i32
    %dma_wait3A_35 = tpu.memref_slice %arg3[%dma_wait3A_34] : memref<320000xi32, #tpu.memory_space<hbm>> -> memref<80xi32, #tpu.memory_space<hbm>>
    %dma_wait3A_36 = tpu.memref_slice %arg12[%dma_wait3A_30] : memref<2x!tpu.dma_semaphore, #tpu.memory_space<semaphore_mem>> -> memref<1x!tpu.dma_semaphore, #tpu.memory_space<semaphore_mem>>
    %dma_wait3A_37 = tpu.memref_squeeze %dma_wait3A_36 : memref<1x!tpu.dma_semaphore, #tpu.memory_space<semaphore_mem>> -> memref<!tpu.dma_semaphore, #tpu.memory_space<semaphore_mem>>
    %dma_wait3A_38 = arith.constant 0 : i32
    %dma_wait3A_39 = tpu.memref_slice %arg7[%dma_wait3A, %dma_wait3A_38] : memref<2x80xi32, #tpu.memory_space<vmem>> -> memref<1x80xi32, #tpu.memory_space<vmem>>
    %dma_wait3A_40 = tpu.memref_squeeze %dma_wait3A_39 : memref<1x80xi32, #tpu.memory_space<vmem>> -> memref<80xi32, #tpu.memory_space<vmem>>
    %dma_wait3A_41 = arith.constant 0 : i32
    %dma_wait3A_42 = tpu.memref_slice %arg3[%dma_wait3A_41] : memref<320000xi32, #tpu.memory_space<hbm>> -> memref<80xi32, #tpu.memory_space<hbm>>
    tpu.wait_dma2 semaphore(%dma_wait3A_37 : memref<!tpu.dma_semaphore, #tpu.memory_space<semaphore_mem>>) src(%dma_wait3A_42 : memref<80xi32, #tpu.memory_space<hbm>>) dst(%dma_wait3A_40 : memref<80xi32, #tpu.memory_space<vmem>>)
    %dma_wait3A_43 = arith.constant 0 : i32
    %dma_wait3A_44 = arith.constant 0 : i32
    %dma_wait3A_45 = arith.constant 0 : i32
    %dma_wait3A_46 = tpu.memref_slice %arg8[%dma_wait3A_43, %dma_wait3A_45] : memref<2x80xi32, #tpu.memory_space<vmem>> -> memref<1x80xi32, #tpu.memory_space<vmem>>
    %dma_wait3A_47 = tpu.memref_squeeze %dma_wait3A_46 : memref<1x80xi32, #tpu.memory_space<vmem>> -> memref<80xi32, #tpu.memory_space<vmem>>
    %dma_wait3A_48 = arith.constant 0 : i32
    %dma_wait3A_49 = tpu.memref_slice %arg4[%dma_wait3A_48] : memref<320000xi32, #tpu.memory_space<hbm>> -> memref<80xi32, #tpu.memory_space<hbm>>
    %dma_wait3A_50 = tpu.memref_slice %arg12[%dma_wait3A_44] : memref<2x!tpu.dma_semaphore, #tpu.memory_space<semaphore_mem>> -> memref<1x!tpu.dma_semaphore, #tpu.memory_space<semaphore_mem>>
    %dma_wait3A_51 = tpu.memref_squeeze %dma_wait3A_50 : memref<1x!tpu.dma_semaphore, #tpu.memory_space<semaphore_mem>> -> memref<!tpu.dma_semaphore, #tpu.memory_space<semaphore_mem>>
    %dma_wait3A_52 = arith.constant 0 : i32
    %dma_wait3A_53 = tpu.memref_slice %arg8[%dma_wait3A_43, %dma_wait3A_52] : memref<2x80xi32, #tpu.memory_space<vmem>> -> memref<1x80xi32, #tpu.memory_space<vmem>>
    %dma_wait3A_54 = tpu.memref_squeeze %dma_wait3A_53 : memref<1x80xi32, #tpu.memory_space<vmem>> -> memref<80xi32, #tpu.memory_space<vmem>>
    %dma_wait3A_55 = arith.constant 0 : i32
    %dma_wait3A_56 = tpu.memref_slice %arg4[%dma_wait3A_55] : memref<320000xi32, #tpu.memory_space<hbm>> -> memref<80xi32, #tpu.memory_space<hbm>>
    tpu.wait_dma2 semaphore(%dma_wait3A_51 : memref<!tpu.dma_semaphore, #tpu.memory_space<semaphore_mem>>) src(%dma_wait3A_56 : memref<80xi32, #tpu.memory_space<hbm>>) dst(%dma_wait3A_54 : memref<80xi32, #tpu.memory_space<vmem>>)
    %dma_start3A_57 = arith.constant 0 : i32
    %dma_start3A_58 = arith.constant 0 : i32
    %dma_start3A_59 = arith.constant 0 : i32
    %dma_start3A_60 = arith.constant 0 : i32
    %dma_start3A_61 = arith.constant 0 : i32
    %dma_start3A_62 = tpu.memref_slice %arg9[%dma_start3A_58, %dma_start3A_60, %dma_start3A_61] : memref<2x80x128xf32, #tpu.memory_space<vmem>> -> memref<1x80x128xf32, #tpu.memory_space<vmem>>
    %dma_start3A_63 = tpu.memref_squeeze %dma_start3A_62 : memref<1x80x128xf32, #tpu.memory_space<vmem>> -> memref<80x128xf32, #tpu.memory_space<vmem>>
    %dma_start3A_64 = arith.constant 0 : i32
    %dma_start3A_65 = tpu.memref_slice %arg7[%dma_start3A_57, %dma_start3A_64] : memref<2x80xi32, #tpu.memory_space<vmem>> -> memref<1x80xi32, #tpu.memory_space<vmem>>
    %dma_start3A_66 = tpu.memref_squeeze %dma_start3A_65 : memref<1x80xi32, #tpu.memory_space<vmem>> -> memref<80xi32, #tpu.memory_space<vmem>>
    %dma_start3A_67 = arith.constant 0 : i32
    %dma_start3A_68 = arith.constant 0 : i32
    %dma_start3A_69 = tpu.memref_slice %arg6[%dma_start3A_67, %dma_start3A_68] : memref<10240x128xf32, #tpu.memory_space<vmem_shared>> -> memref<10240x128xf32, #tpu.memory_space<vmem_shared>>
    %dma_start3A_70 = tpu.memref_slice %arg11[%dma_start3A_59] : memref<2x!tpu.dma_semaphore, #tpu.memory_space<semaphore_mem>> -> memref<1x!tpu.dma_semaphore, #tpu.memory_space<semaphore_mem>>
    %dma_start3A_71 = tpu.memref_squeeze %dma_start3A_70 : memref<1x!tpu.dma_semaphore, #tpu.memory_space<semaphore_mem>> -> memref<!tpu.dma_semaphore, #tpu.memory_space<semaphore_mem>>
    tpu.enqueue_indirect_dma source(%dma_start3A_69 : memref<10240x128xf32, #tpu.memory_space<vmem_shared>>) target(%dma_start3A_63 : memref<80x128xf32, #tpu.memory_space<vmem>>) offsets(%dma_start3A_66 : memref<80xi32, #tpu.memory_space<vmem>>) semaphore(%dma_start3A_71 : memref<!tpu.dma_semaphore, #tpu.memory_space<semaphore_mem>>)
    %dma_start3A_72 = arith.constant 0 : i32
    %dma_start3A_73 = arith.constant 0 : i32
    %dma_start3A_74 = arith.constant 0 : i32
    %dma_start3A_75 = arith.constant 0 : i32
    %dma_start3A_76 = arith.constant 0 : i32
    %dma_start3A_77 = tpu.memref_slice %arg10[%dma_start3A_73, %dma_start3A_75, %dma_start3A_76] : memref<2x80x128xf32, #tpu.memory_space<vmem>> -> memref<1x80x128xf32, #tpu.memory_space<vmem>>
    %dma_start3A_78 = tpu.memref_squeeze %dma_start3A_77 : memref<1x80x128xf32, #tpu.memory_space<vmem>> -> memref<80x128xf32, #tpu.memory_space<vmem>>
    %dma_start3A_79 = arith.constant 0 : i32
    %dma_start3A_80 = tpu.memref_slice %arg8[%dma_start3A_72, %dma_start3A_79] : memref<2x80xi32, #tpu.memory_space<vmem>> -> memref<1x80xi32, #tpu.memory_space<vmem>>
    %dma_start3A_81 = tpu.memref_squeeze %dma_start3A_80 : memref<1x80xi32, #tpu.memory_space<vmem>> -> memref<80xi32, #tpu.memory_space<vmem>>
    %dma_start3A_82 = arith.constant 0 : i32
    %dma_start3A_83 = arith.constant 0 : i32
    %dma_start3A_84 = tpu.memref_slice %arg6[%dma_start3A_82, %dma_start3A_83] : memref<10240x128xf32, #tpu.memory_space<vmem_shared>> -> memref<10240x128xf32, #tpu.memory_space<vmem_shared>>
    %dma_start3A_85 = tpu.memref_slice %arg11[%dma_start3A_74] : memref<2x!tpu.dma_semaphore, #tpu.memory_space<semaphore_mem>> -> memref<1x!tpu.dma_semaphore, #tpu.memory_space<semaphore_mem>>
    %dma_start3A_86 = tpu.memref_squeeze %dma_start3A_85 : memref<1x!tpu.dma_semaphore, #tpu.memory_space<semaphore_mem>> -> memref<!tpu.dma_semaphore, #tpu.memory_space<semaphore_mem>>
    tpu.enqueue_indirect_dma source(%dma_start3A_84 : memref<10240x128xf32, #tpu.memory_space<vmem_shared>>) target(%dma_start3A_78 : memref<80x128xf32, #tpu.memory_space<vmem>>) offsets(%dma_start3A_81 : memref<80xi32, #tpu.memory_space<vmem>>) semaphore(%dma_start3A_86 : memref<!tpu.dma_semaphore, #tpu.memory_space<semaphore_mem>>)
    %add3A_87 = arith.constant 80 : i32
    %add3A_88 = arith.addi %mul3A_4, %add3A_87 : i32
    %dma_start3A_89 = arith.constant 1 : i32
    %dma_start3A_90 = arith.constant 1 : i32
    %dma_start3A_91 = arith.constant 0 : i32
    %dma_start3A_92 = tpu.memref_slice %arg7[%dma_start3A_89, %dma_start3A_91] : memref<2x80xi32, #tpu.memory_space<vmem>> -> memref<1x80xi32, #tpu.memory_space<vmem>>
    %dma_start3A_93 = tpu.memref_squeeze %dma_start3A_92 : memref<1x80xi32, #tpu.memory_space<vmem>> -> memref<80xi32, #tpu.memory_space<vmem>>
    %dma_start3A_94 = tpu.memref_slice %arg3[%add3A_88] : memref<320000xi32, #tpu.memory_space<hbm>> -> memref<80xi32, #tpu.memory_space<hbm>>
    %dma_start3A_95 = tpu.memref_slice %arg12[%dma_start3A_90] : memref<2x!tpu.dma_semaphore, #tpu.memory_space<semaphore_mem>> -> memref<1x!tpu.dma_semaphore, #tpu.memory_space<semaphore_mem>>
    %dma_start3A_96 = tpu.memref_squeeze %dma_start3A_95 : memref<1x!tpu.dma_semaphore, #tpu.memory_space<semaphore_mem>> -> memref<!tpu.dma_semaphore, #tpu.memory_space<semaphore_mem>>
    %dma_start3A_97 = arith.constant 0 : i32
    %dma_start3A_98 = tpu.memref_slice %arg7[%dma_start3A_89, %dma_start3A_97] : memref<2x80xi32, #tpu.memory_space<vmem>> -> memref<1x80xi32, #tpu.memory_space<vmem>>
    %dma_start3A_99 = tpu.memref_squeeze %dma_start3A_98 : memref<1x80xi32, #tpu.memory_space<vmem>> -> memref<80xi32, #tpu.memory_space<vmem>>
    %dma_start3A_100 = tpu.memref_slice %arg3[%add3A_88] : memref<320000xi32, #tpu.memory_space<hbm>> -> memref<80xi32, #tpu.memory_space<hbm>>
    tpu.enqueue_dma source(%dma_start3A_100 : memref<80xi32, #tpu.memory_space<hbm>>) target(%dma_start3A_99 : memref<80xi32, #tpu.memory_space<vmem>>) target_semaphore(%dma_start3A_96 : memref<!tpu.dma_semaphore, #tpu.memory_space<semaphore_mem>>)
    %dma_start3A_101 = arith.constant 1 : i32
    %dma_start3A_102 = arith.constant 1 : i32
    %dma_start3A_103 = arith.constant 0 : i32
    %dma_start3A_104 = tpu.memref_slice %arg8[%dma_start3A_101, %dma_start3A_103] : memref<2x80xi32, #tpu.memory_space<vmem>> -> memref<1x80xi32, #tpu.memory_space<vmem>>
    %dma_start3A_105 = tpu.memref_squeeze %dma_start3A_104 : memref<1x80xi32, #tpu.memory_space<vmem>> -> memref<80xi32, #tpu.memory_space<vmem>>
    %dma_start3A_106 = tpu.memref_slice %arg4[%add3A_88] : memref<320000xi32, #tpu.memory_space<hbm>> -> memref<80xi32, #tpu.memory_space<hbm>>
    %dma_start3A_107 = tpu.memref_slice %arg12[%dma_start3A_102] : memref<2x!tpu.dma_semaphore, #tpu.memory_space<semaphore_mem>> -> memref<1x!tpu.dma_semaphore, #tpu.memory_space<semaphore_mem>>
    %dma_start3A_108 = tpu.memref_squeeze %dma_start3A_107 : memref<1x!tpu.dma_semaphore, #tpu.memory_space<semaphore_mem>> -> memref<!tpu.dma_semaphore, #tpu.memory_space<semaphore_mem>>
    %dma_start3A_109 = arith.constant 0 : i32
    %dma_start3A_110 = tpu.memref_slice %arg8[%dma_start3A_101, %dma_start3A_109] : memref<2x80xi32, #tpu.memory_space<vmem>> -> memref<1x80xi32, #tpu.memory_space<vmem>>
    %dma_start3A_111 = tpu.memref_squeeze %dma_start3A_110 : memref<1x80xi32, #tpu.memory_space<vmem>> -> memref<80xi32, #tpu.memory_space<vmem>>
    %dma_start3A_112 = tpu.memref_slice %arg4[%add3A_88] : memref<320000xi32, #tpu.memory_space<hbm>> -> memref<80xi32, #tpu.memory_space<hbm>>
    tpu.enqueue_dma source(%dma_start3A_112 : memref<80xi32, #tpu.memory_space<hbm>>) target(%dma_start3A_111 : memref<80xi32, #tpu.memory_space<vmem>>) target_semaphore(%dma_start3A_108 : memref<!tpu.dma_semaphore, #tpu.memory_space<semaphore_mem>>)
    %dma_wait3A_113 = arith.constant 1 : i32
    %dma_wait3A_114 = arith.constant 1 : i32
    %dma_wait3A_115 = arith.constant 0 : i32
    %dma_wait3A_116 = tpu.memref_slice %arg7[%dma_wait3A_113, %dma_wait3A_115] : memref<2x80xi32, #tpu.memory_space<vmem>> -> memref<1x80xi32, #tpu.memory_space<vmem>>
    %dma_wait3A_117 = tpu.memref_squeeze %dma_wait3A_116 : memref<1x80xi32, #tpu.memory_space<vmem>> -> memref<80xi32, #tpu.memory_space<vmem>>
    %dma_wait3A_118 = arith.constant 0 : i32
    %dma_wait3A_119 = tpu.memref_slice %arg3[%dma_wait3A_118] : memref<320000xi32, #tpu.memory_space<hbm>> -> memref<80xi32, #tpu.memory_space<hbm>>
    %dma_wait3A_120 = tpu.memref_slice %arg12[%dma_wait3A_114] : memref<2x!tpu.dma_semaphore, #tpu.memory_space<semaphore_mem>> -> memref<1x!tpu.dma_semaphore, #tpu.memory_space<semaphore_mem>>
    %dma_wait3A_121 = tpu.memref_squeeze %dma_wait3A_120 : memref<1x!tpu.dma_semaphore, #tpu.memory_space<semaphore_mem>> -> memref<!tpu.dma_semaphore, #tpu.memory_space<semaphore_mem>>
    %dma_wait3A_122 = arith.constant 0 : i32
    %dma_wait3A_123 = tpu.memref_slice %arg7[%dma_wait3A_113, %dma_wait3A_122] : memref<2x80xi32, #tpu.memory_space<vmem>> -> memref<1x80xi32, #tpu.memory_space<vmem>>
    %dma_wait3A_124 = tpu.memref_squeeze %dma_wait3A_123 : memref<1x80xi32, #tpu.memory_space<vmem>> -> memref<80xi32, #tpu.memory_space<vmem>>
    %dma_wait3A_125 = arith.constant 0 : i32
    %dma_wait3A_126 = tpu.memref_slice %arg3[%dma_wait3A_125] : memref<320000xi32, #tpu.memory_space<hbm>> -> memref<80xi32, #tpu.memory_space<hbm>>
    tpu.wait_dma2 semaphore(%dma_wait3A_121 : memref<!tpu.dma_semaphore, #tpu.memory_space<semaphore_mem>>) src(%dma_wait3A_126 : memref<80xi32, #tpu.memory_space<hbm>>) dst(%dma_wait3A_124 : memref<80xi32, #tpu.memory_space<vmem>>)
    %dma_wait3A_127 = arith.constant 1 : i32
    %dma_wait3A_128 = arith.constant 1 : i32
    %dma_wait3A_129 = arith.constant 0 : i32
    %dma_wait3A_130 = tpu.memref_slice %arg8[%dma_wait3A_127, %dma_wait3A_129] : memref<2x80xi32, #tpu.memory_space<vmem>> -> memref<1x80xi32, #tpu.memory_space<vmem>>
    %dma_wait3A_131 = tpu.memref_squeeze %dma_wait3A_130 : memref<1x80xi32, #tpu.memory_space<vmem>> -> memref<80xi32, #tpu.memory_space<vmem>>
    %dma_wait3A_132 = arith.constant 0 : i32
    %dma_wait3A_133 = tpu.memref_slice %arg4[%dma_wait3A_132] : memref<320000xi32, #tpu.memory_space<hbm>> -> memref<80xi32, #tpu.memory_space<hbm>>
    %dma_wait3A_134 = tpu.memref_slice %arg12[%dma_wait3A_128] : memref<2x!tpu.dma_semaphore, #tpu.memory_space<semaphore_mem>> -> memref<1x!tpu.dma_semaphore, #tpu.memory_space<semaphore_mem>>
    %dma_wait3A_135 = tpu.memref_squeeze %dma_wait3A_134 : memref<1x!tpu.dma_semaphore, #tpu.memory_space<semaphore_mem>> -> memref<!tpu.dma_semaphore, #tpu.memory_space<semaphore_mem>>
    %dma_wait3A_136 = arith.constant 0 : i32
    %dma_wait3A_137 = tpu.memref_slice %arg8[%dma_wait3A_127, %dma_wait3A_136] : memref<2x80xi32, #tpu.memory_space<vmem>> -> memref<1x80xi32, #tpu.memory_space<vmem>>
    %dma_wait3A_138 = tpu.memref_squeeze %dma_wait3A_137 : memref<1x80xi32, #tpu.memory_space<vmem>> -> memref<80xi32, #tpu.memory_space<vmem>>
    %dma_wait3A_139 = arith.constant 0 : i32
    %dma_wait3A_140 = tpu.memref_slice %arg4[%dma_wait3A_139] : memref<320000xi32, #tpu.memory_space<hbm>> -> memref<80xi32, #tpu.memory_space<hbm>>
    tpu.wait_dma2 semaphore(%dma_wait3A_135 : memref<!tpu.dma_semaphore, #tpu.memory_space<semaphore_mem>>) src(%dma_wait3A_140 : memref<80xi32, #tpu.memory_space<hbm>>) dst(%dma_wait3A_138 : memref<80xi32, #tpu.memory_space<vmem>>)
    %dma_start3A_141 = arith.constant 1 : i32
    %dma_start3A_142 = arith.constant 1 : i32
    %dma_start3A_143 = arith.constant 1 : i32
    %dma_start3A_144 = arith.constant 0 : i32
    %dma_start3A_145 = arith.constant 0 : i32
    %dma_start3A_146 = tpu.memref_slice %arg9[%dma_start3A_142, %dma_start3A_144, %dma_start3A_145] : memref<2x80x128xf32, #tpu.memory_space<vmem>> -> memref<1x80x128xf32, #tpu.memory_space<vmem>>
    %dma_start3A_147 = tpu.memref_squeeze %dma_start3A_146 : memref<1x80x128xf32, #tpu.memory_space<vmem>> -> memref<80x128xf32, #tpu.memory_space<vmem>>
    %dma_start3A_148 = arith.constant 0 : i32
    %dma_start3A_149 = tpu.memref_slice %arg7[%dma_start3A_141, %dma_start3A_148] : memref<2x80xi32, #tpu.memory_space<vmem>> -> memref<1x80xi32, #tpu.memory_space<vmem>>
    %dma_start3A_150 = tpu.memref_squeeze %dma_start3A_149 : memref<1x80xi32, #tpu.memory_space<vmem>> -> memref<80xi32, #tpu.memory_space<vmem>>
    %dma_start3A_151 = arith.constant 0 : i32
    %dma_start3A_152 = arith.constant 0 : i32
    %dma_start3A_153 = tpu.memref_slice %arg6[%dma_start3A_151, %dma_start3A_152] : memref<10240x128xf32, #tpu.memory_space<vmem_shared>> -> memref<10240x128xf32, #tpu.memory_space<vmem_shared>>
    %dma_start3A_154 = tpu.memref_slice %arg11[%dma_start3A_143] : memref<2x!tpu.dma_semaphore, #tpu.memory_space<semaphore_mem>> -> memref<1x!tpu.dma_semaphore, #tpu.memory_space<semaphore_mem>>
    %dma_start3A_155 = tpu.memref_squeeze %dma_start3A_154 : memref<1x!tpu.dma_semaphore, #tpu.memory_space<semaphore_mem>> -> memref<!tpu.dma_semaphore, #tpu.memory_space<semaphore_mem>>
    tpu.enqueue_indirect_dma source(%dma_start3A_153 : memref<10240x128xf32, #tpu.memory_space<vmem_shared>>) target(%dma_start3A_147 : memref<80x128xf32, #tpu.memory_space<vmem>>) offsets(%dma_start3A_150 : memref<80xi32, #tpu.memory_space<vmem>>) semaphore(%dma_start3A_155 : memref<!tpu.dma_semaphore, #tpu.memory_space<semaphore_mem>>)
    %dma_start3A_156 = arith.constant 1 : i32
    %dma_start3A_157 = arith.constant 1 : i32
    %dma_start3A_158 = arith.constant 1 : i32
    %dma_start3A_159 = arith.constant 0 : i32
    %dma_start3A_160 = arith.constant 0 : i32
    %dma_start3A_161 = tpu.memref_slice %arg10[%dma_start3A_157, %dma_start3A_159, %dma_start3A_160] : memref<2x80x128xf32, #tpu.memory_space<vmem>> -> memref<1x80x128xf32, #tpu.memory_space<vmem>>
    %dma_start3A_162 = tpu.memref_squeeze %dma_start3A_161 : memref<1x80x128xf32, #tpu.memory_space<vmem>> -> memref<80x128xf32, #tpu.memory_space<vmem>>
    %dma_start3A_163 = arith.constant 0 : i32
    %dma_start3A_164 = tpu.memref_slice %arg8[%dma_start3A_156, %dma_start3A_163] : memref<2x80xi32, #tpu.memory_space<vmem>> -> memref<1x80xi32, #tpu.memory_space<vmem>>
    %dma_start3A_165 = tpu.memref_squeeze %dma_start3A_164 : memref<1x80xi32, #tpu.memory_space<vmem>> -> memref<80xi32, #tpu.memory_space<vmem>>
    %dma_start3A_166 = arith.constant 0 : i32
    %dma_start3A_167 = arith.constant 0 : i32
    %dma_start3A_168 = tpu.memref_slice %arg6[%dma_start3A_166, %dma_start3A_167] : memref<10240x128xf32, #tpu.memory_space<vmem_shared>> -> memref<10240x128xf32, #tpu.memory_space<vmem_shared>>
    %dma_start3A_169 = tpu.memref_slice %arg11[%dma_start3A_158] : memref<2x!tpu.dma_semaphore, #tpu.memory_space<semaphore_mem>> -> memref<1x!tpu.dma_semaphore, #tpu.memory_space<semaphore_mem>>
    %dma_start3A_170 = tpu.memref_squeeze %dma_start3A_169 : memref<1x!tpu.dma_semaphore, #tpu.memory_space<semaphore_mem>> -> memref<!tpu.dma_semaphore, #tpu.memory_space<semaphore_mem>>
    tpu.enqueue_indirect_dma source(%dma_start3A_168 : memref<10240x128xf32, #tpu.memory_space<vmem_shared>>) target(%dma_start3A_162 : memref<80x128xf32, #tpu.memory_space<vmem>>) offsets(%dma_start3A_165 : memref<80xi32, #tpu.memory_space<vmem>>) semaphore(%dma_start3A_170 : memref<!tpu.dma_semaphore, #tpu.memory_space<semaphore_mem>>)
    %dma_wait3A_171 = arith.constant 0 : i32
    %dma_wait3A_172 = arith.constant 0 : i32
    %dma_wait3A_173 = arith.constant 0 : i32
    %dma_wait3A_174 = arith.constant 0 : i32
    %dma_wait3A_175 = arith.constant 0 : i32
    %dma_wait3A_176 = tpu.memref_slice %arg9[%dma_wait3A_172, %dma_wait3A_174, %dma_wait3A_175] : memref<2x80x128xf32, #tpu.memory_space<vmem>> -> memref<1x80x128xf32, #tpu.memory_space<vmem>>
    %dma_wait3A_177 = tpu.memref_squeeze %dma_wait3A_176 : memref<1x80x128xf32, #tpu.memory_space<vmem>> -> memref<80x128xf32, #tpu.memory_space<vmem>>
    %dma_wait3A_178 = arith.constant 0 : i32
    %dma_wait3A_179 = tpu.memref_slice %arg7[%dma_wait3A_171, %dma_wait3A_178] : memref<2x80xi32, #tpu.memory_space<vmem>> -> memref<1x80xi32, #tpu.memory_space<vmem>>
    %dma_wait3A_180 = tpu.memref_squeeze %dma_wait3A_179 : memref<1x80xi32, #tpu.memory_space<vmem>> -> memref<80xi32, #tpu.memory_space<vmem>>
    %dma_wait3A_181 = arith.constant 0 : i32
    %dma_wait3A_182 = arith.constant 0 : i32
    %dma_wait3A_183 = tpu.memref_slice %arg6[%dma_wait3A_181, %dma_wait3A_182] : memref<10240x128xf32, #tpu.memory_space<vmem_shared>> -> memref<10240x128xf32, #tpu.memory_space<vmem_shared>>
    %dma_wait3A_184 = tpu.memref_slice %arg11[%dma_wait3A_173] : memref<2x!tpu.dma_semaphore, #tpu.memory_space<semaphore_mem>> -> memref<1x!tpu.dma_semaphore, #tpu.memory_space<semaphore_mem>>
    %dma_wait3A_185 = tpu.memref_squeeze %dma_wait3A_184 : memref<1x!tpu.dma_semaphore, #tpu.memory_space<semaphore_mem>> -> memref<!tpu.dma_semaphore, #tpu.memory_space<semaphore_mem>>
    tpu.wait_indirect_dma semaphore(%dma_wait3A_185 : memref<!tpu.dma_semaphore, #tpu.memory_space<semaphore_mem>>) src(%dma_wait3A_183 : memref<10240x128xf32, #tpu.memory_space<vmem_shared>>) dst(%dma_wait3A_177 : memref<80x128xf32, #tpu.memory_space<vmem>>)
    %dma_wait3A_186 = arith.constant 0 : i32
    %dma_wait3A_187 = arith.constant 0 : i32
    %dma_wait3A_188 = arith.constant 0 : i32
    %dma_wait3A_189 = arith.constant 0 : i32
    %dma_wait3A_190 = arith.constant 0 : i32
    %dma_wait3A_191 = tpu.memref_slice %arg10[%dma_wait3A_187, %dma_wait3A_189, %dma_wait3A_190] : memref<2x80x128xf32, #tpu.memory_space<vmem>> -> memref<1x80x128xf32, #tpu.memory_space<vmem>>
    %dma_wait3A_192 = tpu.memref_squeeze %dma_wait3A_191 : memref<1x80x128xf32, #tpu.memory_space<vmem>> -> memref<80x128xf32, #tpu.memory_space<vmem>>
    %dma_wait3A_193 = arith.constant 0 : i32
    %dma_wait3A_194 = tpu.memref_slice %arg8[%dma_wait3A_186, %dma_wait3A_193] : memref<2x80xi32, #tpu.memory_space<vmem>> -> memref<1x80xi32, #tpu.memory_space<vmem>>
    %dma_wait3A_195 = tpu.memref_squeeze %dma_wait3A_194 : memref<1x80xi32, #tpu.memory_space<vmem>> -> memref<80xi32, #tpu.memory_space<vmem>>
    %dma_wait3A_196 = arith.constant 0 : i32
    %dma_wait3A_197 = arith.constant 0 : i32
    %dma_wait3A_198 = tpu.memref_slice %arg6[%dma_wait3A_196, %dma_wait3A_197] : memref<10240x128xf32, #tpu.memory_space<vmem_shared>> -> memref<10240x128xf32, #tpu.memory_space<vmem_shared>>
    %dma_wait3A_199 = tpu.memref_slice %arg11[%dma_wait3A_188] : memref<2x!tpu.dma_semaphore, #tpu.memory_space<semaphore_mem>> -> memref<1x!tpu.dma_semaphore, #tpu.memory_space<semaphore_mem>>
    %dma_wait3A_200 = tpu.memref_squeeze %dma_wait3A_199 : memref<1x!tpu.dma_semaphore, #tpu.memory_space<semaphore_mem>> -> memref<!tpu.dma_semaphore, #tpu.memory_space<semaphore_mem>>
    tpu.wait_indirect_dma semaphore(%dma_wait3A_200 : memref<!tpu.dma_semaphore, #tpu.memory_space<semaphore_mem>>) src(%dma_wait3A_198 : memref<10240x128xf32, #tpu.memory_space<vmem_shared>>) dst(%dma_wait3A_192 : memref<80x128xf32, #tpu.memory_space<vmem>>)
    %add3A_201 = arith.constant 0 : i32
    %add3A_202 = arith.constant 2 : i32
    %add3A_203 = arith.addi %add3A_201, %add3A_202 : i32
    %mul3A_204 = arith.constant 80 : i32
    %mul3A_205 = arith.muli %add3A_203, %mul3A_204 : i32
    %add3A_206 = arith.addi %mul3A_4, %mul3A_205 : i32
    %dma_start3A_207 = arith.constant 0 : i32
    %dma_start3A_208 = arith.constant 0 : i32
    %dma_start3A_209 = arith.constant 0 : i32
    %dma_start3A_210 = tpu.memref_slice %arg7[%dma_start3A_207, %dma_start3A_209] : memref<2x80xi32, #tpu.memory_space<vmem>> -> memref<1x80xi32, #tpu.memory_space<vmem>>
    %dma_start3A_211 = tpu.memref_squeeze %dma_start3A_210 : memref<1x80xi32, #tpu.memory_space<vmem>> -> memref<80xi32, #tpu.memory_space<vmem>>
    %dma_start3A_212 = tpu.memref_slice %arg3[%add3A_206] : memref<320000xi32, #tpu.memory_space<hbm>> -> memref<80xi32, #tpu.memory_space<hbm>>
    %dma_start3A_213 = tpu.memref_slice %arg12[%dma_start3A_208] : memref<2x!tpu.dma_semaphore, #tpu.memory_space<semaphore_mem>> -> memref<1x!tpu.dma_semaphore, #tpu.memory_space<semaphore_mem>>
    %dma_start3A_214 = tpu.memref_squeeze %dma_start3A_213 : memref<1x!tpu.dma_semaphore, #tpu.memory_space<semaphore_mem>> -> memref<!tpu.dma_semaphore, #tpu.memory_space<semaphore_mem>>
    %dma_start3A_215 = arith.constant 0 : i32
    %dma_start3A_216 = tpu.memref_slice %arg7[%dma_start3A_207, %dma_start3A_215] : memref<2x80xi32, #tpu.memory_space<vmem>> -> memref<1x80xi32, #tpu.memory_space<vmem>>
    %dma_start3A_217 = tpu.memref_squeeze %dma_start3A_216 : memref<1x80xi32, #tpu.memory_space<vmem>> -> memref<80xi32, #tpu.memory_space<vmem>>
    %dma_start3A_218 = tpu.memref_slice %arg3[%add3A_206] : memref<320000xi32, #tpu.memory_space<hbm>> -> memref<80xi32, #tpu.memory_space<hbm>>
    tpu.enqueue_dma source(%dma_start3A_218 : memref<80xi32, #tpu.memory_space<hbm>>) target(%dma_start3A_217 : memref<80xi32, #tpu.memory_space<vmem>>) target_semaphore(%dma_start3A_214 : memref<!tpu.dma_semaphore, #tpu.memory_space<semaphore_mem>>)
    %dma_start3A_219 = arith.constant 0 : i32
    %dma_start3A_220 = arith.constant 0 : i32
    %dma_start3A_221 = arith.constant 0 : i32
    %dma_start3A_222 = tpu.memref_slice %arg8[%dma_start3A_219, %dma_start3A_221] : memref<2x80xi32, #tpu.memory_space<vmem>> -> memref<1x80xi32, #tpu.memory_space<vmem>>
    %dma_start3A_223 = tpu.memref_squeeze %dma_start3A_222 : memref<1x80xi32, #tpu.memory_space<vmem>> -> memref<80xi32, #tpu.memory_space<vmem>>
    %dma_start3A_224 = tpu.memref_slice %arg4[%add3A_206] : memref<320000xi32, #tpu.memory_space<hbm>> -> memref<80xi32, #tpu.memory_space<hbm>>
    %dma_start3A_225 = tpu.memref_slice %arg12[%dma_start3A_220] : memref<2x!tpu.dma_semaphore, #tpu.memory_space<semaphore_mem>> -> memref<1x!tpu.dma_semaphore, #tpu.memory_space<semaphore_mem>>
    %dma_start3A_226 = tpu.memref_squeeze %dma_start3A_225 : memref<1x!tpu.dma_semaphore, #tpu.memory_space<semaphore_mem>> -> memref<!tpu.dma_semaphore, #tpu.memory_space<semaphore_mem>>
    %dma_start3A_227 = arith.constant 0 : i32
    %dma_start3A_228 = tpu.memref_slice %arg8[%dma_start3A_219, %dma_start3A_227] : memref<2x80xi32, #tpu.memory_space<vmem>> -> memref<1x80xi32, #tpu.memory_space<vmem>>
    %dma_start3A_229 = tpu.memref_squeeze %dma_start3A_228 : memref<1x80xi32, #tpu.memory_space<vmem>> -> memref<80xi32, #tpu.memory_space<vmem>>
    %dma_start3A_230 = tpu.memref_slice %arg4[%add3A_206] : memref<320000xi32, #tpu.memory_space<hbm>> -> memref<80xi32, #tpu.memory_space<hbm>>
    tpu.enqueue_dma source(%dma_start3A_230 : memref<80xi32, #tpu.memory_space<hbm>>) target(%dma_start3A_229 : memref<80xi32, #tpu.memory_space<vmem>>) target_semaphore(%dma_start3A_226 : memref<!tpu.dma_semaphore, #tpu.memory_space<semaphore_mem>>)
    %scan3A = arith.constant 0 : i32
    %scan3A_231 = arith.constant 0 : i32
    %scan3A_232 = arith.constant 80 : i32
    %scan3A_233 = arith.addi %scan3A_231, %scan3A_232 : i32
    %scan3A_234 = arith.constant 1 : i32
    %scan3A_235 = scf.for %scan3A_490 = %scan3A_231 to %scan3A_233 step %scan3A_234 iter_args(%scan3A_491 = %scan3A) -> (i32)  : i32 {
      %get3A = arith.constant 0 : i32
      %get3A_492 = arith.index_cast %get3A : i32 to index
      %get3A_493 = arith.index_cast %scan3A_490 : i32 to index
      %get3A_494 = arith.constant 0 : index
      %get3A_495 = tpu.vector_load %arg9[%get3A_492, %get3A_493, %get3A_494] {strides = array<i32>} : memref<2x80x128xf32, #tpu.memory_space<vmem>>, vector<16xf32>,
      %get3A_496 = arith.constant 0 : i32
      %get3A_497 = arith.index_cast %get3A_496 : i32 to index
      %get3A_498 = arith.index_cast %scan3A_490 : i32 to index
      %get3A_499 = arith.constant 0 : index
      %get3A_500 = tpu.vector_load %arg10[%get3A_497, %get3A_498, %get3A_499] {strides = array<i32>} : memref<2x80x128xf32, #tpu.memory_space<vmem>>, vector<16xf32>,
      %mul3A_501 = arith.mulf %get3A_495, %get3A_500 : vector<16xf32>
      %add3A_502 = arith.constant 1.000000e+00 : f32
      %add3A_503 = vector.broadcast %add3A_502 : f32 to vector<16xf32>
      %add3A_504 = arith.addf %add3A_503, %mul3A_501 : vector<16xf32>
      %div3A = arith.constant 1.000000e+00 : f32
      %div3A_505 = vector.broadcast %div3A : f32 to vector<16xf32>
      %div3A_506 = arith.divf %div3A_505, %add3A_504 : vector<16xf32>
      %swap3A = arith.constant 0 : i32
      %swap3A_507 = arith.index_cast %swap3A : i32 to index
      %swap3A_508 = arith.index_cast %scan3A_490 : i32 to index
      %swap3A_509 = arith.constant 0 : index
      %swap3A_510 = tpu.vector_load %arg9[%swap3A_507, %swap3A_508, %swap3A_509] {strides = array<i32>} : memref<2x80x128xf32, #tpu.memory_space<vmem>>, vector<16xf32>,
      tpu.vector_store %arg9[%swap3A_507, %swap3A_508, %swap3A_509], %div3A_506 {strides = array<i32>} : memref<2x80x128xf32, #tpu.memory_space<vmem>>, vector<16xf32>,
      %get3A_511 = arith.constant 0 : i32
      %get3A_512 = arith.index_cast %get3A_511 : i32 to index
      %get3A_513 = arith.index_cast %scan3A_490 : i32 to index
      %get3A_514 = arith.constant 16 : index
      %get3A_515 = tpu.vector_load %arg9[%get3A_512, %get3A_513, %get3A_514] {strides = array<i32>} : memref<2x80x128xf32, #tpu.memory_space<vmem>>, vector<16xf32>,
      %get3A_516 = arith.constant 0 : i32
      %get3A_517 = arith.index_cast %get3A_516 : i32 to index
      %get3A_518 = arith.index_cast %scan3A_490 : i32 to index
      %get3A_519 = arith.constant 16 : index
      %get3A_520 = tpu.vector_load %arg10[%get3A_517, %get3A_518, %get3A_519] {strides = array<i32>} : memref<2x80x128xf32, #tpu.memory_space<vmem>>, vector<16xf32>,
      %mul3A_521 = arith.mulf %get3A_515, %get3A_520 : vector<16xf32>
      %add3A_522 = arith.constant 1.000000e+00 : f32
      %add3A_523 = vector.broadcast %add3A_522 : f32 to vector<16xf32>
      %add3A_524 = arith.addf %add3A_523, %mul3A_521 : vector<16xf32>
      %div3A_525 = arith.constant 1.000000e+00 : f32
      %div3A_526 = vector.broadcast %div3A_525 : f32 to vector<16xf32>
      %div3A_527 = arith.divf %div3A_526, %add3A_524 : vector<16xf32>
      %swap3A_528 = arith.constant 0 : i32
      %swap3A_529 = arith.index_cast %swap3A_528 : i32 to index
      %swap3A_530 = arith.index_cast %scan3A_490 : i32 to index
      %swap3A_531 = arith.constant 16 : index
      %swap3A_532 = tpu.vector_load %arg9[%swap3A_529, %swap3A_530, %swap3A_531] {strides = array<i32>} : memref<2x80x128xf32, #tpu.memory_space<vmem>>, vector<16xf32>,
      tpu.vector_store %arg9[%swap3A_529, %swap3A_530, %swap3A_531], %div3A_527 {strides = array<i32>} : memref<2x80x128xf32, #tpu.memory_space<vmem>>, vector<16xf32>,
      %get3A_533 = arith.constant 0 : i32
      %get3A_534 = arith.index_cast %get3A_533 : i32 to index
      %get3A_535 = arith.index_cast %scan3A_490 : i32 to index
      %get3A_536 = arith.constant 32 : index
      %get3A_537 = tpu.vector_load %arg9[%get3A_534, %get3A_535, %get3A_536] {strides = array<i32>} : memref<2x80x128xf32, #tpu.memory_space<vmem>>, vector<16xf32>,
      %get3A_538 = arith.constant 0 : i32
      %get3A_539 = arith.index_cast %get3A_538 : i32 to index
      %get3A_540 = arith.index_cast %scan3A_490 : i32 to index
      %get3A_541 = arith.constant 32 : index
      %get3A_542 = tpu.vector_load %arg10[%get3A_539, %get3A_540, %get3A_541] {strides = array<i32>} : memref<2x80x128xf32, #tpu.memory_space<vmem>>, vector<16xf32>,
      %mul3A_543 = arith.mulf %get3A_537, %get3A_542 : vector<16xf32>
      %add3A_544 = arith.constant 1.000000e+00 : f32
      %add3A_545 = vector.broadcast %add3A_544 : f32 to vector<16xf32>
      %add3A_546 = arith.addf %add3A_545, %mul3A_543 : vector<16xf32>
      %div3A_547 = arith.constant 1.000000e+00 : f32
      %div3A_548 = vector.broadcast %div3A_547 : f32 to vector<16xf32>
      %div3A_549 = arith.divf %div3A_548, %add3A_546 : vector<16xf32>
      %swap3A_550 = arith.constant 0 : i32
      %swap3A_551 = arith.index_cast %swap3A_550 : i32 to index
      %swap3A_552 = arith.index_cast %scan3A_490 : i32 to index
      %swap3A_553 = arith.constant 32 : index
      %swap3A_554 = tpu.vector_load %arg9[%swap3A_551, %swap3A_552, %swap3A_553] {strides = array<i32>} : memref<2x80x128xf32, #tpu.memory_space<vmem>>, vector<16xf32>,
      tpu.vector_store %arg9[%swap3A_551, %swap3A_552, %swap3A_553], %div3A_549 {strides = array<i32>} : memref<2x80x128xf32, #tpu.memory_space<vmem>>, vector<16xf32>,
      %get3A_555 = arith.constant 0 : i32
      %get3A_556 = arith.index_cast %get3A_555 : i32 to index
      %get3A_557 = arith.index_cast %scan3A_490 : i32 to index
      %get3A_558 = arith.constant 48 : index
      %get3A_559 = tpu.vector_load %arg9[%get3A_556, %get3A_557, %get3A_558] {strides = array<i32>} : memref<2x80x128xf32, #tpu.memory_space<vmem>>, vector<16xf32>,
      %get3A_560 = arith.constant 0 : i32
      %get3A_561 = arith.index_cast %get3A_560 : i32 to index
      %get3A_562 = arith.index_cast %scan3A_490 : i32 to index
      %get3A_563 = arith.constant 48 : index
      %get3A_564 = tpu.vector_load %arg10[%get3A_561, %get3A_562, %get3A_563] {strides = array<i32>} : memref<2x80x128xf32, #tpu.memory_space<vmem>>, vector<16xf32>,
      %mul3A_565 = arith.mulf %get3A_559, %get3A_564 : vector<16xf32>
      %add3A_566 = arith.constant 1.000000e+00 : f32
      %add3A_567 = vector.broadcast %add3A_566 : f32 to vector<16xf32>
      %add3A_568 = arith.addf %add3A_567, %mul3A_565 : vector<16xf32>
      %div3A_569 = arith.constant 1.000000e+00 : f32
      %div3A_570 = vector.broadcast %div3A_569 : f32 to vector<16xf32>
      %div3A_571 = arith.divf %div3A_570, %add3A_568 : vector<16xf32>
      %swap3A_572 = arith.constant 0 : i32
      %swap3A_573 = arith.index_cast %swap3A_572 : i32 to index
      %swap3A_574 = arith.index_cast %scan3A_490 : i32 to index
      %swap3A_575 = arith.constant 48 : index
      %swap3A_576 = tpu.vector_load %arg9[%swap3A_573, %swap3A_574, %swap3A_575] {strides = array<i32>} : memref<2x80x128xf32, #tpu.memory_space<vmem>>, vector<16xf32>,
      tpu.vector_store %arg9[%swap3A_573, %swap3A_574, %swap3A_575], %div3A_571 {strides = array<i32>} : memref<2x80x128xf32, #tpu.memory_space<vmem>>, vector<16xf32>,
      %get3A_577 = arith.constant 0 : i32
      %get3A_578 = arith.index_cast %get3A_577 : i32 to index
      %get3A_579 = arith.index_cast %scan3A_490 : i32 to index
      %get3A_580 = arith.constant 64 : index
      %get3A_581 = tpu.vector_load %arg9[%get3A_578, %get3A_579, %get3A_580] {strides = array<i32>} : memref<2x80x128xf32, #tpu.memory_space<vmem>>, vector<16xf32>,
      %get3A_582 = arith.constant 0 : i32
      %get3A_583 = arith.index_cast %get3A_582 : i32 to index
      %get3A_584 = arith.index_cast %scan3A_490 : i32 to index
      %get3A_585 = arith.constant 64 : index
      %get3A_586 = tpu.vector_load %arg10[%get3A_583, %get3A_584, %get3A_585] {strides = array<i32>} : memref<2x80x128xf32, #tpu.memory_space<vmem>>, vector<16xf32>,
      %mul3A_587 = arith.mulf %get3A_581, %get3A_586 : vector<16xf32>
      %add3A_588 = arith.constant 1.000000e+00 : f32
      %add3A_589 = vector.broadcast %add3A_588 : f32 to vector<16xf32>
      %add3A_590 = arith.addf %add3A_589, %mul3A_587 : vector<16xf32>
      %div3A_591 = arith.constant 1.000000e+00 : f32
      %div3A_592 = vector.broadcast %div3A_591 : f32 to vector<16xf32>
      %div3A_593 = arith.divf %div3A_592, %add3A_590 : vector<16xf32>
      %swap3A_594 = arith.constant 0 : i32
      %swap3A_595 = arith.index_cast %swap3A_594 : i32 to index
      %swap3A_596 = arith.index_cast %scan3A_490 : i32 to index
      %swap3A_597 = arith.constant 64 : index
      %swap3A_598 = tpu.vector_load %arg9[%swap3A_595, %swap3A_596, %swap3A_597] {strides = array<i32>} : memref<2x80x128xf32, #tpu.memory_space<vmem>>, vector<16xf32>,
      tpu.vector_store %arg9[%swap3A_595, %swap3A_596, %swap3A_597], %div3A_593 {strides = array<i32>} : memref<2x80x128xf32, #tpu.memory_space<vmem>>, vector<16xf32>,
      %get3A_599 = arith.constant 0 : i32
      %get3A_600 = arith.index_cast %get3A_599 : i32 to index
      %get3A_601 = arith.index_cast %scan3A_490 : i32 to index
      %get3A_602 = arith.constant 80 : index
      %get3A_603 = tpu.vector_load %arg9[%get3A_600, %get3A_601, %get3A_602] {strides = array<i32>} : memref<2x80x128xf32, #tpu.memory_space<vmem>>, vector<16xf32>,
      %get3A_604 = arith.constant 0 : i32
      %get3A_605 = arith.index_cast %get3A_604 : i32 to index
      %get3A_606 = arith.index_cast %scan3A_490 : i32 to index
      %get3A_607 = arith.constant 80 : index
      %get3A_608 = tpu.vector_load %arg10[%get3A_605, %get3A_606, %get3A_607] {strides = array<i32>} : memref<2x80x128xf32, #tpu.memory_space<vmem>>, vector<16xf32>,
      %mul3A_609 = arith.mulf %get3A_603, %get3A_608 : vector<16xf32>
      %add3A_610 = arith.constant 1.000000e+00 : f32
      %add3A_611 = vector.broadcast %add3A_610 : f32 to vector<16xf32>
      %add3A_612 = arith.addf %add3A_611, %mul3A_609 : vector<16xf32>
      %div3A_613 = arith.constant 1.000000e+00 : f32
      %div3A_614 = vector.broadcast %div3A_613 : f32 to vector<16xf32>
      %div3A_615 = arith.divf %div3A_614, %add3A_612 : vector<16xf32>
      %swap3A_616 = arith.constant 0 : i32
      %swap3A_617 = arith.index_cast %swap3A_616 : i32 to index
      %swap3A_618 = arith.index_cast %scan3A_490 : i32 to index
      %swap3A_619 = arith.constant 80 : index
      %swap3A_620 = tpu.vector_load %arg9[%swap3A_617, %swap3A_618, %swap3A_619] {strides = array<i32>} : memref<2x80x128xf32, #tpu.memory_space<vmem>>, vector<16xf32>,
      tpu.vector_store %arg9[%swap3A_617, %swap3A_618, %swap3A_619], %div3A_615 {strides = array<i32>} : memref<2x80x128xf32, #tpu.memory_space<vmem>>, vector<16xf32>,
      %get3A_621 = arith.constant 0 : i32
      %get3A_622 = arith.index_cast %get3A_621 : i32 to index
      %get3A_623 = arith.index_cast %scan3A_490 : i32 to index
      %get3A_624 = arith.constant 96 : index
      %get3A_625 = tpu.vector_load %arg9[%get3A_622, %get3A_623, %get3A_624] {strides = array<i32>} : memref<2x80x128xf32, #tpu.memory_space<vmem>>, vector<16xf32>,
      %get3A_626 = arith.constant 0 : i32
      %get3A_627 = arith.index_cast %get3A_626 : i32 to index
      %get3A_628 = arith.index_cast %scan3A_490 : i32 to index
      %get3A_629 = arith.constant 96 : index
      %get3A_630 = tpu.vector_load %arg10[%get3A_627, %get3A_628, %get3A_629] {strides = array<i32>} : memref<2x80x128xf32, #tpu.memory_space<vmem>>, vector<16xf32>,
      %mul3A_631 = arith.mulf %get3A_625, %get3A_630 : vector<16xf32>
      %add3A_632 = arith.constant 1.000000e+00 : f32
      %add3A_633 = vector.broadcast %add3A_632 : f32 to vector<16xf32>
      %add3A_634 = arith.addf %add3A_633, %mul3A_631 : vector<16xf32>
      %div3A_635 = arith.constant 1.000000e+00 : f32
      %div3A_636 = vector.broadcast %div3A_635 : f32 to vector<16xf32>
      %div3A_637 = arith.divf %div3A_636, %add3A_634 : vector<16xf32>
      %swap3A_638 = arith.constant 0 : i32
      %swap3A_639 = arith.index_cast %swap3A_638 : i32 to index
      %swap3A_640 = arith.index_cast %scan3A_490 : i32 to index
      %swap3A_641 = arith.constant 96 : index
      %swap3A_642 = tpu.vector_load %arg9[%swap3A_639, %swap3A_640, %swap3A_641] {strides = array<i32>} : memref<2x80x128xf32, #tpu.memory_space<vmem>>, vector<16xf32>,
      tpu.vector_store %arg9[%swap3A_639, %swap3A_640, %swap3A_641], %div3A_637 {strides = array<i32>} : memref<2x80x128xf32, #tpu.memory_space<vmem>>, vector<16xf32>,
      %get3A_643 = arith.constant 0 : i32
      %get3A_644 = arith.index_cast %get3A_643 : i32 to index
      %get3A_645 = arith.index_cast %scan3A_490 : i32 to index
      %get3A_646 = arith.constant 112 : index
      %get3A_647 = tpu.vector_load %arg9[%get3A_644, %get3A_645, %get3A_646] {strides = array<i32>} : memref<2x80x128xf32, #tpu.memory_space<vmem>>, vector<16xf32>,
      %get3A_648 = arith.constant 0 : i32
      %get3A_649 = arith.index_cast %get3A_648 : i32 to index
      %get3A_650 = arith.index_cast %scan3A_490 : i32 to index
      %get3A_651 = arith.constant 112 : index
      %get3A_652 = tpu.vector_load %arg10[%get3A_649, %get3A_650, %get3A_651] {strides = array<i32>} : memref<2x80x128xf32, #tpu.memory_space<vmem>>, vector<16xf32>,
      %mul3A_653 = arith.mulf %get3A_647, %get3A_652 : vector<16xf32>
      %add3A_654 = arith.constant 1.000000e+00 : f32
      %add3A_655 = vector.broadcast %add3A_654 : f32 to vector<16xf32>
      %add3A_656 = arith.addf %add3A_655, %mul3A_653 : vector<16xf32>
      %div3A_657 = arith.constant 1.000000e+00 : f32
      %div3A_658 = vector.broadcast %div3A_657 : f32 to vector<16xf32>
      %div3A_659 = arith.divf %div3A_658, %add3A_656 : vector<16xf32>
      %swap3A_660 = arith.constant 0 : i32
      %swap3A_661 = arith.index_cast %swap3A_660 : i32 to index
      %swap3A_662 = arith.index_cast %scan3A_490 : i32 to index
      %swap3A_663 = arith.constant 112 : index
      %swap3A_664 = tpu.vector_load %arg9[%swap3A_661, %swap3A_662, %swap3A_663] {strides = array<i32>} : memref<2x80x128xf32, #tpu.memory_space<vmem>>, vector<16xf32>,
      tpu.vector_store %arg9[%swap3A_661, %swap3A_662, %swap3A_663], %div3A_659 {strides = array<i32>} : memref<2x80x128xf32, #tpu.memory_space<vmem>>, vector<16xf32>,
      %scan3A_665 = arith.constant 0 : i32
      scf.yield %scan3A_665 : i32
    }
    %scan3A_236 = arith.constant 80 : i32
    %mul3A_237 = arith.constant 0 : i32
    %mul3A_238 = arith.constant 80 : i32
    %mul3A_239 = arith.muli %mul3A_237, %mul3A_238 : i32
    %add3A_240 = arith.addi %mul3A_4, %mul3A_239 : i32
    %dma_start3A_241 = arith.constant 0 : i32
    %dma_start3A_242 = arith.constant 0 : i32
    %dma_start3A_243 = arith.constant 0 : i32
    %dma_start3A_244 = arith.constant 0 : i32
    %dma_start3A_245 = tpu.memref_slice %arg9[%dma_start3A_241, %dma_start3A_243, %dma_start3A_244] : memref<2x80x128xf32, #tpu.memory_space<vmem>> -> memref<1x80x128xf32, #tpu.memory_space<vmem>>
    %dma_start3A_246 = tpu.memref_squeeze %dma_start3A_245 : memref<1x80x128xf32, #tpu.memory_space<vmem>> -> memref<80x128xf32, #tpu.memory_space<vmem>>
    %dma_start3A_247 = arith.constant 0 : i32
    %dma_start3A_248 = tpu.memref_slice %arg5[%add3A_240, %dma_start3A_247] : memref<320000x128xf32, #tpu.memory_space<hbm>> -> memref<80x128xf32, #tpu.memory_space<hbm>>
    %dma_start3A_249 = tpu.memref_slice %arg13[%dma_start3A_242] : memref<2x!tpu.dma_semaphore, #tpu.memory_space<semaphore_mem>> -> memref<1x!tpu.dma_semaphore, #tpu.memory_space<semaphore_mem>>
    %dma_start3A_250 = tpu.memref_squeeze %dma_start3A_249 : memref<1x!tpu.dma_semaphore, #tpu.memory_space<semaphore_mem>> -> memref<!tpu.dma_semaphore, #tpu.memory_space<semaphore_mem>>
    %dma_start3A_251 = arith.constant 0 : i32
    %dma_start3A_252 = tpu.memref_slice %arg5[%add3A_240, %dma_start3A_251] : memref<320000x128xf32, #tpu.memory_space<hbm>> -> memref<80x128xf32, #tpu.memory_space<hbm>>
    %dma_start3A_253 = arith.constant 0 : i32
    %dma_start3A_254 = arith.constant 0 : i32
    %dma_start3A_255 = tpu.memref_slice %arg9[%dma_start3A_241, %dma_start3A_253, %dma_start3A_254] : memref<2x80x128xf32, #tpu.memory_space<vmem>> -> memref<1x80x128xf32, #tpu.memory_space<vmem>>
    %dma_start3A_256 = tpu.memref_squeeze %dma_start3A_255 : memref<1x80x128xf32, #tpu.memory_space<vmem>> -> memref<80x128xf32, #tpu.memory_space<vmem>>
    tpu.enqueue_dma source(%dma_start3A_256 : memref<80x128xf32, #tpu.memory_space<vmem>>) target(%dma_start3A_252 : memref<80x128xf32, #tpu.memory_space<hbm>>) target_semaphore(%dma_start3A_250 : memref<!tpu.dma_semaphore, #tpu.memory_space<semaphore_mem>>)
    %scan3A_257 = arith.constant 0 : i32
    %scan3A_258 = arith.constant 0 : i32
    %scan3A_259 = arith.constant 61 : i32
    %scan3A_260 = arith.addi %scan3A_258, %scan3A_259 : i32
    %scan3A_261 = arith.constant 1 : i32
    %scan3A_262 = scf.for %scan3A_490 = %scan3A_258 to %scan3A_260 step %scan3A_261 iter_args(%scan3A_491 = %scan3A_257) -> (i32)  : i32 {
      %mul3A_492 = arith.constant 2 : i32
      %mul3A_493 = arith.muli %mul3A_492, %scan3A_490 : i32
      %add3A_494 = arith.constant 1 : i32
      %add3A_495 = arith.addi %mul3A_493, %add3A_494 : i32
      %dma_wait3A_496 = arith.constant 0 : i32
      %dma_wait3A_497 = arith.constant 0 : i32
      %dma_wait3A_498 = arith.constant 0 : i32
      %dma_wait3A_499 = arith.constant 0 : i32
      %dma_wait3A_500 = tpu.memref_slice %arg9[%dma_wait3A_496, %dma_wait3A_498, %dma_wait3A_499] : memref<2x80x128xf32, #tpu.memory_space<vmem>> -> memref<1x80x128xf32, #tpu.memory_space<vmem>>
      %dma_wait3A_501 = tpu.memref_squeeze %dma_wait3A_500 : memref<1x80x128xf32, #tpu.memory_space<vmem>> -> memref<80x128xf32, #tpu.memory_space<vmem>>
      %dma_wait3A_502 = arith.constant 0 : i32
      %dma_wait3A_503 = arith.constant 0 : i32
      %dma_wait3A_504 = tpu.memref_slice %arg5[%dma_wait3A_502, %dma_wait3A_503] : memref<320000x128xf32, #tpu.memory_space<hbm>> -> memref<80x128xf32, #tpu.memory_space<hbm>>
      %dma_wait3A_505 = tpu.memref_slice %arg13[%dma_wait3A_497] : memref<2x!tpu.dma_semaphore, #tpu.memory_space<semaphore_mem>> -> memref<1x!tpu.dma_semaphore, #tpu.memory_space<semaphore_mem>>
      %dma_wait3A_506 = tpu.memref_squeeze %dma_wait3A_505 : memref<1x!tpu.dma_semaphore, #tpu.memory_space<semaphore_mem>> -> memref<!tpu.dma_semaphore, #tpu.memory_space<semaphore_mem>>
      %dma_wait3A_507 = arith.constant 0 : i32
      %dma_wait3A_508 = arith.constant 0 : i32
      %dma_wait3A_509 = tpu.memref_slice %arg5[%dma_wait3A_507, %dma_wait3A_508] : memref<320000x128xf32, #tpu.memory_space<hbm>> -> memref<80x128xf32, #tpu.memory_space<hbm>>
      %dma_wait3A_510 = arith.constant 0 : i32
      %dma_wait3A_511 = arith.constant 0 : i32
      %dma_wait3A_512 = tpu.memref_slice %arg9[%dma_wait3A_496, %dma_wait3A_510, %dma_wait3A_511] : memref<2x80x128xf32, #tpu.memory_space<vmem>> -> memref<1x80x128xf32, #tpu.memory_space<vmem>>
      %dma_wait3A_513 = tpu.memref_squeeze %dma_wait3A_512 : memref<1x80x128xf32, #tpu.memory_space<vmem>> -> memref<80x128xf32, #tpu.memory_space<vmem>>
      tpu.wait_dma2 semaphore(%dma_wait3A_506 : memref<!tpu.dma_semaphore, #tpu.memory_space<semaphore_mem>>) src(%dma_wait3A_513 : memref<80x128xf32, #tpu.memory_space<vmem>>) dst(%dma_wait3A_509 : memref<80x128xf32, #tpu.memory_space<hbm>>)
      %dma_wait3A_514 = arith.constant 0 : i32
      %dma_wait3A_515 = arith.constant 0 : i32
      %dma_wait3A_516 = arith.constant 0 : i32
      %dma_wait3A_517 = tpu.memref_slice %arg7[%dma_wait3A_514, %dma_wait3A_516] : memref<2x80xi32, #tpu.memory_space<vmem>> -> memref<1x80xi32, #tpu.memory_space<vmem>>
      %dma_wait3A_518 = tpu.memref_squeeze %dma_wait3A_517 : memref<1x80xi32, #tpu.memory_space<vmem>> -> memref<80xi32, #tpu.memory_space<vmem>>
      %dma_wait3A_519 = arith.constant 0 : i32
      %dma_wait3A_520 = tpu.memref_slice %arg3[%dma_wait3A_519] : memref<320000xi32, #tpu.memory_space<hbm>> -> memref<80xi32, #tpu.memory_space<hbm>>
      %dma_wait3A_521 = tpu.memref_slice %arg12[%dma_wait3A_515] : memref<2x!tpu.dma_semaphore, #tpu.memory_space<semaphore_mem>> -> memref<1x!tpu.dma_semaphore, #tpu.memory_space<semaphore_mem>>
      %dma_wait3A_522 = tpu.memref_squeeze %dma_wait3A_521 : memref<1x!tpu.dma_semaphore, #tpu.memory_space<semaphore_mem>> -> memref<!tpu.dma_semaphore, #tpu.memory_space<semaphore_mem>>
      %dma_wait3A_523 = arith.constant 0 : i32
      %dma_wait3A_524 = tpu.memref_slice %arg7[%dma_wait3A_514, %dma_wait3A_523] : memref<2x80xi32, #tpu.memory_space<vmem>> -> memref<1x80xi32, #tpu.memory_space<vmem>>
      %dma_wait3A_525 = tpu.memref_squeeze %dma_wait3A_524 : memref<1x80xi32, #tpu.memory_space<vmem>> -> memref<80xi32, #tpu.memory_space<vmem>>
      %dma_wait3A_526 = arith.constant 0 : i32
      %dma_wait3A_527 = tpu.memref_slice %arg3[%dma_wait3A_526] : memref<320000xi32, #tpu.memory_space<hbm>> -> memref<80xi32, #tpu.memory_space<hbm>>
      tpu.wait_dma2 semaphore(%dma_wait3A_522 : memref<!tpu.dma_semaphore, #tpu.memory_space<semaphore_mem>>) src(%dma_wait3A_527 : memref<80xi32, #tpu.memory_space<hbm>>) dst(%dma_wait3A_525 : memref<80xi32, #tpu.memory_space<vmem>>)
      %dma_wait3A_528 = arith.constant 0 : i32
      %dma_wait3A_529 = arith.constant 0 : i32
      %dma_wait3A_530 = arith.constant 0 : i32
      %dma_wait3A_531 = tpu.memref_slice %arg8[%dma_wait3A_528, %dma_wait3A_530] : memref<2x80xi32, #tpu.memory_space<vmem>> -> memref<1x80xi32, #tpu.memory_space<vmem>>
      %dma_wait3A_532 = tpu.memref_squeeze %dma_wait3A_531 : memref<1x80xi32, #tpu.memory_space<vmem>> -> memref<80xi32, #tpu.memory_space<vmem>>
      %dma_wait3A_533 = arith.constant 0 : i32
      %dma_wait3A_534 = tpu.memref_slice %arg4[%dma_wait3A_533] : memref<320000xi32, #tpu.memory_space<hbm>> -> memref<80xi32, #tpu.memory_space<hbm>>
      %dma_wait3A_535 = tpu.memref_slice %arg12[%dma_wait3A_529] : memref<2x!tpu.dma_semaphore, #tpu.memory_space<semaphore_mem>> -> memref<1x!tpu.dma_semaphore, #tpu.memory_space<semaphore_mem>>
      %dma_wait3A_536 = tpu.memref_squeeze %dma_wait3A_535 : memref<1x!tpu.dma_semaphore, #tpu.memory_space<semaphore_mem>> -> memref<!tpu.dma_semaphore, #tpu.memory_space<semaphore_mem>>
      %dma_wait3A_537 = arith.constant 0 : i32
      %dma_wait3A_538 = tpu.memref_slice %arg8[%dma_wait3A_528, %dma_wait3A_537] : memref<2x80xi32, #tpu.memory_space<vmem>> -> memref<1x80xi32, #tpu.memory_space<vmem>>
      %dma_wait3A_539 = tpu.memref_squeeze %dma_wait3A_538 : memref<1x80xi32, #tpu.memory_space<vmem>> -> memref<80xi32, #tpu.memory_space<vmem>>
      %dma_wait3A_540 = arith.constant 0 : i32
      %dma_wait3A_541 = tpu.memref_slice %arg4[%dma_wait3A_540] : memref<320000xi32, #tpu.memory_space<hbm>> -> memref<80xi32, #tpu.memory_space<hbm>>
      tpu.wait_dma2 semaphore(%dma_wait3A_536 : memref<!tpu.dma_semaphore, #tpu.memory_space<semaphore_mem>>) src(%dma_wait3A_541 : memref<80xi32, #tpu.memory_space<hbm>>) dst(%dma_wait3A_539 : memref<80xi32, #tpu.memory_space<vmem>>)
      %dma_start3A_542 = arith.constant 0 : i32
      %dma_start3A_543 = arith.constant 0 : i32
      %dma_start3A_544 = arith.constant 0 : i32
      %dma_start3A_545 = arith.constant 0 : i32
      %dma_start3A_546 = arith.constant 0 : i32
      %dma_start3A_547 = tpu.memref_slice %arg9[%dma_start3A_543, %dma_start3A_545, %dma_start3A_546] : memref<2x80x128xf32, #tpu.memory_space<vmem>> -> memref<1x80x128xf32, #tpu.memory_space<vmem>>
      %dma_start3A_548 = tpu.memref_squeeze %dma_start3A_547 : memref<1x80x128xf32, #tpu.memory_space<vmem>> -> memref<80x128xf32, #tpu.memory_space<vmem>>
      %dma_start3A_549 = arith.constant 0 : i32
      %dma_start3A_550 = tpu.memref_slice %arg7[%dma_start3A_542, %dma_start3A_549] : memref<2x80xi32, #tpu.memory_space<vmem>> -> memref<1x80xi32, #tpu.memory_space<vmem>>
      %dma_start3A_551 = tpu.memref_squeeze %dma_start3A_550 : memref<1x80xi32, #tpu.memory_space<vmem>> -> memref<80xi32, #tpu.memory_space<vmem>>
      %dma_start3A_552 = arith.constant 0 : i32
      %dma_start3A_553 = arith.constant 0 : i32
      %dma_start3A_554 = tpu.memref_slice %arg6[%dma_start3A_552, %dma_start3A_553] : memref<10240x128xf32, #tpu.memory_space<vmem_shared>> -> memref<10240x128xf32, #tpu.memory_space<vmem_shared>>
      %dma_start3A_555 = tpu.memref_slice %arg11[%dma_start3A_544] : memref<2x!tpu.dma_semaphore, #tpu.memory_space<semaphore_mem>> -> memref<1x!tpu.dma_semaphore, #tpu.memory_space<semaphore_mem>>
      %dma_start3A_556 = tpu.memref_squeeze %dma_start3A_555 : memref<1x!tpu.dma_semaphore, #tpu.memory_space<semaphore_mem>> -> memref<!tpu.dma_semaphore, #tpu.memory_space<semaphore_mem>>
      tpu.enqueue_indirect_dma source(%dma_start3A_554 : memref<10240x128xf32, #tpu.memory_space<vmem_shared>>) target(%dma_start3A_548 : memref<80x128xf32, #tpu.memory_space<vmem>>) offsets(%dma_start3A_551 : memref<80xi32, #tpu.memory_space<vmem>>) semaphore(%dma_start3A_556 : memref<!tpu.dma_semaphore, #tpu.memory_space<semaphore_mem>>)
      %dma_start3A_557 = arith.constant 0 : i32
      %dma_start3A_558 = arith.constant 0 : i32
      %dma_start3A_559 = arith.constant 0 : i32
      %dma_start3A_560 = arith.constant 0 : i32
      %dma_start3A_561 = arith.constant 0 : i32
      %dma_start3A_562 = tpu.memref_slice %arg10[%dma_start3A_558, %dma_start3A_560, %dma_start3A_561] : memref<2x80x128xf32, #tpu.memory_space<vmem>> -> memref<1x80x128xf32, #tpu.memory_space<vmem>>
      %dma_start3A_563 = tpu.memref_squeeze %dma_start3A_562 : memref<1x80x128xf32, #tpu.memory_space<vmem>> -> memref<80x128xf32, #tpu.memory_space<vmem>>
      %dma_start3A_564 = arith.constant 0 : i32
      %dma_start3A_565 = tpu.memref_slice %arg8[%dma_start3A_557, %dma_start3A_564] : memref<2x80xi32, #tpu.memory_space<vmem>> -> memref<1x80xi32, #tpu.memory_space<vmem>>
      %dma_start3A_566 = tpu.memref_squeeze %dma_start3A_565 : memref<1x80xi32, #tpu.memory_space<vmem>> -> memref<80xi32, #tpu.memory_space<vmem>>
      %dma_start3A_567 = arith.constant 0 : i32
      %dma_start3A_568 = arith.constant 0 : i32
      %dma_start3A_569 = tpu.memref_slice %arg6[%dma_start3A_567, %dma_start3A_568] : memref<10240x128xf32, #tpu.memory_space<vmem_shared>> -> memref<10240x128xf32, #tpu.memory_space<vmem_shared>>
      %dma_start3A_570 = tpu.memref_slice %arg11[%dma_start3A_559] : memref<2x!tpu.dma_semaphore, #tpu.memory_space<semaphore_mem>> -> memref<1x!tpu.dma_semaphore, #tpu.memory_space<semaphore_mem>>
      %dma_start3A_571 = tpu.memref_squeeze %dma_start3A_570 : memref<1x!tpu.dma_semaphore, #tpu.memory_space<semaphore_mem>> -> memref<!tpu.dma_semaphore, #tpu.memory_space<semaphore_mem>>
      tpu.enqueue_indirect_dma source(%dma_start3A_569 : memref<10240x128xf32, #tpu.memory_space<vmem_shared>>) target(%dma_start3A_563 : memref<80x128xf32, #tpu.memory_space<vmem>>) offsets(%dma_start3A_566 : memref<80xi32, #tpu.memory_space<vmem>>) semaphore(%dma_start3A_571 : memref<!tpu.dma_semaphore, #tpu.memory_space<semaphore_mem>>)
      %dma_wait3A_572 = arith.constant 1 : i32
      %dma_wait3A_573 = arith.constant 1 : i32
      %dma_wait3A_574 = arith.constant 1 : i32
      %dma_wait3A_575 = arith.constant 0 : i32
      %dma_wait3A_576 = arith.constant 0 : i32
      %dma_wait3A_577 = tpu.memref_slice %arg9[%dma_wait3A_573, %dma_wait3A_575, %dma_wait3A_576] : memref<2x80x128xf32, #tpu.memory_space<vmem>> -> memref<1x80x128xf32, #tpu.memory_space<vmem>>
      %dma_wait3A_578 = tpu.memref_squeeze %dma_wait3A_577 : memref<1x80x128xf32, #tpu.memory_space<vmem>> -> memref<80x128xf32, #tpu.memory_space<vmem>>
      %dma_wait3A_579 = arith.constant 0 : i32
      %dma_wait3A_580 = tpu.memref_slice %arg7[%dma_wait3A_572, %dma_wait3A_579] : memref<2x80xi32, #tpu.memory_space<vmem>> -> memref<1x80xi32, #tpu.memory_space<vmem>>
      %dma_wait3A_581 = tpu.memref_squeeze %dma_wait3A_580 : memref<1x80xi32, #tpu.memory_space<vmem>> -> memref<80xi32, #tpu.memory_space<vmem>>
      %dma_wait3A_582 = arith.constant 0 : i32
      %dma_wait3A_583 = arith.constant 0 : i32
      %dma_wait3A_584 = tpu.memref_slice %arg6[%dma_wait3A_582, %dma_wait3A_583] : memref<10240x128xf32, #tpu.memory_space<vmem_shared>> -> memref<10240x128xf32, #tpu.memory_space<vmem_shared>>
      %dma_wait3A_585 = tpu.memref_slice %arg11[%dma_wait3A_574] : memref<2x!tpu.dma_semaphore, #tpu.memory_space<semaphore_mem>> -> memref<1x!tpu.dma_semaphore, #tpu.memory_space<semaphore_mem>>
      %dma_wait3A_586 = tpu.memref_squeeze %dma_wait3A_585 : memref<1x!tpu.dma_semaphore, #tpu.memory_space<semaphore_mem>> -> memref<!tpu.dma_semaphore, #tpu.memory_space<semaphore_mem>>
      tpu.wait_indirect_dma semaphore(%dma_wait3A_586 : memref<!tpu.dma_semaphore, #tpu.memory_space<semaphore_mem>>) src(%dma_wait3A_584 : memref<10240x128xf32, #tpu.memory_space<vmem_shared>>) dst(%dma_wait3A_578 : memref<80x128xf32, #tpu.memory_space<vmem>>)
      %dma_wait3A_587 = arith.constant 1 : i32
      %dma_wait3A_588 = arith.constant 1 : i32
      %dma_wait3A_589 = arith.constant 1 : i32
      %dma_wait3A_590 = arith.constant 0 : i32
      %dma_wait3A_591 = arith.constant 0 : i32
      %dma_wait3A_592 = tpu.memref_slice %arg10[%dma_wait3A_588, %dma_wait3A_590, %dma_wait3A_591] : memref<2x80x128xf32, #tpu.memory_space<vmem>> -> memref<1x80x128xf32, #tpu.memory_space<vmem>>
      %dma_wait3A_593 = tpu.memref_squeeze %dma_wait3A_592 : memref<1x80x128xf32, #tpu.memory_space<vmem>> -> memref<80x128xf32, #tpu.memory_space<vmem>>
      %dma_wait3A_594 = arith.constant 0 : i32
      %dma_wait3A_595 = tpu.memref_slice %arg8[%dma_wait3A_587, %dma_wait3A_594] : memref<2x80xi32, #tpu.memory_space<vmem>> -> memref<1x80xi32, #tpu.memory_space<vmem>>
      %dma_wait3A_596 = tpu.memref_squeeze %dma_wait3A_595 : memref<1x80xi32, #tpu.memory_space<vmem>> -> memref<80xi32, #tpu.memory_space<vmem>>
      %dma_wait3A_597 = arith.constant 0 : i32
      %dma_wait3A_598 = arith.constant 0 : i32
      %dma_wait3A_599 = tpu.memref_slice %arg6[%dma_wait3A_597, %dma_wait3A_598] : memref<10240x128xf32, #tpu.memory_space<vmem_shared>> -> memref<10240x128xf32, #tpu.memory_space<vmem_shared>>
      %dma_wait3A_600 = tpu.memref_slice %arg11[%dma_wait3A_589] : memref<2x!tpu.dma_semaphore, #tpu.memory_space<semaphore_mem>> -> memref<1x!tpu.dma_semaphore, #tpu.memory_space<semaphore_mem>>
      %dma_wait3A_601 = tpu.memref_squeeze %dma_wait3A_600 : memref<1x!tpu.dma_semaphore, #tpu.memory_space<semaphore_mem>> -> memref<!tpu.dma_semaphore, #tpu.memory_space<semaphore_mem>>
      tpu.wait_indirect_dma semaphore(%dma_wait3A_601 : memref<!tpu.dma_semaphore, #tpu.memory_space<semaphore_mem>>) src(%dma_wait3A_599 : memref<10240x128xf32, #tpu.memory_space<vmem_shared>>) dst(%dma_wait3A_593 : memref<80x128xf32, #tpu.memory_space<vmem>>)
      %add3A_602 = arith.constant 2 : i32
      %add3A_603 = arith.addi %add3A_495, %add3A_602 : i32
      %mul3A_604 = arith.constant 80 : i32
      %mul3A_605 = arith.muli %add3A_603, %mul3A_604 : i32
      %add3A_606 = arith.addi %mul3A_4, %mul3A_605 : i32
      %dma_start3A_607 = arith.constant 1 : i32
      %dma_start3A_608 = arith.constant 1 : i32
      %dma_start3A_609 = arith.constant 0 : i32
      %dma_start3A_610 = tpu.memref_slice %arg7[%dma_start3A_607, %dma_start3A_609] : memref<2x80xi32, #tpu.memory_space<vmem>> -> memref<1x80xi32, #tpu.memory_space<vmem>>
      %dma_start3A_611 = tpu.memref_squeeze %dma_start3A_610 : memref<1x80xi32, #tpu.memory_space<vmem>> -> memref<80xi32, #tpu.memory_space<vmem>>
      %dma_start3A_612 = tpu.memref_slice %arg3[%add3A_606] : memref<320000xi32, #tpu.memory_space<hbm>> -> memref<80xi32, #tpu.memory_space<hbm>>
      %dma_start3A_613 = tpu.memref_slice %arg12[%dma_start3A_608] : memref<2x!tpu.dma_semaphore, #tpu.memory_space<semaphore_mem>> -> memref<1x!tpu.dma_semaphore, #tpu.memory_space<semaphore_mem>>
      %dma_start3A_614 = tpu.memref_squeeze %dma_start3A_613 : memref<1x!tpu.dma_semaphore, #tpu.memory_space<semaphore_mem>> -> memref<!tpu.dma_semaphore, #tpu.memory_space<semaphore_mem>>
      %dma_start3A_615 = arith.constant 0 : i32
      %dma_start3A_616 = tpu.memref_slice %arg7[%dma_start3A_607, %dma_start3A_615] : memref<2x80xi32, #tpu.memory_space<vmem>> -> memref<1x80xi32, #tpu.memory_space<vmem>>
      %dma_start3A_617 = tpu.memref_squeeze %dma_start3A_616 : memref<1x80xi32, #tpu.memory_space<vmem>> -> memref<80xi32, #tpu.memory_space<vmem>>
      %dma_start3A_618 = tpu.memref_slice %arg3[%add3A_606] : memref<320000xi32, #tpu.memory_space<hbm>> -> memref<80xi32, #tpu.memory_space<hbm>>
      tpu.enqueue_dma source(%dma_start3A_618 : memref<80xi32, #tpu.memory_space<hbm>>) target(%dma_start3A_617 : memref<80xi32, #tpu.memory_space<vmem>>) target_semaphore(%dma_start3A_614 : memref<!tpu.dma_semaphore, #tpu.memory_space<semaphore_mem>>)
      %dma_start3A_619 = arith.constant 1 : i32
      %dma_start3A_620 = arith.constant 1 : i32
      %dma_start3A_621 = arith.constant 0 : i32
      %dma_start3A_622 = tpu.memref_slice %arg8[%dma_start3A_619, %dma_start3A_621] : memref<2x80xi32, #tpu.memory_space<vmem>> -> memref<1x80xi32, #tpu.memory_space<vmem>>
      %dma_start3A_623 = tpu.memref_squeeze %dma_start3A_622 : memref<1x80xi32, #tpu.memory_space<vmem>> -> memref<80xi32, #tpu.memory_space<vmem>>
      %dma_start3A_624 = tpu.memref_slice %arg4[%add3A_606] : memref<320000xi32, #tpu.memory_space<hbm>> -> memref<80xi32, #tpu.memory_space<hbm>>
      %dma_start3A_625 = tpu.memref_slice %arg12[%dma_start3A_620] : memref<2x!tpu.dma_semaphore, #tpu.memory_space<semaphore_mem>> -> memref<1x!tpu.dma_semaphore, #tpu.memory_space<semaphore_mem>>
      %dma_start3A_626 = tpu.memref_squeeze %dma_start3A_625 : memref<1x!tpu.dma_semaphore, #tpu.memory_space<semaphore_mem>> -> memref<!tpu.dma_semaphore, #tpu.memory_space<semaphore_mem>>
      %dma_start3A_627 = arith.constant 0 : i32
      %dma_start3A_628 = tpu.memref_slice %arg8[%dma_start3A_619, %dma_start3A_627] : memref<2x80xi32, #tpu.memory_space<vmem>> -> memref<1x80xi32, #tpu.memory_space<vmem>>
      %dma_start3A_629 = tpu.memref_squeeze %dma_start3A_628 : memref<1x80xi32, #tpu.memory_space<vmem>> -> memref<80xi32, #tpu.memory_space<vmem>>
      %dma_start3A_630 = tpu.memref_slice %arg4[%add3A_606] : memref<320000xi32, #tpu.memory_space<hbm>> -> memref<80xi32, #tpu.memory_space<hbm>>
      tpu.enqueue_dma source(%dma_start3A_630 : memref<80xi32, #tpu.memory_space<hbm>>) target(%dma_start3A_629 : memref<80xi32, #tpu.memory_space<vmem>>) target_semaphore(%dma_start3A_626 : memref<!tpu.dma_semaphore, #tpu.memory_space<semaphore_mem>>)
      %scan3A_631 = arith.constant 0 : i32
      %scan3A_632 = arith.constant 0 : i32
      %scan3A_633 = arith.constant 80 : i32
      %scan3A_634 = arith.addi %scan3A_632, %scan3A_633 : i32
      %scan3A_635 = arith.constant 1 : i32
      %scan3A_636 = scf.for %scan3A_821 = %scan3A_632 to %scan3A_634 step %scan3A_635 iter_args(%scan3A_822 = %scan3A_631) -> (i32)  : i32 {
        %get3A = arith.constant 1 : i32
        %get3A_823 = arith.index_cast %get3A : i32 to index
        %get3A_824 = arith.index_cast %scan3A_821 : i32 to index
        %get3A_825 = arith.constant 0 : index
        %get3A_826 = tpu.vector_load %arg9[%get3A_823, %get3A_824, %get3A_825] {strides = array<i32>} : memref<2x80x128xf32, #tpu.memory_space<vmem>>, vector<16xf32>,
        %get3A_827 = arith.constant 1 : i32
        %get3A_828 = arith.index_cast %get3A_827 : i32 to index
        %get3A_829 = arith.index_cast %scan3A_821 : i32 to index
        %get3A_830 = arith.constant 0 : index
        %get3A_831 = tpu.vector_load %arg10[%get3A_828, %get3A_829, %get3A_830] {strides = array<i32>} : memref<2x80x128xf32, #tpu.memory_space<vmem>>, vector<16xf32>,
        %mul3A_832 = arith.mulf %get3A_826, %get3A_831 : vector<16xf32>
        %add3A_833 = arith.constant 1.000000e+00 : f32
        %add3A_834 = vector.broadcast %add3A_833 : f32 to vector<16xf32>
        %add3A_835 = arith.addf %add3A_834, %mul3A_832 : vector<16xf32>
        %div3A = arith.constant 1.000000e+00 : f32
        %div3A_836 = vector.broadcast %div3A : f32 to vector<16xf32>
        %div3A_837 = arith.divf %div3A_836, %add3A_835 : vector<16xf32>
        %swap3A = arith.constant 1 : i32
        %swap3A_838 = arith.index_cast %swap3A : i32 to index
        %swap3A_839 = arith.index_cast %scan3A_821 : i32 to index
        %swap3A_840 = arith.constant 0 : index
        %swap3A_841 = tpu.vector_load %arg9[%swap3A_838, %swap3A_839, %swap3A_840] {strides = array<i32>} : memref<2x80x128xf32, #tpu.memory_space<vmem>>, vector<16xf32>,
        tpu.vector_store %arg9[%swap3A_838, %swap3A_839, %swap3A_840], %div3A_837 {strides = array<i32>} : memref<2x80x128xf32, #tpu.memory_space<vmem>>, vector<16xf32>,
        %get3A_842 = arith.constant 1 : i32
        %get3A_843 = arith.index_cast %get3A_842 : i32 to index
        %get3A_844 = arith.index_cast %scan3A_821 : i32 to index
        %get3A_845 = arith.constant 16 : index
        %get3A_846 = tpu.vector_load %arg9[%get3A_843, %get3A_844, %get3A_845] {strides = array<i32>} : memref<2x80x128xf32, #tpu.memory_space<vmem>>, vector<16xf32>,
        %get3A_847 = arith.constant 1 : i32
        %get3A_848 = arith.index_cast %get3A_847 : i32 to index
        %get3A_849 = arith.index_cast %scan3A_821 : i32 to index
        %get3A_850 = arith.constant 16 : index
        %get3A_851 = tpu.vector_load %arg10[%get3A_848, %get3A_849, %get3A_850] {strides = array<i32>} : memref<2x80x128xf32, #tpu.memory_space<vmem>>, vector<16xf32>,
        %mul3A_852 = arith.mulf %get3A_846, %get3A_851 : vector<16xf32>
        %add3A_853 = arith.constant 1.000000e+00 : f32
        %add3A_854 = vector.broadcast %add3A_853 : f32 to vector<16xf32>
        %add3A_855 = arith.addf %add3A_854, %mul3A_852 : vector<16xf32>
        %div3A_856 = arith.constant 1.000000e+00 : f32
        %div3A_857 = vector.broadcast %div3A_856 : f32 to vector<16xf32>
        %div3A_858 = arith.divf %div3A_857, %add3A_855 : vector<16xf32>
        %swap3A_859 = arith.constant 1 : i32
        %swap3A_860 = arith.index_cast %swap3A_859 : i32 to index
        %swap3A_861 = arith.index_cast %scan3A_821 : i32 to index
        %swap3A_862 = arith.constant 16 : index
        %swap3A_863 = tpu.vector_load %arg9[%swap3A_860, %swap3A_861, %swap3A_862] {strides = array<i32>} : memref<2x80x128xf32, #tpu.memory_space<vmem>>, vector<16xf32>,
        tpu.vector_store %arg9[%swap3A_860, %swap3A_861, %swap3A_862], %div3A_858 {strides = array<i32>} : memref<2x80x128xf32, #tpu.memory_space<vmem>>, vector<16xf32>,
        %get3A_864 = arith.constant 1 : i32
        %get3A_865 = arith.index_cast %get3A_864 : i32 to index
        %get3A_866 = arith.index_cast %scan3A_821 : i32 to index
        %get3A_867 = arith.constant 32 : index
        %get3A_868 = tpu.vector_load %arg9[%get3A_865, %get3A_866, %get3A_867] {strides = array<i32>} : memref<2x80x128xf32, #tpu.memory_space<vmem>>, vector<16xf32>,
        %get3A_869 = arith.constant 1 : i32
        %get3A_870 = arith.index_cast %get3A_869 : i32 to index
        %get3A_871 = arith.index_cast %scan3A_821 : i32 to index
        %get3A_872 = arith.constant 32 : index
        %get3A_873 = tpu.vector_load %arg10[%get3A_870, %get3A_871, %get3A_872] {strides = array<i32>} : memref<2x80x128xf32, #tpu.memory_space<vmem>>, vector<16xf32>,
        %mul3A_874 = arith.mulf %get3A_868, %get3A_873 : vector<16xf32>
        %add3A_875 = arith.constant 1.000000e+00 : f32
        %add3A_876 = vector.broadcast %add3A_875 : f32 to vector<16xf32>
        %add3A_877 = arith.addf %add3A_876, %mul3A_874 : vector<16xf32>
        %div3A_878 = arith.constant 1.000000e+00 : f32
        %div3A_879 = vector.broadcast %div3A_878 : f32 to vector<16xf32>
        %div3A_880 = arith.divf %div3A_879, %add3A_877 : vector<16xf32>
        %swap3A_881 = arith.constant 1 : i32
        %swap3A_882 = arith.index_cast %swap3A_881 : i32 to index
        %swap3A_883 = arith.index_cast %scan3A_821 : i32 to index
        %swap3A_884 = arith.constant 32 : index
        %swap3A_885 = tpu.vector_load %arg9[%swap3A_882, %swap3A_883, %swap3A_884] {strides = array<i32>} : memref<2x80x128xf32, #tpu.memory_space<vmem>>, vector<16xf32>,
        tpu.vector_store %arg9[%swap3A_882, %swap3A_883, %swap3A_884], %div3A_880 {strides = array<i32>} : memref<2x80x128xf32, #tpu.memory_space<vmem>>, vector<16xf32>,
        %get3A_886 = arith.constant 1 : i32
        %get3A_887 = arith.index_cast %get3A_886 : i32 to index
        %get3A_888 = arith.index_cast %scan3A_821 : i32 to index
        %get3A_889 = arith.constant 48 : index
        %get3A_890 = tpu.vector_load %arg9[%get3A_887, %get3A_888, %get3A_889] {strides = array<i32>} : memref<2x80x128xf32, #tpu.memory_space<vmem>>, vector<16xf32>,
        %get3A_891 = arith.constant 1 : i32
        %get3A_892 = arith.index_cast %get3A_891 : i32 to index
        %get3A_893 = arith.index_cast %scan3A_821 : i32 to index
        %get3A_894 = arith.constant 48 : index
        %get3A_895 = tpu.vector_load %arg10[%get3A_892, %get3A_893, %get3A_894] {strides = array<i32>} : memref<2x80x128xf32, #tpu.memory_space<vmem>>, vector<16xf32>,
        %mul3A_896 = arith.mulf %get3A_890, %get3A_895 : vector<16xf32>
        %add3A_897 = arith.constant 1.000000e+00 : f32
        %add3A_898 = vector.broadcast %add3A_897 : f32 to vector<16xf32>
        %add3A_899 = arith.addf %add3A_898, %mul3A_896 : vector<16xf32>
        %div3A_900 = arith.constant 1.000000e+00 : f32
        %div3A_901 = vector.broadcast %div3A_900 : f32 to vector<16xf32>
        %div3A_902 = arith.divf %div3A_901, %add3A_899 : vector<16xf32>
        %swap3A_903 = arith.constant 1 : i32
        %swap3A_904 = arith.index_cast %swap3A_903 : i32 to index
        %swap3A_905 = arith.index_cast %scan3A_821 : i32 to index
        %swap3A_906 = arith.constant 48 : index
        %swap3A_907 = tpu.vector_load %arg9[%swap3A_904, %swap3A_905, %swap3A_906] {strides = array<i32>} : memref<2x80x128xf32, #tpu.memory_space<vmem>>, vector<16xf32>,
        tpu.vector_store %arg9[%swap3A_904, %swap3A_905, %swap3A_906], %div3A_902 {strides = array<i32>} : memref<2x80x128xf32, #tpu.memory_space<vmem>>, vector<16xf32>,
        %get3A_908 = arith.constant 1 : i32
        %get3A_909 = arith.index_cast %get3A_908 : i32 to index
        %get3A_910 = arith.index_cast %scan3A_821 : i32 to index
        %get3A_911 = arith.constant 64 : index
        %get3A_912 = tpu.vector_load %arg9[%get3A_909, %get3A_910, %get3A_911] {strides = array<i32>} : memref<2x80x128xf32, #tpu.memory_space<vmem>>, vector<16xf32>,
        %get3A_913 = arith.constant 1 : i32
        %get3A_914 = arith.index_cast %get3A_913 : i32 to index
        %get3A_915 = arith.index_cast %scan3A_821 : i32 to index
        %get3A_916 = arith.constant 64 : index
        %get3A_917 = tpu.vector_load %arg10[%get3A_914, %get3A_915, %get3A_916] {strides = array<i32>} : memref<2x80x128xf32, #tpu.memory_space<vmem>>, vector<16xf32>,
        %mul3A_918 = arith.mulf %get3A_912, %get3A_917 : vector<16xf32>
        %add3A_919 = arith.constant 1.000000e+00 : f32
        %add3A_920 = vector.broadcast %add3A_919 : f32 to vector<16xf32>
        %add3A_921 = arith.addf %add3A_920, %mul3A_918 : vector<16xf32>
        %div3A_922 = arith.constant 1.000000e+00 : f32
        %div3A_923 = vector.broadcast %div3A_922 : f32 to vector<16xf32>
        %div3A_924 = arith.divf %div3A_923, %add3A_921 : vector<16xf32>
        %swap3A_925 = arith.constant 1 : i32
        %swap3A_926 = arith.index_cast %swap3A_925 : i32 to index
        %swap3A_927 = arith.index_cast %scan3A_821 : i32 to index
        %swap3A_928 = arith.constant 64 : index
        %swap3A_929 = tpu.vector_load %arg9[%swap3A_926, %swap3A_927, %swap3A_928] {strides = array<i32>} : memref<2x80x128xf32, #tpu.memory_space<vmem>>, vector<16xf32>,
        tpu.vector_store %arg9[%swap3A_926, %swap3A_927, %swap3A_928], %div3A_924 {strides = array<i32>} : memref<2x80x128xf32, #tpu.memory_space<vmem>>, vector<16xf32>,
        %get3A_930 = arith.constant 1 : i32
        %get3A_931 = arith.index_cast %get3A_930 : i32 to index
        %get3A_932 = arith.index_cast %scan3A_821 : i32 to index
        %get3A_933 = arith.constant 80 : index
        %get3A_934 = tpu.vector_load %arg9[%get3A_931, %get3A_932, %get3A_933] {strides = array<i32>} : memref<2x80x128xf32, #tpu.memory_space<vmem>>, vector<16xf32>,
        %get3A_935 = arith.constant 1 : i32
        %get3A_936 = arith.index_cast %get3A_935 : i32 to index
        %get3A_937 = arith.index_cast %scan3A_821 : i32 to index
        %get3A_938 = arith.constant 80 : index
        %get3A_939 = tpu.vector_load %arg10[%get3A_936, %get3A_937, %get3A_938] {strides = array<i32>} : memref<2x80x128xf32, #tpu.memory_space<vmem>>, vector<16xf32>,
        %mul3A_940 = arith.mulf %get3A_934, %get3A_939 : vector<16xf32>
        %add3A_941 = arith.constant 1.000000e+00 : f32
        %add3A_942 = vector.broadcast %add3A_941 : f32 to vector<16xf32>
        %add3A_943 = arith.addf %add3A_942, %mul3A_940 : vector<16xf32>
        %div3A_944 = arith.constant 1.000000e+00 : f32
        %div3A_945 = vector.broadcast %div3A_944 : f32 to vector<16xf32>
        %div3A_946 = arith.divf %div3A_945, %add3A_943 : vector<16xf32>
        %swap3A_947 = arith.constant 1 : i32
        %swap3A_948 = arith.index_cast %swap3A_947 : i32 to index
        %swap3A_949 = arith.index_cast %scan3A_821 : i32 to index
        %swap3A_950 = arith.constant 80 : index
        %swap3A_951 = tpu.vector_load %arg9[%swap3A_948, %swap3A_949, %swap3A_950] {strides = array<i32>} : memref<2x80x128xf32, #tpu.memory_space<vmem>>, vector<16xf32>,
        tpu.vector_store %arg9[%swap3A_948, %swap3A_949, %swap3A_950], %div3A_946 {strides = array<i32>} : memref<2x80x128xf32, #tpu.memory_space<vmem>>, vector<16xf32>,
        %get3A_952 = arith.constant 1 : i32
        %get3A_953 = arith.index_cast %get3A_952 : i32 to index
        %get3A_954 = arith.index_cast %scan3A_821 : i32 to index
        %get3A_955 = arith.constant 96 : index
        %get3A_956 = tpu.vector_load %arg9[%get3A_953, %get3A_954, %get3A_955] {strides = array<i32>} : memref<2x80x128xf32, #tpu.memory_space<vmem>>, vector<16xf32>,
        %get3A_957 = arith.constant 1 : i32
        %get3A_958 = arith.index_cast %get3A_957 : i32 to index
        %get3A_959 = arith.index_cast %scan3A_821 : i32 to index
        %get3A_960 = arith.constant 96 : index
        %get3A_961 = tpu.vector_load %arg10[%get3A_958, %get3A_959, %get3A_960] {strides = array<i32>} : memref<2x80x128xf32, #tpu.memory_space<vmem>>, vector<16xf32>,
        %mul3A_962 = arith.mulf %get3A_956, %get3A_961 : vector<16xf32>
        %add3A_963 = arith.constant 1.000000e+00 : f32
        %add3A_964 = vector.broadcast %add3A_963 : f32 to vector<16xf32>
        %add3A_965 = arith.addf %add3A_964, %mul3A_962 : vector<16xf32>
        %div3A_966 = arith.constant 1.000000e+00 : f32
        %div3A_967 = vector.broadcast %div3A_966 : f32 to vector<16xf32>
        %div3A_968 = arith.divf %div3A_967, %add3A_965 : vector<16xf32>
        %swap3A_969 = arith.constant 1 : i32
        %swap3A_970 = arith.index_cast %swap3A_969 : i32 to index
        %swap3A_971 = arith.index_cast %scan3A_821 : i32 to index
        %swap3A_972 = arith.constant 96 : index
        %swap3A_973 = tpu.vector_load %arg9[%swap3A_970, %swap3A_971, %swap3A_972] {strides = array<i32>} : memref<2x80x128xf32, #tpu.memory_space<vmem>>, vector<16xf32>,
        tpu.vector_store %arg9[%swap3A_970, %swap3A_971, %swap3A_972], %div3A_968 {strides = array<i32>} : memref<2x80x128xf32, #tpu.memory_space<vmem>>, vector<16xf32>,
        %get3A_974 = arith.constant 1 : i32
        %get3A_975 = arith.index_cast %get3A_974 : i32 to index
        %get3A_976 = arith.index_cast %scan3A_821 : i32 to index
        %get3A_977 = arith.constant 112 : index
        %get3A_978 = tpu.vector_load %arg9[%get3A_975, %get3A_976, %get3A_977] {strides = array<i32>} : memref<2x80x128xf32, #tpu.memory_space<vmem>>, vector<16xf32>,
        %get3A_979 = arith.constant 1 : i32
        %get3A_980 = arith.index_cast %get3A_979 : i32 to index
        %get3A_981 = arith.index_cast %scan3A_821 : i32 to index
        %get3A_982 = arith.constant 112 : index
        %get3A_983 = tpu.vector_load %arg10[%get3A_980, %get3A_981, %get3A_982] {strides = array<i32>} : memref<2x80x128xf32, #tpu.memory_space<vmem>>, vector<16xf32>,
        %mul3A_984 = arith.mulf %get3A_978, %get3A_983 : vector<16xf32>
        %add3A_985 = arith.constant 1.000000e+00 : f32
        %add3A_986 = vector.broadcast %add3A_985 : f32 to vector<16xf32>
        %add3A_987 = arith.addf %add3A_986, %mul3A_984 : vector<16xf32>
        %div3A_988 = arith.constant 1.000000e+00 : f32
        %div3A_989 = vector.broadcast %div3A_988 : f32 to vector<16xf32>
        %div3A_990 = arith.divf %div3A_989, %add3A_987 : vector<16xf32>
        %swap3A_991 = arith.constant 1 : i32
        %swap3A_992 = arith.index_cast %swap3A_991 : i32 to index
        %swap3A_993 = arith.index_cast %scan3A_821 : i32 to index
        %swap3A_994 = arith.constant 112 : index
        %swap3A_995 = tpu.vector_load %arg9[%swap3A_992, %swap3A_993, %swap3A_994] {strides = array<i32>} : memref<2x80x128xf32, #tpu.memory_space<vmem>>, vector<16xf32>,
        tpu.vector_store %arg9[%swap3A_992, %swap3A_993, %swap3A_994], %div3A_990 {strides = array<i32>} : memref<2x80x128xf32, #tpu.memory_space<vmem>>, vector<16xf32>,
        %scan3A_996 = arith.constant 0 : i32
        scf.yield %scan3A_996 : i32
      }
      %scan3A_637 = arith.constant 80 : i32
      %mul3A_638 = arith.constant 80 : i32
      %mul3A_639 = arith.muli %add3A_495, %mul3A_638 : i32
      %add3A_640 = arith.addi %mul3A_4, %mul3A_639 : i32
      %dma_start3A_641 = arith.constant 1 : i32
      %dma_start3A_642 = arith.constant 1 : i32
      %dma_start3A_643 = arith.constant 0 : i32
      %dma_start3A_644 = arith.constant 0 : i32
      %dma_start3A_645 = tpu.memref_slice %arg9[%dma_start3A_641, %dma_start3A_643, %dma_start3A_644] : memref<2x80x128xf32, #tpu.memory_space<vmem>> -> memref<1x80x128xf32, #tpu.memory_space<vmem>>
      %dma_start3A_646 = tpu.memref_squeeze %dma_start3A_645 : memref<1x80x128xf32, #tpu.memory_space<vmem>> -> memref<80x128xf32, #tpu.memory_space<vmem>>
      %dma_start3A_647 = arith.constant 0 : i32
      %dma_start3A_648 = tpu.memref_slice %arg5[%add3A_640, %dma_start3A_647] : memref<320000x128xf32, #tpu.memory_space<hbm>> -> memref<80x128xf32, #tpu.memory_space<hbm>>
      %dma_start3A_649 = tpu.memref_slice %arg13[%dma_start3A_642] : memref<2x!tpu.dma_semaphore, #tpu.memory_space<semaphore_mem>> -> memref<1x!tpu.dma_semaphore, #tpu.memory_space<semaphore_mem>>
      %dma_start3A_650 = tpu.memref_squeeze %dma_start3A_649 : memref<1x!tpu.dma_semaphore, #tpu.memory_space<semaphore_mem>> -> memref<!tpu.dma_semaphore, #tpu.memory_space<semaphore_mem>>
      %dma_start3A_651 = arith.constant 0 : i32
      %dma_start3A_652 = tpu.memref_slice %arg5[%add3A_640, %dma_start3A_651] : memref<320000x128xf32, #tpu.memory_space<hbm>> -> memref<80x128xf32, #tpu.memory_space<hbm>>
      %dma_start3A_653 = arith.constant 0 : i32
      %dma_start3A_654 = arith.constant 0 : i32
      %dma_start3A_655 = tpu.memref_slice %arg9[%dma_start3A_641, %dma_start3A_653, %dma_start3A_654] : memref<2x80x128xf32, #tpu.memory_space<vmem>> -> memref<1x80x128xf32, #tpu.memory_space<vmem>>
      %dma_start3A_656 = tpu.memref_squeeze %dma_start3A_655 : memref<1x80x128xf32, #tpu.memory_space<vmem>> -> memref<80x128xf32, #tpu.memory_space<vmem>>
      tpu.enqueue_dma source(%dma_start3A_656 : memref<80x128xf32, #tpu.memory_space<vmem>>) target(%dma_start3A_652 : memref<80x128xf32, #tpu.memory_space<hbm>>) target_semaphore(%dma_start3A_650 : memref<!tpu.dma_semaphore, #tpu.memory_space<semaphore_mem>>)
      %add3A_657 = arith.constant 1 : i32
      %add3A_658 = arith.addi %add3A_495, %add3A_657 : i32
      %dma_wait3A_659 = arith.constant 1 : i32
      %dma_wait3A_660 = arith.constant 1 : i32
      %dma_wait3A_661 = arith.constant 0 : i32
      %dma_wait3A_662 = arith.constant 0 : i32
      %dma_wait3A_663 = tpu.memref_slice %arg9[%dma_wait3A_659, %dma_wait3A_661, %dma_wait3A_662] : memref<2x80x128xf32, #tpu.memory_space<vmem>> -> memref<1x80x128xf32, #tpu.memory_space<vmem>>
      %dma_wait3A_664 = tpu.memref_squeeze %dma_wait3A_663 : memref<1x80x128xf32, #tpu.memory_space<vmem>> -> memref<80x128xf32, #tpu.memory_space<vmem>>
      %dma_wait3A_665 = arith.constant 0 : i32
      %dma_wait3A_666 = arith.constant 0 : i32
      %dma_wait3A_667 = tpu.memref_slice %arg5[%dma_wait3A_665, %dma_wait3A_666] : memref<320000x128xf32, #tpu.memory_space<hbm>> -> memref<80x128xf32, #tpu.memory_space<hbm>>
      %dma_wait3A_668 = tpu.memref_slice %arg13[%dma_wait3A_660] : memref<2x!tpu.dma_semaphore, #tpu.memory_space<semaphore_mem>> -> memref<1x!tpu.dma_semaphore, #tpu.memory_space<semaphore_mem>>
      %dma_wait3A_669 = tpu.memref_squeeze %dma_wait3A_668 : memref<1x!tpu.dma_semaphore, #tpu.memory_space<semaphore_mem>> -> memref<!tpu.dma_semaphore, #tpu.memory_space<semaphore_mem>>
      %dma_wait3A_670 = arith.constant 0 : i32
      %dma_wait3A_671 = arith.constant 0 : i32
      %dma_wait3A_672 = tpu.memref_slice %arg5[%dma_wait3A_670, %dma_wait3A_671] : memref<320000x128xf32, #tpu.memory_space<hbm>> -> memref<80x128xf32, #tpu.memory_space<hbm>>
      %dma_wait3A_673 = arith.constant 0 : i32
      %dma_wait3A_674 = arith.constant 0 : i32
      %dma_wait3A_675 = tpu.memref_slice %arg9[%dma_wait3A_659, %dma_wait3A_673, %dma_wait3A_674] : memref<2x80x128xf32, #tpu.memory_space<vmem>> -> memref<1x80x128xf32, #tpu.memory_space<vmem>>
      %dma_wait3A_676 = tpu.memref_squeeze %dma_wait3A_675 : memref<1x80x128xf32, #tpu.memory_space<vmem>> -> memref<80x128xf32, #tpu.memory_space<vmem>>
      tpu.wait_dma2 semaphore(%dma_wait3A_669 : memref<!tpu.dma_semaphore, #tpu.memory_space<semaphore_mem>>) src(%dma_wait3A_676 : memref<80x128xf32, #tpu.memory_space<vmem>>) dst(%dma_wait3A_672 : memref<80x128xf32, #tpu.memory_space<hbm>>)
      %dma_wait3A_677 = arith.constant 1 : i32
      %dma_wait3A_678 = arith.constant 1 : i32
      %dma_wait3A_679 = arith.constant 0 : i32
      %dma_wait3A_680 = tpu.memref_slice %arg7[%dma_wait3A_677, %dma_wait3A_679] : memref<2x80xi32, #tpu.memory_space<vmem>> -> memref<1x80xi32, #tpu.memory_space<vmem>>
      %dma_wait3A_681 = tpu.memref_squeeze %dma_wait3A_680 : memref<1x80xi32, #tpu.memory_space<vmem>> -> memref<80xi32, #tpu.memory_space<vmem>>
      %dma_wait3A_682 = arith.constant 0 : i32
      %dma_wait3A_683 = tpu.memref_slice %arg3[%dma_wait3A_682] : memref<320000xi32, #tpu.memory_space<hbm>> -> memref<80xi32, #tpu.memory_space<hbm>>
      %dma_wait3A_684 = tpu.memref_slice %arg12[%dma_wait3A_678] : memref<2x!tpu.dma_semaphore, #tpu.memory_space<semaphore_mem>> -> memref<1x!tpu.dma_semaphore, #tpu.memory_space<semaphore_mem>>
      %dma_wait3A_685 = tpu.memref_squeeze %dma_wait3A_684 : memref<1x!tpu.dma_semaphore, #tpu.memory_space<semaphore_mem>> -> memref<!tpu.dma_semaphore, #tpu.memory_space<semaphore_mem>>
      %dma_wait3A_686 = arith.constant 0 : i32
      %dma_wait3A_687 = tpu.memref_slice %arg7[%dma_wait3A_677, %dma_wait3A_686] : memref<2x80xi32, #tpu.memory_space<vmem>> -> memref<1x80xi32, #tpu.memory_space<vmem>>
      %dma_wait3A_688 = tpu.memref_squeeze %dma_wait3A_687 : memref<1x80xi32, #tpu.memory_space<vmem>> -> memref<80xi32, #tpu.memory_space<vmem>>
      %dma_wait3A_689 = arith.constant 0 : i32
      %dma_wait3A_690 = tpu.memref_slice %arg3[%dma_wait3A_689] : memref<320000xi32, #tpu.memory_space<hbm>> -> memref<80xi32, #tpu.memory_space<hbm>>
      tpu.wait_dma2 semaphore(%dma_wait3A_685 : memref<!tpu.dma_semaphore, #tpu.memory_space<semaphore_mem>>) src(%dma_wait3A_690 : memref<80xi32, #tpu.memory_space<hbm>>) dst(%dma_wait3A_688 : memref<80xi32, #tpu.memory_space<vmem>>)
      %dma_wait3A_691 = arith.constant 1 : i32
      %dma_wait3A_692 = arith.constant 1 : i32
      %dma_wait3A_693 = arith.constant 0 : i32
      %dma_wait3A_694 = tpu.memref_slice %arg8[%dma_wait3A_691, %dma_wait3A_693] : memref<2x80xi32, #tpu.memory_space<vmem>> -> memref<1x80xi32, #tpu.memory_space<vmem>>
      %dma_wait3A_695 = tpu.memref_squeeze %dma_wait3A_694 : memref<1x80xi32, #tpu.memory_space<vmem>> -> memref<80xi32, #tpu.memory_space<vmem>>
      %dma_wait3A_696 = arith.constant 0 : i32
      %dma_wait3A_697 = tpu.memref_slice %arg4[%dma_wait3A_696] : memref<320000xi32, #tpu.memory_space<hbm>> -> memref<80xi32, #tpu.memory_space<hbm>>
      %dma_wait3A_698 = tpu.memref_slice %arg12[%dma_wait3A_692] : memref<2x!tpu.dma_semaphore, #tpu.memory_space<semaphore_mem>> -> memref<1x!tpu.dma_semaphore, #tpu.memory_space<semaphore_mem>>
      %dma_wait3A_699 = tpu.memref_squeeze %dma_wait3A_698 : memref<1x!tpu.dma_semaphore, #tpu.memory_space<semaphore_mem>> -> memref<!tpu.dma_semaphore, #tpu.memory_space<semaphore_mem>>
      %dma_wait3A_700 = arith.constant 0 : i32
      %dma_wait3A_701 = tpu.memref_slice %arg8[%dma_wait3A_691, %dma_wait3A_700] : memref<2x80xi32, #tpu.memory_space<vmem>> -> memref<1x80xi32, #tpu.memory_space<vmem>>
      %dma_wait3A_702 = tpu.memref_squeeze %dma_wait3A_701 : memref<1x80xi32, #tpu.memory_space<vmem>> -> memref<80xi32, #tpu.memory_space<vmem>>
      %dma_wait3A_703 = arith.constant 0 : i32
      %dma_wait3A_704 = tpu.memref_slice %arg4[%dma_wait3A_703] : memref<320000xi32, #tpu.memory_space<hbm>> -> memref<80xi32, #tpu.memory_space<hbm>>
      tpu.wait_dma2 semaphore(%dma_wait3A_699 : memref<!tpu.dma_semaphore, #tpu.memory_space<semaphore_mem>>) src(%dma_wait3A_704 : memref<80xi32, #tpu.memory_space<hbm>>) dst(%dma_wait3A_702 : memref<80xi32, #tpu.memory_space<vmem>>)
      %dma_start3A_705 = arith.constant 1 : i32
      %dma_start3A_706 = arith.constant 1 : i32
      %dma_start3A_707 = arith.constant 1 : i32
      %dma_start3A_708 = arith.constant 0 : i32
      %dma_start3A_709 = arith.constant 0 : i32
      %dma_start3A_710 = tpu.memref_slice %arg9[%dma_start3A_706, %dma_start3A_708, %dma_start3A_709] : memref<2x80x128xf32, #tpu.memory_space<vmem>> -> memref<1x80x128xf32, #tpu.memory_space<vmem>>
      %dma_start3A_711 = tpu.memref_squeeze %dma_start3A_710 : memref<1x80x128xf32, #tpu.memory_space<vmem>> -> memref<80x128xf32, #tpu.memory_space<vmem>>
      %dma_start3A_712 = arith.constant 0 : i32
      %dma_start3A_713 = tpu.memref_slice %arg7[%dma_start3A_705, %dma_start3A_712] : memref<2x80xi32, #tpu.memory_space<vmem>> -> memref<1x80xi32, #tpu.memory_space<vmem>>
      %dma_start3A_714 = tpu.memref_squeeze %dma_start3A_713 : memref<1x80xi32, #tpu.memory_space<vmem>> -> memref<80xi32, #tpu.memory_space<vmem>>
      %dma_start3A_715 = arith.constant 0 : i32
      %dma_start3A_716 = arith.constant 0 : i32
      %dma_start3A_717 = tpu.memref_slice %arg6[%dma_start3A_715, %dma_start3A_716] : memref<10240x128xf32, #tpu.memory_space<vmem_shared>> -> memref<10240x128xf32, #tpu.memory_space<vmem_shared>>
      %dma_start3A_718 = tpu.memref_slice %arg11[%dma_start3A_707] : memref<2x!tpu.dma_semaphore, #tpu.memory_space<semaphore_mem>> -> memref<1x!tpu.dma_semaphore, #tpu.memory_space<semaphore_mem>>
      %dma_start3A_719 = tpu.memref_squeeze %dma_start3A_718 : memref<1x!tpu.dma_semaphore, #tpu.memory_space<semaphore_mem>> -> memref<!tpu.dma_semaphore, #tpu.memory_space<semaphore_mem>>
      tpu.enqueue_indirect_dma source(%dma_start3A_717 : memref<10240x128xf32, #tpu.memory_space<vmem_shared>>) target(%dma_start3A_711 : memref<80x128xf32, #tpu.memory_space<vmem>>) offsets(%dma_start3A_714 : memref<80xi32, #tpu.memory_space<vmem>>) semaphore(%dma_start3A_719 : memref<!tpu.dma_semaphore, #tpu.memory_space<semaphore_mem>>)
      %dma_start3A_720 = arith.constant 1 : i32
      %dma_start3A_721 = arith.constant 1 : i32
      %dma_start3A_722 = arith.constant 1 : i32
      %dma_start3A_723 = arith.constant 0 : i32
      %dma_start3A_724 = arith.constant 0 : i32
      %dma_start3A_725 = tpu.memref_slice %arg10[%dma_start3A_721, %dma_start3A_723, %dma_start3A_724] : memref<2x80x128xf32, #tpu.memory_space<vmem>> -> memref<1x80x128xf32, #tpu.memory_space<vmem>>
      %dma_start3A_726 = tpu.memref_squeeze %dma_start3A_725 : memref<1x80x128xf32, #tpu.memory_space<vmem>> -> memref<80x128xf32, #tpu.memory_space<vmem>>
      %dma_start3A_727 = arith.constant 0 : i32
      %dma_start3A_728 = tpu.memref_slice %arg8[%dma_start3A_720, %dma_start3A_727] : memref<2x80xi32, #tpu.memory_space<vmem>> -> memref<1x80xi32, #tpu.memory_space<vmem>>
      %dma_start3A_729 = tpu.memref_squeeze %dma_start3A_728 : memref<1x80xi32, #tpu.memory_space<vmem>> -> memref<80xi32, #tpu.memory_space<vmem>>
      %dma_start3A_730 = arith.constant 0 : i32
      %dma_start3A_731 = arith.constant 0 : i32
      %dma_start3A_732 = tpu.memref_slice %arg6[%dma_start3A_730, %dma_start3A_731] : memref<10240x128xf32, #tpu.memory_space<vmem_shared>> -> memref<10240x128xf32, #tpu.memory_space<vmem_shared>>
      %dma_start3A_733 = tpu.memref_slice %arg11[%dma_start3A_722] : memref<2x!tpu.dma_semaphore, #tpu.memory_space<semaphore_mem>> -> memref<1x!tpu.dma_semaphore, #tpu.memory_space<semaphore_mem>>
      %dma_start3A_734 = tpu.memref_squeeze %dma_start3A_733 : memref<1x!tpu.dma_semaphore, #tpu.memory_space<semaphore_mem>> -> memref<!tpu.dma_semaphore, #tpu.memory_space<semaphore_mem>>
      tpu.enqueue_indirect_dma source(%dma_start3A_732 : memref<10240x128xf32, #tpu.memory_space<vmem_shared>>) target(%dma_start3A_726 : memref<80x128xf32, #tpu.memory_space<vmem>>) offsets(%dma_start3A_729 : memref<80xi32, #tpu.memory_space<vmem>>) semaphore(%dma_start3A_734 : memref<!tpu.dma_semaphore, #tpu.memory_space<semaphore_mem>>)
      %dma_wait3A_735 = arith.constant 0 : i32
      %dma_wait3A_736 = arith.constant 0 : i32
      %dma_wait3A_737 = arith.constant 0 : i32
      %dma_wait3A_738 = arith.constant 0 : i32
      %dma_wait3A_739 = arith.constant 0 : i32
      %dma_wait3A_740 = tpu.memref_slice %arg9[%dma_wait3A_736, %dma_wait3A_738, %dma_wait3A_739] : memref<2x80x128xf32, #tpu.memory_space<vmem>> -> memref<1x80x128xf32, #tpu.memory_space<vmem>>
      %dma_wait3A_741 = tpu.memref_squeeze %dma_wait3A_740 : memref<1x80x128xf32, #tpu.memory_space<vmem>> -> memref<80x128xf32, #tpu.memory_space<vmem>>
      %dma_wait3A_742 = arith.constant 0 : i32
      %dma_wait3A_743 = tpu.memref_slice %arg7[%dma_wait3A_735, %dma_wait3A_742] : memref<2x80xi32, #tpu.memory_space<vmem>> -> memref<1x80xi32, #tpu.memory_space<vmem>>
      %dma_wait3A_744 = tpu.memref_squeeze %dma_wait3A_743 : memref<1x80xi32, #tpu.memory_space<vmem>> -> memref<80xi32, #tpu.memory_space<vmem>>
      %dma_wait3A_745 = arith.constant 0 : i32
      %dma_wait3A_746 = arith.constant 0 : i32
      %dma_wait3A_747 = tpu.memref_slice %arg6[%dma_wait3A_745, %dma_wait3A_746] : memref<10240x128xf32, #tpu.memory_space<vmem_shared>> -> memref<10240x128xf32, #tpu.memory_space<vmem_shared>>
      %dma_wait3A_748 = tpu.memref_slice %arg11[%dma_wait3A_737] : memref<2x!tpu.dma_semaphore, #tpu.memory_space<semaphore_mem>> -> memref<1x!tpu.dma_semaphore, #tpu.memory_space<semaphore_mem>>
      %dma_wait3A_749 = tpu.memref_squeeze %dma_wait3A_748 : memref<1x!tpu.dma_semaphore, #tpu.memory_space<semaphore_mem>> -> memref<!tpu.dma_semaphore, #tpu.memory_space<semaphore_mem>>
      tpu.wait_indirect_dma semaphore(%dma_wait3A_749 : memref<!tpu.dma_semaphore, #tpu.memory_space<semaphore_mem>>) src(%dma_wait3A_747 : memref<10240x128xf32, #tpu.memory_space<vmem_shared>>) dst(%dma_wait3A_741 : memref<80x128xf32, #tpu.memory_space<vmem>>)
      %dma_wait3A_750 = arith.constant 0 : i32
      %dma_wait3A_751 = arith.constant 0 : i32
      %dma_wait3A_752 = arith.constant 0 : i32
      %dma_wait3A_753 = arith.constant 0 : i32
      %dma_wait3A_754 = arith.constant 0 : i32
      %dma_wait3A_755 = tpu.memref_slice %arg10[%dma_wait3A_751, %dma_wait3A_753, %dma_wait3A_754] : memref<2x80x128xf32, #tpu.memory_space<vmem>> -> memref<1x80x128xf32, #tpu.memory_space<vmem>>
      %dma_wait3A_756 = tpu.memref_squeeze %dma_wait3A_755 : memref<1x80x128xf32, #tpu.memory_space<vmem>> -> memref<80x128xf32, #tpu.memory_space<vmem>>
      %dma_wait3A_757 = arith.constant 0 : i32
      %dma_wait3A_758 = tpu.memref_slice %arg8[%dma_wait3A_750, %dma_wait3A_757] : memref<2x80xi32, #tpu.memory_space<vmem>> -> memref<1x80xi32, #tpu.memory_space<vmem>>
      %dma_wait3A_759 = tpu.memref_squeeze %dma_wait3A_758 : memref<1x80xi32, #tpu.memory_space<vmem>> -> memref<80xi32, #tpu.memory_space<vmem>>
      %dma_wait3A_760 = arith.constant 0 : i32
      %dma_wait3A_761 = arith.constant 0 : i32
      %dma_wait3A_762 = tpu.memref_slice %arg6[%dma_wait3A_760, %dma_wait3A_761] : memref<10240x128xf32, #tpu.memory_space<vmem_shared>> -> memref<10240x128xf32, #tpu.memory_space<vmem_shared>>
      %dma_wait3A_763 = tpu.memref_slice %arg11[%dma_wait3A_752] : memref<2x!tpu.dma_semaphore, #tpu.memory_space<semaphore_mem>> -> memref<1x!tpu.dma_semaphore, #tpu.memory_space<semaphore_mem>>
      %dma_wait3A_764 = tpu.memref_squeeze %dma_wait3A_763 : memref<1x!tpu.dma_semaphore, #tpu.memory_space<semaphore_mem>> -> memref<!tpu.dma_semaphore, #tpu.memory_space<semaphore_mem>>
      tpu.wait_indirect_dma semaphore(%dma_wait3A_764 : memref<!tpu.dma_semaphore, #tpu.memory_space<semaphore_mem>>) src(%dma_wait3A_762 : memref<10240x128xf32, #tpu.memory_space<vmem_shared>>) dst(%dma_wait3A_756 : memref<80x128xf32, #tpu.memory_space<vmem>>)
      %add3A_765 = arith.constant 2 : i32
      %add3A_766 = arith.addi %add3A_658, %add3A_765 : i32
      %mul3A_767 = arith.constant 80 : i32
      %mul3A_768 = arith.muli %add3A_766, %mul3A_767 : i32
      %add3A_769 = arith.addi %mul3A_4, %mul3A_768 : i32
      %dma_start3A_770 = arith.constant 0 : i32
      %dma_start3A_771 = arith.constant 0 : i32
      %dma_start3A_772 = arith.constant 0 : i32
      %dma_start3A_773 = tpu.memref_slice %arg7[%dma_start3A_770, %dma_start3A_772] : memref<2x80xi32, #tpu.memory_space<vmem>> -> memref<1x80xi32, #tpu.memory_space<vmem>>
      %dma_start3A_774 = tpu.memref_squeeze %dma_start3A_773 : memref<1x80xi32, #tpu.memory_space<vmem>> -> memref<80xi32, #tpu.memory_space<vmem>>
      %dma_start3A_775 = tpu.memref_slice %arg3[%add3A_769] : memref<320000xi32, #tpu.memory_space<hbm>> -> memref<80xi32, #tpu.memory_space<hbm>>
      %dma_start3A_776 = tpu.memref_slice %arg12[%dma_start3A_771] : memref<2x!tpu.dma_semaphore, #tpu.memory_space<semaphore_mem>> -> memref<1x!tpu.dma_semaphore, #tpu.memory_space<semaphore_mem>>
      %dma_start3A_777 = tpu.memref_squeeze %dma_start3A_776 : memref<1x!tpu.dma_semaphore, #tpu.memory_space<semaphore_mem>> -> memref<!tpu.dma_semaphore, #tpu.memory_space<semaphore_mem>>
      %dma_start3A_778 = arith.constant 0 : i32
      %dma_start3A_779 = tpu.memref_slice %arg7[%dma_start3A_770, %dma_start3A_778] : memref<2x80xi32, #tpu.memory_space<vmem>> -> memref<1x80xi32, #tpu.memory_space<vmem>>
      %dma_start3A_780 = tpu.memref_squeeze %dma_start3A_779 : memref<1x80xi32, #tpu.memory_space<vmem>> -> memref<80xi32, #tpu.memory_space<vmem>>
      %dma_start3A_781 = tpu.memref_slice %arg3[%add3A_769] : memref<320000xi32, #tpu.memory_space<hbm>> -> memref<80xi32, #tpu.memory_space<hbm>>
      tpu.enqueue_dma source(%dma_start3A_781 : memref<80xi32, #tpu.memory_space<hbm>>) target(%dma_start3A_780 : memref<80xi32, #tpu.memory_space<vmem>>) target_semaphore(%dma_start3A_777 : memref<!tpu.dma_semaphore, #tpu.memory_space<semaphore_mem>>)
      %dma_start3A_782 = arith.constant 0 : i32
      %dma_start3A_783 = arith.constant 0 : i32
      %dma_start3A_784 = arith.constant 0 : i32
      %dma_start3A_785 = tpu.memref_slice %arg8[%dma_start3A_782, %dma_start3A_784] : memref<2x80xi32, #tpu.memory_space<vmem>> -> memref<1x80xi32, #tpu.memory_space<vmem>>
      %dma_start3A_786 = tpu.memref_squeeze %dma_start3A_785 : memref<1x80xi32, #tpu.memory_space<vmem>> -> memref<80xi32, #tpu.memory_space<vmem>>
      %dma_start3A_787 = tpu.memref_slice %arg4[%add3A_769] : memref<320000xi32, #tpu.memory_space<hbm>> -> memref<80xi32, #tpu.memory_space<hbm>>
      %dma_start3A_788 = tpu.memref_slice %arg12[%dma_start3A_783] : memref<2x!tpu.dma_semaphore, #tpu.memory_space<semaphore_mem>> -> memref<1x!tpu.dma_semaphore, #tpu.memory_space<semaphore_mem>>
      %dma_start3A_789 = tpu.memref_squeeze %dma_start3A_788 : memref<1x!tpu.dma_semaphore, #tpu.memory_space<semaphore_mem>> -> memref<!tpu.dma_semaphore, #tpu.memory_space<semaphore_mem>>
      %dma_start3A_790 = arith.constant 0 : i32
      %dma_start3A_791 = tpu.memref_slice %arg8[%dma_start3A_782, %dma_start3A_790] : memref<2x80xi32, #tpu.memory_space<vmem>> -> memref<1x80xi32, #tpu.memory_space<vmem>>
      %dma_start3A_792 = tpu.memref_squeeze %dma_start3A_791 : memref<1x80xi32, #tpu.memory_space<vmem>> -> memref<80xi32, #tpu.memory_space<vmem>>
      %dma_start3A_793 = tpu.memref_slice %arg4[%add3A_769] : memref<320000xi32, #tpu.memory_space<hbm>> -> memref<80xi32, #tpu.memory_space<hbm>>
      tpu.enqueue_dma source(%dma_start3A_793 : memref<80xi32, #tpu.memory_space<hbm>>) target(%dma_start3A_792 : memref<80xi32, #tpu.memory_space<vmem>>) target_semaphore(%dma_start3A_789 : memref<!tpu.dma_semaphore, #tpu.memory_space<semaphore_mem>>)
      %scan3A_794 = arith.constant 0 : i32
      %scan3A_795 = arith.constant 0 : i32
      %scan3A_796 = arith.constant 80 : i32
      %scan3A_797 = arith.addi %scan3A_795, %scan3A_796 : i32
      %scan3A_798 = arith.constant 1 : i32
      %scan3A_799 = scf.for %scan3A_821 = %scan3A_795 to %scan3A_797 step %scan3A_798 iter_args(%scan3A_822 = %scan3A_794) -> (i32)  : i32 {
        %get3A = arith.constant 0 : i32
        %get3A_823 = arith.index_cast %get3A : i32 to index
        %get3A_824 = arith.index_cast %scan3A_821 : i32 to index
        %get3A_825 = arith.constant 0 : index
        %get3A_826 = tpu.vector_load %arg9[%get3A_823, %get3A_824, %get3A_825] {strides = array<i32>} : memref<2x80x128xf32, #tpu.memory_space<vmem>>, vector<16xf32>,
        %get3A_827 = arith.constant 0 : i32
        %get3A_828 = arith.index_cast %get3A_827 : i32 to index
        %get3A_829 = arith.index_cast %scan3A_821 : i32 to index
        %get3A_830 = arith.constant 0 : index
        %get3A_831 = tpu.vector_load %arg10[%get3A_828, %get3A_829, %get3A_830] {strides = array<i32>} : memref<2x80x128xf32, #tpu.memory_space<vmem>>, vector<16xf32>,
        %mul3A_832 = arith.mulf %get3A_826, %get3A_831 : vector<16xf32>
        %add3A_833 = arith.constant 1.000000e+00 : f32
        %add3A_834 = vector.broadcast %add3A_833 : f32 to vector<16xf32>
        %add3A_835 = arith.addf %add3A_834, %mul3A_832 : vector<16xf32>
        %div3A = arith.constant 1.000000e+00 : f32
        %div3A_836 = vector.broadcast %div3A : f32 to vector<16xf32>
        %div3A_837 = arith.divf %div3A_836, %add3A_835 : vector<16xf32>
        %swap3A = arith.constant 0 : i32
        %swap3A_838 = arith.index_cast %swap3A : i32 to index
        %swap3A_839 = arith.index_cast %scan3A_821 : i32 to index
        %swap3A_840 = arith.constant 0 : index
        %swap3A_841 = tpu.vector_load %arg9[%swap3A_838, %swap3A_839, %swap3A_840] {strides = array<i32>} : memref<2x80x128xf32, #tpu.memory_space<vmem>>, vector<16xf32>,
        tpu.vector_store %arg9[%swap3A_838, %swap3A_839, %swap3A_840], %div3A_837 {strides = array<i32>} : memref<2x80x128xf32, #tpu.memory_space<vmem>>, vector<16xf32>,
        %get3A_842 = arith.constant 0 : i32
        %get3A_843 = arith.index_cast %get3A_842 : i32 to index
        %get3A_844 = arith.index_cast %scan3A_821 : i32 to index
        %get3A_845 = arith.constant 16 : index
        %get3A_846 = tpu.vector_load %arg9[%get3A_843, %get3A_844, %get3A_845] {strides = array<i32>} : memref<2x80x128xf32, #tpu.memory_space<vmem>>, vector<16xf32>,
        %get3A_847 = arith.constant 0 : i32
        %get3A_848 = arith.index_cast %get3A_847 : i32 to index
        %get3A_849 = arith.index_cast %scan3A_821 : i32 to index
        %get3A_850 = arith.constant 16 : index
        %get3A_851 = tpu.vector_load %arg10[%get3A_848, %get3A_849, %get3A_850] {strides = array<i32>} : memref<2x80x128xf32, #tpu.memory_space<vmem>>, vector<16xf32>,
        %mul3A_852 = arith.mulf %get3A_846, %get3A_851 : vector<16xf32>
        %add3A_853 = arith.constant 1.000000e+00 : f32
        %add3A_854 = vector.broadcast %add3A_853 : f32 to vector<16xf32>
        %add3A_855 = arith.addf %add3A_854, %mul3A_852 : vector<16xf32>
        %div3A_856 = arith.constant 1.000000e+00 : f32
        %div3A_857 = vector.broadcast %div3A_856 : f32 to vector<16xf32>
        %div3A_858 = arith.divf %div3A_857, %add3A_855 : vector<16xf32>
        %swap3A_859 = arith.constant 0 : i32
        %swap3A_860 = arith.index_cast %swap3A_859 : i32 to index
        %swap3A_861 = arith.index_cast %scan3A_821 : i32 to index
        %swap3A_862 = arith.constant 16 : index
        %swap3A_863 = tpu.vector_load %arg9[%swap3A_860, %swap3A_861, %swap3A_862] {strides = array<i32>} : memref<2x80x128xf32, #tpu.memory_space<vmem>>, vector<16xf32>,
        tpu.vector_store %arg9[%swap3A_860, %swap3A_861, %swap3A_862], %div3A_858 {strides = array<i32>} : memref<2x80x128xf32, #tpu.memory_space<vmem>>, vector<16xf32>,
        %get3A_864 = arith.constant 0 : i32
        %get3A_865 = arith.index_cast %get3A_864 : i32 to index
        %get3A_866 = arith.index_cast %scan3A_821 : i32 to index
        %get3A_867 = arith.constant 32 : index
        %get3A_868 = tpu.vector_load %arg9[%get3A_865, %get3A_866, %get3A_867] {strides = array<i32>} : memref<2x80x128xf32, #tpu.memory_space<vmem>>, vector<16xf32>,
        %get3A_869 = arith.constant 0 : i32
        %get3A_870 = arith.index_cast %get3A_869 : i32 to index
        %get3A_871 = arith.index_cast %scan3A_821 : i32 to index
        %get3A_872 = arith.constant 32 : index
        %get3A_873 = tpu.vector_load %arg10[%get3A_870, %get3A_871, %get3A_872] {strides = array<i32>} : memref<2x80x128xf32, #tpu.memory_space<vmem>>, vector<16xf32>,
        %mul3A_874 = arith.mulf %get3A_868, %get3A_873 : vector<16xf32>
        %add3A_875 = arith.constant 1.000000e+00 : f32
        %add3A_876 = vector.broadcast %add3A_875 : f32 to vector<16xf32>
        %add3A_877 = arith.addf %add3A_876, %mul3A_874 : vector<16xf32>
        %div3A_878 = arith.constant 1.000000e+00 : f32
        %div3A_879 = vector.broadcast %div3A_878 : f32 to vector<16xf32>
        %div3A_880 = arith.divf %div3A_879, %add3A_877 : vector<16xf32>
        %swap3A_881 = arith.constant 0 : i32
        %swap3A_882 = arith.index_cast %swap3A_881 : i32 to index
        %swap3A_883 = arith.index_cast %scan3A_821 : i32 to index
        %swap3A_884 = arith.constant 32 : index
        %swap3A_885 = tpu.vector_load %arg9[%swap3A_882, %swap3A_883, %swap3A_884] {strides = array<i32>} : memref<2x80x128xf32, #tpu.memory_space<vmem>>, vector<16xf32>,
        tpu.vector_store %arg9[%swap3A_882, %swap3A_883, %swap3A_884], %div3A_880 {strides = array<i32>} : memref<2x80x128xf32, #tpu.memory_space<vmem>>, vector<16xf32>,
        %get3A_886 = arith.constant 0 : i32
        %get3A_887 = arith.index_cast %get3A_886 : i32 to index
        %get3A_888 = arith.index_cast %scan3A_821 : i32 to index
        %get3A_889 = arith.constant 48 : index
        %get3A_890 = tpu.vector_load %arg9[%get3A_887, %get3A_888, %get3A_889] {strides = array<i32>} : memref<2x80x128xf32, #tpu.memory_space<vmem>>, vector<16xf32>,
        %get3A_891 = arith.constant 0 : i32
        %get3A_892 = arith.index_cast %get3A_891 : i32 to index
        %get3A_893 = arith.index_cast %scan3A_821 : i32 to index
        %get3A_894 = arith.constant 48 : index
        %get3A_895 = tpu.vector_load %arg10[%get3A_892, %get3A_893, %get3A_894] {strides = array<i32>} : memref<2x80x128xf32, #tpu.memory_space<vmem>>, vector<16xf32>,
        %mul3A_896 = arith.mulf %get3A_890, %get3A_895 : vector<16xf32>
        %add3A_897 = arith.constant 1.000000e+00 : f32
        %add3A_898 = vector.broadcast %add3A_897 : f32 to vector<16xf32>
        %add3A_899 = arith.addf %add3A_898, %mul3A_896 : vector<16xf32>
        %div3A_900 = arith.constant 1.000000e+00 : f32
        %div3A_901 = vector.broadcast %div3A_900 : f32 to vector<16xf32>
        %div3A_902 = arith.divf %div3A_901, %add3A_899 : vector<16xf32>
        %swap3A_903 = arith.constant 0 : i32
        %swap3A_904 = arith.index_cast %swap3A_903 : i32 to index
        %swap3A_905 = arith.index_cast %scan3A_821 : i32 to index
        %swap3A_906 = arith.constant 48 : index
        %swap3A_907 = tpu.vector_load %arg9[%swap3A_904, %swap3A_905, %swap3A_906] {strides = array<i32>} : memref<2x80x128xf32, #tpu.memory_space<vmem>>, vector<16xf32>,
        tpu.vector_store %arg9[%swap3A_904, %swap3A_905, %swap3A_906], %div3A_902 {strides = array<i32>} : memref<2x80x128xf32, #tpu.memory_space<vmem>>, vector<16xf32>,
        %get3A_908 = arith.constant 0 : i32
        %get3A_909 = arith.index_cast %get3A_908 : i32 to index
        %get3A_910 = arith.index_cast %scan3A_821 : i32 to index
        %get3A_911 = arith.constant 64 : index
        %get3A_912 = tpu.vector_load %arg9[%get3A_909, %get3A_910, %get3A_911] {strides = array<i32>} : memref<2x80x128xf32, #tpu.memory_space<vmem>>, vector<16xf32>,
        %get3A_913 = arith.constant 0 : i32
        %get3A_914 = arith.index_cast %get3A_913 : i32 to index
        %get3A_915 = arith.index_cast %scan3A_821 : i32 to index
        %get3A_916 = arith.constant 64 : index
        %get3A_917 = tpu.vector_load %arg10[%get3A_914, %get3A_915, %get3A_916] {strides = array<i32>} : memref<2x80x128xf32, #tpu.memory_space<vmem>>, vector<16xf32>,
        %mul3A_918 = arith.mulf %get3A_912, %get3A_917 : vector<16xf32>
        %add3A_919 = arith.constant 1.000000e+00 : f32
        %add3A_920 = vector.broadcast %add3A_919 : f32 to vector<16xf32>
        %add3A_921 = arith.addf %add3A_920, %mul3A_918 : vector<16xf32>
        %div3A_922 = arith.constant 1.000000e+00 : f32
        %div3A_923 = vector.broadcast %div3A_922 : f32 to vector<16xf32>
        %div3A_924 = arith.divf %div3A_923, %add3A_921 : vector<16xf32>
        %swap3A_925 = arith.constant 0 : i32
        %swap3A_926 = arith.index_cast %swap3A_925 : i32 to index
        %swap3A_927 = arith.index_cast %scan3A_821 : i32 to index
        %swap3A_928 = arith.constant 64 : index
        %swap3A_929 = tpu.vector_load %arg9[%swap3A_926, %swap3A_927, %swap3A_928] {strides = array<i32>} : memref<2x80x128xf32, #tpu.memory_space<vmem>>, vector<16xf32>,
        tpu.vector_store %arg9[%swap3A_926, %swap3A_927, %swap3A_928], %div3A_924 {strides = array<i32>} : memref<2x80x128xf32, #tpu.memory_space<vmem>>, vector<16xf32>,
        %get3A_930 = arith.constant 0 : i32
        %get3A_931 = arith.index_cast %get3A_930 : i32 to index
        %get3A_932 = arith.index_cast %scan3A_821 : i32 to index
        %get3A_933 = arith.constant 80 : index
        %get3A_934 = tpu.vector_load %arg9[%get3A_931, %get3A_932, %get3A_933] {strides = array<i32>} : memref<2x80x128xf32, #tpu.memory_space<vmem>>, vector<16xf32>,
        %get3A_935 = arith.constant 0 : i32
        %get3A_936 = arith.index_cast %get3A_935 : i32 to index
        %get3A_937 = arith.index_cast %scan3A_821 : i32 to index
        %get3A_938 = arith.constant 80 : index
        %get3A_939 = tpu.vector_load %arg10[%get3A_936, %get3A_937, %get3A_938] {strides = array<i32>} : memref<2x80x128xf32, #tpu.memory_space<vmem>>, vector<16xf32>,
        %mul3A_940 = arith.mulf %get3A_934, %get3A_939 : vector<16xf32>
        %add3A_941 = arith.constant 1.000000e+00 : f32
        %add3A_942 = vector.broadcast %add3A_941 : f32 to vector<16xf32>
        %add3A_943 = arith.addf %add3A_942, %mul3A_940 : vector<16xf32>
        %div3A_944 = arith.constant 1.000000e+00 : f32
        %div3A_945 = vector.broadcast %div3A_944 : f32 to vector<16xf32>
        %div3A_946 = arith.divf %div3A_945, %add3A_943 : vector<16xf32>
        %swap3A_947 = arith.constant 0 : i32
        %swap3A_948 = arith.index_cast %swap3A_947 : i32 to index
        %swap3A_949 = arith.index_cast %scan3A_821 : i32 to index
        %swap3A_950 = arith.constant 80 : index
        %swap3A_951 = tpu.vector_load %arg9[%swap3A_948, %swap3A_949, %swap3A_950] {strides = array<i32>} : memref<2x80x128xf32, #tpu.memory_space<vmem>>, vector<16xf32>,
        tpu.vector_store %arg9[%swap3A_948, %swap3A_949, %swap3A_950], %div3A_946 {strides = array<i32>} : memref<2x80x128xf32, #tpu.memory_space<vmem>>, vector<16xf32>,
        %get3A_952 = arith.constant 0 : i32
        %get3A_953 = arith.index_cast %get3A_952 : i32 to index
        %get3A_954 = arith.index_cast %scan3A_821 : i32 to index
        %get3A_955 = arith.constant 96 : index
        %get3A_956 = tpu.vector_load %arg9[%get3A_953, %get3A_954, %get3A_955] {strides = array<i32>} : memref<2x80x128xf32, #tpu.memory_space<vmem>>, vector<16xf32>,
        %get3A_957 = arith.constant 0 : i32
        %get3A_958 = arith.index_cast %get3A_957 : i32 to index
        %get3A_959 = arith.index_cast %scan3A_821 : i32 to index
        %get3A_960 = arith.constant 96 : index
        %get3A_961 = tpu.vector_load %arg10[%get3A_958, %get3A_959, %get3A_960] {strides = array<i32>} : memref<2x80x128xf32, #tpu.memory_space<vmem>>, vector<16xf32>,
        %mul3A_962 = arith.mulf %get3A_956, %get3A_961 : vector<16xf32>
        %add3A_963 = arith.constant 1.000000e+00 : f32
        %add3A_964 = vector.broadcast %add3A_963 : f32 to vector<16xf32>
        %add3A_965 = arith.addf %add3A_964, %mul3A_962 : vector<16xf32>
        %div3A_966 = arith.constant 1.000000e+00 : f32
        %div3A_967 = vector.broadcast %div3A_966 : f32 to vector<16xf32>
        %div3A_968 = arith.divf %div3A_967, %add3A_965 : vector<16xf32>
        %swap3A_969 = arith.constant 0 : i32
        %swap3A_970 = arith.index_cast %swap3A_969 : i32 to index
        %swap3A_971 = arith.index_cast %scan3A_821 : i32 to index
        %swap3A_972 = arith.constant 96 : index
        %swap3A_973 = tpu.vector_load %arg9[%swap3A_970, %swap3A_971, %swap3A_972] {strides = array<i32>} : memref<2x80x128xf32, #tpu.memory_space<vmem>>, vector<16xf32>,
        tpu.vector_store %arg9[%swap3A_970, %swap3A_971, %swap3A_972], %div3A_968 {strides = array<i32>} : memref<2x80x128xf32, #tpu.memory_space<vmem>>, vector<16xf32>,
        %get3A_974 = arith.constant 0 : i32
        %get3A_975 = arith.index_cast %get3A_974 : i32 to index
        %get3A_976 = arith.index_cast %scan3A_821 : i32 to index
        %get3A_977 = arith.constant 112 : index
        %get3A_978 = tpu.vector_load %arg9[%get3A_975, %get3A_976, %get3A_977] {strides = array<i32>} : memref<2x80x128xf32, #tpu.memory_space<vmem>>, vector<16xf32>,
        %get3A_979 = arith.constant 0 : i32
        %get3A_980 = arith.index_cast %get3A_979 : i32 to index
        %get3A_981 = arith.index_cast %scan3A_821 : i32 to index
        %get3A_982 = arith.constant 112 : index
        %get3A_983 = tpu.vector_load %arg10[%get3A_980, %get3A_981, %get3A_982] {strides = array<i32>} : memref<2x80x128xf32, #tpu.memory_space<vmem>>, vector<16xf32>,
        %mul3A_984 = arith.mulf %get3A_978, %get3A_983 : vector<16xf32>
        %add3A_985 = arith.constant 1.000000e+00 : f32
        %add3A_986 = vector.broadcast %add3A_985 : f32 to vector<16xf32>
        %add3A_987 = arith.addf %add3A_986, %mul3A_984 : vector<16xf32>
        %div3A_988 = arith.constant 1.000000e+00 : f32
        %div3A_989 = vector.broadcast %div3A_988 : f32 to vector<16xf32>
        %div3A_990 = arith.divf %div3A_989, %add3A_987 : vector<16xf32>
        %swap3A_991 = arith.constant 0 : i32
        %swap3A_992 = arith.index_cast %swap3A_991 : i32 to index
        %swap3A_993 = arith.index_cast %scan3A_821 : i32 to index
        %swap3A_994 = arith.constant 112 : index
        %swap3A_995 = tpu.vector_load %arg9[%swap3A_992, %swap3A_993, %swap3A_994] {strides = array<i32>} : memref<2x80x128xf32, #tpu.memory_space<vmem>>, vector<16xf32>,
        tpu.vector_store %arg9[%swap3A_992, %swap3A_993, %swap3A_994], %div3A_990 {strides = array<i32>} : memref<2x80x128xf32, #tpu.memory_space<vmem>>, vector<16xf32>,
        %scan3A_996 = arith.constant 0 : i32
        scf.yield %scan3A_996 : i32
      }
      %scan3A_800 = arith.constant 80 : i32
      %mul3A_801 = arith.constant 80 : i32
      %mul3A_802 = arith.muli %add3A_658, %mul3A_801 : i32
      %add3A_803 = arith.addi %mul3A_4, %mul3A_802 : i32
      %dma_start3A_804 = arith.constant 0 : i32
      %dma_start3A_805 = arith.constant 0 : i32
      %dma_start3A_806 = arith.constant 0 : i32
      %dma_start3A_807 = arith.constant 0 : i32
      %dma_start3A_808 = tpu.memref_slice %arg9[%dma_start3A_804, %dma_start3A_806, %dma_start3A_807] : memref<2x80x128xf32, #tpu.memory_space<vmem>> -> memref<1x80x128xf32, #tpu.memory_space<vmem>>
      %dma_start3A_809 = tpu.memref_squeeze %dma_start3A_808 : memref<1x80x128xf32, #tpu.memory_space<vmem>> -> memref<80x128xf32, #tpu.memory_space<vmem>>
      %dma_start3A_810 = arith.constant 0 : i32
      %dma_start3A_811 = tpu.memref_slice %arg5[%add3A_803, %dma_start3A_810] : memref<320000x128xf32, #tpu.memory_space<hbm>> -> memref<80x128xf32, #tpu.memory_space<hbm>>
      %dma_start3A_812 = tpu.memref_slice %arg13[%dma_start3A_805] : memref<2x!tpu.dma_semaphore, #tpu.memory_space<semaphore_mem>> -> memref<1x!tpu.dma_semaphore, #tpu.memory_space<semaphore_mem>>
      %dma_start3A_813 = tpu.memref_squeeze %dma_start3A_812 : memref<1x!tpu.dma_semaphore, #tpu.memory_space<semaphore_mem>> -> memref<!tpu.dma_semaphore, #tpu.memory_space<semaphore_mem>>
      %dma_start3A_814 = arith.constant 0 : i32
      %dma_start3A_815 = tpu.memref_slice %arg5[%add3A_803, %dma_start3A_814] : memref<320000x128xf32, #tpu.memory_space<hbm>> -> memref<80x128xf32, #tpu.memory_space<hbm>>
      %dma_start3A_816 = arith.constant 0 : i32
      %dma_start3A_817 = arith.constant 0 : i32
      %dma_start3A_818 = tpu.memref_slice %arg9[%dma_start3A_804, %dma_start3A_816, %dma_start3A_817] : memref<2x80x128xf32, #tpu.memory_space<vmem>> -> memref<1x80x128xf32, #tpu.memory_space<vmem>>
      %dma_start3A_819 = tpu.memref_squeeze %dma_start3A_818 : memref<1x80x128xf32, #tpu.memory_space<vmem>> -> memref<80x128xf32, #tpu.memory_space<vmem>>
      tpu.enqueue_dma source(%dma_start3A_819 : memref<80x128xf32, #tpu.memory_space<vmem>>) target(%dma_start3A_815 : memref<80x128xf32, #tpu.memory_space<hbm>>) target_semaphore(%dma_start3A_813 : memref<!tpu.dma_semaphore, #tpu.memory_space<semaphore_mem>>)
      %scan3A_820 = arith.constant 0 : i32
      scf.yield %scan3A_820 : i32
    }
    %scan3A_263 = arith.constant 61 : i32
    %dma_wait3A_264 = arith.constant 0 : i32
    %dma_wait3A_265 = arith.constant 0 : i32
    %dma_wait3A_266 = arith.constant 0 : i32
    %dma_wait3A_267 = arith.constant 0 : i32
    %dma_wait3A_268 = tpu.memref_slice %arg9[%dma_wait3A_264, %dma_wait3A_266, %dma_wait3A_267] : memref<2x80x128xf32, #tpu.memory_space<vmem>> -> memref<1x80x128xf32, #tpu.memory_space<vmem>>
    %dma_wait3A_269 = tpu.memref_squeeze %dma_wait3A_268 : memref<1x80x128xf32, #tpu.memory_space<vmem>> -> memref<80x128xf32, #tpu.memory_space<vmem>>
    %dma_wait3A_270 = arith.constant 0 : i32
    %dma_wait3A_271 = arith.constant 0 : i32
    %dma_wait3A_272 = tpu.memref_slice %arg5[%dma_wait3A_270, %dma_wait3A_271] : memref<320000x128xf32, #tpu.memory_space<hbm>> -> memref<80x128xf32, #tpu.memory_space<hbm>>
    %dma_wait3A_273 = tpu.memref_slice %arg13[%dma_wait3A_265] : memref<2x!tpu.dma_semaphore, #tpu.memory_space<semaphore_mem>> -> memref<1x!tpu.dma_semaphore, #tpu.memory_space<semaphore_mem>>
    %dma_wait3A_274 = tpu.memref_squeeze %dma_wait3A_273 : memref<1x!tpu.dma_semaphore, #tpu.memory_space<semaphore_mem>> -> memref<!tpu.dma_semaphore, #tpu.memory_space<semaphore_mem>>
    %dma_wait3A_275 = arith.constant 0 : i32
    %dma_wait3A_276 = arith.constant 0 : i32
    %dma_wait3A_277 = tpu.memref_slice %arg5[%dma_wait3A_275, %dma_wait3A_276] : memref<320000x128xf32, #tpu.memory_space<hbm>> -> memref<80x128xf32, #tpu.memory_space<hbm>>
    %dma_wait3A_278 = arith.constant 0 : i32
    %dma_wait3A_279 = arith.constant 0 : i32
    %dma_wait3A_280 = tpu.memref_slice %arg9[%dma_wait3A_264, %dma_wait3A_278, %dma_wait3A_279] : memref<2x80x128xf32, #tpu.memory_space<vmem>> -> memref<1x80x128xf32, #tpu.memory_space<vmem>>
    %dma_wait3A_281 = tpu.memref_squeeze %dma_wait3A_280 : memref<1x80x128xf32, #tpu.memory_space<vmem>> -> memref<80x128xf32, #tpu.memory_space<vmem>>
    tpu.wait_dma2 semaphore(%dma_wait3A_274 : memref<!tpu.dma_semaphore, #tpu.memory_space<semaphore_mem>>) src(%dma_wait3A_281 : memref<80x128xf32, #tpu.memory_space<vmem>>) dst(%dma_wait3A_277 : memref<80x128xf32, #tpu.memory_space<hbm>>)
    %dma_wait3A_282 = arith.constant 0 : i32
    %dma_wait3A_283 = arith.constant 0 : i32
    %dma_wait3A_284 = arith.constant 0 : i32
    %dma_wait3A_285 = tpu.memref_slice %arg7[%dma_wait3A_282, %dma_wait3A_284] : memref<2x80xi32, #tpu.memory_space<vmem>> -> memref<1x80xi32, #tpu.memory_space<vmem>>
    %dma_wait3A_286 = tpu.memref_squeeze %dma_wait3A_285 : memref<1x80xi32, #tpu.memory_space<vmem>> -> memref<80xi32, #tpu.memory_space<vmem>>
    %dma_wait3A_287 = arith.constant 0 : i32
    %dma_wait3A_288 = tpu.memref_slice %arg3[%dma_wait3A_287] : memref<320000xi32, #tpu.memory_space<hbm>> -> memref<80xi32, #tpu.memory_space<hbm>>
    %dma_wait3A_289 = tpu.memref_slice %arg12[%dma_wait3A_283] : memref<2x!tpu.dma_semaphore, #tpu.memory_space<semaphore_mem>> -> memref<1x!tpu.dma_semaphore, #tpu.memory_space<semaphore_mem>>
    %dma_wait3A_290 = tpu.memref_squeeze %dma_wait3A_289 : memref<1x!tpu.dma_semaphore, #tpu.memory_space<semaphore_mem>> -> memref<!tpu.dma_semaphore, #tpu.memory_space<semaphore_mem>>
    %dma_wait3A_291 = arith.constant 0 : i32
    %dma_wait3A_292 = tpu.memref_slice %arg7[%dma_wait3A_282, %dma_wait3A_291] : memref<2x80xi32, #tpu.memory_space<vmem>> -> memref<1x80xi32, #tpu.memory_space<vmem>>
    %dma_wait3A_293 = tpu.memref_squeeze %dma_wait3A_292 : memref<1x80xi32, #tpu.memory_space<vmem>> -> memref<80xi32, #tpu.memory_space<vmem>>
    %dma_wait3A_294 = arith.constant 0 : i32
    %dma_wait3A_295 = tpu.memref_slice %arg3[%dma_wait3A_294] : memref<320000xi32, #tpu.memory_space<hbm>> -> memref<80xi32, #tpu.memory_space<hbm>>
    tpu.wait_dma2 semaphore(%dma_wait3A_290 : memref<!tpu.dma_semaphore, #tpu.memory_space<semaphore_mem>>) src(%dma_wait3A_295 : memref<80xi32, #tpu.memory_space<hbm>>) dst(%dma_wait3A_293 : memref<80xi32, #tpu.memory_space<vmem>>)
    %dma_wait3A_296 = arith.constant 0 : i32
    %dma_wait3A_297 = arith.constant 0 : i32
    %dma_wait3A_298 = arith.constant 0 : i32
    %dma_wait3A_299 = tpu.memref_slice %arg8[%dma_wait3A_296, %dma_wait3A_298] : memref<2x80xi32, #tpu.memory_space<vmem>> -> memref<1x80xi32, #tpu.memory_space<vmem>>
    %dma_wait3A_300 = tpu.memref_squeeze %dma_wait3A_299 : memref<1x80xi32, #tpu.memory_space<vmem>> -> memref<80xi32, #tpu.memory_space<vmem>>
    %dma_wait3A_301 = arith.constant 0 : i32
    %dma_wait3A_302 = tpu.memref_slice %arg4[%dma_wait3A_301] : memref<320000xi32, #tpu.memory_space<hbm>> -> memref<80xi32, #tpu.memory_space<hbm>>
    %dma_wait3A_303 = tpu.memref_slice %arg12[%dma_wait3A_297] : memref<2x!tpu.dma_semaphore, #tpu.memory_space<semaphore_mem>> -> memref<1x!tpu.dma_semaphore, #tpu.memory_space<semaphore_mem>>
    %dma_wait3A_304 = tpu.memref_squeeze %dma_wait3A_303 : memref<1x!tpu.dma_semaphore, #tpu.memory_space<semaphore_mem>> -> memref<!tpu.dma_semaphore, #tpu.memory_space<semaphore_mem>>
    %dma_wait3A_305 = arith.constant 0 : i32
    %dma_wait3A_306 = tpu.memref_slice %arg8[%dma_wait3A_296, %dma_wait3A_305] : memref<2x80xi32, #tpu.memory_space<vmem>> -> memref<1x80xi32, #tpu.memory_space<vmem>>
    %dma_wait3A_307 = tpu.memref_squeeze %dma_wait3A_306 : memref<1x80xi32, #tpu.memory_space<vmem>> -> memref<80xi32, #tpu.memory_space<vmem>>
    %dma_wait3A_308 = arith.constant 0 : i32
    %dma_wait3A_309 = tpu.memref_slice %arg4[%dma_wait3A_308] : memref<320000xi32, #tpu.memory_space<hbm>> -> memref<80xi32, #tpu.memory_space<hbm>>
    tpu.wait_dma2 semaphore(%dma_wait3A_304 : memref<!tpu.dma_semaphore, #tpu.memory_space<semaphore_mem>>) src(%dma_wait3A_309 : memref<80xi32, #tpu.memory_space<hbm>>) dst(%dma_wait3A_307 : memref<80xi32, #tpu.memory_space<vmem>>)
    %dma_start3A_310 = arith.constant 0 : i32
    %dma_start3A_311 = arith.constant 0 : i32
    %dma_start3A_312 = arith.constant 0 : i32
    %dma_start3A_313 = arith.constant 0 : i32
    %dma_start3A_314 = arith.constant 0 : i32
    %dma_start3A_315 = tpu.memref_slice %arg9[%dma_start3A_311, %dma_start3A_313, %dma_start3A_314] : memref<2x80x128xf32, #tpu.memory_space<vmem>> -> memref<1x80x128xf32, #tpu.memory_space<vmem>>
    %dma_start3A_316 = tpu.memref_squeeze %dma_start3A_315 : memref<1x80x128xf32, #tpu.memory_space<vmem>> -> memref<80x128xf32, #tpu.memory_space<vmem>>
    %dma_start3A_317 = arith.constant 0 : i32
    %dma_start3A_318 = tpu.memref_slice %arg7[%dma_start3A_310, %dma_start3A_317] : memref<2x80xi32, #tpu.memory_space<vmem>> -> memref<1x80xi32, #tpu.memory_space<vmem>>
    %dma_start3A_319 = tpu.memref_squeeze %dma_start3A_318 : memref<1x80xi32, #tpu.memory_space<vmem>> -> memref<80xi32, #tpu.memory_space<vmem>>
    %dma_start3A_320 = arith.constant 0 : i32
    %dma_start3A_321 = arith.constant 0 : i32
    %dma_start3A_322 = tpu.memref_slice %arg6[%dma_start3A_320, %dma_start3A_321] : memref<10240x128xf32, #tpu.memory_space<vmem_shared>> -> memref<10240x128xf32, #tpu.memory_space<vmem_shared>>
    %dma_start3A_323 = tpu.memref_slice %arg11[%dma_start3A_312] : memref<2x!tpu.dma_semaphore, #tpu.memory_space<semaphore_mem>> -> memref<1x!tpu.dma_semaphore, #tpu.memory_space<semaphore_mem>>
    %dma_start3A_324 = tpu.memref_squeeze %dma_start3A_323 : memref<1x!tpu.dma_semaphore, #tpu.memory_space<semaphore_mem>> -> memref<!tpu.dma_semaphore, #tpu.memory_space<semaphore_mem>>
    tpu.enqueue_indirect_dma source(%dma_start3A_322 : memref<10240x128xf32, #tpu.memory_space<vmem_shared>>) target(%dma_start3A_316 : memref<80x128xf32, #tpu.memory_space<vmem>>) offsets(%dma_start3A_319 : memref<80xi32, #tpu.memory_space<vmem>>) semaphore(%dma_start3A_324 : memref<!tpu.dma_semaphore, #tpu.memory_space<semaphore_mem>>)
    %dma_start3A_325 = arith.constant 0 : i32
    %dma_start3A_326 = arith.constant 0 : i32
    %dma_start3A_327 = arith.constant 0 : i32
    %dma_start3A_328 = arith.constant 0 : i32
    %dma_start3A_329 = arith.constant 0 : i32
    %dma_start3A_330 = tpu.memref_slice %arg10[%dma_start3A_326, %dma_start3A_328, %dma_start3A_329] : memref<2x80x128xf32, #tpu.memory_space<vmem>> -> memref<1x80x128xf32, #tpu.memory_space<vmem>>
    %dma_start3A_331 = tpu.memref_squeeze %dma_start3A_330 : memref<1x80x128xf32, #tpu.memory_space<vmem>> -> memref<80x128xf32, #tpu.memory_space<vmem>>
    %dma_start3A_332 = arith.constant 0 : i32
    %dma_start3A_333 = tpu.memref_slice %arg8[%dma_start3A_325, %dma_start3A_332] : memref<2x80xi32, #tpu.memory_space<vmem>> -> memref<1x80xi32, #tpu.memory_space<vmem>>
    %dma_start3A_334 = tpu.memref_squeeze %dma_start3A_333 : memref<1x80xi32, #tpu.memory_space<vmem>> -> memref<80xi32, #tpu.memory_space<vmem>>
    %dma_start3A_335 = arith.constant 0 : i32
    %dma_start3A_336 = arith.constant 0 : i32
    %dma_start3A_337 = tpu.memref_slice %arg6[%dma_start3A_335, %dma_start3A_336] : memref<10240x128xf32, #tpu.memory_space<vmem_shared>> -> memref<10240x128xf32, #tpu.memory_space<vmem_shared>>
    %dma_start3A_338 = tpu.memref_slice %arg11[%dma_start3A_327] : memref<2x!tpu.dma_semaphore, #tpu.memory_space<semaphore_mem>> -> memref<1x!tpu.dma_semaphore, #tpu.memory_space<semaphore_mem>>
    %dma_start3A_339 = tpu.memref_squeeze %dma_start3A_338 : memref<1x!tpu.dma_semaphore, #tpu.memory_space<semaphore_mem>> -> memref<!tpu.dma_semaphore, #tpu.memory_space<semaphore_mem>>
    tpu.enqueue_indirect_dma source(%dma_start3A_337 : memref<10240x128xf32, #tpu.memory_space<vmem_shared>>) target(%dma_start3A_331 : memref<80x128xf32, #tpu.memory_space<vmem>>) offsets(%dma_start3A_334 : memref<80xi32, #tpu.memory_space<vmem>>) semaphore(%dma_start3A_339 : memref<!tpu.dma_semaphore, #tpu.memory_space<semaphore_mem>>)
    %dma_wait3A_340 = arith.constant 1 : i32
    %dma_wait3A_341 = arith.constant 1 : i32
    %dma_wait3A_342 = arith.constant 1 : i32
    %dma_wait3A_343 = arith.constant 0 : i32
    %dma_wait3A_344 = arith.constant 0 : i32
    %dma_wait3A_345 = tpu.memref_slice %arg9[%dma_wait3A_341, %dma_wait3A_343, %dma_wait3A_344] : memref<2x80x128xf32, #tpu.memory_space<vmem>> -> memref<1x80x128xf32, #tpu.memory_space<vmem>>
    %dma_wait3A_346 = tpu.memref_squeeze %dma_wait3A_345 : memref<1x80x128xf32, #tpu.memory_space<vmem>> -> memref<80x128xf32, #tpu.memory_space<vmem>>
    %dma_wait3A_347 = arith.constant 0 : i32
    %dma_wait3A_348 = tpu.memref_slice %arg7[%dma_wait3A_340, %dma_wait3A_347] : memref<2x80xi32, #tpu.memory_space<vmem>> -> memref<1x80xi32, #tpu.memory_space<vmem>>
    %dma_wait3A_349 = tpu.memref_squeeze %dma_wait3A_348 : memref<1x80xi32, #tpu.memory_space<vmem>> -> memref<80xi32, #tpu.memory_space<vmem>>
    %dma_wait3A_350 = arith.constant 0 : i32
    %dma_wait3A_351 = arith.constant 0 : i32
    %dma_wait3A_352 = tpu.memref_slice %arg6[%dma_wait3A_350, %dma_wait3A_351] : memref<10240x128xf32, #tpu.memory_space<vmem_shared>> -> memref<10240x128xf32, #tpu.memory_space<vmem_shared>>
    %dma_wait3A_353 = tpu.memref_slice %arg11[%dma_wait3A_342] : memref<2x!tpu.dma_semaphore, #tpu.memory_space<semaphore_mem>> -> memref<1x!tpu.dma_semaphore, #tpu.memory_space<semaphore_mem>>
    %dma_wait3A_354 = tpu.memref_squeeze %dma_wait3A_353 : memref<1x!tpu.dma_semaphore, #tpu.memory_space<semaphore_mem>> -> memref<!tpu.dma_semaphore, #tpu.memory_space<semaphore_mem>>
    tpu.wait_indirect_dma semaphore(%dma_wait3A_354 : memref<!tpu.dma_semaphore, #tpu.memory_space<semaphore_mem>>) src(%dma_wait3A_352 : memref<10240x128xf32, #tpu.memory_space<vmem_shared>>) dst(%dma_wait3A_346 : memref<80x128xf32, #tpu.memory_space<vmem>>)
    %dma_wait3A_355 = arith.constant 1 : i32
    %dma_wait3A_356 = arith.constant 1 : i32
    %dma_wait3A_357 = arith.constant 1 : i32
    %dma_wait3A_358 = arith.constant 0 : i32
    %dma_wait3A_359 = arith.constant 0 : i32
    %dma_wait3A_360 = tpu.memref_slice %arg10[%dma_wait3A_356, %dma_wait3A_358, %dma_wait3A_359] : memref<2x80x128xf32, #tpu.memory_space<vmem>> -> memref<1x80x128xf32, #tpu.memory_space<vmem>>
    %dma_wait3A_361 = tpu.memref_squeeze %dma_wait3A_360 : memref<1x80x128xf32, #tpu.memory_space<vmem>> -> memref<80x128xf32, #tpu.memory_space<vmem>>
    %dma_wait3A_362 = arith.constant 0 : i32
    %dma_wait3A_363 = tpu.memref_slice %arg8[%dma_wait3A_355, %dma_wait3A_362] : memref<2x80xi32, #tpu.memory_space<vmem>> -> memref<1x80xi32, #tpu.memory_space<vmem>>
    %dma_wait3A_364 = tpu.memref_squeeze %dma_wait3A_363 : memref<1x80xi32, #tpu.memory_space<vmem>> -> memref<80xi32, #tpu.memory_space<vmem>>
    %dma_wait3A_365 = arith.constant 0 : i32
    %dma_wait3A_366 = arith.constant 0 : i32
    %dma_wait3A_367 = tpu.memref_slice %arg6[%dma_wait3A_365, %dma_wait3A_366] : memref<10240x128xf32, #tpu.memory_space<vmem_shared>> -> memref<10240x128xf32, #tpu.memory_space<vmem_shared>>
    %dma_wait3A_368 = tpu.memref_slice %arg11[%dma_wait3A_357] : memref<2x!tpu.dma_semaphore, #tpu.memory_space<semaphore_mem>> -> memref<1x!tpu.dma_semaphore, #tpu.memory_space<semaphore_mem>>
    %dma_wait3A_369 = tpu.memref_squeeze %dma_wait3A_368 : memref<1x!tpu.dma_semaphore, #tpu.memory_space<semaphore_mem>> -> memref<!tpu.dma_semaphore, #tpu.memory_space<semaphore_mem>>
    tpu.wait_indirect_dma semaphore(%dma_wait3A_369 : memref<!tpu.dma_semaphore, #tpu.memory_space<semaphore_mem>>) src(%dma_wait3A_367 : memref<10240x128xf32, #tpu.memory_space<vmem_shared>>) dst(%dma_wait3A_361 : memref<80x128xf32, #tpu.memory_space<vmem>>)
    %scan3A_370 = arith.constant 0 : i32
    %scan3A_371 = arith.constant 0 : i32
    %scan3A_372 = arith.constant 80 : i32
    %scan3A_373 = arith.addi %scan3A_371, %scan3A_372 : i32
    %scan3A_374 = arith.constant 1 : i32
    %scan3A_375 = scf.for %scan3A_490 = %scan3A_371 to %scan3A_373 step %scan3A_374 iter_args(%scan3A_491 = %scan3A_370) -> (i32)  : i32 {
      %get3A = arith.constant 1 : i32
      %get3A_492 = arith.index_cast %get3A : i32 to index
      %get3A_493 = arith.index_cast %scan3A_490 : i32 to index
      %get3A_494 = arith.constant 0 : index
      %get3A_495 = tpu.vector_load %arg9[%get3A_492, %get3A_493, %get3A_494] {strides = array<i32>} : memref<2x80x128xf32, #tpu.memory_space<vmem>>, vector<16xf32>,
      %get3A_496 = arith.constant 1 : i32
      %get3A_497 = arith.index_cast %get3A_496 : i32 to index
      %get3A_498 = arith.index_cast %scan3A_490 : i32 to index
      %get3A_499 = arith.constant 0 : index
      %get3A_500 = tpu.vector_load %arg10[%get3A_497, %get3A_498, %get3A_499] {strides = array<i32>} : memref<2x80x128xf32, #tpu.memory_space<vmem>>, vector<16xf32>,
      %mul3A_501 = arith.mulf %get3A_495, %get3A_500 : vector<16xf32>
      %add3A_502 = arith.constant 1.000000e+00 : f32
      %add3A_503 = vector.broadcast %add3A_502 : f32 to vector<16xf32>
      %add3A_504 = arith.addf %add3A_503, %mul3A_501 : vector<16xf32>
      %div3A = arith.constant 1.000000e+00 : f32
      %div3A_505 = vector.broadcast %div3A : f32 to vector<16xf32>
      %div3A_506 = arith.divf %div3A_505, %add3A_504 : vector<16xf32>
      %swap3A = arith.constant 1 : i32
      %swap3A_507 = arith.index_cast %swap3A : i32 to index
      %swap3A_508 = arith.index_cast %scan3A_490 : i32 to index
      %swap3A_509 = arith.constant 0 : index
      %swap3A_510 = tpu.vector_load %arg9[%swap3A_507, %swap3A_508, %swap3A_509] {strides = array<i32>} : memref<2x80x128xf32, #tpu.memory_space<vmem>>, vector<16xf32>,
      tpu.vector_store %arg9[%swap3A_507, %swap3A_508, %swap3A_509], %div3A_506 {strides = array<i32>} : memref<2x80x128xf32, #tpu.memory_space<vmem>>, vector<16xf32>,
      %get3A_511 = arith.constant 1 : i32
      %get3A_512 = arith.index_cast %get3A_511 : i32 to index
      %get3A_513 = arith.index_cast %scan3A_490 : i32 to index
      %get3A_514 = arith.constant 16 : index
      %get3A_515 = tpu.vector_load %arg9[%get3A_512, %get3A_513, %get3A_514] {strides = array<i32>} : memref<2x80x128xf32, #tpu.memory_space<vmem>>, vector<16xf32>,
      %get3A_516 = arith.constant 1 : i32
      %get3A_517 = arith.index_cast %get3A_516 : i32 to index
      %get3A_518 = arith.index_cast %scan3A_490 : i32 to index
      %get3A_519 = arith.constant 16 : index
      %get3A_520 = tpu.vector_load %arg10[%get3A_517, %get3A_518, %get3A_519] {strides = array<i32>} : memref<2x80x128xf32, #tpu.memory_space<vmem>>, vector<16xf32>,
      %mul3A_521 = arith.mulf %get3A_515, %get3A_520 : vector<16xf32>
      %add3A_522 = arith.constant 1.000000e+00 : f32
      %add3A_523 = vector.broadcast %add3A_522 : f32 to vector<16xf32>
      %add3A_524 = arith.addf %add3A_523, %mul3A_521 : vector<16xf32>
      %div3A_525 = arith.constant 1.000000e+00 : f32
      %div3A_526 = vector.broadcast %div3A_525 : f32 to vector<16xf32>
      %div3A_527 = arith.divf %div3A_526, %add3A_524 : vector<16xf32>
      %swap3A_528 = arith.constant 1 : i32
      %swap3A_529 = arith.index_cast %swap3A_528 : i32 to index
      %swap3A_530 = arith.index_cast %scan3A_490 : i32 to index
      %swap3A_531 = arith.constant 16 : index
      %swap3A_532 = tpu.vector_load %arg9[%swap3A_529, %swap3A_530, %swap3A_531] {strides = array<i32>} : memref<2x80x128xf32, #tpu.memory_space<vmem>>, vector<16xf32>,
      tpu.vector_store %arg9[%swap3A_529, %swap3A_530, %swap3A_531], %div3A_527 {strides = array<i32>} : memref<2x80x128xf32, #tpu.memory_space<vmem>>, vector<16xf32>,
      %get3A_533 = arith.constant 1 : i32
      %get3A_534 = arith.index_cast %get3A_533 : i32 to index
      %get3A_535 = arith.index_cast %scan3A_490 : i32 to index
      %get3A_536 = arith.constant 32 : index
      %get3A_537 = tpu.vector_load %arg9[%get3A_534, %get3A_535, %get3A_536] {strides = array<i32>} : memref<2x80x128xf32, #tpu.memory_space<vmem>>, vector<16xf32>,
      %get3A_538 = arith.constant 1 : i32
      %get3A_539 = arith.index_cast %get3A_538 : i32 to index
      %get3A_540 = arith.index_cast %scan3A_490 : i32 to index
      %get3A_541 = arith.constant 32 : index
      %get3A_542 = tpu.vector_load %arg10[%get3A_539, %get3A_540, %get3A_541] {strides = array<i32>} : memref<2x80x128xf32, #tpu.memory_space<vmem>>, vector<16xf32>,
      %mul3A_543 = arith.mulf %get3A_537, %get3A_542 : vector<16xf32>
      %add3A_544 = arith.constant 1.000000e+00 : f32
      %add3A_545 = vector.broadcast %add3A_544 : f32 to vector<16xf32>
      %add3A_546 = arith.addf %add3A_545, %mul3A_543 : vector<16xf32>
      %div3A_547 = arith.constant 1.000000e+00 : f32
      %div3A_548 = vector.broadcast %div3A_547 : f32 to vector<16xf32>
      %div3A_549 = arith.divf %div3A_548, %add3A_546 : vector<16xf32>
      %swap3A_550 = arith.constant 1 : i32
      %swap3A_551 = arith.index_cast %swap3A_550 : i32 to index
      %swap3A_552 = arith.index_cast %scan3A_490 : i32 to index
      %swap3A_553 = arith.constant 32 : index
      %swap3A_554 = tpu.vector_load %arg9[%swap3A_551, %swap3A_552, %swap3A_553] {strides = array<i32>} : memref<2x80x128xf32, #tpu.memory_space<vmem>>, vector<16xf32>,
      tpu.vector_store %arg9[%swap3A_551, %swap3A_552, %swap3A_553], %div3A_549 {strides = array<i32>} : memref<2x80x128xf32, #tpu.memory_space<vmem>>, vector<16xf32>,
      %get3A_555 = arith.constant 1 : i32
      %get3A_556 = arith.index_cast %get3A_555 : i32 to index
      %get3A_557 = arith.index_cast %scan3A_490 : i32 to index
      %get3A_558 = arith.constant 48 : index
      %get3A_559 = tpu.vector_load %arg9[%get3A_556, %get3A_557, %get3A_558] {strides = array<i32>} : memref<2x80x128xf32, #tpu.memory_space<vmem>>, vector<16xf32>,
      %get3A_560 = arith.constant 1 : i32
      %get3A_561 = arith.index_cast %get3A_560 : i32 to index
      %get3A_562 = arith.index_cast %scan3A_490 : i32 to index
      %get3A_563 = arith.constant 48 : index
      %get3A_564 = tpu.vector_load %arg10[%get3A_561, %get3A_562, %get3A_563] {strides = array<i32>} : memref<2x80x128xf32, #tpu.memory_space<vmem>>, vector<16xf32>,
      %mul3A_565 = arith.mulf %get3A_559, %get3A_564 : vector<16xf32>
      %add3A_566 = arith.constant 1.000000e+00 : f32
      %add3A_567 = vector.broadcast %add3A_566 : f32 to vector<16xf32>
      %add3A_568 = arith.addf %add3A_567, %mul3A_565 : vector<16xf32>
      %div3A_569 = arith.constant 1.000000e+00 : f32
      %div3A_570 = vector.broadcast %div3A_569 : f32 to vector<16xf32>
      %div3A_571 = arith.divf %div3A_570, %add3A_568 : vector<16xf32>
      %swap3A_572 = arith.constant 1 : i32
      %swap3A_573 = arith.index_cast %swap3A_572 : i32 to index
      %swap3A_574 = arith.index_cast %scan3A_490 : i32 to index
      %swap3A_575 = arith.constant 48 : index
      %swap3A_576 = tpu.vector_load %arg9[%swap3A_573, %swap3A_574, %swap3A_575] {strides = array<i32>} : memref<2x80x128xf32, #tpu.memory_space<vmem>>, vector<16xf32>,
      tpu.vector_store %arg9[%swap3A_573, %swap3A_574, %swap3A_575], %div3A_571 {strides = array<i32>} : memref<2x80x128xf32, #tpu.memory_space<vmem>>, vector<16xf32>,
      %get3A_577 = arith.constant 1 : i32
      %get3A_578 = arith.index_cast %get3A_577 : i32 to index
      %get3A_579 = arith.index_cast %scan3A_490 : i32 to index
      %get3A_580 = arith.constant 64 : index
      %get3A_581 = tpu.vector_load %arg9[%get3A_578, %get3A_579, %get3A_580] {strides = array<i32>} : memref<2x80x128xf32, #tpu.memory_space<vmem>>, vector<16xf32>,
      %get3A_582 = arith.constant 1 : i32
      %get3A_583 = arith.index_cast %get3A_582 : i32 to index
      %get3A_584 = arith.index_cast %scan3A_490 : i32 to index
      %get3A_585 = arith.constant 64 : index
      %get3A_586 = tpu.vector_load %arg10[%get3A_583, %get3A_584, %get3A_585] {strides = array<i32>} : memref<2x80x128xf32, #tpu.memory_space<vmem>>, vector<16xf32>,
      %mul3A_587 = arith.mulf %get3A_581, %get3A_586 : vector<16xf32>
      %add3A_588 = arith.constant 1.000000e+00 : f32
      %add3A_589 = vector.broadcast %add3A_588 : f32 to vector<16xf32>
      %add3A_590 = arith.addf %add3A_589, %mul3A_587 : vector<16xf32>
      %div3A_591 = arith.constant 1.000000e+00 : f32
      %div3A_592 = vector.broadcast %div3A_591 : f32 to vector<16xf32>
      %div3A_593 = arith.divf %div3A_592, %add3A_590 : vector<16xf32>
      %swap3A_594 = arith.constant 1 : i32
      %swap3A_595 = arith.index_cast %swap3A_594 : i32 to index
      %swap3A_596 = arith.index_cast %scan3A_490 : i32 to index
      %swap3A_597 = arith.constant 64 : index
      %swap3A_598 = tpu.vector_load %arg9[%swap3A_595, %swap3A_596, %swap3A_597] {strides = array<i32>} : memref<2x80x128xf32, #tpu.memory_space<vmem>>, vector<16xf32>,
      tpu.vector_store %arg9[%swap3A_595, %swap3A_596, %swap3A_597], %div3A_593 {strides = array<i32>} : memref<2x80x128xf32, #tpu.memory_space<vmem>>, vector<16xf32>,
      %get3A_599 = arith.constant 1 : i32
      %get3A_600 = arith.index_cast %get3A_599 : i32 to index
      %get3A_601 = arith.index_cast %scan3A_490 : i32 to index
      %get3A_602 = arith.constant 80 : index
      %get3A_603 = tpu.vector_load %arg9[%get3A_600, %get3A_601, %get3A_602] {strides = array<i32>} : memref<2x80x128xf32, #tpu.memory_space<vmem>>, vector<16xf32>,
      %get3A_604 = arith.constant 1 : i32
      %get3A_605 = arith.index_cast %get3A_604 : i32 to index
      %get3A_606 = arith.index_cast %scan3A_490 : i32 to index
      %get3A_607 = arith.constant 80 : index
      %get3A_608 = tpu.vector_load %arg10[%get3A_605, %get3A_606, %get3A_607] {strides = array<i32>} : memref<2x80x128xf32, #tpu.memory_space<vmem>>, vector<16xf32>,
      %mul3A_609 = arith.mulf %get3A_603, %get3A_608 : vector<16xf32>
      %add3A_610 = arith.constant 1.000000e+00 : f32
      %add3A_611 = vector.broadcast %add3A_610 : f32 to vector<16xf32>
      %add3A_612 = arith.addf %add3A_611, %mul3A_609 : vector<16xf32>
      %div3A_613 = arith.constant 1.000000e+00 : f32
      %div3A_614 = vector.broadcast %div3A_613 : f32 to vector<16xf32>
      %div3A_615 = arith.divf %div3A_614, %add3A_612 : vector<16xf32>
      %swap3A_616 = arith.constant 1 : i32
      %swap3A_617 = arith.index_cast %swap3A_616 : i32 to index
      %swap3A_618 = arith.index_cast %scan3A_490 : i32 to index
      %swap3A_619 = arith.constant 80 : index
      %swap3A_620 = tpu.vector_load %arg9[%swap3A_617, %swap3A_618, %swap3A_619] {strides = array<i32>} : memref<2x80x128xf32, #tpu.memory_space<vmem>>, vector<16xf32>,
      tpu.vector_store %arg9[%swap3A_617, %swap3A_618, %swap3A_619], %div3A_615 {strides = array<i32>} : memref<2x80x128xf32, #tpu.memory_space<vmem>>, vector<16xf32>,
      %get3A_621 = arith.constant 1 : i32
      %get3A_622 = arith.index_cast %get3A_621 : i32 to index
      %get3A_623 = arith.index_cast %scan3A_490 : i32 to index
      %get3A_624 = arith.constant 96 : index
      %get3A_625 = tpu.vector_load %arg9[%get3A_622, %get3A_623, %get3A_624] {strides = array<i32>} : memref<2x80x128xf32, #tpu.memory_space<vmem>>, vector<16xf32>,
      %get3A_626 = arith.constant 1 : i32
      %get3A_627 = arith.index_cast %get3A_626 : i32 to index
      %get3A_628 = arith.index_cast %scan3A_490 : i32 to index
      %get3A_629 = arith.constant 96 : index
      %get3A_630 = tpu.vector_load %arg10[%get3A_627, %get3A_628, %get3A_629] {strides = array<i32>} : memref<2x80x128xf32, #tpu.memory_space<vmem>>, vector<16xf32>,
      %mul3A_631 = arith.mulf %get3A_625, %get3A_630 : vector<16xf32>
      %add3A_632 = arith.constant 1.000000e+00 : f32
      %add3A_633 = vector.broadcast %add3A_632 : f32 to vector<16xf32>
      %add3A_634 = arith.addf %add3A_633, %mul3A_631 : vector<16xf32>
      %div3A_635 = arith.constant 1.000000e+00 : f32
      %div3A_636 = vector.broadcast %div3A_635 : f32 to vector<16xf32>
      %div3A_637 = arith.divf %div3A_636, %add3A_634 : vector<16xf32>
      %swap3A_638 = arith.constant 1 : i32
      %swap3A_639 = arith.index_cast %swap3A_638 : i32 to index
      %swap3A_640 = arith.index_cast %scan3A_490 : i32 to index
      %swap3A_641 = arith.constant 96 : index
      %swap3A_642 = tpu.vector_load %arg9[%swap3A_639, %swap3A_640, %swap3A_641] {strides = array<i32>} : memref<2x80x128xf32, #tpu.memory_space<vmem>>, vector<16xf32>,
      tpu.vector_store %arg9[%swap3A_639, %swap3A_640, %swap3A_641], %div3A_637 {strides = array<i32>} : memref<2x80x128xf32, #tpu.memory_space<vmem>>, vector<16xf32>,
      %get3A_643 = arith.constant 1 : i32
      %get3A_644 = arith.index_cast %get3A_643 : i32 to index
      %get3A_645 = arith.index_cast %scan3A_490 : i32 to index
      %get3A_646 = arith.constant 112 : index
      %get3A_647 = tpu.vector_load %arg9[%get3A_644, %get3A_645, %get3A_646] {strides = array<i32>} : memref<2x80x128xf32, #tpu.memory_space<vmem>>, vector<16xf32>,
      %get3A_648 = arith.constant 1 : i32
      %get3A_649 = arith.index_cast %get3A_648 : i32 to index
      %get3A_650 = arith.index_cast %scan3A_490 : i32 to index
      %get3A_651 = arith.constant 112 : index
      %get3A_652 = tpu.vector_load %arg10[%get3A_649, %get3A_650, %get3A_651] {strides = array<i32>} : memref<2x80x128xf32, #tpu.memory_space<vmem>>, vector<16xf32>,
      %mul3A_653 = arith.mulf %get3A_647, %get3A_652 : vector<16xf32>
      %add3A_654 = arith.constant 1.000000e+00 : f32
      %add3A_655 = vector.broadcast %add3A_654 : f32 to vector<16xf32>
      %add3A_656 = arith.addf %add3A_655, %mul3A_653 : vector<16xf32>
      %div3A_657 = arith.constant 1.000000e+00 : f32
      %div3A_658 = vector.broadcast %div3A_657 : f32 to vector<16xf32>
      %div3A_659 = arith.divf %div3A_658, %add3A_656 : vector<16xf32>
      %swap3A_660 = arith.constant 1 : i32
      %swap3A_661 = arith.index_cast %swap3A_660 : i32 to index
      %swap3A_662 = arith.index_cast %scan3A_490 : i32 to index
      %swap3A_663 = arith.constant 112 : index
      %swap3A_664 = tpu.vector_load %arg9[%swap3A_661, %swap3A_662, %swap3A_663] {strides = array<i32>} : memref<2x80x128xf32, #tpu.memory_space<vmem>>, vector<16xf32>,
      tpu.vector_store %arg9[%swap3A_661, %swap3A_662, %swap3A_663], %div3A_659 {strides = array<i32>} : memref<2x80x128xf32, #tpu.memory_space<vmem>>, vector<16xf32>,
      %scan3A_665 = arith.constant 0 : i32
      scf.yield %scan3A_665 : i32
    }
    %scan3A_376 = arith.constant 80 : i32
    %mul3A_377 = arith.constant 123 : i32
    %mul3A_378 = arith.constant 80 : i32
    %mul3A_379 = arith.muli %mul3A_377, %mul3A_378 : i32
    %add3A_380 = arith.addi %mul3A_4, %mul3A_379 : i32
    %dma_start3A_381 = arith.constant 1 : i32
    %dma_start3A_382 = arith.constant 1 : i32
    %dma_start3A_383 = arith.constant 0 : i32
    %dma_start3A_384 = arith.constant 0 : i32
    %dma_start3A_385 = tpu.memref_slice %arg9[%dma_start3A_381, %dma_start3A_383, %dma_start3A_384] : memref<2x80x128xf32, #tpu.memory_space<vmem>> -> memref<1x80x128xf32, #tpu.memory_space<vmem>>
    %dma_start3A_386 = tpu.memref_squeeze %dma_start3A_385 : memref<1x80x128xf32, #tpu.memory_space<vmem>> -> memref<80x128xf32, #tpu.memory_space<vmem>>
    %dma_start3A_387 = arith.constant 0 : i32
    %dma_start3A_388 = tpu.memref_slice %arg5[%add3A_380, %dma_start3A_387] : memref<320000x128xf32, #tpu.memory_space<hbm>> -> memref<80x128xf32, #tpu.memory_space<hbm>>
    %dma_start3A_389 = tpu.memref_slice %arg13[%dma_start3A_382] : memref<2x!tpu.dma_semaphore, #tpu.memory_space<semaphore_mem>> -> memref<1x!tpu.dma_semaphore, #tpu.memory_space<semaphore_mem>>
    %dma_start3A_390 = tpu.memref_squeeze %dma_start3A_389 : memref<1x!tpu.dma_semaphore, #tpu.memory_space<semaphore_mem>> -> memref<!tpu.dma_semaphore, #tpu.memory_space<semaphore_mem>>
    %dma_start3A_391 = arith.constant 0 : i32
    %dma_start3A_392 = tpu.memref_slice %arg5[%add3A_380, %dma_start3A_391] : memref<320000x128xf32, #tpu.memory_space<hbm>> -> memref<80x128xf32, #tpu.memory_space<hbm>>
    %dma_start3A_393 = arith.constant 0 : i32
    %dma_start3A_394 = arith.constant 0 : i32
    %dma_start3A_395 = tpu.memref_slice %arg9[%dma_start3A_381, %dma_start3A_393, %dma_start3A_394] : memref<2x80x128xf32, #tpu.memory_space<vmem>> -> memref<1x80x128xf32, #tpu.memory_space<vmem>>
    %dma_start3A_396 = tpu.memref_squeeze %dma_start3A_395 : memref<1x80x128xf32, #tpu.memory_space<vmem>> -> memref<80x128xf32, #tpu.memory_space<vmem>>
    tpu.enqueue_dma source(%dma_start3A_396 : memref<80x128xf32, #tpu.memory_space<vmem>>) target(%dma_start3A_392 : memref<80x128xf32, #tpu.memory_space<hbm>>) target_semaphore(%dma_start3A_390 : memref<!tpu.dma_semaphore, #tpu.memory_space<semaphore_mem>>)
    %dma_wait3A_397 = arith.constant 0 : i32
    %dma_wait3A_398 = arith.constant 0 : i32
    %dma_wait3A_399 = arith.constant 0 : i32
    %dma_wait3A_400 = arith.constant 0 : i32
    %dma_wait3A_401 = arith.constant 0 : i32
    %dma_wait3A_402 = tpu.memref_slice %arg9[%dma_wait3A_398, %dma_wait3A_400, %dma_wait3A_401] : memref<2x80x128xf32, #tpu.memory_space<vmem>> -> memref<1x80x128xf32, #tpu.memory_space<vmem>>
    %dma_wait3A_403 = tpu.memref_squeeze %dma_wait3A_402 : memref<1x80x128xf32, #tpu.memory_space<vmem>> -> memref<80x128xf32, #tpu.memory_space<vmem>>
    %dma_wait3A_404 = arith.constant 0 : i32
    %dma_wait3A_405 = tpu.memref_slice %arg7[%dma_wait3A_397, %dma_wait3A_404] : memref<2x80xi32, #tpu.memory_space<vmem>> -> memref<1x80xi32, #tpu.memory_space<vmem>>
    %dma_wait3A_406 = tpu.memref_squeeze %dma_wait3A_405 : memref<1x80xi32, #tpu.memory_space<vmem>> -> memref<80xi32, #tpu.memory_space<vmem>>
    %dma_wait3A_407 = arith.constant 0 : i32
    %dma_wait3A_408 = arith.constant 0 : i32
    %dma_wait3A_409 = tpu.memref_slice %arg6[%dma_wait3A_407, %dma_wait3A_408] : memref<10240x128xf32, #tpu.memory_space<vmem_shared>> -> memref<10240x128xf32, #tpu.memory_space<vmem_shared>>
    %dma_wait3A_410 = tpu.memref_slice %arg11[%dma_wait3A_399] : memref<2x!tpu.dma_semaphore, #tpu.memory_space<semaphore_mem>> -> memref<1x!tpu.dma_semaphore, #tpu.memory_space<semaphore_mem>>
    %dma_wait3A_411 = tpu.memref_squeeze %dma_wait3A_410 : memref<1x!tpu.dma_semaphore, #tpu.memory_space<semaphore_mem>> -> memref<!tpu.dma_semaphore, #tpu.memory_space<semaphore_mem>>
    tpu.wait_indirect_dma semaphore(%dma_wait3A_411 : memref<!tpu.dma_semaphore, #tpu.memory_space<semaphore_mem>>) src(%dma_wait3A_409 : memref<10240x128xf32, #tpu.memory_space<vmem_shared>>) dst(%dma_wait3A_403 : memref<80x128xf32, #tpu.memory_space<vmem>>)
    %dma_wait3A_412 = arith.constant 0 : i32
    %dma_wait3A_413 = arith.constant 0 : i32
    %dma_wait3A_414 = arith.constant 0 : i32
    %dma_wait3A_415 = arith.constant 0 : i32
    %dma_wait3A_416 = arith.constant 0 : i32
    %dma_wait3A_417 = tpu.memref_slice %arg10[%dma_wait3A_413, %dma_wait3A_415, %dma_wait3A_416] : memref<2x80x128xf32, #tpu.memory_space<vmem>> -> memref<1x80x128xf32, #tpu.memory_space<vmem>>
    %dma_wait3A_418 = tpu.memref_squeeze %dma_wait3A_417 : memref<1x80x128xf32, #tpu.memory_space<vmem>> -> memref<80x128xf32, #tpu.memory_space<vmem>>
    %dma_wait3A_419 = arith.constant 0 : i32
    %dma_wait3A_420 = tpu.memref_slice %arg8[%dma_wait3A_412, %dma_wait3A_419] : memref<2x80xi32, #tpu.memory_space<vmem>> -> memref<1x80xi32, #tpu.memory_space<vmem>>
    %dma_wait3A_421 = tpu.memref_squeeze %dma_wait3A_420 : memref<1x80xi32, #tpu.memory_space<vmem>> -> memref<80xi32, #tpu.memory_space<vmem>>
    %dma_wait3A_422 = arith.constant 0 : i32
    %dma_wait3A_423 = arith.constant 0 : i32
    %dma_wait3A_424 = tpu.memref_slice %arg6[%dma_wait3A_422, %dma_wait3A_423] : memref<10240x128xf32, #tpu.memory_space<vmem_shared>> -> memref<10240x128xf32, #tpu.memory_space<vmem_shared>>
    %dma_wait3A_425 = tpu.memref_slice %arg11[%dma_wait3A_414] : memref<2x!tpu.dma_semaphore, #tpu.memory_space<semaphore_mem>> -> memref<1x!tpu.dma_semaphore, #tpu.memory_space<semaphore_mem>>
    %dma_wait3A_426 = tpu.memref_squeeze %dma_wait3A_425 : memref<1x!tpu.dma_semaphore, #tpu.memory_space<semaphore_mem>> -> memref<!tpu.dma_semaphore, #tpu.memory_space<semaphore_mem>>
    tpu.wait_indirect_dma semaphore(%dma_wait3A_426 : memref<!tpu.dma_semaphore, #tpu.memory_space<semaphore_mem>>) src(%dma_wait3A_424 : memref<10240x128xf32, #tpu.memory_space<vmem_shared>>) dst(%dma_wait3A_418 : memref<80x128xf32, #tpu.memory_space<vmem>>)
    %scan3A_427 = arith.constant 0 : i32
    %scan3A_428 = arith.constant 0 : i32
    %scan3A_429 = arith.constant 80 : i32
    %scan3A_430 = arith.addi %scan3A_428, %scan3A_429 : i32
    %scan3A_431 = arith.constant 1 : i32
    %scan3A_432 = scf.for %scan3A_490 = %scan3A_428 to %scan3A_430 step %scan3A_431 iter_args(%scan3A_491 = %scan3A_427) -> (i32)  : i32 {
      %get3A = arith.constant 0 : i32
      %get3A_492 = arith.index_cast %get3A : i32 to index
      %get3A_493 = arith.index_cast %scan3A_490 : i32 to index
      %get3A_494 = arith.constant 0 : index
      %get3A_495 = tpu.vector_load %arg9[%get3A_492, %get3A_493, %get3A_494] {strides = array<i32>} : memref<2x80x128xf32, #tpu.memory_space<vmem>>, vector<16xf32>,
      %get3A_496 = arith.constant 0 : i32
      %get3A_497 = arith.index_cast %get3A_496 : i32 to index
      %get3A_498 = arith.index_cast %scan3A_490 : i32 to index
      %get3A_499 = arith.constant 0 : index
      %get3A_500 = tpu.vector_load %arg10[%get3A_497, %get3A_498, %get3A_499] {strides = array<i32>} : memref<2x80x128xf32, #tpu.memory_space<vmem>>, vector<16xf32>,
      %mul3A_501 = arith.mulf %get3A_495, %get3A_500 : vector<16xf32>
      %add3A_502 = arith.constant 1.000000e+00 : f32
      %add3A_503 = vector.broadcast %add3A_502 : f32 to vector<16xf32>
      %add3A_504 = arith.addf %add3A_503, %mul3A_501 : vector<16xf32>
      %div3A = arith.constant 1.000000e+00 : f32
      %div3A_505 = vector.broadcast %div3A : f32 to vector<16xf32>
      %div3A_506 = arith.divf %div3A_505, %add3A_504 : vector<16xf32>
      %swap3A = arith.constant 0 : i32
      %swap3A_507 = arith.index_cast %swap3A : i32 to index
      %swap3A_508 = arith.index_cast %scan3A_490 : i32 to index
      %swap3A_509 = arith.constant 0 : index
      %swap3A_510 = tpu.vector_load %arg9[%swap3A_507, %swap3A_508, %swap3A_509] {strides = array<i32>} : memref<2x80x128xf32, #tpu.memory_space<vmem>>, vector<16xf32>,
      tpu.vector_store %arg9[%swap3A_507, %swap3A_508, %swap3A_509], %div3A_506 {strides = array<i32>} : memref<2x80x128xf32, #tpu.memory_space<vmem>>, vector<16xf32>,
      %get3A_511 = arith.constant 0 : i32
      %get3A_512 = arith.index_cast %get3A_511 : i32 to index
      %get3A_513 = arith.index_cast %scan3A_490 : i32 to index
      %get3A_514 = arith.constant 16 : index
      %get3A_515 = tpu.vector_load %arg9[%get3A_512, %get3A_513, %get3A_514] {strides = array<i32>} : memref<2x80x128xf32, #tpu.memory_space<vmem>>, vector<16xf32>,
      %get3A_516 = arith.constant 0 : i32
      %get3A_517 = arith.index_cast %get3A_516 : i32 to index
      %get3A_518 = arith.index_cast %scan3A_490 : i32 to index
      %get3A_519 = arith.constant 16 : index
      %get3A_520 = tpu.vector_load %arg10[%get3A_517, %get3A_518, %get3A_519] {strides = array<i32>} : memref<2x80x128xf32, #tpu.memory_space<vmem>>, vector<16xf32>,
      %mul3A_521 = arith.mulf %get3A_515, %get3A_520 : vector<16xf32>
      %add3A_522 = arith.constant 1.000000e+00 : f32
      %add3A_523 = vector.broadcast %add3A_522 : f32 to vector<16xf32>
      %add3A_524 = arith.addf %add3A_523, %mul3A_521 : vector<16xf32>
      %div3A_525 = arith.constant 1.000000e+00 : f32
      %div3A_526 = vector.broadcast %div3A_525 : f32 to vector<16xf32>
      %div3A_527 = arith.divf %div3A_526, %add3A_524 : vector<16xf32>
      %swap3A_528 = arith.constant 0 : i32
      %swap3A_529 = arith.index_cast %swap3A_528 : i32 to index
      %swap3A_530 = arith.index_cast %scan3A_490 : i32 to index
      %swap3A_531 = arith.constant 16 : index
      %swap3A_532 = tpu.vector_load %arg9[%swap3A_529, %swap3A_530, %swap3A_531] {strides = array<i32>} : memref<2x80x128xf32, #tpu.memory_space<vmem>>, vector<16xf32>,
      tpu.vector_store %arg9[%swap3A_529, %swap3A_530, %swap3A_531], %div3A_527 {strides = array<i32>} : memref<2x80x128xf32, #tpu.memory_space<vmem>>, vector<16xf32>,
      %get3A_533 = arith.constant 0 : i32
      %get3A_534 = arith.index_cast %get3A_533 : i32 to index
      %get3A_535 = arith.index_cast %scan3A_490 : i32 to index
      %get3A_536 = arith.constant 32 : index
      %get3A_537 = tpu.vector_load %arg9[%get3A_534, %get3A_535, %get3A_536] {strides = array<i32>} : memref<2x80x128xf32, #tpu.memory_space<vmem>>, vector<16xf32>,
      %get3A_538 = arith.constant 0 : i32
      %get3A_539 = arith.index_cast %get3A_538 : i32 to index
      %get3A_540 = arith.index_cast %scan3A_490 : i32 to index
      %get3A_541 = arith.constant 32 : index
      %get3A_542 = tpu.vector_load %arg10[%get3A_539, %get3A_540, %get3A_541] {strides = array<i32>} : memref<2x80x128xf32, #tpu.memory_space<vmem>>, vector<16xf32>,
      %mul3A_543 = arith.mulf %get3A_537, %get3A_542 : vector<16xf32>
      %add3A_544 = arith.constant 1.000000e+00 : f32
      %add3A_545 = vector.broadcast %add3A_544 : f32 to vector<16xf32>
      %add3A_546 = arith.addf %add3A_545, %mul3A_543 : vector<16xf32>
      %div3A_547 = arith.constant 1.000000e+00 : f32
      %div3A_548 = vector.broadcast %div3A_547 : f32 to vector<16xf32>
      %div3A_549 = arith.divf %div3A_548, %add3A_546 : vector<16xf32>
      %swap3A_550 = arith.constant 0 : i32
      %swap3A_551 = arith.index_cast %swap3A_550 : i32 to index
      %swap3A_552 = arith.index_cast %scan3A_490 : i32 to index
      %swap3A_553 = arith.constant 32 : index
      %swap3A_554 = tpu.vector_load %arg9[%swap3A_551, %swap3A_552, %swap3A_553] {strides = array<i32>} : memref<2x80x128xf32, #tpu.memory_space<vmem>>, vector<16xf32>,
      tpu.vector_store %arg9[%swap3A_551, %swap3A_552, %swap3A_553], %div3A_549 {strides = array<i32>} : memref<2x80x128xf32, #tpu.memory_space<vmem>>, vector<16xf32>,
      %get3A_555 = arith.constant 0 : i32
      %get3A_556 = arith.index_cast %get3A_555 : i32 to index
      %get3A_557 = arith.index_cast %scan3A_490 : i32 to index
      %get3A_558 = arith.constant 48 : index
      %get3A_559 = tpu.vector_load %arg9[%get3A_556, %get3A_557, %get3A_558] {strides = array<i32>} : memref<2x80x128xf32, #tpu.memory_space<vmem>>, vector<16xf32>,
      %get3A_560 = arith.constant 0 : i32
      %get3A_561 = arith.index_cast %get3A_560 : i32 to index
      %get3A_562 = arith.index_cast %scan3A_490 : i32 to index
      %get3A_563 = arith.constant 48 : index
      %get3A_564 = tpu.vector_load %arg10[%get3A_561, %get3A_562, %get3A_563] {strides = array<i32>} : memref<2x80x128xf32, #tpu.memory_space<vmem>>, vector<16xf32>,
      %mul3A_565 = arith.mulf %get3A_559, %get3A_564 : vector<16xf32>
      %add3A_566 = arith.constant 1.000000e+00 : f32
      %add3A_567 = vector.broadcast %add3A_566 : f32 to vector<16xf32>
      %add3A_568 = arith.addf %add3A_567, %mul3A_565 : vector<16xf32>
      %div3A_569 = arith.constant 1.000000e+00 : f32
      %div3A_570 = vector.broadcast %div3A_569 : f32 to vector<16xf32>
      %div3A_571 = arith.divf %div3A_570, %add3A_568 : vector<16xf32>
      %swap3A_572 = arith.constant 0 : i32
      %swap3A_573 = arith.index_cast %swap3A_572 : i32 to index
      %swap3A_574 = arith.index_cast %scan3A_490 : i32 to index
      %swap3A_575 = arith.constant 48 : index
      %swap3A_576 = tpu.vector_load %arg9[%swap3A_573, %swap3A_574, %swap3A_575] {strides = array<i32>} : memref<2x80x128xf32, #tpu.memory_space<vmem>>, vector<16xf32>,
      tpu.vector_store %arg9[%swap3A_573, %swap3A_574, %swap3A_575], %div3A_571 {strides = array<i32>} : memref<2x80x128xf32, #tpu.memory_space<vmem>>, vector<16xf32>,
      %get3A_577 = arith.constant 0 : i32
      %get3A_578 = arith.index_cast %get3A_577 : i32 to index
      %get3A_579 = arith.index_cast %scan3A_490 : i32 to index
      %get3A_580 = arith.constant 64 : index
      %get3A_581 = tpu.vector_load %arg9[%get3A_578, %get3A_579, %get3A_580] {strides = array<i32>} : memref<2x80x128xf32, #tpu.memory_space<vmem>>, vector<16xf32>,
      %get3A_582 = arith.constant 0 : i32
      %get3A_583 = arith.index_cast %get3A_582 : i32 to index
      %get3A_584 = arith.index_cast %scan3A_490 : i32 to index
      %get3A_585 = arith.constant 64 : index
      %get3A_586 = tpu.vector_load %arg10[%get3A_583, %get3A_584, %get3A_585] {strides = array<i32>} : memref<2x80x128xf32, #tpu.memory_space<vmem>>, vector<16xf32>,
      %mul3A_587 = arith.mulf %get3A_581, %get3A_586 : vector<16xf32>
      %add3A_588 = arith.constant 1.000000e+00 : f32
      %add3A_589 = vector.broadcast %add3A_588 : f32 to vector<16xf32>
      %add3A_590 = arith.addf %add3A_589, %mul3A_587 : vector<16xf32>
      %div3A_591 = arith.constant 1.000000e+00 : f32
      %div3A_592 = vector.broadcast %div3A_591 : f32 to vector<16xf32>
      %div3A_593 = arith.divf %div3A_592, %add3A_590 : vector<16xf32>
      %swap3A_594 = arith.constant 0 : i32
      %swap3A_595 = arith.index_cast %swap3A_594 : i32 to index
      %swap3A_596 = arith.index_cast %scan3A_490 : i32 to index
      %swap3A_597 = arith.constant 64 : index
      %swap3A_598 = tpu.vector_load %arg9[%swap3A_595, %swap3A_596, %swap3A_597] {strides = array<i32>} : memref<2x80x128xf32, #tpu.memory_space<vmem>>, vector<16xf32>,
      tpu.vector_store %arg9[%swap3A_595, %swap3A_596, %swap3A_597], %div3A_593 {strides = array<i32>} : memref<2x80x128xf32, #tpu.memory_space<vmem>>, vector<16xf32>,
      %get3A_599 = arith.constant 0 : i32
      %get3A_600 = arith.index_cast %get3A_599 : i32 to index
      %get3A_601 = arith.index_cast %scan3A_490 : i32 to index
      %get3A_602 = arith.constant 80 : index
      %get3A_603 = tpu.vector_load %arg9[%get3A_600, %get3A_601, %get3A_602] {strides = array<i32>} : memref<2x80x128xf32, #tpu.memory_space<vmem>>, vector<16xf32>,
      %get3A_604 = arith.constant 0 : i32
      %get3A_605 = arith.index_cast %get3A_604 : i32 to index
      %get3A_606 = arith.index_cast %scan3A_490 : i32 to index
      %get3A_607 = arith.constant 80 : index
      %get3A_608 = tpu.vector_load %arg10[%get3A_605, %get3A_606, %get3A_607] {strides = array<i32>} : memref<2x80x128xf32, #tpu.memory_space<vmem>>, vector<16xf32>,
      %mul3A_609 = arith.mulf %get3A_603, %get3A_608 : vector<16xf32>
      %add3A_610 = arith.constant 1.000000e+00 : f32
      %add3A_611 = vector.broadcast %add3A_610 : f32 to vector<16xf32>
      %add3A_612 = arith.addf %add3A_611, %mul3A_609 : vector<16xf32>
      %div3A_613 = arith.constant 1.000000e+00 : f32
      %div3A_614 = vector.broadcast %div3A_613 : f32 to vector<16xf32>
      %div3A_615 = arith.divf %div3A_614, %add3A_612 : vector<16xf32>
      %swap3A_616 = arith.constant 0 : i32
      %swap3A_617 = arith.index_cast %swap3A_616 : i32 to index
      %swap3A_618 = arith.index_cast %scan3A_490 : i32 to index
      %swap3A_619 = arith.constant 80 : index
      %swap3A_620 = tpu.vector_load %arg9[%swap3A_617, %swap3A_618, %swap3A_619] {strides = array<i32>} : memref<2x80x128xf32, #tpu.memory_space<vmem>>, vector<16xf32>,
      tpu.vector_store %arg9[%swap3A_617, %swap3A_618, %swap3A_619], %div3A_615 {strides = array<i32>} : memref<2x80x128xf32, #tpu.memory_space<vmem>>, vector<16xf32>,
      %get3A_621 = arith.constant 0 : i32
      %get3A_622 = arith.index_cast %get3A_621 : i32 to index
      %get3A_623 = arith.index_cast %scan3A_490 : i32 to index
      %get3A_624 = arith.constant 96 : index
      %get3A_625 = tpu.vector_load %arg9[%get3A_622, %get3A_623, %get3A_624] {strides = array<i32>} : memref<2x80x128xf32, #tpu.memory_space<vmem>>, vector<16xf32>,
      %get3A_626 = arith.constant 0 : i32
      %get3A_627 = arith.index_cast %get3A_626 : i32 to index
      %get3A_628 = arith.index_cast %scan3A_490 : i32 to index
      %get3A_629 = arith.constant 96 : index
      %get3A_630 = tpu.vector_load %arg10[%get3A_627, %get3A_628, %get3A_629] {strides = array<i32>} : memref<2x80x128xf32, #tpu.memory_space<vmem>>, vector<16xf32>,
      %mul3A_631 = arith.mulf %get3A_625, %get3A_630 : vector<16xf32>
      %add3A_632 = arith.constant 1.000000e+00 : f32
      %add3A_633 = vector.broadcast %add3A_632 : f32 to vector<16xf32>
      %add3A_634 = arith.addf %add3A_633, %mul3A_631 : vector<16xf32>
      %div3A_635 = arith.constant 1.000000e+00 : f32
      %div3A_636 = vector.broadcast %div3A_635 : f32 to vector<16xf32>
      %div3A_637 = arith.divf %div3A_636, %add3A_634 : vector<16xf32>
      %swap3A_638 = arith.constant 0 : i32
      %swap3A_639 = arith.index_cast %swap3A_638 : i32 to index
      %swap3A_640 = arith.index_cast %scan3A_490 : i32 to index
      %swap3A_641 = arith.constant 96 : index
      %swap3A_642 = tpu.vector_load %arg9[%swap3A_639, %swap3A_640, %swap3A_641] {strides = array<i32>} : memref<2x80x128xf32, #tpu.memory_space<vmem>>, vector<16xf32>,
      tpu.vector_store %arg9[%swap3A_639, %swap3A_640, %swap3A_641], %div3A_637 {strides = array<i32>} : memref<2x80x128xf32, #tpu.memory_space<vmem>>, vector<16xf32>,
      %get3A_643 = arith.constant 0 : i32
      %get3A_644 = arith.index_cast %get3A_643 : i32 to index
      %get3A_645 = arith.index_cast %scan3A_490 : i32 to index
      %get3A_646 = arith.constant 112 : index
      %get3A_647 = tpu.vector_load %arg9[%get3A_644, %get3A_645, %get3A_646] {strides = array<i32>} : memref<2x80x128xf32, #tpu.memory_space<vmem>>, vector<16xf32>,
      %get3A_648 = arith.constant 0 : i32
      %get3A_649 = arith.index_cast %get3A_648 : i32 to index
      %get3A_650 = arith.index_cast %scan3A_490 : i32 to index
      %get3A_651 = arith.constant 112 : index
      %get3A_652 = tpu.vector_load %arg10[%get3A_649, %get3A_650, %get3A_651] {strides = array<i32>} : memref<2x80x128xf32, #tpu.memory_space<vmem>>, vector<16xf32>,
      %mul3A_653 = arith.mulf %get3A_647, %get3A_652 : vector<16xf32>
      %add3A_654 = arith.constant 1.000000e+00 : f32
      %add3A_655 = vector.broadcast %add3A_654 : f32 to vector<16xf32>
      %add3A_656 = arith.addf %add3A_655, %mul3A_653 : vector<16xf32>
      %div3A_657 = arith.constant 1.000000e+00 : f32
      %div3A_658 = vector.broadcast %div3A_657 : f32 to vector<16xf32>
      %div3A_659 = arith.divf %div3A_658, %add3A_656 : vector<16xf32>
      %swap3A_660 = arith.constant 0 : i32
      %swap3A_661 = arith.index_cast %swap3A_660 : i32 to index
      %swap3A_662 = arith.index_cast %scan3A_490 : i32 to index
      %swap3A_663 = arith.constant 112 : index
      %swap3A_664 = tpu.vector_load %arg9[%swap3A_661, %swap3A_662, %swap3A_663] {strides = array<i32>} : memref<2x80x128xf32, #tpu.memory_space<vmem>>, vector<16xf32>,
      tpu.vector_store %arg9[%swap3A_661, %swap3A_662, %swap3A_663], %div3A_659 {strides = array<i32>} : memref<2x80x128xf32, #tpu.memory_space<vmem>>, vector<16xf32>,
      %scan3A_665 = arith.constant 0 : i32
      scf.yield %scan3A_665 : i32
    }
    %scan3A_433 = arith.constant 80 : i32
    %mul3A_434 = arith.constant 124 : i32
    %mul3A_435 = arith.constant 80 : i32
    %mul3A_436 = arith.muli %mul3A_434, %mul3A_435 : i32
    %add3A_437 = arith.addi %mul3A_4, %mul3A_436 : i32
    %dma_start3A_438 = arith.constant 0 : i32
    %dma_start3A_439 = arith.constant 0 : i32
    %dma_start3A_440 = arith.constant 0 : i32
    %dma_start3A_441 = arith.constant 0 : i32
    %dma_start3A_442 = tpu.memref_slice %arg9[%dma_start3A_438, %dma_start3A_440, %dma_start3A_441] : memref<2x80x128xf32, #tpu.memory_space<vmem>> -> memref<1x80x128xf32, #tpu.memory_space<vmem>>
    %dma_start3A_443 = tpu.memref_squeeze %dma_start3A_442 : memref<1x80x128xf32, #tpu.memory_space<vmem>> -> memref<80x128xf32, #tpu.memory_space<vmem>>
    %dma_start3A_444 = arith.constant 0 : i32
    %dma_start3A_445 = tpu.memref_slice %arg5[%add3A_437, %dma_start3A_444] : memref<320000x128xf32, #tpu.memory_space<hbm>> -> memref<80x128xf32, #tpu.memory_space<hbm>>
    %dma_start3A_446 = tpu.memref_slice %arg13[%dma_start3A_439] : memref<2x!tpu.dma_semaphore, #tpu.memory_space<semaphore_mem>> -> memref<1x!tpu.dma_semaphore, #tpu.memory_space<semaphore_mem>>
    %dma_start3A_447 = tpu.memref_squeeze %dma_start3A_446 : memref<1x!tpu.dma_semaphore, #tpu.memory_space<semaphore_mem>> -> memref<!tpu.dma_semaphore, #tpu.memory_space<semaphore_mem>>
    %dma_start3A_448 = arith.constant 0 : i32
    %dma_start3A_449 = tpu.memref_slice %arg5[%add3A_437, %dma_start3A_448] : memref<320000x128xf32, #tpu.memory_space<hbm>> -> memref<80x128xf32, #tpu.memory_space<hbm>>
    %dma_start3A_450 = arith.constant 0 : i32
    %dma_start3A_451 = arith.constant 0 : i32
    %dma_start3A_452 = tpu.memref_slice %arg9[%dma_start3A_438, %dma_start3A_450, %dma_start3A_451] : memref<2x80x128xf32, #tpu.memory_space<vmem>> -> memref<1x80x128xf32, #tpu.memory_space<vmem>>
    %dma_start3A_453 = tpu.memref_squeeze %dma_start3A_452 : memref<1x80x128xf32, #tpu.memory_space<vmem>> -> memref<80x128xf32, #tpu.memory_space<vmem>>
    tpu.enqueue_dma source(%dma_start3A_453 : memref<80x128xf32, #tpu.memory_space<vmem>>) target(%dma_start3A_449 : memref<80x128xf32, #tpu.memory_space<hbm>>) target_semaphore(%dma_start3A_447 : memref<!tpu.dma_semaphore, #tpu.memory_space<semaphore_mem>>)
    %dma_wait3A_454 = arith.constant 1 : i32
    %dma_wait3A_455 = arith.constant 1 : i32
    %dma_wait3A_456 = arith.constant 0 : i32
    %dma_wait3A_457 = arith.constant 0 : i32
    %dma_wait3A_458 = tpu.memref_slice %arg9[%dma_wait3A_454, %dma_wait3A_456, %dma_wait3A_457] : memref<2x80x128xf32, #tpu.memory_space<vmem>> -> memref<1x80x128xf32, #tpu.memory_space<vmem>>
    %dma_wait3A_459 = tpu.memref_squeeze %dma_wait3A_458 : memref<1x80x128xf32, #tpu.memory_space<vmem>> -> memref<80x128xf32, #tpu.memory_space<vmem>>
    %dma_wait3A_460 = arith.constant 0 : i32
    %dma_wait3A_461 = arith.constant 0 : i32
    %dma_wait3A_462 = tpu.memref_slice %arg5[%dma_wait3A_460, %dma_wait3A_461] : memref<320000x128xf32, #tpu.memory_space<hbm>> -> memref<80x128xf32, #tpu.memory_space<hbm>>
    %dma_wait3A_463 = tpu.memref_slice %arg13[%dma_wait3A_455] : memref<2x!tpu.dma_semaphore, #tpu.memory_space<semaphore_mem>> -> memref<1x!tpu.dma_semaphore, #tpu.memory_space<semaphore_mem>>
    %dma_wait3A_464 = tpu.memref_squeeze %dma_wait3A_463 : memref<1x!tpu.dma_semaphore, #tpu.memory_space<semaphore_mem>> -> memref<!tpu.dma_semaphore, #tpu.memory_space<semaphore_mem>>
    %dma_wait3A_465 = arith.constant 0 : i32
    %dma_wait3A_466 = arith.constant 0 : i32
    %dma_wait3A_467 = tpu.memref_slice %arg5[%dma_wait3A_465, %dma_wait3A_466] : memref<320000x128xf32, #tpu.memory_space<hbm>> -> memref<80x128xf32, #tpu.memory_space<hbm>>
    %dma_wait3A_468 = arith.constant 0 : i32
    %dma_wait3A_469 = arith.constant 0 : i32
    %dma_wait3A_470 = tpu.memref_slice %arg9[%dma_wait3A_454, %dma_wait3A_468, %dma_wait3A_469] : memref<2x80x128xf32, #tpu.memory_space<vmem>> -> memref<1x80x128xf32, #tpu.memory_space<vmem>>
    %dma_wait3A_471 = tpu.memref_squeeze %dma_wait3A_470 : memref<1x80x128xf32, #tpu.memory_space<vmem>> -> memref<80x128xf32, #tpu.memory_space<vmem>>
    tpu.wait_dma2 semaphore(%dma_wait3A_464 : memref<!tpu.dma_semaphore, #tpu.memory_space<semaphore_mem>>) src(%dma_wait3A_471 : memref<80x128xf32, #tpu.memory_space<vmem>>) dst(%dma_wait3A_467 : memref<80x128xf32, #tpu.memory_space<hbm>>)
    %dma_wait3A_472 = arith.constant 0 : i32
    %dma_wait3A_473 = arith.constant 0 : i32
    %dma_wait3A_474 = arith.constant 0 : i32
    %dma_wait3A_475 = arith.constant 0 : i32
    %dma_wait3A_476 = tpu.memref_slice %arg9[%dma_wait3A_472, %dma_wait3A_474, %dma_wait3A_475] : memref<2x80x128xf32, #tpu.memory_space<vmem>> -> memref<1x80x128xf32, #tpu.memory_space<vmem>>
    %dma_wait3A_477 = tpu.memref_squeeze %dma_wait3A_476 : memref<1x80x128xf32, #tpu.memory_space<vmem>> -> memref<80x128xf32, #tpu.memory_space<vmem>>
    %dma_wait3A_478 = arith.constant 0 : i32
    %dma_wait3A_479 = arith.constant 0 : i32
    %dma_wait3A_480 = tpu.memref_slice %arg5[%dma_wait3A_478, %dma_wait3A_479] : memref<320000x128xf32, #tpu.memory_space<hbm>> -> memref<80x128xf32, #tpu.memory_space<hbm>>
    %dma_wait3A_481 = tpu.memref_slice %arg13[%dma_wait3A_473] : memref<2x!tpu.dma_semaphore, #tpu.memory_space<semaphore_mem>> -> memref<1x!tpu.dma_semaphore, #tpu.memory_space<semaphore_mem>>
    %dma_wait3A_482 = tpu.memref_squeeze %dma_wait3A_481 : memref<1x!tpu.dma_semaphore, #tpu.memory_space<semaphore_mem>> -> memref<!tpu.dma_semaphore, #tpu.memory_space<semaphore_mem>>
    %dma_wait3A_483 = arith.constant 0 : i32
    %dma_wait3A_484 = arith.constant 0 : i32
    %dma_wait3A_485 = tpu.memref_slice %arg5[%dma_wait3A_483, %dma_wait3A_484] : memref<320000x128xf32, #tpu.memory_space<hbm>> -> memref<80x128xf32, #tpu.memory_space<hbm>>
    %dma_wait3A_486 = arith.constant 0 : i32
    %dma_wait3A_487 = arith.constant 0 : i32
    %dma_wait3A_488 = tpu.memref_slice %arg9[%dma_wait3A_472, %dma_wait3A_486, %dma_wait3A_487] : memref<2x80x128xf32, #tpu.memory_space<vmem>> -> memref<1x80x128xf32, #tpu.memory_space<vmem>>
    %dma_wait3A_489 = tpu.memref_squeeze %dma_wait3A_488 : memref<1x80x128xf32, #tpu.memory_space<vmem>> -> memref<80x128xf32, #tpu.memory_space<vmem>>
    tpu.wait_dma2 semaphore(%dma_wait3A_482 : memref<!tpu.dma_semaphore, #tpu.memory_space<semaphore_mem>>) src(%dma_wait3A_489 : memref<80x128xf32, #tpu.memory_space<vmem>>) dst(%dma_wait3A_485 : memref<80x128xf32, #tpu.memory_space<hbm>>)
    return
  }
}

#map = affine_map<(d0, d1) -> (0, 0)>
#map1 = affine_map<(d0, d1) -> (0)>
module attributes {stable_mosaic.version = 14 : i64} {
  func.func @_sc_scatter(%arg0: i32, %arg1: i32, %arg2: memref<320000x128xf32, #tpu.memory_space<hbm>>, %arg3: memref<320000xi32, #tpu.memory_space<hbm>>, %arg4: memref<320000xi32, #tpu.memory_space<hbm>>, %arg5: memref<20480x128xf32, #tpu.memory_space<hbm>>, %arg6: memref<2560x128xf32, #tpu.memory_space<hbm>>, %arg7: memref<10240x128xf32, #tpu.memory_space<vmem_shared>>, %arg8: memref<240x128xf32, #tpu.memory_space<vmem>>, %arg9: memref<80x128xf32, #tpu.memory_space<vmem>>, %arg10: memref<240xi32, #tpu.memory_space<vmem>>, %arg11: memref<240xi32, #tpu.memory_space<vmem>>, %arg12: memref<3x!tpu.dma_semaphore, #tpu.memory_space<semaphore_mem>>, %arg13: memref<2x!tpu.dma_semaphore, #tpu.memory_space<semaphore_mem>>) attributes {dimension_semantics = [#tpu.dimension_semantics<core_parallel>, #tpu.dimension_semantics<subcore_parallel>], iteration_bounds = array<i64: 2, 16>, scalar_prefetch = 0 : i64, scratch_operands = 7 : i64, tpu.core_type = #tpu.core_type<sc_vector_subcore>, window_params = [{transform_indices = #map}, {transform_indices = #map1}, {transform_indices = #map1}, {transform_indices = #map}, {transform_indices = #map}]} {
    %mul3A = arith.constant 16 : i32
    %mul3A_0 = arith.muli %arg0, %mul3A : i32
    %add3A = arith.addi %mul3A_0, %arg1 : i32
    %mul3A_1 = arith.constant 640 : i32
    %mul3A_2 = arith.muli %arg1, %mul3A_1 : i32
    %broadcast_in_dim3A = arith.constant 0.000000e+00 : f32
    %broadcast_in_dim3A_3 = vector.broadcast %broadcast_in_dim3A : f32 to vector<16xf32>
    %scan3A = arith.constant 0 : i32
    %scan3A_4 = arith.constant 0 : i32
    %scan3A_5 = arith.constant 640 : i32
    %scan3A_6 = arith.addi %scan3A_4, %scan3A_5 : i32
    %scan3A_7 = arith.constant 1 : i32
    %scan3A_8 = scf.for %scan3A_153 = %scan3A_4 to %scan3A_6 step %scan3A_7 iter_args(%scan3A_154 = %scan3A) -> (i32)  : i32 {
      %jit3A = arith.constant 8 : i32
      %div3A = arith.divsi %scan3A_153, %jit3A : i32
      %sign3A = arith.constant 0 : i32
      %sign3A_155 = arith.cmpi sgt, %scan3A_153, %sign3A : i32
      %sign3A_156 = arith.extui %sign3A_155 : i1 to i32
      %sign3A_157 = arith.constant 0 : i32
      %sign3A_158 = arith.cmpi slt, %scan3A_153, %sign3A_157 : i32
      %sign3A_159 = arith.extui %sign3A_158 : i1 to i32
      %sign3A_160 = arith.subi %sign3A_156, %sign3A_159 : i32
      %sign3A_161 = arith.constant 0 : i32
      %sign3A_162 = arith.cmpi sgt, %jit3A, %sign3A_161 : i32
      %sign3A_163 = arith.extui %sign3A_162 : i1 to i32
      %sign3A_164 = arith.constant 0 : i32
      %sign3A_165 = arith.cmpi slt, %jit3A, %sign3A_164 : i32
      %sign3A_166 = arith.extui %sign3A_165 : i1 to i32
      %sign3A_167 = arith.subi %sign3A_163, %sign3A_166 : i32
      %ne3A = arith.cmpi ne, %sign3A_160, %sign3A_167 : i32
      %rem3A = arith.remsi %scan3A_153, %jit3A : i32
      %ne3A_168 = arith.constant 0 : i32
      %ne3A_169 = arith.cmpi ne, %rem3A, %ne3A_168 : i32
      %and3A = arith.andi %ne3A, %ne3A_169 : i1
      %sub3A = arith.constant 1 : i32
      %sub3A_170 = arith.subi %div3A, %sub3A : i32
      %select_n3A = arith.select %and3A, %sub3A_170, %div3A : i32
      %jit3A_171 = arith.constant 8 : i32
      %eq3A = arith.constant 0 : i32
      %eq3A_172 = arith.cmpi eq, %jit3A_171, %eq3A : i32
      %jit3A_173 = arith.constant 1 : i32
      %select_n3A_174 = arith.select %eq3A_172, %jit3A_173, %jit3A_171 : i32
      %rem3A_175 = arith.remsi %scan3A_153, %select_n3A_174 : i32
      %ne3A_176 = arith.constant 0 : i32
      %ne3A_177 = arith.cmpi ne, %rem3A_175, %ne3A_176 : i32
      %lt3A = arith.constant 0 : i32
      %lt3A_178 = arith.cmpi slt, %rem3A_175, %lt3A : i32
      %lt3A_179 = arith.constant 0 : i32
      %lt3A_180 = arith.cmpi slt, %select_n3A_174, %lt3A_179 : i32
      %ne3A_181 = arith.xori %lt3A_178, %lt3A_180 : i1
      %and3A_182 = arith.andi %ne3A_181, %ne3A_177 : i1
      %add3A_183 = arith.addi %rem3A_175, %select_n3A_174 : i32
      %select_n3A_184 = arith.select %and3A_182, %add3A_183, %rem3A_175 : i32
      %mul3A_185 = arith.constant 16 : i32
      %mul3A_186 = arith.muli %select_n3A_184, %mul3A_185 : i32
      %swap3A = arith.index_cast %select_n3A : i32 to index
      %swap3A_187 = arith.index_cast %mul3A_186 : i32 to index
      %swap3A_188 = tpu.vector_load %arg9[%swap3A, %swap3A_187] {strides = array<i32>} : memref<80x128xf32, #tpu.memory_space<vmem>>, vector<16xf32>,
      tpu.vector_store %arg9[%swap3A, %swap3A_187], %broadcast_in_dim3A_3 {strides = array<i32>} : memref<80x128xf32, #tpu.memory_space<vmem>>, vector<16xf32>,
      %scan3A_189 = arith.constant 0 : i32
      scf.yield %scan3A_189 : i32
    }
    %scan3A_9 = arith.constant 640 : i32
    %broadcast_in_dim3A_10 = arith.constant 0.000000e+00 : f32
    %broadcast_in_dim3A_11 = vector.broadcast %broadcast_in_dim3A_10 : f32 to vector<16xf32>
    %scan3A_12 = arith.constant 0 : i32
    %scan3A_13 = arith.constant 0 : i32
    %scan3A_14 = arith.constant 1920 : i32
    %scan3A_15 = arith.addi %scan3A_13, %scan3A_14 : i32
    %scan3A_16 = arith.constant 1 : i32
    %scan3A_17 = scf.for %scan3A_153 = %scan3A_13 to %scan3A_15 step %scan3A_16 iter_args(%scan3A_154 = %scan3A_12) -> (i32)  : i32 {
      %jit3A = arith.constant 8 : i32
      %div3A = arith.divsi %scan3A_153, %jit3A : i32
      %sign3A = arith.constant 0 : i32
      %sign3A_155 = arith.cmpi sgt, %scan3A_153, %sign3A : i32
      %sign3A_156 = arith.extui %sign3A_155 : i1 to i32
      %sign3A_157 = arith.constant 0 : i32
      %sign3A_158 = arith.cmpi slt, %scan3A_153, %sign3A_157 : i32
      %sign3A_159 = arith.extui %sign3A_158 : i1 to i32
      %sign3A_160 = arith.subi %sign3A_156, %sign3A_159 : i32
      %sign3A_161 = arith.constant 0 : i32
      %sign3A_162 = arith.cmpi sgt, %jit3A, %sign3A_161 : i32
      %sign3A_163 = arith.extui %sign3A_162 : i1 to i32
      %sign3A_164 = arith.constant 0 : i32
      %sign3A_165 = arith.cmpi slt, %jit3A, %sign3A_164 : i32
      %sign3A_166 = arith.extui %sign3A_165 : i1 to i32
      %sign3A_167 = arith.subi %sign3A_163, %sign3A_166 : i32
      %ne3A = arith.cmpi ne, %sign3A_160, %sign3A_167 : i32
      %rem3A = arith.remsi %scan3A_153, %jit3A : i32
      %ne3A_168 = arith.constant 0 : i32
      %ne3A_169 = arith.cmpi ne, %rem3A, %ne3A_168 : i32
      %and3A = arith.andi %ne3A, %ne3A_169 : i1
      %sub3A = arith.constant 1 : i32
      %sub3A_170 = arith.subi %div3A, %sub3A : i32
      %select_n3A = arith.select %and3A, %sub3A_170, %div3A : i32
      %jit3A_171 = arith.constant 8 : i32
      %eq3A = arith.constant 0 : i32
      %eq3A_172 = arith.cmpi eq, %jit3A_171, %eq3A : i32
      %jit3A_173 = arith.constant 1 : i32
      %select_n3A_174 = arith.select %eq3A_172, %jit3A_173, %jit3A_171 : i32
      %rem3A_175 = arith.remsi %scan3A_153, %select_n3A_174 : i32
      %ne3A_176 = arith.constant 0 : i32
      %ne3A_177 = arith.cmpi ne, %rem3A_175, %ne3A_176 : i32
      %lt3A = arith.constant 0 : i32
      %lt3A_178 = arith.cmpi slt, %rem3A_175, %lt3A : i32
      %lt3A_179 = arith.constant 0 : i32
      %lt3A_180 = arith.cmpi slt, %select_n3A_174, %lt3A_179 : i32
      %ne3A_181 = arith.xori %lt3A_178, %lt3A_180 : i1
      %and3A_182 = arith.andi %ne3A_181, %ne3A_177 : i1
      %add3A_183 = arith.addi %rem3A_175, %select_n3A_174 : i32
      %select_n3A_184 = arith.select %and3A_182, %add3A_183, %rem3A_175 : i32
      %mul3A_185 = arith.constant 16 : i32
      %mul3A_186 = arith.muli %select_n3A_184, %mul3A_185 : i32
      %swap3A = arith.index_cast %select_n3A : i32 to index
      %swap3A_187 = arith.index_cast %mul3A_186 : i32 to index
      %swap3A_188 = tpu.vector_load %arg8[%swap3A, %swap3A_187] {strides = array<i32>} : memref<240x128xf32, #tpu.memory_space<vmem>>, vector<16xf32>,
      tpu.vector_store %arg8[%swap3A, %swap3A_187], %broadcast_in_dim3A_11 {strides = array<i32>} : memref<240x128xf32, #tpu.memory_space<vmem>>, vector<16xf32>,
      %scan3A_189 = arith.constant 0 : i32
      scf.yield %scan3A_189 : i32
    }
    %scan3A_18 = arith.constant 1920 : i32
    "tpu.region"() ({
      %run_scoped3A = tpu.sem_alloc : memref<!tpu.dma_semaphore, #tpu.memory_space<semaphore_mem>>
      %dma_start3A_153 = arith.constant 0 : i32
      %dma_start3A_154 = tpu.memref_slice %arg7[%mul3A_2, %dma_start3A_153] : memref<10240x128xf32, #tpu.memory_space<vmem_shared>> -> memref<240x128xf32, #tpu.memory_space<vmem_shared>>
      %dma_start3A_155 = arith.constant 0 : i32
      %dma_start3A_156 = tpu.memref_slice %arg7[%mul3A_2, %dma_start3A_155] : memref<10240x128xf32, #tpu.memory_space<vmem_shared>> -> memref<240x128xf32, #tpu.memory_space<vmem_shared>>
      tpu.enqueue_dma source(%arg8 : memref<240x128xf32, #tpu.memory_space<vmem>>) target(%dma_start3A_156 : memref<240x128xf32, #tpu.memory_space<vmem_shared>>) target_semaphore(%run_scoped3A : memref<!tpu.dma_semaphore, #tpu.memory_space<semaphore_mem>>)
      %dma_wait3A_157 = arith.constant 0 : i32
      %dma_wait3A_158 = tpu.memref_slice %arg7[%mul3A_2, %dma_wait3A_157] : memref<10240x128xf32, #tpu.memory_space<vmem_shared>> -> memref<240x128xf32, #tpu.memory_space<vmem_shared>>
      %dma_wait3A_159 = arith.constant 0 : i32
      %dma_wait3A_160 = tpu.memref_slice %arg7[%mul3A_2, %dma_wait3A_159] : memref<10240x128xf32, #tpu.memory_space<vmem_shared>> -> memref<240x128xf32, #tpu.memory_space<vmem_shared>>
      tpu.wait_dma2 semaphore(%run_scoped3A : memref<!tpu.dma_semaphore, #tpu.memory_space<semaphore_mem>>) src(%arg8 : memref<240x128xf32, #tpu.memory_space<vmem>>) dst(%dma_wait3A_160 : memref<240x128xf32, #tpu.memory_space<vmem_shared>>)
      tpu.yield
    }) : () -> ()
    %add3A_19 = arith.constant 240 : i32
    %add3A_20 = arith.addi %mul3A_2, %add3A_19 : i32
    "tpu.region"() ({
      %run_scoped3A = tpu.sem_alloc : memref<!tpu.dma_semaphore, #tpu.memory_space<semaphore_mem>>
      %dma_start3A_153 = arith.constant 0 : i32
      %dma_start3A_154 = tpu.memref_slice %arg7[%add3A_20, %dma_start3A_153] : memref<10240x128xf32, #tpu.memory_space<vmem_shared>> -> memref<240x128xf32, #tpu.memory_space<vmem_shared>>
      %dma_start3A_155 = arith.constant 0 : i32
      %dma_start3A_156 = tpu.memref_slice %arg7[%add3A_20, %dma_start3A_155] : memref<10240x128xf32, #tpu.memory_space<vmem_shared>> -> memref<240x128xf32, #tpu.memory_space<vmem_shared>>
      tpu.enqueue_dma source(%arg8 : memref<240x128xf32, #tpu.memory_space<vmem>>) target(%dma_start3A_156 : memref<240x128xf32, #tpu.memory_space<vmem_shared>>) target_semaphore(%run_scoped3A : memref<!tpu.dma_semaphore, #tpu.memory_space<semaphore_mem>>)
      %dma_wait3A_157 = arith.constant 0 : i32
      %dma_wait3A_158 = tpu.memref_slice %arg7[%add3A_20, %dma_wait3A_157] : memref<10240x128xf32, #tpu.memory_space<vmem_shared>> -> memref<240x128xf32, #tpu.memory_space<vmem_shared>>
      %dma_wait3A_159 = arith.constant 0 : i32
      %dma_wait3A_160 = tpu.memref_slice %arg7[%add3A_20, %dma_wait3A_159] : memref<10240x128xf32, #tpu.memory_space<vmem_shared>> -> memref<240x128xf32, #tpu.memory_space<vmem_shared>>
      tpu.wait_dma2 semaphore(%run_scoped3A : memref<!tpu.dma_semaphore, #tpu.memory_space<semaphore_mem>>) src(%arg8 : memref<240x128xf32, #tpu.memory_space<vmem>>) dst(%dma_wait3A_160 : memref<240x128xf32, #tpu.memory_space<vmem_shared>>)
      tpu.yield
    }) : () -> ()
    %add3A_21 = arith.constant 480 : i32
    %add3A_22 = arith.addi %mul3A_2, %add3A_21 : i32
    "tpu.region"() ({
      %run_scoped3A = tpu.sem_alloc : memref<!tpu.dma_semaphore, #tpu.memory_space<semaphore_mem>>
      %dma_start3A_153 = arith.constant 0 : i32
      %dma_start3A_154 = arith.constant 0 : i32
      %dma_start3A_155 = tpu.memref_slice %arg8[%dma_start3A_153, %dma_start3A_154] : memref<240x128xf32, #tpu.memory_space<vmem>> -> memref<160x128xf32, #tpu.memory_space<vmem>>
      %dma_start3A_156 = arith.constant 0 : i32
      %dma_start3A_157 = tpu.memref_slice %arg7[%add3A_22, %dma_start3A_156] : memref<10240x128xf32, #tpu.memory_space<vmem_shared>> -> memref<160x128xf32, #tpu.memory_space<vmem_shared>>
      %dma_start3A_158 = arith.constant 0 : i32
      %dma_start3A_159 = tpu.memref_slice %arg7[%add3A_22, %dma_start3A_158] : memref<10240x128xf32, #tpu.memory_space<vmem_shared>> -> memref<160x128xf32, #tpu.memory_space<vmem_shared>>
      %dma_start3A_160 = arith.constant 0 : i32
      %dma_start3A_161 = arith.constant 0 : i32
      %dma_start3A_162 = tpu.memref_slice %arg8[%dma_start3A_160, %dma_start3A_161] : memref<240x128xf32, #tpu.memory_space<vmem>> -> memref<160x128xf32, #tpu.memory_space<vmem>>
      tpu.enqueue_dma source(%dma_start3A_162 : memref<160x128xf32, #tpu.memory_space<vmem>>) target(%dma_start3A_159 : memref<160x128xf32, #tpu.memory_space<vmem_shared>>) target_semaphore(%run_scoped3A : memref<!tpu.dma_semaphore, #tpu.memory_space<semaphore_mem>>)
      %dma_wait3A_163 = arith.constant 0 : i32
      %dma_wait3A_164 = arith.constant 0 : i32
      %dma_wait3A_165 = tpu.memref_slice %arg8[%dma_wait3A_163, %dma_wait3A_164] : memref<240x128xf32, #tpu.memory_space<vmem>> -> memref<160x128xf32, #tpu.memory_space<vmem>>
      %dma_wait3A_166 = arith.constant 0 : i32
      %dma_wait3A_167 = tpu.memref_slice %arg7[%add3A_22, %dma_wait3A_166] : memref<10240x128xf32, #tpu.memory_space<vmem_shared>> -> memref<160x128xf32, #tpu.memory_space<vmem_shared>>
      %dma_wait3A_168 = arith.constant 0 : i32
      %dma_wait3A_169 = tpu.memref_slice %arg7[%add3A_22, %dma_wait3A_168] : memref<10240x128xf32, #tpu.memory_space<vmem_shared>> -> memref<160x128xf32, #tpu.memory_space<vmem_shared>>
      %dma_wait3A_170 = arith.constant 0 : i32
      %dma_wait3A_171 = arith.constant 0 : i32
      %dma_wait3A_172 = tpu.memref_slice %arg8[%dma_wait3A_170, %dma_wait3A_171] : memref<240x128xf32, #tpu.memory_space<vmem>> -> memref<160x128xf32, #tpu.memory_space<vmem>>
      tpu.wait_dma2 semaphore(%run_scoped3A : memref<!tpu.dma_semaphore, #tpu.memory_space<semaphore_mem>>) src(%dma_wait3A_172 : memref<160x128xf32, #tpu.memory_space<vmem>>) dst(%dma_wait3A_169 : memref<160x128xf32, #tpu.memory_space<vmem_shared>>)
      tpu.yield
    }) : () -> ()
    %barrier3A = arith.constant 0 : index
    tpu.barrier barrier_id(%barrier3A)
    %broadcast_in_dim3A_23 = arith.constant 1.000000e+00 : f32
    %broadcast_in_dim3A_24 = vector.broadcast %broadcast_in_dim3A_23 : f32 to vector<16xf32>
    %scan3A_25 = arith.constant 0 : i32
    %scan3A_26 = arith.constant 0 : i32
    %scan3A_27 = arith.constant 41 : i32
    %scan3A_28 = arith.addi %scan3A_26, %scan3A_27 : i32
    %scan3A_29 = arith.constant 1 : i32
    %scan3A_30 = scf.for %scan3A_153 = %scan3A_26 to %scan3A_28 step %scan3A_29 iter_args(%scan3A_154 = %scan3A_25) -> (i32)  : i32 {
      %mul3A_155 = arith.constant 10000 : i32
      %mul3A_156 = arith.muli %add3A, %mul3A_155 : i32
      %mul3A_157 = arith.constant 240 : i32
      %mul3A_158 = arith.muli %scan3A_153, %mul3A_157 : i32
      %add3A_159 = arith.addi %mul3A_156, %mul3A_158 : i32
      %dma_start3A_160 = arith.constant 0 : i32
      %dma_start3A_161 = arith.constant 0 : i32
      %dma_start3A_162 = tpu.memref_slice %arg10[%dma_start3A_161] : memref<240xi32, #tpu.memory_space<vmem>> -> memref<240xi32, #tpu.memory_space<vmem>>
      %dma_start3A_163 = tpu.memref_slice %arg3[%add3A_159] : memref<320000xi32, #tpu.memory_space<hbm>> -> memref<240xi32, #tpu.memory_space<hbm>>
      %dma_start3A_164 = tpu.memref_slice %arg12[%dma_start3A_160] : memref<3x!tpu.dma_semaphore, #tpu.memory_space<semaphore_mem>> -> memref<1x!tpu.dma_semaphore, #tpu.memory_space<semaphore_mem>>
      %dma_start3A_165 = tpu.memref_squeeze %dma_start3A_164 : memref<1x!tpu.dma_semaphore, #tpu.memory_space<semaphore_mem>> -> memref<!tpu.dma_semaphore, #tpu.memory_space<semaphore_mem>>
      %dma_start3A_166 = arith.constant 0 : i32
      %dma_start3A_167 = tpu.memref_slice %arg10[%dma_start3A_166] : memref<240xi32, #tpu.memory_space<vmem>> -> memref<240xi32, #tpu.memory_space<vmem>>
      %dma_start3A_168 = tpu.memref_slice %arg3[%add3A_159] : memref<320000xi32, #tpu.memory_space<hbm>> -> memref<240xi32, #tpu.memory_space<hbm>>
      tpu.enqueue_dma source(%dma_start3A_168 : memref<240xi32, #tpu.memory_space<hbm>>) target(%dma_start3A_167 : memref<240xi32, #tpu.memory_space<vmem>>) target_semaphore(%dma_start3A_165 : memref<!tpu.dma_semaphore, #tpu.memory_space<semaphore_mem>>)
      %dma_start3A_169 = arith.constant 1 : i32
      %dma_start3A_170 = arith.constant 0 : i32
      %dma_start3A_171 = tpu.memref_slice %arg11[%dma_start3A_170] : memref<240xi32, #tpu.memory_space<vmem>> -> memref<240xi32, #tpu.memory_space<vmem>>
      %dma_start3A_172 = tpu.memref_slice %arg4[%add3A_159] : memref<320000xi32, #tpu.memory_space<hbm>> -> memref<240xi32, #tpu.memory_space<hbm>>
      %dma_start3A_173 = tpu.memref_slice %arg12[%dma_start3A_169] : memref<3x!tpu.dma_semaphore, #tpu.memory_space<semaphore_mem>> -> memref<1x!tpu.dma_semaphore, #tpu.memory_space<semaphore_mem>>
      %dma_start3A_174 = tpu.memref_squeeze %dma_start3A_173 : memref<1x!tpu.dma_semaphore, #tpu.memory_space<semaphore_mem>> -> memref<!tpu.dma_semaphore, #tpu.memory_space<semaphore_mem>>
      %dma_start3A_175 = arith.constant 0 : i32
      %dma_start3A_176 = tpu.memref_slice %arg11[%dma_start3A_175] : memref<240xi32, #tpu.memory_space<vmem>> -> memref<240xi32, #tpu.memory_space<vmem>>
      %dma_start3A_177 = tpu.memref_slice %arg4[%add3A_159] : memref<320000xi32, #tpu.memory_space<hbm>> -> memref<240xi32, #tpu.memory_space<hbm>>
      tpu.enqueue_dma source(%dma_start3A_177 : memref<240xi32, #tpu.memory_space<hbm>>) target(%dma_start3A_176 : memref<240xi32, #tpu.memory_space<vmem>>) target_semaphore(%dma_start3A_174 : memref<!tpu.dma_semaphore, #tpu.memory_space<semaphore_mem>>)
      %dma_start3A_178 = arith.constant 2 : i32
      %dma_start3A_179 = arith.constant 0 : i32
      %dma_start3A_180 = arith.constant 0 : i32
      %dma_start3A_181 = tpu.memref_slice %arg8[%dma_start3A_179, %dma_start3A_180] : memref<240x128xf32, #tpu.memory_space<vmem>> -> memref<240x128xf32, #tpu.memory_space<vmem>>
      %dma_start3A_182 = arith.constant 0 : i32
      %dma_start3A_183 = tpu.memref_slice %arg2[%add3A_159, %dma_start3A_182] : memref<320000x128xf32, #tpu.memory_space<hbm>> -> memref<240x128xf32, #tpu.memory_space<hbm>>
      %dma_start3A_184 = tpu.memref_slice %arg12[%dma_start3A_178] : memref<3x!tpu.dma_semaphore, #tpu.memory_space<semaphore_mem>> -> memref<1x!tpu.dma_semaphore, #tpu.memory_space<semaphore_mem>>
      %dma_start3A_185 = tpu.memref_squeeze %dma_start3A_184 : memref<1x!tpu.dma_semaphore, #tpu.memory_space<semaphore_mem>> -> memref<!tpu.dma_semaphore, #tpu.memory_space<semaphore_mem>>
      %dma_start3A_186 = arith.constant 0 : i32
      %dma_start3A_187 = arith.constant 0 : i32
      %dma_start3A_188 = tpu.memref_slice %arg8[%dma_start3A_186, %dma_start3A_187] : memref<240x128xf32, #tpu.memory_space<vmem>> -> memref<240x128xf32, #tpu.memory_space<vmem>>
      %dma_start3A_189 = arith.constant 0 : i32
      %dma_start3A_190 = tpu.memref_slice %arg2[%add3A_159, %dma_start3A_189] : memref<320000x128xf32, #tpu.memory_space<hbm>> -> memref<240x128xf32, #tpu.memory_space<hbm>>
      tpu.enqueue_dma source(%dma_start3A_190 : memref<240x128xf32, #tpu.memory_space<hbm>>) target(%dma_start3A_188 : memref<240x128xf32, #tpu.memory_space<vmem>>) target_semaphore(%dma_start3A_185 : memref<!tpu.dma_semaphore, #tpu.memory_space<semaphore_mem>>)
      %dma_wait3A_191 = arith.constant 2 : i32
      %dma_wait3A_192 = arith.constant 0 : i32
      %dma_wait3A_193 = arith.constant 0 : i32
      %dma_wait3A_194 = tpu.memref_slice %arg8[%dma_wait3A_192, %dma_wait3A_193] : memref<240x128xf32, #tpu.memory_space<vmem>> -> memref<240x128xf32, #tpu.memory_space<vmem>>
      %dma_wait3A_195 = arith.constant 0 : i32
      %dma_wait3A_196 = tpu.memref_slice %arg2[%add3A_159, %dma_wait3A_195] : memref<320000x128xf32, #tpu.memory_space<hbm>> -> memref<240x128xf32, #tpu.memory_space<hbm>>
      %dma_wait3A_197 = tpu.memref_slice %arg12[%dma_wait3A_191] : memref<3x!tpu.dma_semaphore, #tpu.memory_space<semaphore_mem>> -> memref<1x!tpu.dma_semaphore, #tpu.memory_space<semaphore_mem>>
      %dma_wait3A_198 = tpu.memref_squeeze %dma_wait3A_197 : memref<1x!tpu.dma_semaphore, #tpu.memory_space<semaphore_mem>> -> memref<!tpu.dma_semaphore, #tpu.memory_space<semaphore_mem>>
      %dma_wait3A_199 = arith.constant 0 : i32
      %dma_wait3A_200 = arith.constant 0 : i32
      %dma_wait3A_201 = tpu.memref_slice %arg8[%dma_wait3A_199, %dma_wait3A_200] : memref<240x128xf32, #tpu.memory_space<vmem>> -> memref<240x128xf32, #tpu.memory_space<vmem>>
      %dma_wait3A_202 = arith.constant 0 : i32
      %dma_wait3A_203 = tpu.memref_slice %arg2[%add3A_159, %dma_wait3A_202] : memref<320000x128xf32, #tpu.memory_space<hbm>> -> memref<240x128xf32, #tpu.memory_space<hbm>>
      tpu.wait_dma2 semaphore(%dma_wait3A_198 : memref<!tpu.dma_semaphore, #tpu.memory_space<semaphore_mem>>) src(%dma_wait3A_203 : memref<240x128xf32, #tpu.memory_space<hbm>>) dst(%dma_wait3A_201 : memref<240x128xf32, #tpu.memory_space<vmem>>)
      %dma_wait3A_204 = arith.constant 0 : i32
      %dma_wait3A_205 = arith.constant 0 : i32
      %dma_wait3A_206 = tpu.memref_slice %arg10[%dma_wait3A_205] : memref<240xi32, #tpu.memory_space<vmem>> -> memref<240xi32, #tpu.memory_space<vmem>>
      %dma_wait3A_207 = tpu.memref_slice %arg3[%add3A_159] : memref<320000xi32, #tpu.memory_space<hbm>> -> memref<240xi32, #tpu.memory_space<hbm>>
      %dma_wait3A_208 = tpu.memref_slice %arg12[%dma_wait3A_204] : memref<3x!tpu.dma_semaphore, #tpu.memory_space<semaphore_mem>> -> memref<1x!tpu.dma_semaphore, #tpu.memory_space<semaphore_mem>>
      %dma_wait3A_209 = tpu.memref_squeeze %dma_wait3A_208 : memref<1x!tpu.dma_semaphore, #tpu.memory_space<semaphore_mem>> -> memref<!tpu.dma_semaphore, #tpu.memory_space<semaphore_mem>>
      %dma_wait3A_210 = arith.constant 0 : i32
      %dma_wait3A_211 = tpu.memref_slice %arg10[%dma_wait3A_210] : memref<240xi32, #tpu.memory_space<vmem>> -> memref<240xi32, #tpu.memory_space<vmem>>
      %dma_wait3A_212 = tpu.memref_slice %arg3[%add3A_159] : memref<320000xi32, #tpu.memory_space<hbm>> -> memref<240xi32, #tpu.memory_space<hbm>>
      tpu.wait_dma2 semaphore(%dma_wait3A_209 : memref<!tpu.dma_semaphore, #tpu.memory_space<semaphore_mem>>) src(%dma_wait3A_212 : memref<240xi32, #tpu.memory_space<hbm>>) dst(%dma_wait3A_211 : memref<240xi32, #tpu.memory_space<vmem>>)
      %dma_start3A_213 = arith.constant 0 : i32
      %dma_start3A_214 = arith.constant 0 : i32
      %dma_start3A_215 = arith.constant 0 : i32
      %dma_start3A_216 = tpu.memref_slice %arg8[%dma_start3A_214, %dma_start3A_215] : memref<240x128xf32, #tpu.memory_space<vmem>> -> memref<240x128xf32, #tpu.memory_space<vmem>>
      %dma_start3A_217 = arith.constant 0 : i32
      %dma_start3A_218 = tpu.memref_slice %arg10[%dma_start3A_217] : memref<240xi32, #tpu.memory_space<vmem>> -> memref<240xi32, #tpu.memory_space<vmem>>
      %dma_start3A_219 = arith.constant 0 : i32
      %dma_start3A_220 = arith.constant 0 : i32
      %dma_start3A_221 = tpu.memref_slice %arg7[%dma_start3A_219, %dma_start3A_220] : memref<10240x128xf32, #tpu.memory_space<vmem_shared>> -> memref<10240x128xf32, #tpu.memory_space<vmem_shared>>
      %dma_start3A_222 = tpu.memref_slice %arg13[%dma_start3A_213] : memref<2x!tpu.dma_semaphore, #tpu.memory_space<semaphore_mem>> -> memref<1x!tpu.dma_semaphore, #tpu.memory_space<semaphore_mem>>
      %dma_start3A_223 = tpu.memref_squeeze %dma_start3A_222 : memref<1x!tpu.dma_semaphore, #tpu.memory_space<semaphore_mem>> -> memref<!tpu.dma_semaphore, #tpu.memory_space<semaphore_mem>>
      tpu.enqueue_indirect_dma source(%dma_start3A_216 : memref<240x128xf32, #tpu.memory_space<vmem>>) target(%dma_start3A_221 : memref<10240x128xf32, #tpu.memory_space<vmem_shared>>) offsets(%dma_start3A_218 : memref<240xi32, #tpu.memory_space<vmem>>) semaphore(%dma_start3A_223 : memref<!tpu.dma_semaphore, #tpu.memory_space<semaphore_mem>>) {add = true}
      %dma_wait3A_224 = arith.constant 1 : i32
      %dma_wait3A_225 = arith.constant 0 : i32
      %dma_wait3A_226 = tpu.memref_slice %arg11[%dma_wait3A_225] : memref<240xi32, #tpu.memory_space<vmem>> -> memref<240xi32, #tpu.memory_space<vmem>>
      %dma_wait3A_227 = tpu.memref_slice %arg4[%add3A_159] : memref<320000xi32, #tpu.memory_space<hbm>> -> memref<240xi32, #tpu.memory_space<hbm>>
      %dma_wait3A_228 = tpu.memref_slice %arg12[%dma_wait3A_224] : memref<3x!tpu.dma_semaphore, #tpu.memory_space<semaphore_mem>> -> memref<1x!tpu.dma_semaphore, #tpu.memory_space<semaphore_mem>>
      %dma_wait3A_229 = tpu.memref_squeeze %dma_wait3A_228 : memref<1x!tpu.dma_semaphore, #tpu.memory_space<semaphore_mem>> -> memref<!tpu.dma_semaphore, #tpu.memory_space<semaphore_mem>>
      %dma_wait3A_230 = arith.constant 0 : i32
      %dma_wait3A_231 = tpu.memref_slice %arg11[%dma_wait3A_230] : memref<240xi32, #tpu.memory_space<vmem>> -> memref<240xi32, #tpu.memory_space<vmem>>
      %dma_wait3A_232 = tpu.memref_slice %arg4[%add3A_159] : memref<320000xi32, #tpu.memory_space<hbm>> -> memref<240xi32, #tpu.memory_space<hbm>>
      tpu.wait_dma2 semaphore(%dma_wait3A_229 : memref<!tpu.dma_semaphore, #tpu.memory_space<semaphore_mem>>) src(%dma_wait3A_232 : memref<240xi32, #tpu.memory_space<hbm>>) dst(%dma_wait3A_231 : memref<240xi32, #tpu.memory_space<vmem>>)
      %dma_start3A_233 = arith.constant 1 : i32
      %dma_start3A_234 = arith.constant 0 : i32
      %dma_start3A_235 = arith.constant 0 : i32
      %dma_start3A_236 = tpu.memref_slice %arg8[%dma_start3A_234, %dma_start3A_235] : memref<240x128xf32, #tpu.memory_space<vmem>> -> memref<240x128xf32, #tpu.memory_space<vmem>>
      %dma_start3A_237 = arith.constant 0 : i32
      %dma_start3A_238 = tpu.memref_slice %arg11[%dma_start3A_237] : memref<240xi32, #tpu.memory_space<vmem>> -> memref<240xi32, #tpu.memory_space<vmem>>
      %dma_start3A_239 = arith.constant 0 : i32
      %dma_start3A_240 = arith.constant 0 : i32
      %dma_start3A_241 = tpu.memref_slice %arg7[%dma_start3A_239, %dma_start3A_240] : memref<10240x128xf32, #tpu.memory_space<vmem_shared>> -> memref<10240x128xf32, #tpu.memory_space<vmem_shared>>
      %dma_start3A_242 = tpu.memref_slice %arg13[%dma_start3A_233] : memref<2x!tpu.dma_semaphore, #tpu.memory_space<semaphore_mem>> -> memref<1x!tpu.dma_semaphore, #tpu.memory_space<semaphore_mem>>
      %dma_start3A_243 = tpu.memref_squeeze %dma_start3A_242 : memref<1x!tpu.dma_semaphore, #tpu.memory_space<semaphore_mem>> -> memref<!tpu.dma_semaphore, #tpu.memory_space<semaphore_mem>>
      tpu.enqueue_indirect_dma source(%dma_start3A_236 : memref<240x128xf32, #tpu.memory_space<vmem>>) target(%dma_start3A_241 : memref<10240x128xf32, #tpu.memory_space<vmem_shared>>) offsets(%dma_start3A_238 : memref<240xi32, #tpu.memory_space<vmem>>) semaphore(%dma_start3A_243 : memref<!tpu.dma_semaphore, #tpu.memory_space<semaphore_mem>>) {add = true}
      %scan3A_244 = arith.constant 0 : i32
      %scan3A_245 = arith.constant 0 : i32
      %scan3A_246 = arith.constant 15 : i32
      %scan3A_247 = arith.addi %scan3A_245, %scan3A_246 : i32
      %scan3A_248 = arith.constant 1 : i32
      %scan3A_249 = scf.for %scan3A_274 = %scan3A_245 to %scan3A_247 step %scan3A_248 iter_args(%scan3A_275 = %scan3A_244) -> (i32)  : i32 {
        %mul3A_276 = arith.constant 16 : i32
        %mul3A_277 = arith.muli %scan3A_274, %mul3A_276 : i32
        %get3A = arith.index_cast %mul3A_277 : i32 to index
        %get3A_278 = tpu.vector_load %arg10[%get3A] {strides = array<i32>} : memref<240xi32, #tpu.memory_space<vmem>>, vector<16xi32>,
        %shift_right_logical3A = arith.constant 7 : i32
        %shift_right_logical3A_279 = vector.broadcast %shift_right_logical3A : i32 to vector<16xi32>
        %shift_right_logical3A_280 = arith.shrui %get3A_278, %shift_right_logical3A_279 : vector<16xi32>
        %and3A = arith.constant 127 : i32
        %and3A_281 = vector.broadcast %and3A : i32 to vector<16xi32>
        %and3A_282 = arith.andi %get3A_278, %and3A_281 : vector<16xi32>
        tpu.vector_store_idx %arg9[%shift_right_logical3A_280, %and3A_282], %broadcast_in_dim3A_24 {add = true} : memref<80x128xf32, #tpu.memory_space<vmem>>[vector<16xi32>, vector<16xi32>], vector<16xf32>,
        %mul3A_283 = arith.constant 16 : i32
        %mul3A_284 = arith.muli %scan3A_274, %mul3A_283 : i32
        %get3A_285 = arith.index_cast %mul3A_284 : i32 to index
        %get3A_286 = tpu.vector_load %arg11[%get3A_285] {strides = array<i32>} : memref<240xi32, #tpu.memory_space<vmem>>, vector<16xi32>,
        %shift_right_logical3A_287 = arith.constant 7 : i32
        %shift_right_logical3A_288 = vector.broadcast %shift_right_logical3A_287 : i32 to vector<16xi32>
        %shift_right_logical3A_289 = arith.shrui %get3A_286, %shift_right_logical3A_288 : vector<16xi32>
        %and3A_290 = arith.constant 127 : i32
        %and3A_291 = vector.broadcast %and3A_290 : i32 to vector<16xi32>
        %and3A_292 = arith.andi %get3A_286, %and3A_291 : vector<16xi32>
        tpu.vector_store_idx %arg9[%shift_right_logical3A_289, %and3A_292], %broadcast_in_dim3A_24 {add = true} : memref<80x128xf32, #tpu.memory_space<vmem>>[vector<16xi32>, vector<16xi32>], vector<16xf32>,
        %scan3A_293 = arith.constant 0 : i32
        scf.yield %scan3A_293 : i32
      }
      %scan3A_250 = arith.constant 15 : i32
      %dma_wait3A_251 = arith.constant 0 : i32
      %dma_wait3A_252 = arith.constant 0 : i32
      %dma_wait3A_253 = arith.constant 0 : i32
      %dma_wait3A_254 = tpu.memref_slice %arg8[%dma_wait3A_252, %dma_wait3A_253] : memref<240x128xf32, #tpu.memory_space<vmem>> -> memref<240x128xf32, #tpu.memory_space<vmem>>
      %dma_wait3A_255 = arith.constant 0 : i32
      %dma_wait3A_256 = tpu.memref_slice %arg10[%dma_wait3A_255] : memref<240xi32, #tpu.memory_space<vmem>> -> memref<240xi32, #tpu.memory_space<vmem>>
      %dma_wait3A_257 = arith.constant 0 : i32
      %dma_wait3A_258 = arith.constant 0 : i32
      %dma_wait3A_259 = tpu.memref_slice %arg7[%dma_wait3A_257, %dma_wait3A_258] : memref<10240x128xf32, #tpu.memory_space<vmem_shared>> -> memref<10240x128xf32, #tpu.memory_space<vmem_shared>>
      %dma_wait3A_260 = tpu.memref_slice %arg13[%dma_wait3A_251] : memref<2x!tpu.dma_semaphore, #tpu.memory_space<semaphore_mem>> -> memref<1x!tpu.dma_semaphore, #tpu.memory_space<semaphore_mem>>
      %dma_wait3A_261 = tpu.memref_squeeze %dma_wait3A_260 : memref<1x!tpu.dma_semaphore, #tpu.memory_space<semaphore_mem>> -> memref<!tpu.dma_semaphore, #tpu.memory_space<semaphore_mem>>
      tpu.wait_indirect_dma semaphore(%dma_wait3A_261 : memref<!tpu.dma_semaphore, #tpu.memory_space<semaphore_mem>>) src(%dma_wait3A_254 : memref<240x128xf32, #tpu.memory_space<vmem>>) dst(%dma_wait3A_259 : memref<10240x128xf32, #tpu.memory_space<vmem_shared>>)
      %dma_wait3A_262 = arith.constant 1 : i32
      %dma_wait3A_263 = arith.constant 0 : i32
      %dma_wait3A_264 = arith.constant 0 : i32
      %dma_wait3A_265 = tpu.memref_slice %arg8[%dma_wait3A_263, %dma_wait3A_264] : memref<240x128xf32, #tpu.memory_space<vmem>> -> memref<240x128xf32, #tpu.memory_space<vmem>>
      %dma_wait3A_266 = arith.constant 0 : i32
      %dma_wait3A_267 = tpu.memref_slice %arg11[%dma_wait3A_266] : memref<240xi32, #tpu.memory_space<vmem>> -> memref<240xi32, #tpu.memory_space<vmem>>
      %dma_wait3A_268 = arith.constant 0 : i32
      %dma_wait3A_269 = arith.constant 0 : i32
      %dma_wait3A_270 = tpu.memref_slice %arg7[%dma_wait3A_268, %dma_wait3A_269] : memref<10240x128xf32, #tpu.memory_space<vmem_shared>> -> memref<10240x128xf32, #tpu.memory_space<vmem_shared>>
      %dma_wait3A_271 = tpu.memref_slice %arg13[%dma_wait3A_262] : memref<2x!tpu.dma_semaphore, #tpu.memory_space<semaphore_mem>> -> memref<1x!tpu.dma_semaphore, #tpu.memory_space<semaphore_mem>>
      %dma_wait3A_272 = tpu.memref_squeeze %dma_wait3A_271 : memref<1x!tpu.dma_semaphore, #tpu.memory_space<semaphore_mem>> -> memref<!tpu.dma_semaphore, #tpu.memory_space<semaphore_mem>>
      tpu.wait_indirect_dma semaphore(%dma_wait3A_272 : memref<!tpu.dma_semaphore, #tpu.memory_space<semaphore_mem>>) src(%dma_wait3A_265 : memref<240x128xf32, #tpu.memory_space<vmem>>) dst(%dma_wait3A_270 : memref<10240x128xf32, #tpu.memory_space<vmem_shared>>)
      %scan3A_273 = arith.constant 0 : i32
      scf.yield %scan3A_273 : i32
    }
    %scan3A_31 = arith.constant 41 : i32
    %mul3A_32 = arith.constant 10000 : i32
    %mul3A_33 = arith.muli %add3A, %mul3A_32 : i32
    %add3A_34 = arith.constant 9840 : i32
    %add3A_35 = arith.addi %mul3A_33, %add3A_34 : i32
    %dma_start3A = arith.constant 0 : i32
    %dma_start3A_36 = arith.constant 0 : i32
    %dma_start3A_37 = tpu.memref_slice %arg10[%dma_start3A_36] : memref<240xi32, #tpu.memory_space<vmem>> -> memref<160xi32, #tpu.memory_space<vmem>>
    %dma_start3A_38 = tpu.memref_slice %arg3[%add3A_35] : memref<320000xi32, #tpu.memory_space<hbm>> -> memref<160xi32, #tpu.memory_space<hbm>>
    %dma_start3A_39 = tpu.memref_slice %arg12[%dma_start3A] : memref<3x!tpu.dma_semaphore, #tpu.memory_space<semaphore_mem>> -> memref<1x!tpu.dma_semaphore, #tpu.memory_space<semaphore_mem>>
    %dma_start3A_40 = tpu.memref_squeeze %dma_start3A_39 : memref<1x!tpu.dma_semaphore, #tpu.memory_space<semaphore_mem>> -> memref<!tpu.dma_semaphore, #tpu.memory_space<semaphore_mem>>
    %dma_start3A_41 = arith.constant 0 : i32
    %dma_start3A_42 = tpu.memref_slice %arg10[%dma_start3A_41] : memref<240xi32, #tpu.memory_space<vmem>> -> memref<160xi32, #tpu.memory_space<vmem>>
    %dma_start3A_43 = tpu.memref_slice %arg3[%add3A_35] : memref<320000xi32, #tpu.memory_space<hbm>> -> memref<160xi32, #tpu.memory_space<hbm>>
    tpu.enqueue_dma source(%dma_start3A_43 : memref<160xi32, #tpu.memory_space<hbm>>) target(%dma_start3A_42 : memref<160xi32, #tpu.memory_space<vmem>>) target_semaphore(%dma_start3A_40 : memref<!tpu.dma_semaphore, #tpu.memory_space<semaphore_mem>>)
    %dma_start3A_44 = arith.constant 1 : i32
    %dma_start3A_45 = arith.constant 0 : i32
    %dma_start3A_46 = tpu.memref_slice %arg11[%dma_start3A_45] : memref<240xi32, #tpu.memory_space<vmem>> -> memref<160xi32, #tpu.memory_space<vmem>>
    %dma_start3A_47 = tpu.memref_slice %arg4[%add3A_35] : memref<320000xi32, #tpu.memory_space<hbm>> -> memref<160xi32, #tpu.memory_space<hbm>>
    %dma_start3A_48 = tpu.memref_slice %arg12[%dma_start3A_44] : memref<3x!tpu.dma_semaphore, #tpu.memory_space<semaphore_mem>> -> memref<1x!tpu.dma_semaphore, #tpu.memory_space<semaphore_mem>>
    %dma_start3A_49 = tpu.memref_squeeze %dma_start3A_48 : memref<1x!tpu.dma_semaphore, #tpu.memory_space<semaphore_mem>> -> memref<!tpu.dma_semaphore, #tpu.memory_space<semaphore_mem>>
    %dma_start3A_50 = arith.constant 0 : i32
    %dma_start3A_51 = tpu.memref_slice %arg11[%dma_start3A_50] : memref<240xi32, #tpu.memory_space<vmem>> -> memref<160xi32, #tpu.memory_space<vmem>>
    %dma_start3A_52 = tpu.memref_slice %arg4[%add3A_35] : memref<320000xi32, #tpu.memory_space<hbm>> -> memref<160xi32, #tpu.memory_space<hbm>>
    tpu.enqueue_dma source(%dma_start3A_52 : memref<160xi32, #tpu.memory_space<hbm>>) target(%dma_start3A_51 : memref<160xi32, #tpu.memory_space<vmem>>) target_semaphore(%dma_start3A_49 : memref<!tpu.dma_semaphore, #tpu.memory_space<semaphore_mem>>)
    %dma_start3A_53 = arith.constant 2 : i32
    %dma_start3A_54 = arith.constant 0 : i32
    %dma_start3A_55 = arith.constant 0 : i32
    %dma_start3A_56 = tpu.memref_slice %arg8[%dma_start3A_54, %dma_start3A_55] : memref<240x128xf32, #tpu.memory_space<vmem>> -> memref<160x128xf32, #tpu.memory_space<vmem>>
    %dma_start3A_57 = arith.constant 0 : i32
    %dma_start3A_58 = tpu.memref_slice %arg2[%add3A_35, %dma_start3A_57] : memref<320000x128xf32, #tpu.memory_space<hbm>> -> memref<160x128xf32, #tpu.memory_space<hbm>>
    %dma_start3A_59 = tpu.memref_slice %arg12[%dma_start3A_53] : memref<3x!tpu.dma_semaphore, #tpu.memory_space<semaphore_mem>> -> memref<1x!tpu.dma_semaphore, #tpu.memory_space<semaphore_mem>>
    %dma_start3A_60 = tpu.memref_squeeze %dma_start3A_59 : memref<1x!tpu.dma_semaphore, #tpu.memory_space<semaphore_mem>> -> memref<!tpu.dma_semaphore, #tpu.memory_space<semaphore_mem>>
    %dma_start3A_61 = arith.constant 0 : i32
    %dma_start3A_62 = arith.constant 0 : i32
    %dma_start3A_63 = tpu.memref_slice %arg8[%dma_start3A_61, %dma_start3A_62] : memref<240x128xf32, #tpu.memory_space<vmem>> -> memref<160x128xf32, #tpu.memory_space<vmem>>
    %dma_start3A_64 = arith.constant 0 : i32
    %dma_start3A_65 = tpu.memref_slice %arg2[%add3A_35, %dma_start3A_64] : memref<320000x128xf32, #tpu.memory_space<hbm>> -> memref<160x128xf32, #tpu.memory_space<hbm>>
    tpu.enqueue_dma source(%dma_start3A_65 : memref<160x128xf32, #tpu.memory_space<hbm>>) target(%dma_start3A_63 : memref<160x128xf32, #tpu.memory_space<vmem>>) target_semaphore(%dma_start3A_60 : memref<!tpu.dma_semaphore, #tpu.memory_space<semaphore_mem>>)
    %dma_wait3A = arith.constant 2 : i32
    %dma_wait3A_66 = arith.constant 0 : i32
    %dma_wait3A_67 = arith.constant 0 : i32
    %dma_wait3A_68 = tpu.memref_slice %arg8[%dma_wait3A_66, %dma_wait3A_67] : memref<240x128xf32, #tpu.memory_space<vmem>> -> memref<160x128xf32, #tpu.memory_space<vmem>>
    %dma_wait3A_69 = arith.constant 0 : i32
    %dma_wait3A_70 = tpu.memref_slice %arg2[%add3A_35, %dma_wait3A_69] : memref<320000x128xf32, #tpu.memory_space<hbm>> -> memref<160x128xf32, #tpu.memory_space<hbm>>
    %dma_wait3A_71 = tpu.memref_slice %arg12[%dma_wait3A] : memref<3x!tpu.dma_semaphore, #tpu.memory_space<semaphore_mem>> -> memref<1x!tpu.dma_semaphore, #tpu.memory_space<semaphore_mem>>
    %dma_wait3A_72 = tpu.memref_squeeze %dma_wait3A_71 : memref<1x!tpu.dma_semaphore, #tpu.memory_space<semaphore_mem>> -> memref<!tpu.dma_semaphore, #tpu.memory_space<semaphore_mem>>
    %dma_wait3A_73 = arith.constant 0 : i32
    %dma_wait3A_74 = arith.constant 0 : i32
    %dma_wait3A_75 = tpu.memref_slice %arg8[%dma_wait3A_73, %dma_wait3A_74] : memref<240x128xf32, #tpu.memory_space<vmem>> -> memref<160x128xf32, #tpu.memory_space<vmem>>
    %dma_wait3A_76 = arith.constant 0 : i32
    %dma_wait3A_77 = tpu.memref_slice %arg2[%add3A_35, %dma_wait3A_76] : memref<320000x128xf32, #tpu.memory_space<hbm>> -> memref<160x128xf32, #tpu.memory_space<hbm>>
    tpu.wait_dma2 semaphore(%dma_wait3A_72 : memref<!tpu.dma_semaphore, #tpu.memory_space<semaphore_mem>>) src(%dma_wait3A_77 : memref<160x128xf32, #tpu.memory_space<hbm>>) dst(%dma_wait3A_75 : memref<160x128xf32, #tpu.memory_space<vmem>>)
    %dma_wait3A_78 = arith.constant 0 : i32
    %dma_wait3A_79 = arith.constant 0 : i32
    %dma_wait3A_80 = tpu.memref_slice %arg10[%dma_wait3A_79] : memref<240xi32, #tpu.memory_space<vmem>> -> memref<160xi32, #tpu.memory_space<vmem>>
    %dma_wait3A_81 = tpu.memref_slice %arg3[%add3A_35] : memref<320000xi32, #tpu.memory_space<hbm>> -> memref<160xi32, #tpu.memory_space<hbm>>
    %dma_wait3A_82 = tpu.memref_slice %arg12[%dma_wait3A_78] : memref<3x!tpu.dma_semaphore, #tpu.memory_space<semaphore_mem>> -> memref<1x!tpu.dma_semaphore, #tpu.memory_space<semaphore_mem>>
    %dma_wait3A_83 = tpu.memref_squeeze %dma_wait3A_82 : memref<1x!tpu.dma_semaphore, #tpu.memory_space<semaphore_mem>> -> memref<!tpu.dma_semaphore, #tpu.memory_space<semaphore_mem>>
    %dma_wait3A_84 = arith.constant 0 : i32
    %dma_wait3A_85 = tpu.memref_slice %arg10[%dma_wait3A_84] : memref<240xi32, #tpu.memory_space<vmem>> -> memref<160xi32, #tpu.memory_space<vmem>>
    %dma_wait3A_86 = tpu.memref_slice %arg3[%add3A_35] : memref<320000xi32, #tpu.memory_space<hbm>> -> memref<160xi32, #tpu.memory_space<hbm>>
    tpu.wait_dma2 semaphore(%dma_wait3A_83 : memref<!tpu.dma_semaphore, #tpu.memory_space<semaphore_mem>>) src(%dma_wait3A_86 : memref<160xi32, #tpu.memory_space<hbm>>) dst(%dma_wait3A_85 : memref<160xi32, #tpu.memory_space<vmem>>)
    %dma_start3A_87 = arith.constant 0 : i32
    %dma_start3A_88 = arith.constant 0 : i32
    %dma_start3A_89 = arith.constant 0 : i32
    %dma_start3A_90 = tpu.memref_slice %arg8[%dma_start3A_88, %dma_start3A_89] : memref<240x128xf32, #tpu.memory_space<vmem>> -> memref<160x128xf32, #tpu.memory_space<vmem>>
    %dma_start3A_91 = arith.constant 0 : i32
    %dma_start3A_92 = tpu.memref_slice %arg10[%dma_start3A_91] : memref<240xi32, #tpu.memory_space<vmem>> -> memref<160xi32, #tpu.memory_space<vmem>>
    %dma_start3A_93 = arith.constant 0 : i32
    %dma_start3A_94 = arith.constant 0 : i32
    %dma_start3A_95 = tpu.memref_slice %arg7[%dma_start3A_93, %dma_start3A_94] : memref<10240x128xf32, #tpu.memory_space<vmem_shared>> -> memref<10240x128xf32, #tpu.memory_space<vmem_shared>>
    %dma_start3A_96 = tpu.memref_slice %arg13[%dma_start3A_87] : memref<2x!tpu.dma_semaphore, #tpu.memory_space<semaphore_mem>> -> memref<1x!tpu.dma_semaphore, #tpu.memory_space<semaphore_mem>>
    %dma_start3A_97 = tpu.memref_squeeze %dma_start3A_96 : memref<1x!tpu.dma_semaphore, #tpu.memory_space<semaphore_mem>> -> memref<!tpu.dma_semaphore, #tpu.memory_space<semaphore_mem>>
    tpu.enqueue_indirect_dma source(%dma_start3A_90 : memref<160x128xf32, #tpu.memory_space<vmem>>) target(%dma_start3A_95 : memref<10240x128xf32, #tpu.memory_space<vmem_shared>>) offsets(%dma_start3A_92 : memref<160xi32, #tpu.memory_space<vmem>>) semaphore(%dma_start3A_97 : memref<!tpu.dma_semaphore, #tpu.memory_space<semaphore_mem>>) {add = true}
    %dma_wait3A_98 = arith.constant 1 : i32
    %dma_wait3A_99 = arith.constant 0 : i32
    %dma_wait3A_100 = tpu.memref_slice %arg11[%dma_wait3A_99] : memref<240xi32, #tpu.memory_space<vmem>> -> memref<160xi32, #tpu.memory_space<vmem>>
    %dma_wait3A_101 = tpu.memref_slice %arg4[%add3A_35] : memref<320000xi32, #tpu.memory_space<hbm>> -> memref<160xi32, #tpu.memory_space<hbm>>
    %dma_wait3A_102 = tpu.memref_slice %arg12[%dma_wait3A_98] : memref<3x!tpu.dma_semaphore, #tpu.memory_space<semaphore_mem>> -> memref<1x!tpu.dma_semaphore, #tpu.memory_space<semaphore_mem>>
    %dma_wait3A_103 = tpu.memref_squeeze %dma_wait3A_102 : memref<1x!tpu.dma_semaphore, #tpu.memory_space<semaphore_mem>> -> memref<!tpu.dma_semaphore, #tpu.memory_space<semaphore_mem>>
    %dma_wait3A_104 = arith.constant 0 : i32
    %dma_wait3A_105 = tpu.memref_slice %arg11[%dma_wait3A_104] : memref<240xi32, #tpu.memory_space<vmem>> -> memref<160xi32, #tpu.memory_space<vmem>>
    %dma_wait3A_106 = tpu.memref_slice %arg4[%add3A_35] : memref<320000xi32, #tpu.memory_space<hbm>> -> memref<160xi32, #tpu.memory_space<hbm>>
    tpu.wait_dma2 semaphore(%dma_wait3A_103 : memref<!tpu.dma_semaphore, #tpu.memory_space<semaphore_mem>>) src(%dma_wait3A_106 : memref<160xi32, #tpu.memory_space<hbm>>) dst(%dma_wait3A_105 : memref<160xi32, #tpu.memory_space<vmem>>)
    %dma_start3A_107 = arith.constant 1 : i32
    %dma_start3A_108 = arith.constant 0 : i32
    %dma_start3A_109 = arith.constant 0 : i32
    %dma_start3A_110 = tpu.memref_slice %arg8[%dma_start3A_108, %dma_start3A_109] : memref<240x128xf32, #tpu.memory_space<vmem>> -> memref<160x128xf32, #tpu.memory_space<vmem>>
    %dma_start3A_111 = arith.constant 0 : i32
    %dma_start3A_112 = tpu.memref_slice %arg11[%dma_start3A_111] : memref<240xi32, #tpu.memory_space<vmem>> -> memref<160xi32, #tpu.memory_space<vmem>>
    %dma_start3A_113 = arith.constant 0 : i32
    %dma_start3A_114 = arith.constant 0 : i32
    %dma_start3A_115 = tpu.memref_slice %arg7[%dma_start3A_113, %dma_start3A_114] : memref<10240x128xf32, #tpu.memory_space<vmem_shared>> -> memref<10240x128xf32, #tpu.memory_space<vmem_shared>>
    %dma_start3A_116 = tpu.memref_slice %arg13[%dma_start3A_107] : memref<2x!tpu.dma_semaphore, #tpu.memory_space<semaphore_mem>> -> memref<1x!tpu.dma_semaphore, #tpu.memory_space<semaphore_mem>>
    %dma_start3A_117 = tpu.memref_squeeze %dma_start3A_116 : memref<1x!tpu.dma_semaphore, #tpu.memory_space<semaphore_mem>> -> memref<!tpu.dma_semaphore, #tpu.memory_space<semaphore_mem>>
    tpu.enqueue_indirect_dma source(%dma_start3A_110 : memref<160x128xf32, #tpu.memory_space<vmem>>) target(%dma_start3A_115 : memref<10240x128xf32, #tpu.memory_space<vmem_shared>>) offsets(%dma_start3A_112 : memref<160xi32, #tpu.memory_space<vmem>>) semaphore(%dma_start3A_117 : memref<!tpu.dma_semaphore, #tpu.memory_space<semaphore_mem>>) {add = true}
    %scan3A_118 = arith.constant 0 : i32
    %scan3A_119 = arith.constant 0 : i32
    %scan3A_120 = arith.constant 10 : i32
    %scan3A_121 = arith.addi %scan3A_119, %scan3A_120 : i32
    %scan3A_122 = arith.constant 1 : i32
    %scan3A_123 = scf.for %scan3A_153 = %scan3A_119 to %scan3A_121 step %scan3A_122 iter_args(%scan3A_154 = %scan3A_118) -> (i32)  : i32 {
      %mul3A_155 = arith.constant 16 : i32
      %mul3A_156 = arith.muli %scan3A_153, %mul3A_155 : i32
      %get3A = arith.index_cast %mul3A_156 : i32 to index
      %get3A_157 = tpu.vector_load %arg10[%get3A] {strides = array<i32>} : memref<240xi32, #tpu.memory_space<vmem>>, vector<16xi32>,
      %shift_right_logical3A = arith.constant 7 : i32
      %shift_right_logical3A_158 = vector.broadcast %shift_right_logical3A : i32 to vector<16xi32>
      %shift_right_logical3A_159 = arith.shrui %get3A_157, %shift_right_logical3A_158 : vector<16xi32>
      %and3A = arith.constant 127 : i32
      %and3A_160 = vector.broadcast %and3A : i32 to vector<16xi32>
      %and3A_161 = arith.andi %get3A_157, %and3A_160 : vector<16xi32>
      tpu.vector_store_idx %arg9[%shift_right_logical3A_159, %and3A_161], %broadcast_in_dim3A_24 {add = true} : memref<80x128xf32, #tpu.memory_space<vmem>>[vector<16xi32>, vector<16xi32>], vector<16xf32>,
      %mul3A_162 = arith.constant 16 : i32
      %mul3A_163 = arith.muli %scan3A_153, %mul3A_162 : i32
      %get3A_164 = arith.index_cast %mul3A_163 : i32 to index
      %get3A_165 = tpu.vector_load %arg11[%get3A_164] {strides = array<i32>} : memref<240xi32, #tpu.memory_space<vmem>>, vector<16xi32>,
      %shift_right_logical3A_166 = arith.constant 7 : i32
      %shift_right_logical3A_167 = vector.broadcast %shift_right_logical3A_166 : i32 to vector<16xi32>
      %shift_right_logical3A_168 = arith.shrui %get3A_165, %shift_right_logical3A_167 : vector<16xi32>
      %and3A_169 = arith.constant 127 : i32
      %and3A_170 = vector.broadcast %and3A_169 : i32 to vector<16xi32>
      %and3A_171 = arith.andi %get3A_165, %and3A_170 : vector<16xi32>
      tpu.vector_store_idx %arg9[%shift_right_logical3A_168, %and3A_171], %broadcast_in_dim3A_24 {add = true} : memref<80x128xf32, #tpu.memory_space<vmem>>[vector<16xi32>, vector<16xi32>], vector<16xf32>,
      %scan3A_172 = arith.constant 0 : i32
      scf.yield %scan3A_172 : i32
    }
    %scan3A_124 = arith.constant 10 : i32
    %dma_wait3A_125 = arith.constant 0 : i32
    %dma_wait3A_126 = arith.constant 0 : i32
    %dma_wait3A_127 = arith.constant 0 : i32
    %dma_wait3A_128 = tpu.memref_slice %arg8[%dma_wait3A_126, %dma_wait3A_127] : memref<240x128xf32, #tpu.memory_space<vmem>> -> memref<160x128xf32, #tpu.memory_space<vmem>>
    %dma_wait3A_129 = arith.constant 0 : i32
    %dma_wait3A_130 = tpu.memref_slice %arg10[%dma_wait3A_129] : memref<240xi32, #tpu.memory_space<vmem>> -> memref<160xi32, #tpu.memory_space<vmem>>
    %dma_wait3A_131 = arith.constant 0 : i32
    %dma_wait3A_132 = arith.constant 0 : i32
    %dma_wait3A_133 = tpu.memref_slice %arg7[%dma_wait3A_131, %dma_wait3A_132] : memref<10240x128xf32, #tpu.memory_space<vmem_shared>> -> memref<10240x128xf32, #tpu.memory_space<vmem_shared>>
    %dma_wait3A_134 = tpu.memref_slice %arg13[%dma_wait3A_125] : memref<2x!tpu.dma_semaphore, #tpu.memory_space<semaphore_mem>> -> memref<1x!tpu.dma_semaphore, #tpu.memory_space<semaphore_mem>>
    %dma_wait3A_135 = tpu.memref_squeeze %dma_wait3A_134 : memref<1x!tpu.dma_semaphore, #tpu.memory_space<semaphore_mem>> -> memref<!tpu.dma_semaphore, #tpu.memory_space<semaphore_mem>>
    tpu.wait_indirect_dma semaphore(%dma_wait3A_135 : memref<!tpu.dma_semaphore, #tpu.memory_space<semaphore_mem>>) src(%dma_wait3A_128 : memref<160x128xf32, #tpu.memory_space<vmem>>) dst(%dma_wait3A_133 : memref<10240x128xf32, #tpu.memory_space<vmem_shared>>)
    %dma_wait3A_136 = arith.constant 1 : i32
    %dma_wait3A_137 = arith.constant 0 : i32
    %dma_wait3A_138 = arith.constant 0 : i32
    %dma_wait3A_139 = tpu.memref_slice %arg8[%dma_wait3A_137, %dma_wait3A_138] : memref<240x128xf32, #tpu.memory_space<vmem>> -> memref<160x128xf32, #tpu.memory_space<vmem>>
    %dma_wait3A_140 = arith.constant 0 : i32
    %dma_wait3A_141 = tpu.memref_slice %arg11[%dma_wait3A_140] : memref<240xi32, #tpu.memory_space<vmem>> -> memref<160xi32, #tpu.memory_space<vmem>>
    %dma_wait3A_142 = arith.constant 0 : i32
    %dma_wait3A_143 = arith.constant 0 : i32
    %dma_wait3A_144 = tpu.memref_slice %arg7[%dma_wait3A_142, %dma_wait3A_143] : memref<10240x128xf32, #tpu.memory_space<vmem_shared>> -> memref<10240x128xf32, #tpu.memory_space<vmem_shared>>
    %dma_wait3A_145 = tpu.memref_slice %arg13[%dma_wait3A_136] : memref<2x!tpu.dma_semaphore, #tpu.memory_space<semaphore_mem>> -> memref<1x!tpu.dma_semaphore, #tpu.memory_space<semaphore_mem>>
    %dma_wait3A_146 = tpu.memref_squeeze %dma_wait3A_145 : memref<1x!tpu.dma_semaphore, #tpu.memory_space<semaphore_mem>> -> memref<!tpu.dma_semaphore, #tpu.memory_space<semaphore_mem>>
    tpu.wait_indirect_dma semaphore(%dma_wait3A_146 : memref<!tpu.dma_semaphore, #tpu.memory_space<semaphore_mem>>) src(%dma_wait3A_139 : memref<160x128xf32, #tpu.memory_space<vmem>>) dst(%dma_wait3A_144 : memref<10240x128xf32, #tpu.memory_space<vmem_shared>>)
    %barrier3A_147 = arith.constant 0 : index
    tpu.barrier barrier_id(%barrier3A_147)
    %mul3A_148 = arith.constant 10240 : i32
    %mul3A_149 = arith.muli %arg0, %mul3A_148 : i32
    %add3A_150 = arith.addi %mul3A_149, %mul3A_2 : i32
    "tpu.region"() ({
      %run_scoped3A = tpu.sem_alloc : memref<!tpu.dma_semaphore, #tpu.memory_space<semaphore_mem>>
      %dma_start3A_153 = arith.constant 0 : i32
      %dma_start3A_154 = tpu.memref_slice %arg5[%add3A_150, %dma_start3A_153] : memref<20480x128xf32, #tpu.memory_space<hbm>> -> memref<640x128xf32, #tpu.memory_space<hbm>>
      %dma_start3A_155 = arith.constant 0 : i32
      %dma_start3A_156 = tpu.memref_slice %arg7[%mul3A_2, %dma_start3A_155] : memref<10240x128xf32, #tpu.memory_space<vmem_shared>> -> memref<640x128xf32, #tpu.memory_space<vmem_shared>>
      tpu.enqueue_dma source(%dma_start3A_156 : memref<640x128xf32, #tpu.memory_space<vmem_shared>>) target(%dma_start3A_154 : memref<640x128xf32, #tpu.memory_space<hbm>>) target_semaphore(%run_scoped3A : memref<!tpu.dma_semaphore, #tpu.memory_space<semaphore_mem>>)
      %dma_wait3A_157 = arith.constant 0 : i32
      %dma_wait3A_158 = tpu.memref_slice %arg5[%add3A_150, %dma_wait3A_157] : memref<20480x128xf32, #tpu.memory_space<hbm>> -> memref<640x128xf32, #tpu.memory_space<hbm>>
      %dma_wait3A_159 = arith.constant 0 : i32
      %dma_wait3A_160 = tpu.memref_slice %arg7[%mul3A_2, %dma_wait3A_159] : memref<10240x128xf32, #tpu.memory_space<vmem_shared>> -> memref<640x128xf32, #tpu.memory_space<vmem_shared>>
      tpu.wait_dma2 semaphore(%run_scoped3A : memref<!tpu.dma_semaphore, #tpu.memory_space<semaphore_mem>>) src(%dma_wait3A_160 : memref<640x128xf32, #tpu.memory_space<vmem_shared>>) dst(%dma_wait3A_158 : memref<640x128xf32, #tpu.memory_space<hbm>>)
      tpu.yield
    }) : () -> ()
    %mul3A_151 = arith.constant 80 : i32
    %mul3A_152 = arith.muli %add3A, %mul3A_151 : i32
    "tpu.region"() ({
      %run_scoped3A = tpu.sem_alloc : memref<!tpu.dma_semaphore, #tpu.memory_space<semaphore_mem>>
      %dma_start3A_153 = arith.constant 0 : i32
      %dma_start3A_154 = tpu.memref_slice %arg6[%mul3A_152, %dma_start3A_153] : memref<2560x128xf32, #tpu.memory_space<hbm>> -> memref<80x128xf32, #tpu.memory_space<hbm>>
      %dma_start3A_155 = arith.constant 0 : i32
      %dma_start3A_156 = tpu.memref_slice %arg6[%mul3A_152, %dma_start3A_155] : memref<2560x128xf32, #tpu.memory_space<hbm>> -> memref<80x128xf32, #tpu.memory_space<hbm>>
      tpu.enqueue_dma source(%arg9 : memref<80x128xf32, #tpu.memory_space<vmem>>) target(%dma_start3A_156 : memref<80x128xf32, #tpu.memory_space<hbm>>) target_semaphore(%run_scoped3A : memref<!tpu.dma_semaphore, #tpu.memory_space<semaphore_mem>>)
      %dma_wait3A_157 = arith.constant 0 : i32
      %dma_wait3A_158 = tpu.memref_slice %arg6[%mul3A_152, %dma_wait3A_157] : memref<2560x128xf32, #tpu.memory_space<hbm>> -> memref<80x128xf32, #tpu.memory_space<hbm>>
      %dma_wait3A_159 = arith.constant 0 : i32
      %dma_wait3A_160 = tpu.memref_slice %arg6[%mul3A_152, %dma_wait3A_159] : memref<2560x128xf32, #tpu.memory_space<hbm>> -> memref<80x128xf32, #tpu.memory_space<hbm>>
      tpu.wait_dma2 semaphore(%run_scoped3A : memref<!tpu.dma_semaphore, #tpu.memory_space<semaphore_mem>>) src(%arg9 : memref<80x128xf32, #tpu.memory_space<vmem>>) dst(%dma_wait3A_160 : memref<80x128xf32, #tpu.memory_space<hbm>>)
      tpu.yield
    }) : () -> ()
    return
  }
}

module attributes {stable_mosaic.version = 14 : i64} {
  func.func @_tc_middle_body(%arg0: memref<20480x128xf32, #tpu.memory_space<vmem>>, %arg1: memref<2560x128xf32, #tpu.memory_space<vmem>>, %arg2: memref<128x128xf32, #tpu.memory_space<vmem>>, %arg3: memref<128x128xf32, #tpu.memory_space<vmem>>, %arg4: memref<10240x128xf32, #tpu.memory_space<vmem>>) attributes {dimension_semantics = [], scalar_prefetch = 0 : i64, scratch_operands = 0 : i64, tpu.core_type = #tpu.core_type<tc>} {
    %get3A = arith.constant 0 : index
    %get3A_0 = arith.constant 0 : index
    %get3A_1 = vector.load %arg0[%get3A, %get3A_0] : memref<20480x128xf32, #tpu.memory_space<vmem>>, vector<10000x128xf32>
    %get3A_2 = arith.constant 10240 : index
    %get3A_3 = arith.constant 0 : index
    %get3A_4 = vector.load %arg0[%get3A_2, %get3A_3] : memref<20480x128xf32, #tpu.memory_space<vmem>>, vector<10000x128xf32>
    %add3A = arith.addf %get3A_1, %get3A_4 : vector<10000x128xf32>
    %get3A_5 = arith.constant 0 : index
    %get3A_6 = arith.constant 0 : index
    %get3A_7 = vector.load %arg1[%get3A_5, %get3A_6] : memref<2560x128xf32, #tpu.memory_space<vmem>>, vector<80x128xf32>
    %get3A_8 = arith.constant 80 : index
    %get3A_9 = arith.constant 0 : index
    %get3A_10 = vector.load %arg1[%get3A_8, %get3A_9] : memref<2560x128xf32, #tpu.memory_space<vmem>>, vector<80x128xf32>
    %add3A_11 = arith.addf %get3A_7, %get3A_10 : vector<80x128xf32>
    %get3A_12 = arith.constant 160 : index
    %get3A_13 = arith.constant 0 : index
    %get3A_14 = vector.load %arg1[%get3A_12, %get3A_13] : memref<2560x128xf32, #tpu.memory_space<vmem>>, vector<80x128xf32>
    %add3A_15 = arith.addf %add3A_11, %get3A_14 : vector<80x128xf32>
    %get3A_16 = arith.constant 240 : index
    %get3A_17 = arith.constant 0 : index
    %get3A_18 = vector.load %arg1[%get3A_16, %get3A_17] : memref<2560x128xf32, #tpu.memory_space<vmem>>, vector<80x128xf32>
    %add3A_19 = arith.addf %add3A_15, %get3A_18 : vector<80x128xf32>
    %get3A_20 = arith.constant 320 : index
    %get3A_21 = arith.constant 0 : index
    %get3A_22 = vector.load %arg1[%get3A_20, %get3A_21] : memref<2560x128xf32, #tpu.memory_space<vmem>>, vector<80x128xf32>
    %add3A_23 = arith.addf %add3A_19, %get3A_22 : vector<80x128xf32>
    %get3A_24 = arith.constant 400 : index
    %get3A_25 = arith.constant 0 : index
    %get3A_26 = vector.load %arg1[%get3A_24, %get3A_25] : memref<2560x128xf32, #tpu.memory_space<vmem>>, vector<80x128xf32>
    %add3A_27 = arith.addf %add3A_23, %get3A_26 : vector<80x128xf32>
    %get3A_28 = arith.constant 480 : index
    %get3A_29 = arith.constant 0 : index
    %get3A_30 = vector.load %arg1[%get3A_28, %get3A_29] : memref<2560x128xf32, #tpu.memory_space<vmem>>, vector<80x128xf32>
    %add3A_31 = arith.addf %add3A_27, %get3A_30 : vector<80x128xf32>
    %get3A_32 = arith.constant 560 : index
    %get3A_33 = arith.constant 0 : index
    %get3A_34 = vector.load %arg1[%get3A_32, %get3A_33] : memref<2560x128xf32, #tpu.memory_space<vmem>>, vector<80x128xf32>
    %add3A_35 = arith.addf %add3A_31, %get3A_34 : vector<80x128xf32>
    %get3A_36 = arith.constant 640 : index
    %get3A_37 = arith.constant 0 : index
    %get3A_38 = vector.load %arg1[%get3A_36, %get3A_37] : memref<2560x128xf32, #tpu.memory_space<vmem>>, vector<80x128xf32>
    %add3A_39 = arith.addf %add3A_35, %get3A_38 : vector<80x128xf32>
    %get3A_40 = arith.constant 720 : index
    %get3A_41 = arith.constant 0 : index
    %get3A_42 = vector.load %arg1[%get3A_40, %get3A_41] : memref<2560x128xf32, #tpu.memory_space<vmem>>, vector<80x128xf32>
    %add3A_43 = arith.addf %add3A_39, %get3A_42 : vector<80x128xf32>
    %get3A_44 = arith.constant 800 : index
    %get3A_45 = arith.constant 0 : index
    %get3A_46 = vector.load %arg1[%get3A_44, %get3A_45] : memref<2560x128xf32, #tpu.memory_space<vmem>>, vector<80x128xf32>
    %add3A_47 = arith.addf %add3A_43, %get3A_46 : vector<80x128xf32>
    %get3A_48 = arith.constant 880 : index
    %get3A_49 = arith.constant 0 : index
    %get3A_50 = vector.load %arg1[%get3A_48, %get3A_49] : memref<2560x128xf32, #tpu.memory_space<vmem>>, vector<80x128xf32>
    %add3A_51 = arith.addf %add3A_47, %get3A_50 : vector<80x128xf32>
    %get3A_52 = arith.constant 960 : index
    %get3A_53 = arith.constant 0 : index
    %get3A_54 = vector.load %arg1[%get3A_52, %get3A_53] : memref<2560x128xf32, #tpu.memory_space<vmem>>, vector<80x128xf32>
    %add3A_55 = arith.addf %add3A_51, %get3A_54 : vector<80x128xf32>
    %get3A_56 = arith.constant 1040 : index
    %get3A_57 = arith.constant 0 : index
    %get3A_58 = vector.load %arg1[%get3A_56, %get3A_57] : memref<2560x128xf32, #tpu.memory_space<vmem>>, vector<80x128xf32>
    %add3A_59 = arith.addf %add3A_55, %get3A_58 : vector<80x128xf32>
    %get3A_60 = arith.constant 1120 : index
    %get3A_61 = arith.constant 0 : index
    %get3A_62 = vector.load %arg1[%get3A_60, %get3A_61] : memref<2560x128xf32, #tpu.memory_space<vmem>>, vector<80x128xf32>
    %add3A_63 = arith.addf %add3A_59, %get3A_62 : vector<80x128xf32>
    %get3A_64 = arith.constant 1200 : index
    %get3A_65 = arith.constant 0 : index
    %get3A_66 = vector.load %arg1[%get3A_64, %get3A_65] : memref<2560x128xf32, #tpu.memory_space<vmem>>, vector<80x128xf32>
    %add3A_67 = arith.addf %add3A_63, %get3A_66 : vector<80x128xf32>
    %get3A_68 = arith.constant 1280 : index
    %get3A_69 = arith.constant 0 : index
    %get3A_70 = vector.load %arg1[%get3A_68, %get3A_69] : memref<2560x128xf32, #tpu.memory_space<vmem>>, vector<80x128xf32>
    %add3A_71 = arith.addf %add3A_67, %get3A_70 : vector<80x128xf32>
    %get3A_72 = arith.constant 1360 : index
    %get3A_73 = arith.constant 0 : index
    %get3A_74 = vector.load %arg1[%get3A_72, %get3A_73] : memref<2560x128xf32, #tpu.memory_space<vmem>>, vector<80x128xf32>
    %add3A_75 = arith.addf %add3A_71, %get3A_74 : vector<80x128xf32>
    %get3A_76 = arith.constant 1440 : index
    %get3A_77 = arith.constant 0 : index
    %get3A_78 = vector.load %arg1[%get3A_76, %get3A_77] : memref<2560x128xf32, #tpu.memory_space<vmem>>, vector<80x128xf32>
    %add3A_79 = arith.addf %add3A_75, %get3A_78 : vector<80x128xf32>
    %get3A_80 = arith.constant 1520 : index
    %get3A_81 = arith.constant 0 : index
    %get3A_82 = vector.load %arg1[%get3A_80, %get3A_81] : memref<2560x128xf32, #tpu.memory_space<vmem>>, vector<80x128xf32>
    %add3A_83 = arith.addf %add3A_79, %get3A_82 : vector<80x128xf32>
    %get3A_84 = arith.constant 1600 : index
    %get3A_85 = arith.constant 0 : index
    %get3A_86 = vector.load %arg1[%get3A_84, %get3A_85] : memref<2560x128xf32, #tpu.memory_space<vmem>>, vector<80x128xf32>
    %add3A_87 = arith.addf %add3A_83, %get3A_86 : vector<80x128xf32>
    %get3A_88 = arith.constant 1680 : index
    %get3A_89 = arith.constant 0 : index
    %get3A_90 = vector.load %arg1[%get3A_88, %get3A_89] : memref<2560x128xf32, #tpu.memory_space<vmem>>, vector<80x128xf32>
    %add3A_91 = arith.addf %add3A_87, %get3A_90 : vector<80x128xf32>
    %get3A_92 = arith.constant 1760 : index
    %get3A_93 = arith.constant 0 : index
    %get3A_94 = vector.load %arg1[%get3A_92, %get3A_93] : memref<2560x128xf32, #tpu.memory_space<vmem>>, vector<80x128xf32>
    %add3A_95 = arith.addf %add3A_91, %get3A_94 : vector<80x128xf32>
    %get3A_96 = arith.constant 1840 : index
    %get3A_97 = arith.constant 0 : index
    %get3A_98 = vector.load %arg1[%get3A_96, %get3A_97] : memref<2560x128xf32, #tpu.memory_space<vmem>>, vector<80x128xf32>
    %add3A_99 = arith.addf %add3A_95, %get3A_98 : vector<80x128xf32>
    %get3A_100 = arith.constant 1920 : index
    %get3A_101 = arith.constant 0 : index
    %get3A_102 = vector.load %arg1[%get3A_100, %get3A_101] : memref<2560x128xf32, #tpu.memory_space<vmem>>, vector<80x128xf32>
    %add3A_103 = arith.addf %add3A_99, %get3A_102 : vector<80x128xf32>
    %get3A_104 = arith.constant 2000 : index
    %get3A_105 = arith.constant 0 : index
    %get3A_106 = vector.load %arg1[%get3A_104, %get3A_105] : memref<2560x128xf32, #tpu.memory_space<vmem>>, vector<80x128xf32>
    %add3A_107 = arith.addf %add3A_103, %get3A_106 : vector<80x128xf32>
    %get3A_108 = arith.constant 2080 : index
    %get3A_109 = arith.constant 0 : index
    %get3A_110 = vector.load %arg1[%get3A_108, %get3A_109] : memref<2560x128xf32, #tpu.memory_space<vmem>>, vector<80x128xf32>
    %add3A_111 = arith.addf %add3A_107, %get3A_110 : vector<80x128xf32>
    %get3A_112 = arith.constant 2160 : index
    %get3A_113 = arith.constant 0 : index
    %get3A_114 = vector.load %arg1[%get3A_112, %get3A_113] : memref<2560x128xf32, #tpu.memory_space<vmem>>, vector<80x128xf32>
    %add3A_115 = arith.addf %add3A_111, %get3A_114 : vector<80x128xf32>
    %get3A_116 = arith.constant 2240 : index
    %get3A_117 = arith.constant 0 : index
    %get3A_118 = vector.load %arg1[%get3A_116, %get3A_117] : memref<2560x128xf32, #tpu.memory_space<vmem>>, vector<80x128xf32>
    %add3A_119 = arith.addf %add3A_115, %get3A_118 : vector<80x128xf32>
    %get3A_120 = arith.constant 2320 : index
    %get3A_121 = arith.constant 0 : index
    %get3A_122 = vector.load %arg1[%get3A_120, %get3A_121] : memref<2560x128xf32, #tpu.memory_space<vmem>>, vector<80x128xf32>
    %add3A_123 = arith.addf %add3A_119, %get3A_122 : vector<80x128xf32>
    %get3A_124 = arith.constant 2400 : index
    %get3A_125 = arith.constant 0 : index
    %get3A_126 = vector.load %arg1[%get3A_124, %get3A_125] : memref<2560x128xf32, #tpu.memory_space<vmem>>, vector<80x128xf32>
    %add3A_127 = arith.addf %add3A_123, %get3A_126 : vector<80x128xf32>
    %get3A_128 = arith.constant 2480 : index
    %get3A_129 = arith.constant 0 : index
    %get3A_130 = vector.load %arg1[%get3A_128, %get3A_129] : memref<2560x128xf32, #tpu.memory_space<vmem>>, vector<80x128xf32>
    %add3A_131 = arith.addf %add3A_127, %get3A_130 : vector<80x128xf32>
    %reshape3A = vector.shape_cast %add3A_131 : vector<80x128xf32> to vector<10240xf32>
    %slice3A = vector.extract_strided_slice %reshape3A {offsets = [0], sizes = [10000], strides = [1]} : vector<10240xf32> to vector<10000xf32>
    %broadcast_in_dim3A = vector.shape_cast %slice3A : vector<10000xf32> to vector<10000x1xf32>
    %gt3A = arith.constant 0.000000e+00 : f32
    %gt3A_132 = vector.broadcast %gt3A : f32 to vector<10000x1xf32>
    %gt3A_133 = arith.cmpf ogt, %broadcast_in_dim3A, %gt3A_132 : vector<10000x1xf32>
    %jit3A = arith.constant 1.000000e+00 : f32
    %broadcast_in_dim3A_134 = vector.broadcast %jit3A : f32 to vector<10000x1xf32>
    %select_n3A = arith.select %gt3A_133, %broadcast_in_dim3A, %broadcast_in_dim3A_134 : vector<10000x1xi1>, vector<10000x1xf32>
    %get3A_135 = arith.constant 0 : index
    %get3A_136 = arith.constant 0 : index
    %get3A_137 = vector.load %arg2[%get3A_135, %get3A_136] : memref<128x128xf32, #tpu.memory_space<vmem>>, vector<128x128xf32>
    %dot_general3A = arith.constant dense<0.000000e+00> : vector<10000x128xf32>
    %dot_general3A_138 = tpu.matmul %add3A, %get3A_137, %dot_general3A {dimension_numbers = #tpu.dot_dimension_numbers<[1], [0], [0], [1], [0, 0, 1, 1], [], []>, precision = #tpu.contract_precision<fp32>, transpose_lhs_hint = false} : vector<10000x128xf32>, vector<128x128xf32>, vector<10000x128xf32> -> vector<10000x128xf32>
    %div3A = vector.broadcast %select_n3A : vector<10000x1xf32> to vector<10000x128xf32>
    %div3A_139 = arith.divf %dot_general3A_138, %div3A : vector<10000x128xf32>
    %neg3A = arith.constant 0.000000e+00 : f32
    %neg3A_140 = vector.broadcast %neg3A : f32 to vector<10000x128xf32>
    %neg3A_141 = arith.subf %neg3A_140, %div3A_139 : vector<10000x128xf32>
    %exp3A = math.exp %neg3A_141 : vector<10000x128xf32>
    %add3A_142 = arith.constant 1.000000e+00 : f32
    %add3A_143 = vector.broadcast %add3A_142 : f32 to vector<10000x128xf32>
    %add3A_144 = arith.addf %add3A_143, %exp3A : vector<10000x128xf32>
    %div3A_145 = arith.constant 1.000000e+00 : f32
    %div3A_146 = vector.broadcast %div3A_145 : f32 to vector<10000x128xf32>
    %div3A_147 = arith.divf %div3A_146, %add3A_144 : vector<10000x128xf32>
    %get3A_148 = arith.constant 0 : index
    %get3A_149 = arith.constant 0 : index
    %get3A_150 = vector.load %arg3[%get3A_148, %get3A_149] : memref<128x128xf32, #tpu.memory_space<vmem>>, vector<128x128xf32>
    %dot_general3A_151 = arith.constant dense<0.000000e+00> : vector<10000x128xf32>
    %dot_general3A_152 = tpu.matmul %div3A_147, %get3A_150, %dot_general3A_151 {dimension_numbers = #tpu.dot_dimension_numbers<[1], [0], [0], [1], [0, 0, 1, 1], [], []>, precision = #tpu.contract_precision<fp32>, transpose_lhs_hint = false} : vector<10000x128xf32>, vector<128x128xf32>, vector<10000x128xf32> -> vector<10000x128xf32>
    %mul3A = arith.constant -5.000000e-01 : f32
    %mul3A_153 = vector.broadcast %mul3A : f32 to vector<10000x128xf32>
    %mul3A_154 = arith.mulf %dot_general3A_152, %mul3A_153 : vector<10000x128xf32>
    %exp3A_155 = math.exp %mul3A_154 : vector<10000x128xf32>
    %swap3A = arith.constant 0 : index
    %swap3A_156 = arith.constant 0 : index
    %swap3A_157 = vector.load %arg4[%swap3A, %swap3A_156] : memref<10240x128xf32, #tpu.memory_space<vmem>>, vector<10000x128xf32>
    tpu.vector_store %arg4[%swap3A, %swap3A_156], %exp3A_155 {strides = array<i32>} : memref<10240x128xf32, #tpu.memory_space<vmem>>, vector<10000x128xf32>,
    %broadcast_in_dim3A_158 = arith.constant 0.000000e+00 : f32
    %broadcast_in_dim3A_159 = vector.broadcast %broadcast_in_dim3A_158 : f32 to vector<240x128xf32>
    %swap3A_160 = arith.constant 10000 : index
    %swap3A_161 = arith.constant 0 : index
    %swap3A_162 = vector.load %arg4[%swap3A_160, %swap3A_161] : memref<10240x128xf32, #tpu.memory_space<vmem>>, vector<240x128xf32>
    tpu.vector_store %arg4[%swap3A_160, %swap3A_161], %broadcast_in_dim3A_159 {strides = array<i32>} : memref<10240x128xf32, #tpu.memory_space<vmem>>, vector<240x128xf32>,
    return
  }
}

</mosaic_0001>

<sc_bundles>
// kernel: kernel.5.cloned.1.call-start
scs
__scs_entry_jumppad:
0x0: {  	(pc) =	sbr.rel $0x88, $3  }
0x1: {  	(tag) =	ssettag $0x0;
	lr =	simm.s32 $0x1  }
0x2: {  	[smem:$0x3F9D] =	sst lr;
	_ =	strace $0xD0000000  }
0x3: {  	_ = 	snop  }
0x4: {  	_ = 	snop  }
0x5: {  	_ = 	snop  }
0x6: {  	_ = 	snop  }
0x7: {  	_ = 	snop  }
__scs_overlays_trampoline_lowered:
0x8: {  	[smem:$0x3FAC] =	sst s0  }
0x9: {  	[smem:$0x3FAD] =	sst s1  }
0xa: {  	[smem:$0x3FAE] =	sst s2  }
0xb: {  	[smem:$0x3FAF] =	sst s3  }
0xc: {  	[smem:$0x3FB0] =	sst s4  }
0xd: {  	[smem:$0x3FB1] =	sst s5  }
0xe: {  	[smem:$0x3FB2] =	sst s6  }
0xf: {  	[smem:$0x3FB3] =	sst s7  }
0x10: {  	[smem:$0x3FB4] =	sst s8  }
0x11: {  	[smem:$0x3FB5] =	sst s9;
	s0 =	simm.s32 @!p0 $0x0  }
0x12: {  	s1 =	sld [smem:$0x3F9B];
	s0 =	simm.s32 @p0 $0x1  }
0x13: {  	[smem:$0x3FB6] =	sst s0;
	s0 =	simm.s32 @!p1 $0x0  }
0x14: {  	s2 =	sld [smem:$0x3F9A];
	s0 =	simm.s32 @p1 $0x1  }
0x15: {  	[smem:$0x3FB7] =	sst s0;
	s0 =	simm.s32 @!p2 $0x0  }
0x16: {  	s3 =	sld [smem:$0x3FDB];
	s0 =	simm.s32 @p2 $0x1  }
0x17: {  	s4 =	simm.s32 $0x1BF5;
	[smem:$0x3FB9] =	sst s0  }
0x18: {  	s0 =	sld [smem:$0x3F9C];
	_ =	swait.ge [sflag:s4], $0x0  }
0x19: {  	s7 =	sld [smem:$0x3F9D]  }
0x1a: {  	s8 =	sadd.s32 $0xFFFFE003, lr  }
0x1b: {  	s9 =	sadd.s32 $0xFFFFFEF7, lr;
	s5 =	simm.s32 $0xFFFFFFFF;
	p2 =	slt.u32 s8, $0xFFFFF086  }
0x1c: {  	p1 =	slt.u32 s9, $0xF7A;
	s5 =	simm.s32 @!p2 $0x0  }
0x1d: {  	s5 =	simm.s32 @p1 $0x1;
	p0 =	seq.s32 s7, s2  }
0x1e: {  	s7 =	smul.u32 @!p0 $0xF7A, s2;
	p2 =	seq.s32 @!p0 s5, $0x0  }
0x1f: {  	s9 =	smul.u32 $0xF7A, s1;
	s8 =	simm.s32 @!p0 $0x1BF5;
	p2 =	por !p2, p0  }
0x20: {  	[sflag:s8] =	ssyncset.s32 @!p0 $0xFFFFF086;
	s6 =	sadd.s32 @!p0 s3, s7;
	s7 =	simm.s32 @!p0 $0x108  }
0x21: {  	s3 =	sadd.s32 s3, s9;
	s6 =	sadd.s32 @!p0 $0x88, s6;
	s7 =	simm.s32 @p2 $0x1082  }
0x22: {  	[simem:s7], [sflag:s8] =	dma.local @!p0 [hbm:s6], $0xF7A  }
0x23: {  	s9 =	sor.u32 $0xD0000000, s2;
	s6 =	simm.s32 $0x108;
	_ =	swait.ge @!p0 [sflag:s8], $0x0  }
0x24: {  	s3 =	sadd.s32 $0x88, s3;
	s6 =	simm.s32 @!p1 $0x1082;
	[sflag:s4] =	ssyncset.s32 $0xFFFFF086  }
0x25: {  	[simem:s6], [sflag:s4] =	dma.local [hbm:s3], $0xF7A  }
0x26: {  	[smem:$0x3F9D] =	sst s1;
	(tag) =	ssettag s2;
	_ =	strace s9  }
0x27: {  	s1 =	sld [smem:$0x3FAD]  }
0x28: {  	s2 =	sld [smem:$0x3FAE]  }
0x29: {  	s4 =	sld [smem:$0x3FB0]  }
0x2a: {  	p0 =	seq.s32 s5, $0x0;
	s5 =	sld [smem:$0x3FB1]  }
0x2b: {  	s6 =	sld [smem:$0x3FB2]  }
0x2c: {  	s7 =	sld [smem:$0x3FB3]  }
0x2d: {  	s3 =	simm.s32 $0x108;
	s8 =	sld [smem:$0x3FB4]  }
0x2e: {  	s3 =	simm.s32 @!p0 $0x1082;
	s9 =	sld [smem:$0x3FB5]  }
0x2f: {  	lr =	sadd.s32 s0, s3;
	s0 =	sld [smem:$0x3FAC]  }
0x30: {  	s3 =	sld [smem:$0x3FAF]  }
0x31: {  	[smem:$0x3FB8] =	sst s10  }
0x32: {  	s10 =	sld [smem:$0x3FB6];
	_ =	sdelay $0x3  }
0x33: {  	p0 =	seq.s32 s10, $0x1;
	s10 =	sld [smem:$0x3FB8];
	_ =	sdelay $0x3  }
0x34: {  	[smem:$0x3FB8] =	sst s10  }
0x35: {  	s10 =	sld [smem:$0x3FB7];
	_ =	sdelay $0x3  }
0x36: {  	p1 =	seq.s32 s10, $0x1;
	s10 =	sld [smem:$0x3FB8];
	_ =	sdelay $0x3  }
0x37: {  	[smem:$0x3FB8] =	sst s10  }
0x38: {  	s10 =	sld [smem:$0x3FB9]  }
0x39: {  	_ = 	snop;
	(pc) =	sbr.ind lr, $3  }
0x3a: {  	_ = 	snop  }
0x3b: {  	_ = 	snop  }
0x3c: {  	p2 =	seq.s32 s10, $0x1;
	s10 =	sld [smem:$0x3FB8]  }
0x3d: {  	_ =	shalt  }
0x3e: {  	_ =	shalt  }
0x3f: {  	_ =	shalt  }
0x40: {  	_ =	shalt  }
0x41: {  	_ =	shalt  }
0x42: {  	_ =	shalt  }
0x43: {  	_ =	shalt  }
0x44: {  	_ =	shalt  }
0x45: {  	_ =	shalt  }
0x46: {  	_ =	shalt  }
0x47: {  	_ =	shalt  }
0x48: {  	_ =	shalt  }
0x49: {  	_ =	shalt  }
0x4a: {  	_ =	shalt  }
0x4b: {  	_ =	shalt  }
0x4c: {  	_ =	shalt  }
0x4d: {  	_ =	shalt  }
0x4e: {  	_ =	shalt  }
0x4f: {  	_ =	shalt  }
0x50: {  	_ =	shalt  }
0x51: {  	_ =	shalt  }
0x52: {  	_ =	shalt  }
0x53: {  	_ =	shalt  }
0x54: {  	_ =	shalt  }
0x55: {  	_ =	shalt  }
0x56: {  	_ =	shalt  }
0x57: {  	_ =	shalt  }
0x58: {  	_ =	shalt  }
0x59: {  	_ =	shalt  }
0x5a: {  	_ =	shalt  }
0x5b: {  	_ =	shalt  }
0x5c: {  	_ =	shalt  }
0x5d: {  	_ =	shalt  }
0x5e: {  	_ =	shalt  }
0x5f: {  	_ =	shalt  }
0x60: {  	_ =	shalt  }
0x61: {  	_ =	shalt  }
0x62: {  	_ =	shalt  }
0x63: {  	_ =	shalt  }
0x64: {  	_ =	shalt  }
0x65: {  	_ =	shalt  }
0x66: {  	_ =	shalt  }
0x67: {  	_ =	shalt  }
0x68: {  	_ =	shalt  }
0x69: {  	_ =	shalt  }
0x6a: {  	_ =	shalt  }
0x6b: {  	_ =	shalt  }
0x6c: {  	_ =	shalt  }
0x6d: {  	_ =	shalt  }
0x6e: {  	_ =	shalt  }
0x6f: {  	_ =	shalt  }
0x70: {  	_ =	shalt  }
0x71: {  	_ =	shalt  }
0x72: {  	_ =	shalt  }
0x73: {  	_ =	shalt  }
0x74: {  	_ =	shalt  }
0x75: {  	_ =	shalt  }
0x76: {  	_ =	shalt  }
0x77: {  	_ =	shalt  }
0x78: {  	_ =	shalt  }
0x79: {  	_ =	shalt  }
0x7a: {  	_ =	shalt  }
0x7b: {  	_ =	shalt  }
0x7c: {  	_ =	shalt  }
0x7d: {  	_ =	shalt  }
0x7e: {  	_ =	shalt  }
0x7f: {  	_ =	shalt  }
0x80: {  	_ =	shalt  }
0x81: {  	_ =	shalt  }
0x82: {  	_ =	shalt  }
0x83: {  	_ =	shalt  }
0x84: {  	_ =	shalt  }
0x85: {  	_ =	shalt  }
0x86: {  	_ =	shalt  }
0x87: {  	_ =	shalt  }
.Lfunc_end0:
.L_simem_size_0:
called_computation_lowered:
.L_overlay_start_0:
0x88: {  	s2 =	sld [smem:$0x3FD9]  }
0x89: {  	s3 =	sld [smem:$0x3FFE];
	_ =	sdelay $0x1  }
0x8a: {  	s1 =	srdreg.scid  }
0x8b: {  	s0 =	sand.u32 $0x1, s1  }
0x8c: {  	s17 =	sshll.u32 s0, $0xA;
	s2 =	sadd.s32 s3, s2  }
0x8d: {  	s2 =	sadd.s32 s2, s17  }
0x8e: {  	[smem:$0x3FC4] =	sst s2  }
0x8f: {  	_ = 	snop  }
0x90: {  	s2 =	sld [smem:$0x3FC9]  }
0x91: {  	s18 =	sld [smem:$0x3FD0];
	(tm) =	ssettm $0x1  }
0x92: {  	s4 =	sld [smem:$0x3FFB];
	_ =	sdelay $0x3  }
0x93: {  	_ =	strace s4  }
0x94: {  	s4 =	sld [smem:$0x3FFC];
	_ =	sdelay $0x3  }
0x95: {  	_ =	strace s4  }
0x96: {  	s4 =	sld [smem:$0x3FFD];
	_ =	sdelay $0x3  }
0x97: {  	_ =	strace s4  }
0x98: {  	_ =	strace $0x8FFFFFFF  }
0x99: {  	s19 =	sld [smem:$0x3FDB];
	_ =	sdelay $0x1  }
0x9a: {  	s5 =	simm.s32 $_scs_section_size  }
0x9b: {  	s6 =	simm.s32 $_size__tile_overlayer_lowered;
	s7 =	simm.s32 $_tile_overlayer_lowered  }
0x9c: {  	s22 =	simm.s32 $0x1BFF;
	s21 =	sshll.u32 s7, $0x1;
	s4 =	sadd.s32 s5, s19  }
0x9d: {  	s8 =	simm.s32 $0x0;
	s20 =	sshll.u32 s6, $0x1;
	s6 =	sadd.s32 s21, s4  }
0x9e: {  	[timem:s8], [sflag:s22] =	dma.local [hbm:s6], s20  }
0x9f: {  	_ =	swait.ge [sflag:s22], s20  }
0xa0: {  	s5 =	ssub.s32 $0x0, s20;
	[sflag:s22] =	ssyncset.done $0x0  }
0xa1: {  	[sflag:s22] =	ssyncadd.s32 s5;
	_ =	sdelay $0x1  }
0xa2: {  	s23 =	simm.s32 $0x1B8B  }
0xa3: {  	_ =	swait.ge [sflag:s23], $0x1  }
0xa4: {  	[sflag:s23] =	ssyncset.done $0x0  }
0xa5: {  	s25 =	simm.s32 $0x1B8E;
	s24 =	sld [smem:$0x3FFE];
	[sflag:s23] =	ssyncadd.s32 $0xFFFFFFFF  }
0xa6: {  	s26 =	simm.s32 $execute0_lowered;
	[smem:$0x3FD2] =	sst s25  }
0xa7: {  	s6 =	sshll.u32 s26, $0x1;
	_ =	strace $0x80000046;
	[dreg:$0x1] =	wrdreg $0xFFFFFFFF  }
0xa8: {  	s28 =	simm.s32 $_size_execute0_lowered;
	s4 =	sadd.s32 s4, s6;
	[dreg:$0x0] =	wrdreg $0x0  }
0xa9: {  	s6 =	sshll.u32 s28, $0x1;
	[dreg:$0x2] =	wrdreg s4  }
0xaa: {  	[dreg:$0x3] =	wrdreg s6  }
0xab: {  	[dreg:$0x4] =	wrdreg $0xC0  }
0xac: {  	_ =	task [dreg:s8], $0x5FFFF  }
0xad: {  	[dreg:$0x1] =	wrdreg $0xFFFFFFFF  }
0xae: {  	[dreg:$0x0] =	wrdreg $0x60  }
0xaf: {  	[dreg:$0x2] =	wrdreg s2  }
0xb0: {  	[dreg:$0x3] =	wrdreg s24  }
0xb1: {  	[dreg:$0x4] =	wrdreg s18  }
0xb2: {  	[dreg:$0x5] =	wrdreg $0x0  }
0xb3: {  	[dreg:$0x6] =	wrdreg $0x9  }
0xb4: {  	_ =	task.clear_ibuf [dreg:s8], $0x7FFFF;
	_ =	strace $0x90000046  }
0xb5: {  	s29 =	simm.s32 $0x9;
	_ =	strace $0x80000048  }
0xb6: {  	_ =	swait.ge [sflag:s29], $0x1  }
0xb7: {  	[sflag:s29] =	ssyncadd.s32 $0xFFFFFFFF  }
0xb8: {  	_ =	strace $0x90000048  }
0xb9: {  	_ =	sfence  }
0xba: {  	s30 =	sld [smem:$0x0];
	_ =	sdelay $0x2  }
0xbb: {  	s31 =	sshll.u32 s1, $0xD;
	s1 =	sshrl.u32 s1, $0x2  }
0xbc: {  	s3 =	sand.u32 $0x4000, s31;
	s1 =	sadd.s32 s1, s30  }
0xbd: {  	s0 =	sor.u32 s3, s0;
	s1 =	sshll.u32 s1, $0x11  }
0xbe: {  	s0 =	sor.u32 s1, s0  }
0xbf: {  	s0 =	sadd.s32 $0x8F2B, s0  }
0xc0: {  	[sflag:s0] =	ssyncadd.remote.s32 $0x1  }
0xc1: {  	_ =	sfence.sel $0xFFFF  }
0xc2: {  	[dreg:$0x0] =	wrdreg $0xFFFFFFFF;
	(pc) =	sbr.abs _section_cstart, $3  }
0xc3: {  	[dreg:$0x1] =	wrdreg $0xFFFFFFFF  }
0xc4: {  	_ =	task.clear_ibuf [dreg:s8], $0x2FFFF;
	_ =	strace $0x9FFFFFFF  }
0xc5: {  	(tm) =	ssettm $0x7FFFFFFF  }
tec
execute0_lowered:
.L_overlay_start_1:
0x0: {  	(tag) =	ssettag $0x1  }
0x1: {  	s0 =	rddreg [dreg:$0x0]  }
0x2: {  	s4 =	rddreg [dreg:$0x1]  }
0x3: {  	s1 =	srdreg.scid;
	s10 =	rddreg [dreg:$0x2]  }
0x4: {  	s2 =	rddreg [dreg:$0x3];
	s22 =	stileid.u32  }
0x5: {  	s3 =	simm.s32 $0x0;
	s20 =	simm.s32 $0x3;
	s7 =	smul.u32 $0x50000, s22  }
0x6: {  	s21 =	simm.s32 $0x1;
	s28 =	simm.s32 $0xA0;
	s13 =	smul.u32 $0x2800, s22  }
0x7: {  	s29 =	simm.s32 $0x0;
	s9 =	sand.u32 $0x1, s1;
	s26 =	smul.u32 $0x2710, s22  }
0x8: {  	[smem:$0x7FF] =	sst s3;
	s15 =	sadd.s32 $0xAC00, s4;
	s30 =	smul.u32 $0x27100, s22  }
0x9: {  	s14 =	sadd.s32 $0xE00, s4;
	s5 =	sshll.u32 s9, $0x4;
	s17 =	smul.u32 $0x28000, s9  }
0xa: {  	_ =	strace $0x80000047;
	s23 =	ssub.s32 $0x2, s9;
	s18 =	smul.u32 $0x271000, s9  }
0xb: {  	s19 =	smul.u32 $0x27100, s9;
	s5 =	sor.u32 s22, s5;
	s24 =	sshrl.u32 s23, $0x1  }
0xc: {  	s7 =	sshrl.u32 s7, $0x2;
	s22 =	simm.s32 $0xF0;
	s6 =	smul.u32 $0x500, s5  }
0xd: {  	s8 =	smul.u32 $0x2710, s5;
	s12 =	ssub.s32 s23, s24;
	s13 =	sadd.s32 s13, s17  }
0xe: {  	s17 =	simm.s32 $0x6;
	s23 =	simm.s32 $0x2;
	s24 =	simm.s32 $0x1B800  }
0xf: {  	s10 =	sadd.s32 s10, s13;
	s11 =	sadd.s32 s6, s4;
	s4 =	sadd.s32 s7, s2  }
0x10: {  	s12 =	smax.u32 s12, $0x1;
	s16 =	sadd.s32 $0x2670, s8;
	s5 =	sadd.s32 $0x7800, s4  }
0x11: {  	s6 =	sadd.s32 $0xF000, s4;
	s8 =	sshrl.u32 s16, $0x3;
	s25 =	sshll.u32 s16, $0x4  }
0x12: {  	s11 =	sadd.s32 $0x14A00, s11;
	s16 =	sadd.s32 s26, s19;
	s19 =	simm.s32 $0x1E100  }
0x13: {  	s26 =	simm.s32 $0x5;
	s7 =	sadd.s32 s15, s8;
	s8 =	sadd.s32 s14, s8  }
0x14: {  	s9 =	sadd.s32 s0, s25;
	s0 =	sadd.s32 s18, s0;
	s31 =	sshrl.u32 s16, $0x3  }
0x15: {  	s16 =	simm.s32 $0x14000;
	s18 =	simm.s32 $0x1E000;
	s25 =	simm.s32 $0x4  }
0x16: {  	v0 =	vimm.f32 $0.0e+00;
	v1 =	vimm.f32 $1.000000000e+00;
	s13 =	sadd.s32 s30, s0;
	s14 =	sadd.s32 s31, s14;
	s15 =	sadd.s32 s31, s15  }
.LBB2_1:
0x17: {  	s30 =	simm.s32 $0x0;
	s31 =	simm.s32 $0x0  }
.LBB2_2:
0x18: {  	p0 =	sne.s32 s31, $0x9FC0  }
.Ltmp0:
0x19: {  	_ = 	snop;
	(pc) =	sbr.rel @p0 .LBB2_2-.Ltmp0, $4  }
0x1a: {  	s0 =	sand.u32 $0xFE00, s31  }
0x1b: {  	s1 =	sand.u32 $0x70, s30;
	s0 =	sshrl.u32 s0, $0x2  }
0x1c: {  	s0 =	sor.u32 s1, s0  }
0x1d: {  	s30 =	sadd.s32 $0x10, s30;
	s31 =	sadd.s32 $0x40, s31;
	[tilespmem:s0+$0x1B800] =	vst v0  }
0x1e: {  	s30 =	simm.s32 $0x0  }
0x1f: {  	s0 =	sand.u32 $0x1FE00, s30  }
0x20: {  	s1 =	sand.u32 $0x70, s30;
	s0 =	sshrl.u32 s0, $0x2  }
0x21: {  	s31 =	simm.s32 $0x40;
	s0 =	sor.u32 s1, s0  }
.LBB2_4:
0x22: {  	p0 =	sne.s32 s31, $0x1DFC0  }
0x23: {  	[tilespmem:s0+$0x14000] =	vst v0;
	s30 =	sadd.s32 $0x10, s30;
	s0 =	smov.u32 s31;
	s31 =	sadd.s32 $0x40, s31  }
.Ltmp1:
0x24: {  	(pc) =	sbr.rel @p0 .LBB2_4-.Ltmp1, $4  }
0x25: {  	_ = 	snop  }
0x26: {  	s0 =	sand.u32 $0x1FE00, s0  }
0x27: {  	s1 =	sand.u32 $0x70, s30;
	s0 =	sshrl.u32 s0, $0x2  }
0x28: {  	s0 =	sor.u32 s1, s0  }
0x29: {  	[tilespmem:s0+$0x14000] =	vst v0  }
0x2a: {  	[spmem:s4] =	stream.linear.scatter [tilespmem:s16], [sflag:$0x6], $0x7800, $0x38;
	[tilespmem:$0x1E200] =	vst v63  }
0x2b: {  	_ =	swait.ge [sflag:s17], $0x7800  }
0x2c: {  	[sflag:s17] =	ssyncset.done $0x0  }
0x2d: {  	[sflag:s17] =	ssyncadd.s32 $0xFFFF8800  }
0x2e: {  	[spmem:s5] =	stream.linear.scatter [tilespmem:s16], [sflag:$0x6], $0x7800, $0x38;
	[tilespmem:$0x1E200] =	vst v63  }
0x2f: {  	_ =	swait.ge [sflag:s17], $0x7800  }
0x30: {  	[sflag:s17] =	ssyncset.done $0x0  }
0x31: {  	[sflag:s17] =	ssyncadd.s32 $0xFFFF8800  }
0x32: {  	[spmem:s6] =	stream.linear.scatter [tilespmem:s16], [sflag:$0x6], $0x5000, $0x38;
	[tilespmem:$0x1E200] =	vst v63  }
0x33: {  	_ =	swait.ge [sflag:s17], $0x5000  }
0x34: {  	[sflag:s17] =	ssyncset.done $0x0  }
0x35: {  	[sflag:s17] =	ssyncadd.s32 $0xFFFFB000  }
0x36: {  	s30 =	simm.s32 $0x0;
	s31 =	smov.u32 s13;
	[bflag:$0x0] =	sbarrier.arrive $0xFFFF  }
.LBB2_6:
0x37: {  	s0 =	sadd.s32 s30, s15  }
0x38: {  	[tilespmem:s18], [sflag:$0x1] =	stream.linear.gather [hbm4b:s0+s3], $0xF0, $0x38;
	[tilespmem:$0x1E200] =	vst v63  }
0x39: {  	s1 =	sadd.s32 s30, s14  }
0x3a: {  	[tilespmem:s19], [sflag:$0x2] =	stream.linear.gather [hbm4b:s1+s3], $0xF0, $0x38;
	[tilespmem:$0x1E200] =	vst v63  }
0x3b: {  	_ = 	snop  }
0x3c: {  	[tilespmem:s16], [sflag:$0x3] =	stream.linear.gather [hbm4b:s31+s3], $0x7800, $0x38;
	[tilespmem:$0x1E200] =	vst v63  }
0x3d: {  	_ =	swait.ge [sflag:s20], $0x7800  }
0x3e: {  	[sflag:s20] =	ssyncset.done $0x0  }
0x3f: {  	[sflag:s20] =	ssyncadd.s32 $0xFFFF8800  }
0x40: {  	_ =	swait.ge [sflag:s21], $0xF0  }
0x41: {  	[sflag:s21] =	ssyncset.done $0x0  }
0x42: {  	[sflag:s21] =	ssyncadd.s32 $0xFFFFFF10  }
0x43: {  	[spmem:s2] =	stream.indirect.scatter.add.f32 [tilespmem:s16], [sflag:$0x4], $0x80, s18, s22, $0xb8;
	[tilespmem:$0x1E200] =	vst v63  }
0x44: {  	_ =	swait.ge [sflag:s23], $0xF0  }
0x45: {  	[sflag:s23] =	ssyncset.done $0x0  }
0x46: {  	[sflag:s23] =	ssyncadd.s32 $0xFFFFFF10  }
0x47: {  	[spmem:s2] =	stream.indirect.scatter.add.f32 [tilespmem:s16], [sflag:$0x5], $0x80, s19, s22, $0xb8;
	[tilespmem:$0x1E200] =	vst v63  }
0x48: {  	v2 =	vld [tilespmem:$0x1E000];
	_ =	sdelay $0x7  }
0x49: {  	[tilespmem:v2+s24+$0x0] =	vst.idx.add.f32.msk $0xffff, v1  }
0x4a: {  	v2 =	vld [tilespmem:$0x1E100];
	_ =	sdelay $0x7  }
0x4b: {  	[tilespmem:v2+s24+$0x0] =	vst.idx.add.f32.msk $0xffff, v1  }
0x4c: {  	v2 =	vld [tilespmem:$0x1E010];
	_ =	sdelay $0x7  }
0x4d: {  	[tilespmem:v2+s24+$0x0] =	vst.idx.add.f32.msk $0xffff, v1  }
0x4e: {  	v2 =	vld [tilespmem:$0x1E110];
	_ =	sdelay $0x7  }
0x4f: {  	[tilespmem:v2+s24+$0x0] =	vst.idx.add.f32.msk $0xffff, v1  }
0x50: {  	v2 =	vld [tilespmem:$0x1E020];
	_ =	sdelay $0x7  }
0x51: {  	[tilespmem:v2+s24+$0x0] =	vst.idx.add.f32.msk $0xffff, v1  }
0x52: {  	v2 =	vld [tilespmem:$0x1E120];
	_ =	sdelay $0x7  }
0x53: {  	[tilespmem:v2+s24+$0x0] =	vst.idx.add.f32.msk $0xffff, v1  }
0x54: {  	v2 =	vld [tilespmem:$0x1E030];
	_ =	sdelay $0x7  }
0x55: {  	[tilespmem:v2+s24+$0x0] =	vst.idx.add.f32.msk $0xffff, v1  }
0x56: {  	v2 =	vld [tilespmem:$0x1E130];
	_ =	sdelay $0x7  }
0x57: {  	[tilespmem:v2+s24+$0x0] =	vst.idx.add.f32.msk $0xffff, v1  }
0x58: {  	v2 =	vld [tilespmem:$0x1E040];
	_ =	sdelay $0x7  }
0x59: {  	[tilespmem:v2+s24+$0x0] =	vst.idx.add.f32.msk $0xffff, v1  }
0x5a: {  	v2 =	vld [tilespmem:$0x1E140];
	_ =	sdelay $0x7  }
0x5b: {  	[tilespmem:v2+s24+$0x0] =	vst.idx.add.f32.msk $0xffff, v1  }
0x5c: {  	v2 =	vld [tilespmem:$0x1E050];
	_ =	sdelay $0x7  }
0x5d: {  	[tilespmem:v2+s24+$0x0] =	vst.idx.add.f32.msk $0xffff, v1  }
0x5e: {  	v2 =	vld [tilespmem:$0x1E150];
	_ =	sdelay $0x7  }
0x5f: {  	[tilespmem:v2+s24+$0x0] =	vst.idx.add.f32.msk $0xffff, v1  }
0x60: {  	v2 =	vld [tilespmem:$0x1E060];
	_ =	sdelay $0x7  }
0x61: {  	[tilespmem:v2+s24+$0x0] =	vst.idx.add.f32.msk $0xffff, v1  }
0x62: {  	v2 =	vld [tilespmem:$0x1E160];
	_ =	sdelay $0x7  }
0x63: {  	[tilespmem:v2+s24+$0x0] =	vst.idx.add.f32.msk $0xffff, v1  }
0x64: {  	v2 =	vld [tilespmem:$0x1E070];
	_ =	sdelay $0x7  }
0x65: {  	[tilespmem:v2+s24+$0x0] =	vst.idx.add.f32.msk $0xffff, v1  }
0x66: {  	v2 =	vld [tilespmem:$0x1E170];
	_ =	sdelay $0x7  }
0x67: {  	[tilespmem:v2+s24+$0x0] =	vst.idx.add.f32.msk $0xffff, v1  }
0x68: {  	v2 =	vld [tilespmem:$0x1E080];
	_ =	sdelay $0x7  }
0x69: {  	[tilespmem:v2+s24+$0x0] =	vst.idx.add.f32.msk $0xffff, v1  }
0x6a: {  	v2 =	vld [tilespmem:$0x1E180];
	_ =	sdelay $0x7  }
0x6b: {  	[tilespmem:v2+s24+$0x0] =	vst.idx.add.f32.msk $0xffff, v1  }
0x6c: {  	v2 =	vld [tilespmem:$0x1E090];
	_ =	sdelay $0x7  }
0x6d: {  	[tilespmem:v2+s24+$0x0] =	vst.idx.add.f32.msk $0xffff, v1  }
0x6e: {  	v2 =	vld [tilespmem:$0x1E190];
	_ =	sdelay $0x7  }
0x6f: {  	[tilespmem:v2+s24+$0x0] =	vst.idx.add.f32.msk $0xffff, v1  }
0x70: {  	v2 =	vld [tilespmem:$0x1E0A0];
	_ =	sdelay $0x7  }
0x71: {  	[tilespmem:v2+s24+$0x0] =	vst.idx.add.f32.msk $0xffff, v1  }
0x72: {  	v2 =	vld [tilespmem:$0x1E1A0];
	_ =	sdelay $0x7  }
0x73: {  	[tilespmem:v2+s24+$0x0] =	vst.idx.add.f32.msk $0xffff, v1  }
0x74: {  	v2 =	vld [tilespmem:$0x1E0B0];
	_ =	sdelay $0x7  }
0x75: {  	[tilespmem:v2+s24+$0x0] =	vst.idx.add.f32.msk $0xffff, v1  }
0x76: {  	v2 =	vld [tilespmem:$0x1E1B0];
	_ =	sdelay $0x7  }
0x77: {  	[tilespmem:v2+s24+$0x0] =	vst.idx.add.f32.msk $0xffff, v1  }
0x78: {  	v2 =	vld [tilespmem:$0x1E0C0];
	_ =	sdelay $0x7  }
0x79: {  	[tilespmem:v2+s24+$0x0] =	vst.idx.add.f32.msk $0xffff, v1  }
0x7a: {  	v2 =	vld [tilespmem:$0x1E1C0];
	_ =	sdelay $0x7  }
0x7b: {  	[tilespmem:v2+s24+$0x0] =	vst.idx.add.f32.msk $0xffff, v1  }
0x7c: {  	v2 =	vld [tilespmem:$0x1E0D0];
	_ =	sdelay $0x7  }
0x7d: {  	[tilespmem:v2+s24+$0x0] =	vst.idx.add.f32.msk $0xffff, v1  }
0x7e: {  	v2 =	vld [tilespmem:$0x1E1D0];
	_ =	sdelay $0x7  }
0x7f: {  	[tilespmem:v2+s24+$0x0] =	vst.idx.add.f32.msk $0xffff, v1  }
0x80: {  	v2 =	vld [tilespmem:$0x1E0E0];
	_ =	sdelay $0x7  }
0x81: {  	[tilespmem:v2+s24+$0x0] =	vst.idx.add.f32.msk $0xffff, v1  }
0x82: {  	v2 =	vld [tilespmem:$0x1E1E0];
	_ =	sdelay $0x7  }
0x83: {  	[tilespmem:v2+s24+$0x0] =	vst.idx.add.f32.msk $0xffff, v1  }
0x84: {  	p0 =	sne.s32 s30, $0x4B0;
	_ =	swait.ge [sflag:s25], $0x7800  }
.Ltmp2:
0x85: {  	[sflag:s25] =	ssyncset.done $0x0;
	(pc) =	sbr.rel @p0 .LBB2_6-.Ltmp2, $4  }
0x86: {  	[sflag:s25] =	ssyncadd.s32 $0xFFFF8800  }
0x87: {  	_ =	swait.ge [sflag:s26], $0x7800  }
0x88: {  	[sflag:s26] =	ssyncset.done $0x0  }
0x89: {  	s30 =	sadd.s32 $0x1E, s30;
	s31 =	sadd.s32 $0xF00, s31;
	[sflag:s26] =	ssyncadd.s32 $0xFFFF8800  }
0x8a: {  	[tilespmem:s18], [sflag:$0x1] =	stream.linear.gather [hbm4b:s7+s3], $0xA0, $0x38;
	[tilespmem:$0x1E200] =	vst v63  }
0x8b: {  	_ = 	snop  }
0x8c: {  	[tilespmem:s19], [sflag:$0x2] =	stream.linear.gather [hbm4b:s8+s3], $0xA0, $0x38;
	[tilespmem:$0x1E200] =	vst v63  }
0x8d: {  	_ = 	snop  }
0x8e: {  	[tilespmem:s16], [sflag:$0x3] =	stream.linear.gather [hbm4b:s9+s3], $0x5000, $0x38;
	[tilespmem:$0x1E200] =	vst v63  }
0x8f: {  	_ =	swait.ge [sflag:s20], $0x5000  }
0x90: {  	[sflag:s20] =	ssyncset.done $0x0  }
0x91: {  	[sflag:s20] =	ssyncadd.s32 $0xFFFFB000  }
0x92: {  	_ =	swait.ge [sflag:s21], $0xA0  }
0x93: {  	[sflag:s21] =	ssyncset.done $0x0  }
0x94: {  	[sflag:s21] =	ssyncadd.s32 $0xFFFFFF60  }
0x95: {  	[spmem:s2] =	stream.indirect.scatter.add.f32 [tilespmem:s16], [sflag:$0x4], $0x80, s18, s28, $0xb8;
	[tilespmem:$0x1E200] =	vst v63  }
0x96: {  	_ =	swait.ge [sflag:s23], $0xA0  }
0x97: {  	[sflag:s23] =	ssyncset.done $0x0  }
0x98: {  	[sflag:s23] =	ssyncadd.s32 $0xFFFFFF60  }
0x99: {  	[spmem:s2] =	stream.indirect.scatter.add.f32 [tilespmem:s16], [sflag:$0x5], $0x80, s19, s28, $0xb8;
	[tilespmem:$0x1E200] =	vst v63  }
0x9a: {  	v2 =	vld [tilespmem:$0x1E000];
	_ =	sdelay $0x7  }
0x9b: {  	[tilespmem:v2+s24+$0x0] =	vst.idx.add.f32.msk $0xffff, v1  }
0x9c: {  	v2 =	vld [tilespmem:$0x1E100];
	_ =	sdelay $0x7  }
0x9d: {  	[tilespmem:v2+s24+$0x0] =	vst.idx.add.f32.msk $0xffff, v1  }
0x9e: {  	v2 =	vld [tilespmem:$0x1E010];
	_ =	sdelay $0x7  }
0x9f: {  	[tilespmem:v2+s24+$0x0] =	vst.idx.add.f32.msk $0xffff, v1  }
0xa0: {  	v2 =	vld [tilespmem:$0x1E110];
	_ =	sdelay $0x7  }
0xa1: {  	[tilespmem:v2+s24+$0x0] =	vst.idx.add.f32.msk $0xffff, v1  }
0xa2: {  	v2 =	vld [tilespmem:$0x1E020];
	_ =	sdelay $0x7  }
0xa3: {  	[tilespmem:v2+s24+$0x0] =	vst.idx.add.f32.msk $0xffff, v1  }
0xa4: {  	v2 =	vld [tilespmem:$0x1E120];
	_ =	sdelay $0x7  }
0xa5: {  	[tilespmem:v2+s24+$0x0] =	vst.idx.add.f32.msk $0xffff, v1  }
0xa6: {  	v2 =	vld [tilespmem:$0x1E030];
	_ =	sdelay $0x7  }
0xa7: {  	[tilespmem:v2+s24+$0x0] =	vst.idx.add.f32.msk $0xffff, v1  }
0xa8: {  	v2 =	vld [tilespmem:$0x1E130];
	_ =	sdelay $0x7  }
0xa9: {  	[tilespmem:v2+s24+$0x0] =	vst.idx.add.f32.msk $0xffff, v1  }
0xaa: {  	v2 =	vld [tilespmem:$0x1E040];
	_ =	sdelay $0x7  }
0xab: {  	[tilespmem:v2+s24+$0x0] =	vst.idx.add.f32.msk $0xffff, v1  }
0xac: {  	v2 =	vld [tilespmem:$0x1E140];
	_ =	sdelay $0x7  }
0xad: {  	[tilespmem:v2+s24+$0x0] =	vst.idx.add.f32.msk $0xffff, v1  }
0xae: {  	v2 =	vld [tilespmem:$0x1E050];
	_ =	sdelay $0x7  }
0xaf: {  	[tilespmem:v2+s24+$0x0] =	vst.idx.add.f32.msk $0xffff, v1  }
0xb0: {  	v2 =	vld [tilespmem:$0x1E150];
	_ =	sdelay $0x7  }
0xb1: {  	[tilespmem:v2+s24+$0x0] =	vst.idx.add.f32.msk $0xffff, v1  }
0xb2: {  	v2 =	vld [tilespmem:$0x1E060];
	_ =	sdelay $0x7  }
0xb3: {  	[tilespmem:v2+s24+$0x0] =	vst.idx.add.f32.msk $0xffff, v1  }
0xb4: {  	v2 =	vld [tilespmem:$0x1E160];
	_ =	sdelay $0x7  }
0xb5: {  	[tilespmem:v2+s24+$0x0] =	vst.idx.add.f32.msk $0xffff, v1  }
0xb6: {  	v2 =	vld [tilespmem:$0x1E070];
	_ =	sdelay $0x7  }
0xb7: {  	[tilespmem:v2+s24+$0x0] =	vst.idx.add.f32.msk $0xffff, v1  }
0xb8: {  	v2 =	vld [tilespmem:$0x1E170];
	_ =	sdelay $0x7  }
0xb9: {  	[tilespmem:v2+s24+$0x0] =	vst.idx.add.f32.msk $0xffff, v1  }
0xba: {  	v2 =	vld [tilespmem:$0x1E080];
	_ =	sdelay $0x7  }
0xbb: {  	[tilespmem:v2+s24+$0x0] =	vst.idx.add.f32.msk $0xffff, v1  }
0xbc: {  	v2 =	vld [tilespmem:$0x1E180];
	_ =	sdelay $0x7  }
0xbd: {  	[tilespmem:v2+s24+$0x0] =	vst.idx.add.f32.msk $0xffff, v1  }
0xbe: {  	v2 =	vld [tilespmem:$0x1E090];
	_ =	sdelay $0x7  }
0xbf: {  	[tilespmem:v2+s24+$0x0] =	vst.idx.add.f32.msk $0xffff, v1  }
0xc0: {  	v2 =	vld [tilespmem:$0x1E190];
	_ =	sdelay $0x7  }
0xc1: {  	[tilespmem:v2+s24+$0x0] =	vst.idx.add.f32.msk $0xffff, v1  }
0xc2: {  	_ =	swait.ge [sflag:s25], $0x5000  }
0xc3: {  	[sflag:s25] =	ssyncset.done $0x0  }
0xc4: {  	[sflag:s25] =	ssyncadd.s32 $0xFFFFB000  }
0xc5: {  	_ =	swait.ge [sflag:s26], $0x5000  }
0xc6: {  	s0 =	stileid.u32;
	[sflag:s26] =	ssyncset.done $0x0  }
0xc7: {  	s0 =	sshll.u32 s0, $0x6;
	[sflag:s26] =	ssyncadd.s32 $0xFFFFB000  }
0xc8: {  	s1 =	sshrl.u32 s4, $0x3;
	s0 =	sor.u32 $0x1C06, s0;
	[bflag:$0x0] =	sbarrier.arrive $0xFFFF  }
0xc9: {  	[hbm:s10], [sflag:s0] =	dma.local [spmem:s1], $0x2800  }
0xca: {  	s29 =	sadd.s32 $0x1, s29;
	_ =	swait.ge [sflag:s17], $0x2800  }
0xcb: {  	p0 =	sne.s32 s29, s12;
	[sflag:s17] =	ssyncset.done $0x0  }
.Ltmp3:
0xcc: {  	[sflag:s17] =	ssyncadd.s32 $0xFFFFD800;
	(pc) =	sbr.rel @p0 .LBB2_1-.Ltmp3, $4  }
0xcd: {  	[hbm4b:s11+s3] =	stream.linear.scatter [tilespmem:s24], [sflag:$0x6], $0x2800, $0x38;
	[tilespmem:$0x1E200] =	vst v63  }
0xce: {  	_ =	swait.ge [sflag:s17], $0x2800  }
0xcf: {  	[sflag:s17] =	ssyncset.done $0x0  }
0xd0: {  	[sflag:s17] =	ssyncadd.s32 $0xFFFFD800  }
0xd1: {  	_ =	sfence.sel $0x180000  }
0xd2: {  	[bflag:$0x0] =	sbarrier.arrive $0xFFFF  }
0xd3: {  	_ =	strace $0x90000047  }
0xd4: {  	s0 =	stileid.u32;
	[bflag:$0x2] =	sbarrier.arrive $0xFFFF  }
0xd5: {  	p0 =	sne.s32 s0, $0x0;
	s0 =	rddreg [dreg:$0x4]  }
0xd6: {  	s0 =	sadd.s32 @!p0 $0x100000, s0  }
0xd7: {  	[sflag:s0] =	ssyncadd.tile.s32 @!p0 $0x1;
	_ =	shalt  }
.Lfunc_end2:
_tile_overlayer_lowered:
.L_overlay_start_2:
0xd8: {  	(tag) =	ssettag $0x2  }
0xd9: {  	s0 =	rddreg [dreg:$0x0];
	s2 =	stileid.u32  }
0xda: {  	s1 =	rddreg [dreg:$0x1];
	p0 =	sne.s32 s2, $0x0  }
0xdb: {  	s3 =	rddreg [dreg:$0x2];
	[bflag:$0x3] =	sbarrier.arrive $0xFFFF;
	s2 =	simm.s32 @!p0 $0x1C06  }
0xdc: {  	[timem:s3], [sflag:s2] =	dma.local @!p0 [hbm:s0], s1  }
0xdd: {  	s0 =	simm.s32 @!p0 $0x6  }
0xde: {  	_ =	swait.ge @!p0 [sflag:s0], s1  }
0xdf: {  	s1 =	ssub.s32 @!p0 $0x0, s1;
	[sflag:s0] =	ssyncset.done @!p0 $0x0  }
0xe0: {  	[sflag:s0] =	ssyncadd.s32 @!p0 s1  }
0xe1: {  	[bflag:$0x3] =	sbarrier.arrive $0xFFFF  }
0xe2: {  	_ =	shalt  }

// kernel: kernel.8.cloned.1.call-start
scs
__scs_entry_jumppad:
0x0: {  	(pc) =	sbr.rel $0x88, $3  }
0x1: {  	(tag) =	ssettag $0x0;
	lr =	simm.s32 $0x1  }
0x2: {  	[smem:$0x3F9D] =	sst lr;
	_ =	strace $0xD0000000  }
0x3: {  	_ = 	snop  }
0x4: {  	_ = 	snop  }
0x5: {  	_ = 	snop  }
0x6: {  	_ = 	snop  }
0x7: {  	_ = 	snop  }
__scs_overlays_trampoline_lowered:
0x8: {  	[smem:$0x3FAC] =	sst s0  }
0x9: {  	[smem:$0x3FAD] =	sst s1  }
0xa: {  	[smem:$0x3FAE] =	sst s2  }
0xb: {  	[smem:$0x3FAF] =	sst s3  }
0xc: {  	[smem:$0x3FB0] =	sst s4  }
0xd: {  	[smem:$0x3FB1] =	sst s5  }
0xe: {  	[smem:$0x3FB2] =	sst s6  }
0xf: {  	[smem:$0x3FB3] =	sst s7  }
0x10: {  	[smem:$0x3FB4] =	sst s8  }
0x11: {  	[smem:$0x3FB5] =	sst s9;
	s0 =	simm.s32 @!p0 $0x0  }
0x12: {  	s1 =	sld [smem:$0x3F9B];
	s0 =	simm.s32 @p0 $0x1  }
0x13: {  	[smem:$0x3FB6] =	sst s0;
	s0 =	simm.s32 @!p1 $0x0  }
0x14: {  	s2 =	sld [smem:$0x3F9A];
	s0 =	simm.s32 @p1 $0x1  }
0x15: {  	[smem:$0x3FB7] =	sst s0;
	s0 =	simm.s32 @!p2 $0x0  }
0x16: {  	s3 =	sld [smem:$0x3FDB];
	s0 =	simm.s32 @p2 $0x1  }
0x17: {  	s4 =	simm.s32 $0x1BF5;
	[smem:$0x3FB9] =	sst s0  }
0x18: {  	s0 =	sld [smem:$0x3F9C];
	_ =	swait.ge [sflag:s4], $0x0  }
0x19: {  	s7 =	sld [smem:$0x3F9D]  }
0x1a: {  	s8 =	sadd.s32 $0xFFFFE003, lr  }
0x1b: {  	s9 =	sadd.s32 $0xFFFFFEF7, lr;
	s5 =	simm.s32 $0xFFFFFFFF;
	p2 =	slt.u32 s8, $0xFFFFF086  }
0x1c: {  	p1 =	slt.u32 s9, $0xF7A;
	s5 =	simm.s32 @!p2 $0x0  }
0x1d: {  	s5 =	simm.s32 @p1 $0x1;
	p0 =	seq.s32 s7, s2  }
0x1e: {  	s7 =	smul.u32 @!p0 $0xF7A, s2;
	p2 =	seq.s32 @!p0 s5, $0x0  }
0x1f: {  	s9 =	smul.u32 $0xF7A, s1;
	s8 =	simm.s32 @!p0 $0x1BF5;
	p2 =	por !p2, p0  }
0x20: {  	[sflag:s8] =	ssyncset.s32 @!p0 $0xFFFFF086;
	s6 =	sadd.s32 @!p0 s3, s7;
	s7 =	simm.s32 @!p0 $0x108  }
0x21: {  	s3 =	sadd.s32 s3, s9;
	s6 =	sadd.s32 @!p0 $0x88, s6;
	s7 =	simm.s32 @p2 $0x1082  }
0x22: {  	[simem:s7], [sflag:s8] =	dma.local @!p0 [hbm:s6], $0xF7A  }
0x23: {  	s9 =	sor.u32 $0xD0000000, s2;
	s6 =	simm.s32 $0x108;
	_ =	swait.ge @!p0 [sflag:s8], $0x0  }
0x24: {  	s3 =	sadd.s32 $0x88, s3;
	s6 =	simm.s32 @!p1 $0x1082;
	[sflag:s4] =	ssyncset.s32 $0xFFFFF086  }
0x25: {  	[simem:s6], [sflag:s4] =	dma.local [hbm:s3], $0xF7A  }
0x26: {  	[smem:$0x3F9D] =	sst s1;
	(tag) =	ssettag s2;
	_ =	strace s9  }
0x27: {  	s1 =	sld [smem:$0x3FAD]  }
0x28: {  	s2 =	sld [smem:$0x3FAE]  }
0x29: {  	s4 =	sld [smem:$0x3FB0]  }
0x2a: {  	p0 =	seq.s32 s5, $0x0;
	s5 =	sld [smem:$0x3FB1]  }
0x2b: {  	s6 =	sld [smem:$0x3FB2]  }
0x2c: {  	s7 =	sld [smem:$0x3FB3]  }
0x2d: {  	s3 =	simm.s32 $0x108;
	s8 =	sld [smem:$0x3FB4]  }
0x2e: {  	s3 =	simm.s32 @!p0 $0x1082;
	s9 =	sld [smem:$0x3FB5]  }
0x2f: {  	lr =	sadd.s32 s0, s3;
	s0 =	sld [smem:$0x3FAC]  }
0x30: {  	s3 =	sld [smem:$0x3FAF]  }
0x31: {  	[smem:$0x3FB8] =	sst s10  }
0x32: {  	s10 =	sld [smem:$0x3FB6];
	_ =	sdelay $0x3  }
0x33: {  	p0 =	seq.s32 s10, $0x1;
	s10 =	sld [smem:$0x3FB8];
	_ =	sdelay $0x3  }
0x34: {  	[smem:$0x3FB8] =	sst s10  }
0x35: {  	s10 =	sld [smem:$0x3FB7];
	_ =	sdelay $0x3  }
0x36: {  	p1 =	seq.s32 s10, $0x1;
	s10 =	sld [smem:$0x3FB8];
	_ =	sdelay $0x3  }
0x37: {  	[smem:$0x3FB8] =	sst s10  }
0x38: {  	s10 =	sld [smem:$0x3FB9]  }
0x39: {  	_ = 	snop;
	(pc) =	sbr.ind lr, $3  }
0x3a: {  	_ = 	snop  }
0x3b: {  	_ = 	snop  }
0x3c: {  	p2 =	seq.s32 s10, $0x1;
	s10 =	sld [smem:$0x3FB8]  }
0x3d: {  	_ =	shalt  }
0x3e: {  	_ =	shalt  }
0x3f: {  	_ =	shalt  }
0x40: {  	_ =	shalt  }
0x41: {  	_ =	shalt  }
0x42: {  	_ =	shalt  }
0x43: {  	_ =	shalt  }
0x44: {  	_ =	shalt  }
0x45: {  	_ =	shalt  }
0x46: {  	_ =	shalt  }
0x47: {  	_ =	shalt  }
0x48: {  	_ =	shalt  }
0x49: {  	_ =	shalt  }
0x4a: {  	_ =	shalt  }
0x4b: {  	_ =	shalt  }
0x4c: {  	_ =	shalt  }
0x4d: {  	_ =	shalt  }
0x4e: {  	_ =	shalt  }
0x4f: {  	_ =	shalt  }
0x50: {  	_ =	shalt  }
0x51: {  	_ =	shalt  }
0x52: {  	_ =	shalt  }
0x53: {  	_ =	shalt  }
0x54: {  	_ =	shalt  }
0x55: {  	_ =	shalt  }
0x56: {  	_ =	shalt  }
0x57: {  	_ =	shalt  }
0x58: {  	_ =	shalt  }
0x59: {  	_ =	shalt  }
0x5a: {  	_ =	shalt  }
0x5b: {  	_ =	shalt  }
0x5c: {  	_ =	shalt  }
0x5d: {  	_ =	shalt  }
0x5e: {  	_ =	shalt  }
0x5f: {  	_ =	shalt  }
0x60: {  	_ =	shalt  }
0x61: {  	_ =	shalt  }
0x62: {  	_ =	shalt  }
0x63: {  	_ =	shalt  }
0x64: {  	_ =	shalt  }
0x65: {  	_ =	shalt  }
0x66: {  	_ =	shalt  }
0x67: {  	_ =	shalt  }
0x68: {  	_ =	shalt  }
0x69: {  	_ =	shalt  }
0x6a: {  	_ =	shalt  }
0x6b: {  	_ =	shalt  }
0x6c: {  	_ =	shalt  }
0x6d: {  	_ =	shalt  }
0x6e: {  	_ =	shalt  }
0x6f: {  	_ =	shalt  }
0x70: {  	_ =	shalt  }
0x71: {  	_ =	shalt  }
0x72: {  	_ =	shalt  }
0x73: {  	_ =	shalt  }
0x74: {  	_ =	shalt  }
0x75: {  	_ =	shalt  }
0x76: {  	_ =	shalt  }
0x77: {  	_ =	shalt  }
0x78: {  	_ =	shalt  }
0x79: {  	_ =	shalt  }
0x7a: {  	_ =	shalt  }
0x7b: {  	_ =	shalt  }
0x7c: {  	_ =	shalt  }
0x7d: {  	_ =	shalt  }
0x7e: {  	_ =	shalt  }
0x7f: {  	_ =	shalt  }
0x80: {  	_ =	shalt  }
0x81: {  	_ =	shalt  }
0x82: {  	_ =	shalt  }
0x83: {  	_ =	shalt  }
0x84: {  	_ =	shalt  }
0x85: {  	_ =	shalt  }
0x86: {  	_ =	shalt  }
0x87: {  	_ =	shalt  }
.Lfunc_end0:
.L_simem_size_0:
called_computation.1_lowered:
.L_overlay_start_0:
0x88: {  	s2 =	sld [smem:$0x3FD9]  }
0x89: {  	s3 =	sld [smem:$0x3FFE];
	_ =	sdelay $0x1  }
0x8a: {  	s1 =	srdreg.scid  }
0x8b: {  	s0 =	sand.u32 $0x1, s1  }
0x8c: {  	s17 =	sshll.u32 s0, $0xA;
	s2 =	sadd.s32 s3, s2  }
0x8d: {  	s2 =	sadd.s32 s2, s17  }
0x8e: {  	[smem:$0x3FC4] =	sst s2  }
0x8f: {  	_ = 	snop  }
0x90: {  	s2 =	sld [smem:$0x3FD0];
	(tm) =	ssettm $0x1  }
0x91: {  	s18 =	sld [smem:$0x3FFB];
	_ =	sdelay $0x3  }
0x92: {  	_ =	strace s18  }
0x93: {  	s3 =	sld [smem:$0x3FFC];
	_ =	sdelay $0x3  }
0x94: {  	_ =	strace s3  }
0x95: {  	s3 =	sld [smem:$0x3FFD];
	_ =	sdelay $0x3  }
0x96: {  	_ =	strace s3  }
0x97: {  	_ =	strace $0x8FFFFFFF  }
0x98: {  	s19 =	sld [smem:$0x3FDB];
	_ =	sdelay $0x1  }
0x99: {  	s4 =	simm.s32 $_scs_section_size  }
0x9a: {  	s5 =	simm.s32 $_size__tile_overlayer_lowered;
	s6 =	simm.s32 $_tile_overlayer_lowered  }
0x9b: {  	s22 =	simm.s32 $0x1BFF;
	s21 =	sshll.u32 s6, $0x1;
	s3 =	sadd.s32 s4, s19  }
0x9c: {  	s7 =	simm.s32 $0x0;
	s20 =	sshll.u32 s5, $0x1;
	s5 =	sadd.s32 s21, s3  }
0x9d: {  	[timem:s7], [sflag:s22] =	dma.local [hbm:s5], s20  }
0x9e: {  	_ =	swait.ge [sflag:s22], s20  }
0x9f: {  	s4 =	ssub.s32 $0x0, s20;
	[sflag:s22] =	ssyncset.done $0x0  }
0xa0: {  	[sflag:s22] =	ssyncadd.s32 s4;
	_ =	sdelay $0x1  }
0xa1: {  	s23 =	simm.s32 $0x1B8B  }
0xa2: {  	_ =	swait.ge [sflag:s23], $0x1  }
0xa3: {  	[sflag:s23] =	ssyncset.done $0x0  }
0xa4: {  	s25 =	simm.s32 $0x1B8E;
	s24 =	sld [smem:$0x3FFE];
	[sflag:s23] =	ssyncadd.s32 $0xFFFFFFFF  }
0xa5: {  	s26 =	simm.s32 $execute0_lowered;
	[smem:$0x3FD2] =	sst s25  }
0xa6: {  	s5 =	sshll.u32 s26, $0x1;
	_ =	strace $0x80000049;
	[dreg:$0x1] =	wrdreg $0xFFFFFFFF  }
0xa7: {  	s28 =	simm.s32 $_size_execute0_lowered;
	s3 =	sadd.s32 s3, s5;
	[dreg:$0x0] =	wrdreg $0x0  }
0xa8: {  	s5 =	sshll.u32 s28, $0x1;
	[dreg:$0x2] =	wrdreg s3  }
0xa9: {  	[dreg:$0x3] =	wrdreg s5  }
0xaa: {  	[dreg:$0x4] =	wrdreg $0xC0  }
0xab: {  	_ =	task [dreg:s7], $0x5FFFF  }
0xac: {  	[dreg:$0x1] =	wrdreg $0xFFFFFFFF  }
0xad: {  	[dreg:$0x0] =	wrdreg $0x60  }
0xae: {  	[dreg:$0x2] =	wrdreg s24  }
0xaf: {  	[dreg:$0x3] =	wrdreg s2  }
0xb0: {  	[dreg:$0x4] =	wrdreg $0x0  }
0xb1: {  	[dreg:$0x5] =	wrdreg $0x9  }
0xb2: {  	_ =	task.clear_ibuf [dreg:s7], $0x6FFFF;
	_ =	strace $0x90000049  }
0xb3: {  	s29 =	simm.s32 $0x9;
	_ =	strace $0x8000004B  }
0xb4: {  	_ =	swait.ge [sflag:s29], $0x1  }
0xb5: {  	[sflag:s29] =	ssyncadd.s32 $0xFFFFFFFF  }
0xb6: {  	_ =	strace $0x9000004B  }
0xb7: {  	_ =	sfence  }
0xb8: {  	s30 =	sld [smem:$0x0];
	_ =	sdelay $0x2  }
0xb9: {  	s31 =	sshll.u32 s1, $0xD;
	s1 =	sshrl.u32 s1, $0x2  }
0xba: {  	s3 =	sand.u32 $0x4000, s31;
	s1 =	sadd.s32 s1, s30  }
0xbb: {  	s0 =	sor.u32 s3, s0;
	s1 =	sshll.u32 s1, $0x11  }
0xbc: {  	s0 =	sor.u32 s1, s0  }
0xbd: {  	s0 =	sadd.s32 $0x8F2B, s0  }
0xbe: {  	[sflag:s0] =	ssyncadd.remote.s32 $0x1  }
0xbf: {  	_ =	sfence.sel $0xFFFF  }
0xc0: {  	[dreg:$0x0] =	wrdreg $0xFFFFFFFF;
	(pc) =	sbr.abs _section_cstart, $3  }
0xc1: {  	[dreg:$0x1] =	wrdreg $0xFFFFFFFF  }
0xc2: {  	_ =	task.clear_ibuf [dreg:s7], $0x2FFFF;
	_ =	strace $0x9FFFFFFF  }
0xc3: {  	(tm) =	ssettm $0x7FFFFFFF  }
tec
execute0_lowered:
.L_overlay_start_1:
0x0: {  	(tag) =	ssettag $0x1  }
0x1: {  	s0 =	rddreg [dreg:$0x0]  }
0x2: {  	s1 =	rddreg [dreg:$0x1]  }
0x3: {  	s3 =	rddreg [dreg:$0x2];
	s4 =	simm.s32 $0x0  }
0x4: {  	s11 =	stileid.u32;
	s5 =	srdreg.scid;
	s28 =	simm.s32 $0x3  }
0x5: {  	s29 =	simm.s32 $0x50;
	s30 =	simm.s32 $0x14200;
	s31 =	simm.s32 $0x19200  }
0x6: {  	[smem:$0x7FF] =	sst s4;
	s2 =	smul.u32 $0x2800, s11;
	s6 =	sand.u32 $0x1, s5  }
0x7: {  	s8 =	smul.u32 $0x50000, s11;
	s5 =	sadd.s32 $0xAC00, s0;
	s15 =	sshll.u32 s11, $0x6  }
0x8: {  	_ =	strace $0x8000004A;
	s7 =	sshll.u32 s6, $0x4;
	s9 =	ssub.s32 $0x2, s6  }
0x9: {  	s6 =	sadd.s32 $0xE00, s0;
	s2 =	sadd.s32 s2, s0;
	s7 =	sor.u32 s11, s7  }
0xa: {  	s10 =	sshrl.u32 s9, $0x1;
	s8 =	sshrl.u32 s8, $0x2;
	s13 =	smul.u32 $0x2710, s7  }
0xb: {  	s26 =	ssub.s32 s9, s10;
	s8 =	sadd.s32 s8, s3;
	s19 =	smul.u32 $0x27100, s7  }
0xc: {  	s2 =	sadd.s32 $0x14A00, s2;
	s7 =	smul.u32 $0x138800, s7;
	s10 =	simm.s32 $0x1  }
0xd: {  	[dreg:$0x4] =	wrdreg s2;
	s2 =	sor.u32 $0x1C07, s15;
	s0 =	smax.u32 s26, $0x1  }
0xe: {  	s26 =	sshrl.u32 s8, $0x3;
	s8 =	simm.s32 $0x16A00;
	s15 =	simm.s32 $0x6  }
0xf: {  	s16 =	sshrl.u32 s13, $0x3;
	[dreg:$0x5] =	wrdreg s2;
	s11 =	sadd.s32 $0x50, s13  }
0x10: {  	s12 =	sadd.s32 $0xA0, s13;
	s2 =	sadd.s32 s1, s19;
	[dreg:$0xf] =	wrdreg s0  }
0x11: {  	s24 =	sshrl.u32 s7, $0x3;
	s19 =	sadd.s32 $0x140, s13;
	[dreg:$0x10] =	wrdreg s26  }
0x12: {  	s26 =	simm.s32 $0x14100;
	s17 =	sadd.s32 s5, s16;
	[dreg:$0xc] =	wrdreg s2  }
0x13: {  	s18 =	sadd.s32 s6, s16;
	s20 =	sshrl.u32 s11, $0x3;
	[dreg:$0x6] =	wrdreg s17  }
0x14: {  	s0 =	simm.s32 $0x14080;
	[dreg:$0x7] =	wrdreg s18;
	s14 =	sadd.s32 s5, s20  }
0x15: {  	s21 =	sshrl.u32 s12, $0x3;
	s9 =	sadd.s32 s6, s20;
	[dreg:$0x8] =	wrdreg s14  }
0x16: {  	s7 =	simm.s32 $0x4;
	s22 =	sadd.s32 s5, s21;
	[dreg:$0x9] =	wrdreg s9  }
0x17: {  	s2 =	sadd.s32 s1, s24;
	s23 =	sadd.s32 s6, s21;
	[dreg:$0xa] =	wrdreg s22  }
0x18: {  	s16 =	simm.s32 $0x0;
	s25 =	sadd.s32 $0x26700, s2;
	[dreg:$0xb] =	wrdreg s23  }
0x19: {  	s18 =	sadd.s32 $0xF0, s13;
	s2 =	sadd.s32 $0x26C00, s2;
	[dreg:$0xd] =	wrdreg s25  }
0x1a: {  	s13 =	simm.s32 $0x5;
	[dreg:$0xe] =	wrdreg s2;
	s25 =	simm.s32 $0x14000  }
0x1b: {  	s2 =	simm.s32 $0x14180;
	s9 =	simm.s32 $0x1BA00;
	s14 =	simm.s32 $0x2  }
.LBB2_1:
0x1c: {  	s17 =	rddreg [dreg:$0x4]  }
0x1d: {  	s20 =	rddreg [dreg:$0x5]  }
0x1e: {  	s21 =	rddreg [dreg:$0x10];
	s23 =	simm.s32 $0x7  }
0x1f: {  	[spmem:s21], [sflag:s20] =	dma.local [hbm:s17], $0x2800  }
0x20: {  	_ =	swait.ge [sflag:s23], $0x2800  }
0x21: {  	[sflag:s23] =	ssyncset.done $0x0  }
0x22: {  	[sflag:s23] =	ssyncadd.s32 $0xFFFFD800  }
0x23: {  	[bflag:$0x0] =	sbarrier.arrive $0xFFFF  }
0x24: {  	s24 =	rddreg [dreg:$0x6]  }
0x25: {  	[tilespmem:s25], [sflag:$0x3] =	stream.linear.gather [hbm4b:s24+s4], $0x50, $0x38;
	[tilespmem:$0x1E200] =	vst v63  }
0x26: {  	s20 =	rddreg [dreg:$0x7]  }
0x27: {  	[tilespmem:s26], [sflag:$0x3] =	stream.linear.gather [hbm4b:s20+s4], $0x50, $0x38;
	[tilespmem:$0x1E200] =	vst v63  }
0x28: {  	_ =	swait.ge [sflag:s28], $0x50  }
0x29: {  	[sflag:s28] =	ssyncset.done $0x0  }
0x2a: {  	[sflag:s28] =	ssyncadd.s32 $0xFFFFFFB0  }
0x2b: {  	_ =	swait.ge [sflag:s28], $0x50  }
0x2c: {  	[sflag:s28] =	ssyncset.done $0x0  }
0x2d: {  	[sflag:s28] =	ssyncadd.s32 $0xFFFFFFB0  }
0x2e: {  	[tilespmem:s30], [sflag:$0x1] =	stream.indirect.gather [spmem:s3], $0x80, s25, s29, $0xb8;
	[tilespmem:$0x1E200] =	vst v63  }
0x2f: {  	_ = 	snop  }
0x30: {  	[tilespmem:s31], [sflag:$0x1] =	stream.indirect.gather [spmem:s3], $0x80, s26, s29, $0xb8;
	[tilespmem:$0x1E200] =	vst v63  }
0x31: {  	s21 =	rddreg [dreg:$0x8]  }
0x32: {  	[tilespmem:s0], [sflag:$0x4] =	stream.linear.gather [hbm4b:s21+s4], $0x50, $0x38;
	[tilespmem:$0x1E200] =	vst v63  }
0x33: {  	s22 =	rddreg [dreg:$0x9]  }
0x34: {  	[tilespmem:s2], [sflag:$0x4] =	stream.linear.gather [hbm4b:s22+s4], $0x50, $0x38;
	[tilespmem:$0x1E200] =	vst v63  }
0x35: {  	_ =	swait.ge [sflag:s7], $0x50  }
0x36: {  	[sflag:s7] =	ssyncset.done $0x0  }
0x37: {  	[sflag:s7] =	ssyncadd.s32 $0xFFFFFFB0  }
0x38: {  	_ =	swait.ge [sflag:s7], $0x50  }
0x39: {  	[sflag:s7] =	ssyncset.done $0x0  }
0x3a: {  	[sflag:s7] =	ssyncadd.s32 $0xFFFFFFB0  }
0x3b: {  	[tilespmem:s8], [sflag:$0x2] =	stream.indirect.gather [spmem:s3], $0x80, s0, s29, $0xb8;
	[tilespmem:$0x1E200] =	vst v63  }
0x3c: {  	_ = 	snop  }
0x3d: {  	[tilespmem:s9], [sflag:$0x2] =	stream.indirect.gather [spmem:s3], $0x80, s2, s29, $0xb8;
	[tilespmem:$0x1E200] =	vst v63  }
0x3e: {  	_ =	swait.ge [sflag:s10], $0x2800  }
0x3f: {  	[sflag:s10] =	ssyncset.done $0x0  }
0x40: {  	[sflag:s10] =	ssyncadd.s32 $0xFFFFD800  }
0x41: {  	_ =	swait.ge [sflag:s10], $0x2800  }
0x42: {  	[sflag:s10] =	ssyncset.done $0x0  }
0x43: {  	s23 =	rddreg [dreg:$0xa];
	[sflag:s10] =	ssyncadd.s32 $0xFFFFD800  }
0x44: {  	[tilespmem:s25], [sflag:$0x3] =	stream.linear.gather [hbm4b:s23+s4], $0x50, $0x38;
	[tilespmem:$0x1E200] =	vst v63  }
0x45: {  	s17 =	simm.s32 $0x0;
	s24 =	rddreg [dreg:$0xb]  }
0x46: {  	[tilespmem:s26], [sflag:$0x3] =	stream.linear.gather [hbm4b:s24+s4], $0x50, $0x38;
	[tilespmem:$0x1E200] =	vst v63  }
0x47: {  	v7 =	vld [tilespmem:s17+$0x19200]  }
0x48: {  	v11 =	vld [tilespmem:s17+$0x19210]  }
0x49: {  	v5 =	vld [tilespmem:s17+$0x19220]  }
0x4a: {  	v4 =	vld [tilespmem:s17+$0x19230]  }
0x4b: {  	v3 =	vld [tilespmem:s17+$0x19240]  }
0x4c: {  	v2 =	vld [tilespmem:s17+$0x19250]  }
0x4d: {  	v1 =	vld [tilespmem:s17+$0x19260]  }
0x4e: {  	v0 =	vld [tilespmem:s17+$0x19270]  }
0x4f: {  	v12 =	vld [tilespmem:s17+$0x14200]  }
0x50: {  	v13 =	vld [tilespmem:s17+$0x14210]  }
0x51: {  	v10 =	vld [tilespmem:s17+$0x14220]  }
0x52: {  	v8 =	vld [tilespmem:s17+$0x14230]  }
0x53: {  	v9 =	vld [tilespmem:s17+$0x14240]  }
0x54: {  	v6 =	vld [tilespmem:s17+$0x14250];
	v12 =	vmul.f32 v7, v12  }
0x55: {  	s20 =	simm.s32 $0x200;
	v11 =	vmul.f32 v11, v13;
	v7 =	vld [tilespmem:s17+$0x14260]  }
.LBB2_2:
0x56: {  	p0 =	sne.s32 s20, $0x9E00;
	v12 =	vadd.f32 $1.000000000e+00, v12;
	v5 =	vmul.f32 v5, v10;
	v10 =	vld [tilespmem:s17+$0x14270]  }
0x57: {  	v11 =	vadd.f32 $1.000000000e+00, v11;
	v4 =	vmul.f32 v4, v8  }
0x58: {  	v5 =	vadd.f32 $1.000000000e+00, v5;
	v3 =	vmul.f32 v3, v9;
	(erf) = vrcp.f32 v12  }
0x59: {  	v4 =	vadd.f32 $1.000000000e+00, v4;
	v2 =	vmul.f32 v2, v6;
	(erf) = vrcp.f32 v11  }
0x5a: {  	s21 =	sshra.s32 s20, $0x2;
	v3 =	vadd.f32 $1.000000000e+00, v3;
	v1 =	vmul.f32 v1, v7;
	(erf) = vrcp.f32 v5  }
0x5b: {  	v6 =	vld [tilespmem:s21+$0x19200];
	v2 =	vadd.f32 $1.000000000e+00, v2;
	v0 =	vmul.f32 v0, v10;
	(erf) = vrcp.f32 v4  }
0x5c: {  	v7 =	vld [tilespmem:s21+$0x19210];
	v1 =	vadd.f32 $1.000000000e+00, v1;
	(erf) = vrcp.f32 v3  }
0x5d: {  	v5 =	vld [tilespmem:s21+$0x19220];
	v0 =	vadd.f32 $1.000000000e+00, v0;
	(erf) = vrcp.f32 v2  }
0x5e: {  	v4 =	vld [tilespmem:s21+$0x19230];
	(erf) = vrcp.f32 v1  }
0x5f: {  	v3 =	vld [tilespmem:s21+$0x19240];
	(erf) = vrcp.f32 v0  }
0x60: {  	v2 =	vld [tilespmem:s21+$0x19250]  }
0x61: {  	v1 =	vld [tilespmem:s21+$0x19260];
	v8 =	vpop (erf)  }
0x62: {  	v0 =	vld [tilespmem:s21+$0x19270];
	[tilespmem:s17+$0x14200] =	vst v8;
	v8 =	vpop (erf)  }
0x63: {  	v11 =	vld [tilespmem:s21+$0x14200];
	[tilespmem:s17+$0x14210] =	vst v8;
	v8 =	vpop (erf)  }
0x64: {  	v13 =	vld [tilespmem:s21+$0x14210];
	[tilespmem:s17+$0x14220] =	vst v8;
	v8 =	vpop (erf)  }
.Ltmp0:
0x65: {  	v10 =	vld [tilespmem:s21+$0x14220];
	[tilespmem:s17+$0x14230] =	vst v8;
	v9 =	vpop (erf);
	(pc) =	sbr.rel @p0 .LBB2_2-.Ltmp0, $4  }
0x66: {  	v8 =	vld [tilespmem:s21+$0x14230];
	[tilespmem:s17+$0x14240] =	vst v9;
	v12 =	vpop (erf)  }
0x67: {  	v9 =	vld [tilespmem:s21+$0x14240];
	[tilespmem:s17+$0x14250] =	vst v12;
	v14 =	vpop (erf)  }
0x68: {  	v12 =	vmul.f32 v6, v11;
	v6 =	vld [tilespmem:s21+$0x14250];
	[tilespmem:s17+$0x14260] =	vst v14;
	v14 =	vpop (erf)  }
0x69: {  	s20 =	sadd.s32 $0x200, s20;
	v11 =	vmul.f32 v7, v13;
	v7 =	vld [tilespmem:s21+$0x14260];
	[tilespmem:s17+$0x14270] =	vst v14;
	s17 =	smov.u32 s21  }
0x6a: {  	v12 =	vadd.f32 $1.000000000e+00, v12;
	v5 =	vmul.f32 v5, v10;
	v55 =	vld [tilespmem:s17+$0x14270]  }
0x6b: {  	v11 =	vadd.f32 $1.000000000e+00, v11;
	v4 =	vmul.f32 v4, v8  }
0x6c: {  	v5 =	vadd.f32 $1.000000000e+00, v5;
	v3 =	vmul.f32 v3, v9;
	(erf) = vrcp.f32 v12  }
0x6d: {  	v4 =	vadd.f32 $1.000000000e+00, v4;
	v2 =	vmul.f32 v2, v6;
	(erf) = vrcp.f32 v11  }
0x6e: {  	v3 =	vadd.f32 $1.000000000e+00, v3;
	v1 =	vmul.f32 v1, v7;
	(erf) = vrcp.f32 v5  }
0x6f: {  	v2 =	vadd.f32 $1.000000000e+00, v2;
	v0 =	vmul.f32 v0, v55;
	(erf) = vrcp.f32 v4  }
0x70: {  	v1 =	vadd.f32 $1.000000000e+00, v1;
	(erf) = vrcp.f32 v3  }
0x71: {  	v0 =	vadd.f32 $1.000000000e+00, v0;
	(erf) = vrcp.f32 v2  }
0x72: {  	(erf) = vrcp.f32 v1  }
0x73: {  	(erf) = vrcp.f32 v0;
	_ =	sdelay $0x1  }
0x74: {  	v56 =	vpop (erf)  }
0x75: {  	[tilespmem:s17+$0x14200] =	vst v56;
	v57 =	vpop (erf)  }
0x76: {  	[tilespmem:s17+$0x14210] =	vst v57;
	v58 =	vpop (erf)  }
0x77: {  	[tilespmem:s17+$0x14220] =	vst v58;
	v59 =	vpop (erf)  }
0x78: {  	[tilespmem:s17+$0x14230] =	vst v59;
	v60 =	vpop (erf)  }
0x79: {  	[tilespmem:s17+$0x14240] =	vst v60;
	v61 =	vpop (erf)  }
0x7a: {  	[tilespmem:s17+$0x14250] =	vst v61;
	v62 =	vpop (erf)  }
0x7b: {  	[tilespmem:s17+$0x14260] =	vst v62;
	v63 =	vpop (erf)  }
0x7c: {  	s20 =	rddreg [dreg:$0xc];
	[tilespmem:s17+$0x14270] =	vst v63;
	s17 =	simm.s32 $0x0  }
0x7d: {  	[hbm4b:s20+s17] =	stream.linear.scatter [tilespmem:s30], [sflag:$0x5], $0x2800, $0x38;
	[tilespmem:$0x1E200] =	vst v63  }
0x7e: {  	s20 =	simm.s32 $0x0  }
.LBB2_4:
0x7f: {  	_ =	swait.ge [sflag:s13], $0x2800  }
0x80: {  	[sflag:s13] =	ssyncset.done $0x0  }
0x81: {  	[sflag:s13] =	ssyncadd.s32 $0xFFFFD800  }
0x82: {  	_ =	swait.ge [sflag:s28], $0x50  }
0x83: {  	[sflag:s28] =	ssyncset.done $0x0  }
0x84: {  	[sflag:s28] =	ssyncadd.s32 $0xFFFFFFB0  }
0x85: {  	_ =	swait.ge [sflag:s28], $0x50  }
0x86: {  	[sflag:s28] =	ssyncset.done $0x0  }
0x87: {  	[sflag:s28] =	ssyncadd.s32 $0xFFFFFFB0  }
0x88: {  	[tilespmem:s30], [sflag:$0x1] =	stream.indirect.gather [spmem:s3], $0x80, s25, s29, $0xb8;
	[tilespmem:$0x1E200] =	vst v63  }
0x89: {  	_ = 	snop  }
0x8a: {  	[tilespmem:s31], [sflag:$0x1] =	stream.indirect.gather [spmem:s3], $0x80, s26, s29, $0xb8;
	[tilespmem:$0x1E200] =	vst v63  }
0x8b: {  	_ =	swait.ge [sflag:s14], $0x2800  }
0x8c: {  	s21 =	smul.u32 $0xA0, s20;
	[sflag:s14] =	ssyncset.done $0x0  }
0x8d: {  	[sflag:s14] =	ssyncadd.s32 $0xFFFFD800  }
0x8e: {  	s22 =	sadd.s32 s21, s18;
	_ =	swait.ge [sflag:s14], $0x2800  }
0x8f: {  	s22 =	sshrl.u32 s22, $0x3;
	[sflag:s14] =	ssyncset.done $0x0  }
0x90: {  	s23 =	sadd.s32 s5, s22;
	[sflag:s14] =	ssyncadd.s32 $0xFFFFD800  }
0x91: {  	[tilespmem:s0], [sflag:$0x4] =	stream.linear.gather [hbm4b:s23+s17], $0x50, $0x38;
	[tilespmem:$0x1E200] =	vst v63  }
0x92: {  	s22 =	sadd.s32 s6, s22  }
0x93: {  	[tilespmem:s2], [sflag:$0x4] =	stream.linear.gather [hbm4b:s22+s17], $0x50, $0x38;
	[tilespmem:$0x1E200] =	vst v63  }
0x94: {  	s22 =	simm.s32 $0x0  }
0x95: {  	v7 =	vld [tilespmem:s22+$0x1BA00]  }
0x96: {  	v11 =	vld [tilespmem:s22+$0x1BA10]  }
0x97: {  	v5 =	vld [tilespmem:s22+$0x1BA20]  }
0x98: {  	v4 =	vld [tilespmem:s22+$0x1BA30]  }
0x99: {  	v3 =	vld [tilespmem:s22+$0x1BA40]  }
0x9a: {  	v2 =	vld [tilespmem:s22+$0x1BA50]  }
0x9b: {  	v1 =	vld [tilespmem:s22+$0x1BA60]  }
0x9c: {  	v0 =	vld [tilespmem:s22+$0x1BA70]  }
0x9d: {  	v12 =	vld [tilespmem:s22+$0x16A00]  }
0x9e: {  	v13 =	vld [tilespmem:s22+$0x16A10]  }
0x9f: {  	v10 =	vld [tilespmem:s22+$0x16A20]  }
0xa0: {  	v8 =	vld [tilespmem:s22+$0x16A30]  }
0xa1: {  	v9 =	vld [tilespmem:s22+$0x16A40]  }
0xa2: {  	v6 =	vld [tilespmem:s22+$0x16A50];
	v12 =	vmul.f32 v7, v12  }
0xa3: {  	s23 =	simm.s32 $0x200;
	v11 =	vmul.f32 v11, v13;
	v7 =	vld [tilespmem:s22+$0x16A60]  }
.LBB2_5:
0xa4: {  	p0 =	sne.s32 s23, $0x9E00;
	v12 =	vadd.f32 $1.000000000e+00, v12;
	v5 =	vmul.f32 v5, v10;
	v10 =	vld [tilespmem:s22+$0x16A70]  }
0xa5: {  	v11 =	vadd.f32 $1.000000000e+00, v11;
	v4 =	vmul.f32 v4, v8  }
0xa6: {  	v5 =	vadd.f32 $1.000000000e+00, v5;
	v3 =	vmul.f32 v3, v9;
	(erf) = vrcp.f32 v12  }
0xa7: {  	v4 =	vadd.f32 $1.000000000e+00, v4;
	v2 =	vmul.f32 v2, v6;
	(erf) = vrcp.f32 v11  }
0xa8: {  	s24 =	sshra.s32 s23, $0x2;
	v3 =	vadd.f32 $1.000000000e+00, v3;
	v1 =	vmul.f32 v1, v7;
	(erf) = vrcp.f32 v5  }
0xa9: {  	v6 =	vld [tilespmem:s24+$0x1BA00];
	v2 =	vadd.f32 $1.000000000e+00, v2;
	v0 =	vmul.f32 v0, v10;
	(erf) = vrcp.f32 v4  }
0xaa: {  	v7 =	vld [tilespmem:s24+$0x1BA10];
	v1 =	vadd.f32 $1.000000000e+00, v1;
	(erf) = vrcp.f32 v3  }
0xab: {  	v5 =	vld [tilespmem:s24+$0x1BA20];
	v0 =	vadd.f32 $1.000000000e+00, v0;
	(erf) = vrcp.f32 v2  }
0xac: {  	v4 =	vld [tilespmem:s24+$0x1BA30];
	(erf) = vrcp.f32 v1  }
0xad: {  	v3 =	vld [tilespmem:s24+$0x1BA40];
	(erf) = vrcp.f32 v0  }
0xae: {  	v2 =	vld [tilespmem:s24+$0x1BA50]  }
0xaf: {  	v1 =	vld [tilespmem:s24+$0x1BA60];
	v8 =	vpop (erf)  }
0xb0: {  	v0 =	vld [tilespmem:s24+$0x1BA70];
	[tilespmem:s22+$0x16A00] =	vst v8;
	v8 =	vpop (erf)  }
0xb1: {  	v11 =	vld [tilespmem:s24+$0x16A00];
	[tilespmem:s22+$0x16A10] =	vst v8;
	v8 =	vpop (erf)  }
0xb2: {  	v13 =	vld [tilespmem:s24+$0x16A10];
	[tilespmem:s22+$0x16A20] =	vst v8;
	v8 =	vpop (erf)  }
.Ltmp1:
0xb3: {  	v10 =	vld [tilespmem:s24+$0x16A20];
	[tilespmem:s22+$0x16A30] =	vst v8;
	v9 =	vpop (erf);
	(pc) =	sbr.rel @p0 .LBB2_5-.Ltmp1, $4  }
0xb4: {  	v8 =	vld [tilespmem:s24+$0x16A30];
	[tilespmem:s22+$0x16A40] =	vst v9;
	v12 =	vpop (erf)  }
0xb5: {  	v9 =	vld [tilespmem:s24+$0x16A40];
	[tilespmem:s22+$0x16A50] =	vst v12;
	v14 =	vpop (erf)  }
0xb6: {  	v12 =	vmul.f32 v6, v11;
	v6 =	vld [tilespmem:s24+$0x16A50];
	[tilespmem:s22+$0x16A60] =	vst v14;
	v14 =	vpop (erf)  }
0xb7: {  	s23 =	sadd.s32 $0x200, s23;
	v11 =	vmul.f32 v7, v13;
	v7 =	vld [tilespmem:s24+$0x16A60];
	[tilespmem:s22+$0x16A70] =	vst v14;
	s22 =	smov.u32 s24  }
0xb8: {  	v12 =	vadd.f32 $1.000000000e+00, v12;
	v5 =	vmul.f32 v5, v10;
	v10 =	vld [tilespmem:s22+$0x16A70]  }
0xb9: {  	v11 =	vadd.f32 $1.000000000e+00, v11;
	v4 =	vmul.f32 v4, v8  }
0xba: {  	v5 =	vadd.f32 $1.000000000e+00, v5;
	v3 =	vmul.f32 v3, v9;
	(erf) = vrcp.f32 v12  }
0xbb: {  	v4 =	vadd.f32 $1.000000000e+00, v4;
	v2 =	vmul.f32 v2, v6;
	(erf) = vrcp.f32 v11  }
0xbc: {  	v3 =	vadd.f32 $1.000000000e+00, v3;
	v1 =	vmul.f32 v1, v7;
	(erf) = vrcp.f32 v5  }
0xbd: {  	v2 =	vadd.f32 $1.000000000e+00, v2;
	v0 =	vmul.f32 v0, v10;
	(erf) = vrcp.f32 v4  }
0xbe: {  	v1 =	vadd.f32 $1.000000000e+00, v1;
	(erf) = vrcp.f32 v3  }
0xbf: {  	v0 =	vadd.f32 $1.000000000e+00, v0;
	(erf) = vrcp.f32 v2  }
0xc0: {  	(erf) = vrcp.f32 v1  }
0xc1: {  	(erf) = vrcp.f32 v0;
	_ =	sdelay $0x1  }
0xc2: {  	v0 =	vpop (erf)  }
0xc3: {  	[tilespmem:s22+$0x16A00] =	vst v0;
	v0 =	vpop (erf)  }
0xc4: {  	[tilespmem:s22+$0x16A10] =	vst v0;
	v0 =	vpop (erf)  }
0xc5: {  	[tilespmem:s22+$0x16A20] =	vst v0;
	v0 =	vpop (erf)  }
0xc6: {  	[tilespmem:s22+$0x16A30] =	vst v0;
	v0 =	vpop (erf)  }
0xc7: {  	[tilespmem:s22+$0x16A40] =	vst v0;
	v0 =	vpop (erf)  }
0xc8: {  	s23 =	sadd.s32 s21, s11;
	[tilespmem:s22+$0x16A50] =	vst v0;
	v0 =	vpop (erf)  }
0xc9: {  	s23 =	sshll.u32 s23, $0x4;
	[tilespmem:s22+$0x16A60] =	vst v0;
	v0 =	vpop (erf)  }
0xca: {  	s24 =	sadd.s32 s1, s23;
	s23 =	simm.s32 $0x0;
	[tilespmem:s22+$0x16A70] =	vst v0  }
0xcb: {  	[hbm4b:s24+s23] =	stream.linear.scatter [tilespmem:s8], [sflag:$0x6], $0x2800, $0x38;
	[tilespmem:$0x1E200] =	vst v63  }
0xcc: {  	_ =	swait.ge [sflag:s15], $0x2800  }
0xcd: {  	[sflag:s15] =	ssyncset.done $0x0  }
0xce: {  	[sflag:s15] =	ssyncadd.s32 $0xFFFFD800  }
0xcf: {  	_ =	swait.ge [sflag:s7], $0x50  }
0xd0: {  	[sflag:s7] =	ssyncset.done $0x0  }
0xd1: {  	[sflag:s7] =	ssyncadd.s32 $0xFFFFFFB0  }
0xd2: {  	_ =	swait.ge [sflag:s7], $0x50  }
0xd3: {  	[sflag:s7] =	ssyncset.done $0x0  }
0xd4: {  	[sflag:s7] =	ssyncadd.s32 $0xFFFFFFB0  }
0xd5: {  	[tilespmem:s8], [sflag:$0x2] =	stream.indirect.gather [spmem:s3], $0x80, s0, s29, $0xb8;
	[tilespmem:$0x1E200] =	vst v63  }
0xd6: {  	_ = 	snop  }
0xd7: {  	[tilespmem:s9], [sflag:$0x2] =	stream.indirect.gather [spmem:s3], $0x80, s2, s29, $0xb8;
	[tilespmem:$0x1E200] =	vst v63  }
0xd8: {  	_ =	swait.ge [sflag:s10], $0x2800  }
0xd9: {  	[sflag:s10] =	ssyncset.done $0x0  }
0xda: {  	[sflag:s10] =	ssyncadd.s32 $0xFFFFD800  }
0xdb: {  	s24 =	sadd.s32 s21, s19;
	_ =	swait.ge [sflag:s10], $0x2800  }
0xdc: {  	s22 =	sshrl.u32 s24, $0x3;
	[sflag:s10] =	ssyncset.done $0x0  }
0xdd: {  	s24 =	sadd.s32 s5, s22;
	[sflag:s10] =	ssyncadd.s32 $0xFFFFD800  }
0xde: {  	[tilespmem:s25], [sflag:$0x3] =	stream.linear.gather [hbm4b:s24+s23], $0x50, $0x38;
	[tilespmem:$0x1E200] =	vst v63  }
0xdf: {  	s22 =	sadd.s32 s6, s22  }
0xe0: {  	[tilespmem:s26], [sflag:$0x3] =	stream.linear.gather [hbm4b:s22+s23], $0x50, $0x38;
	[tilespmem:$0x1E200] =	vst v63  }
0xe1: {  	s22 =	simm.s32 $0x0  }
0xe2: {  	v7 =	vld [tilespmem:s22+$0x19200]  }
0xe3: {  	v11 =	vld [tilespmem:s22+$0x19210]  }
0xe4: {  	v5 =	vld [tilespmem:s22+$0x19220]  }
0xe5: {  	v4 =	vld [tilespmem:s22+$0x19230]  }
0xe6: {  	v3 =	vld [tilespmem:s22+$0x19240]  }
0xe7: {  	v2 =	vld [tilespmem:s22+$0x19250]  }
0xe8: {  	v1 =	vld [tilespmem:s22+$0x19260]  }
0xe9: {  	v0 =	vld [tilespmem:s22+$0x19270]  }
0xea: {  	v12 =	vld [tilespmem:s22+$0x14200]  }
0xeb: {  	v13 =	vld [tilespmem:s22+$0x14210]  }
0xec: {  	v10 =	vld [tilespmem:s22+$0x14220]  }
0xed: {  	v8 =	vld [tilespmem:s22+$0x14230]  }
0xee: {  	v9 =	vld [tilespmem:s22+$0x14240]  }
0xef: {  	v6 =	vld [tilespmem:s22+$0x14250];
	v12 =	vmul.f32 v7, v12  }
0xf0: {  	s23 =	simm.s32 $0x200;
	v11 =	vmul.f32 v11, v13;
	v7 =	vld [tilespmem:s22+$0x14260]  }
.LBB2_7:
0xf1: {  	p0 =	sne.s32 s23, $0x9E00;
	v12 =	vadd.f32 $1.000000000e+00, v12;
	v5 =	vmul.f32 v5, v10;
	v10 =	vld [tilespmem:s22+$0x14270]  }
0xf2: {  	v11 =	vadd.f32 $1.000000000e+00, v11;
	v4 =	vmul.f32 v4, v8  }
0xf3: {  	v5 =	vadd.f32 $1.000000000e+00, v5;
	v3 =	vmul.f32 v3, v9;
	(erf) = vrcp.f32 v12  }
0xf4: {  	v4 =	vadd.f32 $1.000000000e+00, v4;
	v2 =	vmul.f32 v2, v6;
	(erf) = vrcp.f32 v11  }
0xf5: {  	s24 =	sshra.s32 s23, $0x2;
	v3 =	vadd.f32 $1.000000000e+00, v3;
	v1 =	vmul.f32 v1, v7;
	(erf) = vrcp.f32 v5  }
0xf6: {  	v6 =	vld [tilespmem:s24+$0x19200];
	v2 =	vadd.f32 $1.000000000e+00, v2;
	v0 =	vmul.f32 v0, v10;
	(erf) = vrcp.f32 v4  }
0xf7: {  	v7 =	vld [tilespmem:s24+$0x19210];
	v1 =	vadd.f32 $1.000000000e+00, v1;
	(erf) = vrcp.f32 v3  }
0xf8: {  	v5 =	vld [tilespmem:s24+$0x19220];
	v0 =	vadd.f32 $1.000000000e+00, v0;
	(erf) = vrcp.f32 v2  }
0xf9: {  	v4 =	vld [tilespmem:s24+$0x19230];
	(erf) = vrcp.f32 v1  }
0xfa: {  	v3 =	vld [tilespmem:s24+$0x19240];
	(erf) = vrcp.f32 v0  }
0xfb: {  	v2 =	vld [tilespmem:s24+$0x19250]  }
0xfc: {  	v1 =	vld [tilespmem:s24+$0x19260];
	v8 =	vpop (erf)  }
0xfd: {  	v0 =	vld [tilespmem:s24+$0x19270];
	[tilespmem:s22+$0x14200] =	vst v8;
	v8 =	vpop (erf)  }
0xfe: {  	v11 =	vld [tilespmem:s24+$0x14200];
	[tilespmem:s22+$0x14210] =	vst v8;
	v8 =	vpop (erf)  }
0xff: {  	v13 =	vld [tilespmem:s24+$0x14210];
	[tilespmem:s22+$0x14220] =	vst v8;
	v8 =	vpop (erf)  }
.Ltmp2:
0x100: {  	v10 =	vld [tilespmem:s24+$0x14220];
	[tilespmem:s22+$0x14230] =	vst v8;
	v9 =	vpop (erf);
	(pc) =	sbr.rel @p0 .LBB2_7-.Ltmp2, $4  }
0x101: {  	v8 =	vld [tilespmem:s24+$0x14230];
	[tilespmem:s22+$0x14240] =	vst v9;
	v12 =	vpop (erf)  }
0x102: {  	v9 =	vld [tilespmem:s24+$0x14240];
	[tilespmem:s22+$0x14250] =	vst v12;
	v14 =	vpop (erf)  }
0x103: {  	v12 =	vmul.f32 v6, v11;
	v6 =	vld [tilespmem:s24+$0x14250];
	[tilespmem:s22+$0x14260] =	vst v14;
	v14 =	vpop (erf)  }
0x104: {  	s23 =	sadd.s32 $0x200, s23;
	v11 =	vmul.f32 v7, v13;
	v7 =	vld [tilespmem:s24+$0x14260];
	[tilespmem:s22+$0x14270] =	vst v14;
	s22 =	smov.u32 s24  }
0x105: {  	v12 =	vadd.f32 $1.000000000e+00, v12;
	v5 =	vmul.f32 v5, v10;
	v55 =	vld [tilespmem:s22+$0x14270]  }
0x106: {  	v11 =	vadd.f32 $1.000000000e+00, v11;
	v4 =	vmul.f32 v4, v8  }
0x107: {  	v5 =	vadd.f32 $1.000000000e+00, v5;
	v3 =	vmul.f32 v3, v9;
	(erf) = vrcp.f32 v12  }
0x108: {  	v4 =	vadd.f32 $1.000000000e+00, v4;
	v2 =	vmul.f32 v2, v6;
	(erf) = vrcp.f32 v11  }
0x109: {  	v3 =	vadd.f32 $1.000000000e+00, v3;
	v1 =	vmul.f32 v1, v7;
	(erf) = vrcp.f32 v5  }
0x10a: {  	v2 =	vadd.f32 $1.000000000e+00, v2;
	v0 =	vmul.f32 v0, v55;
	(erf) = vrcp.f32 v4  }
0x10b: {  	v1 =	vadd.f32 $1.000000000e+00, v1;
	(erf) = vrcp.f32 v3  }
0x10c: {  	v0 =	vadd.f32 $1.000000000e+00, v0;
	(erf) = vrcp.f32 v2  }
0x10d: {  	(erf) = vrcp.f32 v1  }
0x10e: {  	(erf) = vrcp.f32 v0;
	_ =	sdelay $0x1  }
0x10f: {  	v56 =	vpop (erf)  }
0x110: {  	[tilespmem:s22+$0x14200] =	vst v56;
	v57 =	vpop (erf)  }
0x111: {  	[tilespmem:s22+$0x14210] =	vst v57;
	v58 =	vpop (erf)  }
0x112: {  	s20 =	sadd.s32 $0x1, s20;
	[tilespmem:s22+$0x14220] =	vst v58;
	v59 =	vpop (erf)  }
0x113: {  	p0 =	sne.s32 s20, $0x3D;
	[tilespmem:s22+$0x14230] =	vst v59;
	v60 =	vpop (erf)  }
.Ltmp3:
0x114: {  	[tilespmem:s22+$0x14240] =	vst v60;
	v61 =	vpop (erf);
	(pc) =	sbr.rel @p0 .LBB2_4-.Ltmp3, $4  }
0x115: {  	s21 =	sadd.s32 s21, s12;
	[tilespmem:s22+$0x14250] =	vst v61;
	v62 =	vpop (erf)  }
0x116: {  	s21 =	sshll.u32 s21, $0x4;
	[tilespmem:s22+$0x14260] =	vst v62;
	v63 =	vpop (erf)  }
0x117: {  	s21 =	sadd.s32 s1, s21;
	[tilespmem:s22+$0x14270] =	vst v63  }
0x118: {  	[hbm4b:s21+s4] =	stream.linear.scatter [tilespmem:s30], [sflag:$0x5], $0x2800, $0x38;
	[tilespmem:$0x1E200] =	vst v63  }
0x119: {  	_ =	swait.ge [sflag:s13], $0x2800  }
0x11a: {  	[sflag:s13] =	ssyncset.done $0x0  }
0x11b: {  	[sflag:s13] =	ssyncadd.s32 $0xFFFFD800  }
0x11c: {  	_ =	swait.ge [sflag:s28], $0x50  }
0x11d: {  	[sflag:s28] =	ssyncset.done $0x0  }
0x11e: {  	[sflag:s28] =	ssyncadd.s32 $0xFFFFFFB0  }
0x11f: {  	_ =	swait.ge [sflag:s28], $0x50  }
0x120: {  	[sflag:s28] =	ssyncset.done $0x0  }
0x121: {  	[sflag:s28] =	ssyncadd.s32 $0xFFFFFFB0  }
0x122: {  	[tilespmem:s30], [sflag:$0x1] =	stream.indirect.gather [spmem:s3], $0x80, s25, s29, $0xb8;
	[tilespmem:$0x1E200] =	vst v63  }
0x123: {  	_ = 	snop  }
0x124: {  	[tilespmem:s31], [sflag:$0x1] =	stream.indirect.gather [spmem:s3], $0x80, s26, s29, $0xb8;
	[tilespmem:$0x1E200] =	vst v63  }
0x125: {  	_ =	swait.ge [sflag:s14], $0x2800  }
0x126: {  	[sflag:s14] =	ssyncset.done $0x0  }
0x127: {  	[sflag:s14] =	ssyncadd.s32 $0xFFFFD800  }
0x128: {  	_ =	swait.ge [sflag:s14], $0x2800  }
0x129: {  	[sflag:s14] =	ssyncset.done $0x0  }
0x12a: {  	s17 =	simm.s32 $0x0;
	[sflag:s14] =	ssyncadd.s32 $0xFFFFD800  }
0x12b: {  	v7 =	vld [tilespmem:s17+$0x1BA00]  }
0x12c: {  	v11 =	vld [tilespmem:s17+$0x1BA10]  }
0x12d: {  	v5 =	vld [tilespmem:s17+$0x1BA20]  }
0x12e: {  	v4 =	vld [tilespmem:s17+$0x1BA30]  }
0x12f: {  	v3 =	vld [tilespmem:s17+$0x1BA40]  }
0x130: {  	v2 =	vld [tilespmem:s17+$0x1BA50]  }
0x131: {  	v1 =	vld [tilespmem:s17+$0x1BA60]  }
0x132: {  	v0 =	vld [tilespmem:s17+$0x1BA70]  }
0x133: {  	v12 =	vld [tilespmem:s17+$0x16A00]  }
0x134: {  	v13 =	vld [tilespmem:s17+$0x16A10]  }
0x135: {  	v10 =	vld [tilespmem:s17+$0x16A20]  }
0x136: {  	v8 =	vld [tilespmem:s17+$0x16A30]  }
0x137: {  	v9 =	vld [tilespmem:s17+$0x16A40]  }
0x138: {  	v6 =	vld [tilespmem:s17+$0x16A50];
	v12 =	vmul.f32 v7, v12  }
0x139: {  	s20 =	simm.s32 $0x200;
	v11 =	vmul.f32 v11, v13;
	v7 =	vld [tilespmem:s17+$0x16A60]  }
.LBB2_10:
0x13a: {  	p0 =	sne.s32 s20, $0x9E00;
	v12 =	vadd.f32 $1.000000000e+00, v12;
	v5 =	vmul.f32 v5, v10;
	v10 =	vld [tilespmem:s17+$0x16A70]  }
0x13b: {  	v11 =	vadd.f32 $1.000000000e+00, v11;
	v4 =	vmul.f32 v4, v8  }
0x13c: {  	v5 =	vadd.f32 $1.000000000e+00, v5;
	v3 =	vmul.f32 v3, v9;
	(erf) = vrcp.f32 v12  }
0x13d: {  	v4 =	vadd.f32 $1.000000000e+00, v4;
	v2 =	vmul.f32 v2, v6;
	(erf) = vrcp.f32 v11  }
0x13e: {  	s21 =	sshra.s32 s20, $0x2;
	v3 =	vadd.f32 $1.000000000e+00, v3;
	v1 =	vmul.f32 v1, v7;
	(erf) = vrcp.f32 v5  }
0x13f: {  	v6 =	vld [tilespmem:s21+$0x1BA00];
	v2 =	vadd.f32 $1.000000000e+00, v2;
	v0 =	vmul.f32 v0, v10;
	(erf) = vrcp.f32 v4  }
0x140: {  	v7 =	vld [tilespmem:s21+$0x1BA10];
	v1 =	vadd.f32 $1.000000000e+00, v1;
	(erf) = vrcp.f32 v3  }
0x141: {  	v5 =	vld [tilespmem:s21+$0x1BA20];
	v0 =	vadd.f32 $1.000000000e+00, v0;
	(erf) = vrcp.f32 v2  }
0x142: {  	v4 =	vld [tilespmem:s21+$0x1BA30];
	(erf) = vrcp.f32 v1  }
0x143: {  	v3 =	vld [tilespmem:s21+$0x1BA40];
	(erf) = vrcp.f32 v0  }
0x144: {  	v2 =	vld [tilespmem:s21+$0x1BA50]  }
0x145: {  	v1 =	vld [tilespmem:s21+$0x1BA60];
	v8 =	vpop (erf)  }
0x146: {  	v0 =	vld [tilespmem:s21+$0x1BA70];
	[tilespmem:s17+$0x16A00] =	vst v8;
	v8 =	vpop (erf)  }
0x147: {  	v11 =	vld [tilespmem:s21+$0x16A00];
	[tilespmem:s17+$0x16A10] =	vst v8;
	v8 =	vpop (erf)  }
0x148: {  	v13 =	vld [tilespmem:s21+$0x16A10];
	[tilespmem:s17+$0x16A20] =	vst v8;
	v8 =	vpop (erf)  }
.Ltmp4:
0x149: {  	v10 =	vld [tilespmem:s21+$0x16A20];
	[tilespmem:s17+$0x16A30] =	vst v8;
	v9 =	vpop (erf);
	(pc) =	sbr.rel @p0 .LBB2_10-.Ltmp4, $4  }
0x14a: {  	v8 =	vld [tilespmem:s21+$0x16A30];
	[tilespmem:s17+$0x16A40] =	vst v9;
	v12 =	vpop (erf)  }
0x14b: {  	v9 =	vld [tilespmem:s21+$0x16A40];
	[tilespmem:s17+$0x16A50] =	vst v12;
	v14 =	vpop (erf)  }
0x14c: {  	v12 =	vmul.f32 v6, v11;
	v6 =	vld [tilespmem:s21+$0x16A50];
	[tilespmem:s17+$0x16A60] =	vst v14;
	v14 =	vpop (erf)  }
0x14d: {  	s20 =	sadd.s32 $0x200, s20;
	v11 =	vmul.f32 v7, v13;
	v7 =	vld [tilespmem:s21+$0x16A60];
	[tilespmem:s17+$0x16A70] =	vst v14;
	s17 =	smov.u32 s21  }
0x14e: {  	v12 =	vadd.f32 $1.000000000e+00, v12;
	v5 =	vmul.f32 v5, v10;
	v10 =	vld [tilespmem:s17+$0x16A70]  }
0x14f: {  	v11 =	vadd.f32 $1.000000000e+00, v11;
	v4 =	vmul.f32 v4, v8  }
0x150: {  	v5 =	vadd.f32 $1.000000000e+00, v5;
	v3 =	vmul.f32 v3, v9;
	(erf) = vrcp.f32 v12  }
0x151: {  	v4 =	vadd.f32 $1.000000000e+00, v4;
	v2 =	vmul.f32 v2, v6;
	(erf) = vrcp.f32 v11  }
0x152: {  	v3 =	vadd.f32 $1.000000000e+00, v3;
	v1 =	vmul.f32 v1, v7;
	(erf) = vrcp.f32 v5  }
0x153: {  	v2 =	vadd.f32 $1.000000000e+00, v2;
	v0 =	vmul.f32 v0, v10;
	(erf) = vrcp.f32 v4  }
0x154: {  	v1 =	vadd.f32 $1.000000000e+00, v1;
	(erf) = vrcp.f32 v3  }
0x155: {  	v0 =	vadd.f32 $1.000000000e+00, v0;
	(erf) = vrcp.f32 v2  }
0x156: {  	(erf) = vrcp.f32 v1  }
0x157: {  	(erf) = vrcp.f32 v0;
	_ =	sdelay $0x1  }
0x158: {  	v0 =	vpop (erf)  }
0x159: {  	[tilespmem:s17+$0x16A00] =	vst v0;
	v0 =	vpop (erf)  }
0x15a: {  	[tilespmem:s17+$0x16A10] =	vst v0;
	v0 =	vpop (erf)  }
0x15b: {  	[tilespmem:s17+$0x16A20] =	vst v0;
	v0 =	vpop (erf)  }
0x15c: {  	[tilespmem:s17+$0x16A30] =	vst v0;
	v0 =	vpop (erf)  }
0x15d: {  	[tilespmem:s17+$0x16A40] =	vst v0;
	v0 =	vpop (erf)  }
0x15e: {  	[tilespmem:s17+$0x16A50] =	vst v0;
	v0 =	vpop (erf)  }
0x15f: {  	[tilespmem:s17+$0x16A60] =	vst v0;
	v0 =	vpop (erf)  }
0x160: {  	s24 =	simm.s32 $0x0;
	s20 =	rddreg [dreg:$0xd];
	[tilespmem:s17+$0x16A70] =	vst v0  }
0x161: {  	[hbm4b:s20+s24] =	stream.linear.scatter [tilespmem:s8], [sflag:$0x6], $0x2800, $0x38;
	[tilespmem:$0x1E200] =	vst v63  }
0x162: {  	_ =	swait.ge [sflag:s10], $0x2800  }
0x163: {  	[sflag:s10] =	ssyncset.done $0x0  }
0x164: {  	[sflag:s10] =	ssyncadd.s32 $0xFFFFD800  }
0x165: {  	_ =	swait.ge [sflag:s10], $0x2800  }
0x166: {  	[sflag:s10] =	ssyncset.done $0x0  }
0x167: {  	s17 =	simm.s32 $0x0;
	[sflag:s10] =	ssyncadd.s32 $0xFFFFD800  }
0x168: {  	v7 =	vld [tilespmem:s17+$0x19200]  }
0x169: {  	v11 =	vld [tilespmem:s17+$0x19210]  }
0x16a: {  	v5 =	vld [tilespmem:s17+$0x19220]  }
0x16b: {  	v4 =	vld [tilespmem:s17+$0x19230]  }
0x16c: {  	v3 =	vld [tilespmem:s17+$0x19240]  }
0x16d: {  	v2 =	vld [tilespmem:s17+$0x19250]  }
0x16e: {  	v1 =	vld [tilespmem:s17+$0x19260]  }
0x16f: {  	v0 =	vld [tilespmem:s17+$0x19270]  }
0x170: {  	v12 =	vld [tilespmem:s17+$0x14200]  }
0x171: {  	v13 =	vld [tilespmem:s17+$0x14210]  }
0x172: {  	v10 =	vld [tilespmem:s17+$0x14220]  }
0x173: {  	v8 =	vld [tilespmem:s17+$0x14230]  }
0x174: {  	v9 =	vld [tilespmem:s17+$0x14240]  }
0x175: {  	v6 =	vld [tilespmem:s17+$0x14250];
	v12 =	vmul.f32 v7, v12  }
0x176: {  	s20 =	simm.s32 $0x200;
	v11 =	vmul.f32 v11, v13;
	v7 =	vld [tilespmem:s17+$0x14260]  }
.LBB2_12:
0x177: {  	p0 =	sne.s32 s20, $0x9E00;
	v12 =	vadd.f32 $1.000000000e+00, v12;
	v5 =	vmul.f32 v5, v10;
	v10 =	vld [tilespmem:s17+$0x14270]  }
0x178: {  	v11 =	vadd.f32 $1.000000000e+00, v11;
	v4 =	vmul.f32 v4, v8  }
0x179: {  	v5 =	vadd.f32 $1.000000000e+00, v5;
	v3 =	vmul.f32 v3, v9;
	(erf) = vrcp.f32 v12  }
0x17a: {  	v4 =	vadd.f32 $1.000000000e+00, v4;
	v2 =	vmul.f32 v2, v6;
	(erf) = vrcp.f32 v11  }
0x17b: {  	s21 =	sshra.s32 s20, $0x2;
	v3 =	vadd.f32 $1.000000000e+00, v3;
	v1 =	vmul.f32 v1, v7;
	(erf) = vrcp.f32 v5  }
0x17c: {  	v6 =	vld [tilespmem:s21+$0x19200];
	v2 =	vadd.f32 $1.000000000e+00, v2;
	v0 =	vmul.f32 v0, v10;
	(erf) = vrcp.f32 v4  }
0x17d: {  	v7 =	vld [tilespmem:s21+$0x19210];
	v1 =	vadd.f32 $1.000000000e+00, v1;
	(erf) = vrcp.f32 v3  }
0x17e: {  	v5 =	vld [tilespmem:s21+$0x19220];
	v0 =	vadd.f32 $1.000000000e+00, v0;
	(erf) = vrcp.f32 v2  }
0x17f: {  	v4 =	vld [tilespmem:s21+$0x19230];
	(erf) = vrcp.f32 v1  }
0x180: {  	v3 =	vld [tilespmem:s21+$0x19240];
	(erf) = vrcp.f32 v0  }
0x181: {  	v2 =	vld [tilespmem:s21+$0x19250]  }
0x182: {  	v1 =	vld [tilespmem:s21+$0x19260];
	v8 =	vpop (erf)  }
0x183: {  	v0 =	vld [tilespmem:s21+$0x19270];
	[tilespmem:s17+$0x14200] =	vst v8;
	v8 =	vpop (erf)  }
0x184: {  	v11 =	vld [tilespmem:s21+$0x14200];
	[tilespmem:s17+$0x14210] =	vst v8;
	v8 =	vpop (erf)  }
0x185: {  	v13 =	vld [tilespmem:s21+$0x14210];
	[tilespmem:s17+$0x14220] =	vst v8;
	v8 =	vpop (erf)  }
.Ltmp5:
0x186: {  	v10 =	vld [tilespmem:s21+$0x14220];
	[tilespmem:s17+$0x14230] =	vst v8;
	v9 =	vpop (erf);
	(pc) =	sbr.rel @p0 .LBB2_12-.Ltmp5, $4  }
0x187: {  	v8 =	vld [tilespmem:s21+$0x14230];
	[tilespmem:s17+$0x14240] =	vst v9;
	v12 =	vpop (erf)  }
0x188: {  	v9 =	vld [tilespmem:s21+$0x14240];
	[tilespmem:s17+$0x14250] =	vst v12;
	v14 =	vpop (erf)  }
0x189: {  	v12 =	vmul.f32 v6, v11;
	v6 =	vld [tilespmem:s21+$0x14250];
	[tilespmem:s17+$0x14260] =	vst v14;
	v14 =	vpop (erf)  }
0x18a: {  	s20 =	sadd.s32 $0x200, s20;
	v11 =	vmul.f32 v7, v13;
	v7 =	vld [tilespmem:s21+$0x14260];
	[tilespmem:s17+$0x14270] =	vst v14;
	s17 =	smov.u32 s21  }
0x18b: {  	v12 =	vadd.f32 $1.000000000e+00, v12;
	v5 =	vmul.f32 v5, v10;
	v55 =	vld [tilespmem:s17+$0x14270]  }
0x18c: {  	v11 =	vadd.f32 $1.000000000e+00, v11;
	v4 =	vmul.f32 v4, v8  }
0x18d: {  	v5 =	vadd.f32 $1.000000000e+00, v5;
	v3 =	vmul.f32 v3, v9;
	(erf) = vrcp.f32 v12  }
0x18e: {  	v4 =	vadd.f32 $1.000000000e+00, v4;
	v2 =	vmul.f32 v2, v6;
	(erf) = vrcp.f32 v11  }
0x18f: {  	v3 =	vadd.f32 $1.000000000e+00, v3;
	v1 =	vmul.f32 v1, v7;
	(erf) = vrcp.f32 v5  }
0x190: {  	v2 =	vadd.f32 $1.000000000e+00, v2;
	v0 =	vmul.f32 v0, v55;
	(erf) = vrcp.f32 v4  }
0x191: {  	v1 =	vadd.f32 $1.000000000e+00, v1;
	(erf) = vrcp.f32 v3  }
0x192: {  	v0 =	vadd.f32 $1.000000000e+00, v0;
	(erf) = vrcp.f32 v2  }
0x193: {  	(erf) = vrcp.f32 v1  }
0x194: {  	(erf) = vrcp.f32 v0;
	_ =	sdelay $0x1  }
0x195: {  	v56 =	vpop (erf)  }
0x196: {  	[tilespmem:s17+$0x14200] =	vst v56;
	v57 =	vpop (erf)  }
0x197: {  	[tilespmem:s17+$0x14210] =	vst v57;
	v58 =	vpop (erf)  }
0x198: {  	[tilespmem:s17+$0x14220] =	vst v58;
	v59 =	vpop (erf)  }
0x199: {  	[tilespmem:s17+$0x14230] =	vst v59;
	v60 =	vpop (erf)  }
0x19a: {  	[tilespmem:s17+$0x14240] =	vst v60;
	v61 =	vpop (erf)  }
0x19b: {  	[tilespmem:s17+$0x14250] =	vst v61;
	v62 =	vpop (erf)  }
0x19c: {  	[tilespmem:s17+$0x14260] =	vst v62;
	v63 =	vpop (erf)  }
0x19d: {  	s23 =	rddreg [dreg:$0xe];
	[tilespmem:s17+$0x14270] =	vst v63  }
0x19e: {  	[hbm4b:s23+s4] =	stream.linear.scatter [tilespmem:s30], [sflag:$0x5], $0x2800, $0x38;
	[tilespmem:$0x1E200] =	vst v63  }
0x19f: {  	_ =	swait.ge [sflag:s15], $0x2800  }
0x1a0: {  	[sflag:s15] =	ssyncset.done $0x0  }
0x1a1: {  	[sflag:s15] =	ssyncadd.s32 $0xFFFFD800  }
0x1a2: {  	_ =	swait.ge [sflag:s13], $0x2800  }
0x1a3: {  	s16 =	sadd.s32 $0x1, s16;
	s24 =	rddreg [dreg:$0xf]  }
0x1a4: {  	p0 =	sne.s32 s16, s24  }
.Ltmp6:
0x1a5: {  	_ = 	snop;
	(pc) =	sbr.rel @p0 .LBB2_1-.Ltmp6, $3  }
0x1a6: {  	_ =	sdelay $0x1  }
0x1a7: {  	[sflag:s13] =	ssyncset.done $0x0  }
0x1a8: {  	[sflag:s13] =	ssyncadd.s32 $0xFFFFD800  }
0x1a9: {  	_ =	sfence.sel $0x180000  }
0x1aa: {  	[bflag:$0x0] =	sbarrier.arrive $0xFFFF  }
0x1ab: {  	_ =	strace $0x9000004A  }
0x1ac: {  	s0 =	stileid.u32;
	[bflag:$0x2] =	sbarrier.arrive $0xFFFF  }
0x1ad: {  	p0 =	sne.s32 s0, $0x0;
	s0 =	rddreg [dreg:$0x3]  }
0x1ae: {  	s0 =	sadd.s32 @!p0 $0x100000, s0  }
0x1af: {  	[sflag:s0] =	ssyncadd.tile.s32 @!p0 $0x1;
	_ =	shalt  }
.Lfunc_end2:
_tile_overlayer_lowered:
.L_overlay_start_2:
0x1b0: {  	(tag) =	ssettag $0x2  }
0x1b1: {  	s0 =	rddreg [dreg:$0x0];
	s2 =	stileid.u32  }
0x1b2: {  	s1 =	rddreg [dreg:$0x1];
	p0 =	sne.s32 s2, $0x0  }
0x1b3: {  	s3 =	rddreg [dreg:$0x2];
	[bflag:$0x3] =	sbarrier.arrive $0xFFFF;
	s2 =	simm.s32 @!p0 $0x1C07  }
0x1b4: {  	[timem:s3], [sflag:s2] =	dma.local @!p0 [hbm:s0], s1  }
0x1b5: {  	s0 =	simm.s32 @!p0 $0x7  }
0x1b6: {  	_ =	swait.ge @!p0 [sflag:s0], s1  }
0x1b7: {  	s1 =	ssub.s32 @!p0 $0x0, s1;
	[sflag:s0] =	ssyncset.done @!p0 $0x0  }
0x1b8: {  	[sflag:s0] =	ssyncadd.s32 @!p0 s1  }
0x1b9: {  	[bflag:$0x3] =	sbarrier.arrive $0xFFFF  }
0x1ba: {  	_ =	shalt  }

</sc_bundles>
